<compile_context>
chip_gen: v7x
topology: tpu7x:2x2x1
jax: 0.10.2.dev20260603
libtpu: 0.0.44.dev20260713+nightly
codegen_flags: <defaults>
</compile_context>

<pallas_src>
import jax
import jax.numpy as jnp
from jax import lax
from jax.experimental import pallas as pl
from jax.experimental.pallas import tpu as pltpu
from jax.experimental.pallas import tpu_sc as plsc

N = 10000
E = 320000
D_IN = 128
D_HID = 128
D_OUT = 40
D_OUT_PAD = 48

CH = 128
NCHUNK = E // CH
NC = 2
NS = 16
NW = NC * NS
CPW = NCHUNK // NW
TAIL = NCHUNK - CPW * NW

RT = 624
RT_LAST = N - RT * (NS - 1)


def _make_agg(D):
  mesh = plsc.VectorSubcoreMesh(core_axis_name="c", subcore_axis_name="s")

  def body(hw, ei, zeros, part,
           isv, idv, rows0, rows1, rows2, acc,
           ig0, ig1, ig2, ig3, ig4, ig5,
           gs0, gs1, gs2, ss0, ss1, ss2):
    cid = lax.axis_index("c")
    sid = lax.axis_index("s")
    wid = sid * NC + cid
    c0 = wid * CPW

    base = sid * RT
    rows = (rows0, rows1, rows2)
    gsem = (gs0, gs1, gs2)
    ssem = (ss0, ss1, ss2)
    isem = (ig0, ig1, ig2, ig3, ig4, ig5)

    def fire_i(c, q):
      pltpu.async_copy(ei.at[0, pl.ds(c * CH, CH)], isv.at[q], isem[q])
      pltpu.async_copy(ei.at[1, pl.ds(c * CH, CH)], idv.at[q], isem[q])

    def wait_i(q):
      pltpu.make_async_copy(ei.at[0, pl.ds(0, CH)], isv.at[q], isem[q]).wait()
      pltpu.make_async_copy(ei.at[1, pl.ds(0, CH)], idv.at[q], isem[q]).wait()

    def fire_g(q, b):
      pltpu.async_copy(hw.at[isv.at[q]], rows[b], gsem[b])

    def wait_g(b):
      pltpu.make_async_copy(hw.at[pl.ds(0, CH)], rows[b], gsem[b]).wait()

    def fire_s(q, b):
      pltpu.async_copy(rows[b], acc.at[idv.at[q]], ssem[b], add=True)

    def wait_s(b):
      pltpu.make_async_copy(rows[b], acc.at[pl.ds(0, CH)], ssem[b]).wait()

    for q in range(4):
      fire_i(c0 + q, q)
    wait_i(0)
    fire_g(0, 0)
    wait_i(1)
    fire_g(1, 1)

    @pl.when(sid < NS - 1)
    def _():
      pltpu.sync_copy(zeros.at[pl.ds(base, RT)], acc.at[pl.ds(base, RT)])

    @pl.when(sid == NS - 1)
    def _():
      pltpu.sync_copy(zeros.at[pl.ds(base, RT_LAST)], acc.at[pl.ds(base, RT_LAST)])

    plsc.subcore_barrier()

    def step(u, carry):
      for m in range(6):
        j = u * 6 + m
        b = m % 3

        wait_g(b)

        @pl.when(j > 0)
        def _():
          wait_s((m + 2) % 3)

        fire_s(m, b)

        @pl.when(j + 4 < CPW)
        def _():
          fire_i(c0 + j + 4, (m + 4) % 6)

        @pl.when(j + 2 < CPW)
        def _():
          wait_i((m + 2) % 6)
          fire_g((m + 2) % 6, (m + 2) % 3)

      return carry

    lax.fori_loop(0, CPW // 6, step, 0, unroll=False)
    wait_s((CPW - 1) % 3)

    @pl.when(wid < TAIL)
    def _():
      fire_i(NW * CPW + wid, 0)
      wait_i(0)
      fire_g(0, 0)
      wait_g(0)
      fire_s(0, 0)
      wait_s(0)

    plsc.subcore_barrier()

    @pl.when(sid < NS - 1)
    def _():
      pltpu.sync_copy(acc.at[pl.ds(base, RT)], part.at[cid, pl.ds(base, RT)])

    @pl.when(sid == NS - 1)
    def _():
      pltpu.sync_copy(acc.at[pl.ds(base, RT_LAST)],
                      part.at[cid, pl.ds(base, RT_LAST)])

  return pl.kernel(
      body,
      out_type=jax.ShapeDtypeStruct((NC, N, D), jnp.float32),
      mesh=mesh,
      compiler_params=pltpu.CompilerParams(use_tc_tiling_on_sc=False),
      scratch_types=(
          [pltpu.VMEM((6, CH), jnp.int32),
           pltpu.VMEM((6, CH), jnp.int32),
           pltpu.VMEM((CH, D), jnp.float32),
           pltpu.VMEM((CH, D), jnp.float32),
           pltpu.VMEM((CH, D), jnp.float32),
           pltpu.VMEM_SHARED((N, D), jnp.float32)]
          + [pltpu.SemaphoreType.DMA] * 12),
  )


_agg128 = _make_agg(D_HID)
_agg48 = _make_agg(D_OUT_PAD)

_BM = 1000


def _mm_body(x_ref, w_ref, o_ref):
  o_ref[...] = jnp.dot(x_ref[...], w_ref[...], preferred_element_type=jnp.float32)


def _mm(x, W):
  M, K = x.shape
  Dw = W.shape[1]
  return pl.pallas_call(
      _mm_body,
      grid=(M // _BM,),
      in_specs=[pl.BlockSpec((_BM, K), lambda i: (i, 0)),
                pl.BlockSpec((K, Dw), lambda i: (0, 0))],
      out_specs=pl.BlockSpec((_BM, Dw), lambda i: (i, 0)),
      out_shape=jax.ShapeDtypeStruct((M, Dw), jnp.float32),
  )(x, W)


def _cmb_mm_body(p_ref, b_ref, w_ref, o_ref):
  g = jnp.maximum(p_ref[0] + p_ref[1] + b_ref[...], 0.0)
  o_ref[...] = jnp.dot(g, w_ref[...], preferred_element_type=jnp.float32)


def _cmb_mm(p, b, W):
  K = p.shape[2]
  Dw = W.shape[1]
  return pl.pallas_call(
      _cmb_mm_body,
      grid=(N // _BM,),
      in_specs=[pl.BlockSpec((NC, _BM, K), lambda i: (0, i, 0)),
                pl.BlockSpec((1, K), lambda i: (0, 0)),
                pl.BlockSpec((K, Dw), lambda i: (0, 0))],
      out_specs=pl.BlockSpec((_BM, Dw), lambda i: (i, 0)),
      out_shape=jax.ShapeDtypeStruct((N, Dw), jnp.float32),
  )(p, b, W)


def _fin_body(q_ref, b_ref, o_ref):
  s = q_ref[0] + q_ref[1]
  o_ref[...] = s[:, :D_OUT] + b_ref[...]


def _fin(q, b):
  return pl.pallas_call(
      _fin_body,
      grid=(N // _BM,),
      in_specs=[pl.BlockSpec((NC, _BM, D_OUT_PAD), lambda i: (0, i, 0)),
                pl.BlockSpec((1, D_OUT), lambda i: (0, 0))],
      out_specs=pl.BlockSpec((_BM, D_OUT), lambda i: (i, 0)),
      out_shape=jax.ShapeDtypeStruct((N, D_OUT), jnp.float32),
  )(q, b)


def kernel(x, edge_index, label_p, cm, W1, b1, W2, b2, W3, b3):
  z128 = jnp.zeros((N, D_HID), jnp.float32)
  z48 = jnp.zeros((N, D_OUT_PAD), jnp.float32)
  W3p = jnp.pad(W3, ((0, 0), (0, D_OUT_PAD - D_OUT)))

  hw1 = _mm(x, W1)
  p1 = _agg128(hw1, edge_index, z128)
  hw2 = _cmb_mm(p1, b1.reshape(1, -1), W2)
  p2 = _agg128(hw2, edge_index, z128)
  hw3 = _cmb_mm(p2, b2.reshape(1, -1), W3p)
  q = _agg48(hw3, edge_index, z48)
  return _fin(q, b3.reshape(1, -1))

# --- scband reference (transcript-rebuilt; emitter-appended) ---
"""Pipeline reference for scband-gcn-42331197669874 (READ-ONLY COPY).

The authoritative reference and input builder live on the scoring server;
editing this copy changes nothing except your own understanding.
"""

import jax, jax.numpy as jnp
import numpy as np

N = 10000
E = 320000
D_IN = 128
D_HID = 128
D_OUT = 40


def _glorot(key, shape):
    fan_in, fan_out = shape
    limit = np.sqrt(6.0 / (fan_in + fan_out))
    return jax.random.uniform(key, shape, dtype=jnp.float32, minval=-limit, maxval=limit)


def setup_inputs(seed: int = 0) -> dict:
    key = jax.random.key(seed)
    ks = jax.random.split(key, 8)
    x = jax.random.normal(ks[0], (N, D_IN), dtype=jnp.float32)
    edge_index = jax.random.randint(ks[1], (2, E), 0, N, dtype=jnp.int32)
    label_p = jax.random.randint(ks[2], (N,), 0, D_OUT, dtype=jnp.int32)  # unused (rsl=0.0)
    cm = jax.random.normal(ks[3], (D_OUT, 1, D_OUT), dtype=jnp.float32)   # unused (rsl=0.0)
    W1 = _glorot(ks[4], (D_IN, D_HID))
    b1 = jnp.zeros((D_HID,), dtype=jnp.float32)
    W2 = _glorot(ks[5], (D_HID, D_HID))
    b2 = jnp.zeros((D_HID,), dtype=jnp.float32)
    W3 = _glorot(ks[6], (D_HID, D_OUT))
    b3 = jnp.zeros((D_OUT,), dtype=jnp.float32)
    return {"x": x, "edge_index": edge_index, "label_p": label_p, "cm": cm,
            "W1": W1, "b1": b1, "W2": W2, "b2": b2, "W3": W3, "b3": b3}


def reference(x, edge_index, label_p, cm, W1, b1, W2, b2, W3, b3):
    # GCNConv with aggr='add', edge_weight=None, rsl=0.0:
    #   h = x @ W; out = scatter_add over dst of h[src]; out += bias
    src = edge_index[0]
    dst = edge_index[1]

    def conv(h, W, b):
        hw = h @ W
        msg = jnp.take(hw, src, axis=0)                      # gather x_j (source nodes)
        out = jax.ops.segment_sum(msg, dst, num_segments=h.shape[0])  # scatter-add at dst
        return out + b

    h = jax.nn.relu(conv(x, W1, b1))    # dropout p=0.0 -> no-op
    h = jax.nn.relu(conv(h, W2, b2))
    out = conv(h, W3, b3)               # final layer, no activation
    return out

if __name__ == "__main__":
    import jax
    _d = setup_inputs()
    print(jax.jit(kernel)(*tuple(_d.values())))

</pallas_src>

<mosaic_0001>
#map = affine_map<(d0, d1) -> (0, 0)>
#map1 = affine_map<(d0, d1) -> (0, 0, 0)>
module attributes {stable_mosaic.version = 14 : i64} {
  func.func @body(%arg0: i32, %arg1: i32, %arg2: memref<10000x128xf32, #tpu.memory_space<hbm>>, %arg3: memref<2x320000xi32, #tpu.memory_space<hbm>>, %arg4: memref<10000x128xf32, #tpu.memory_space<hbm>>, %arg5: memref<2x10000x128xf32, #tpu.memory_space<hbm>>, %arg6: memref<6x128xi32, #tpu.memory_space<vmem>>, %arg7: memref<6x128xi32, #tpu.memory_space<vmem>>, %arg8: memref<128x128xf32, #tpu.memory_space<vmem>>, %arg9: memref<128x128xf32, #tpu.memory_space<vmem>>, %arg10: memref<128x128xf32, #tpu.memory_space<vmem>>, %arg11: memref<10000x128xf32, #tpu.memory_space<vmem_shared>>, %arg12: memref<!tpu.dma_semaphore, #tpu.memory_space<semaphore_mem>>, %arg13: memref<!tpu.dma_semaphore, #tpu.memory_space<semaphore_mem>>, %arg14: memref<!tpu.dma_semaphore, #tpu.memory_space<semaphore_mem>>, %arg15: memref<!tpu.dma_semaphore, #tpu.memory_space<semaphore_mem>>, %arg16: memref<!tpu.dma_semaphore, #tpu.memory_space<semaphore_mem>>, %arg17: memref<!tpu.dma_semaphore, #tpu.memory_space<semaphore_mem>>, %arg18: memref<!tpu.dma_semaphore, #tpu.memory_space<semaphore_mem>>, %arg19: memref<!tpu.dma_semaphore, #tpu.memory_space<semaphore_mem>>, %arg20: memref<!tpu.dma_semaphore, #tpu.memory_space<semaphore_mem>>, %arg21: memref<!tpu.dma_semaphore, #tpu.memory_space<semaphore_mem>>, %arg22: memref<!tpu.dma_semaphore, #tpu.memory_space<semaphore_mem>>, %arg23: memref<!tpu.dma_semaphore, #tpu.memory_space<semaphore_mem>>) attributes {dimension_semantics = [#tpu.dimension_semantics<core_parallel>, #tpu.dimension_semantics<subcore_parallel>], iteration_bounds = array<i64: 2, 16>, scalar_prefetch = 0 : i64, scratch_operands = 18 : i64, tpu.core_type = #tpu.core_type<sc_vector_subcore>, window_params = [{transform_indices = #map}, {transform_indices = #map}, {transform_indices = #map}, {transform_indices = #map1}]} {
    %mul3A = arith.constant 2 : i32
    %mul3A_0 = arith.muli %arg1, %mul3A : i32
    %add3A = arith.addi %mul3A_0, %arg0 : i32
    %mul3A_1 = arith.constant 78 : i32
    %mul3A_2 = arith.muli %add3A, %mul3A_1 : i32
    %mul3A_3 = arith.constant 624 : i32
    %mul3A_4 = arith.muli %arg1, %mul3A_3 : i32
    %add3A_5 = arith.constant 0 : i32
    %add3A_6 = arith.addi %mul3A_2, %add3A_5 : i32
    %mul3A_7 = arith.constant 128 : i32
    %mul3A_8 = arith.muli %add3A_6, %mul3A_7 : i32
    %dma_start3A = arith.constant 0 : i32
    %dma_start3A_9 = arith.constant 0 : i32
    %dma_start3A_10 = arith.constant 0 : i32
    %dma_start3A_11 = tpu.memref_slice %arg6[%dma_start3A_9, %dma_start3A_10] : memref<6x128xi32, #tpu.memory_space<vmem>> -> memref<1x128xi32, #tpu.memory_space<vmem>>
    %dma_start3A_12 = tpu.memref_squeeze %dma_start3A_11 : memref<1x128xi32, #tpu.memory_space<vmem>> -> memref<128xi32, #tpu.memory_space<vmem>>
    %dma_start3A_13 = tpu.memref_slice %arg3[%dma_start3A, %mul3A_8] : memref<2x320000xi32, #tpu.memory_space<hbm>> -> memref<1x128xi32, #tpu.memory_space<hbm>>
    %dma_start3A_14 = tpu.memref_squeeze %dma_start3A_13 : memref<1x128xi32, #tpu.memory_space<hbm>> -> memref<128xi32, #tpu.memory_space<hbm>>
    %dma_start3A_15 = arith.constant 0 : i32
    %dma_start3A_16 = tpu.memref_slice %arg6[%dma_start3A_9, %dma_start3A_15] : memref<6x128xi32, #tpu.memory_space<vmem>> -> memref<1x128xi32, #tpu.memory_space<vmem>>
    %dma_start3A_17 = tpu.memref_squeeze %dma_start3A_16 : memref<1x128xi32, #tpu.memory_space<vmem>> -> memref<128xi32, #tpu.memory_space<vmem>>
    %dma_start3A_18 = tpu.memref_slice %arg3[%dma_start3A, %mul3A_8] : memref<2x320000xi32, #tpu.memory_space<hbm>> -> memref<1x128xi32, #tpu.memory_space<hbm>>
    %dma_start3A_19 = tpu.memref_squeeze %dma_start3A_18 : memref<1x128xi32, #tpu.memory_space<hbm>> -> memref<128xi32, #tpu.memory_space<hbm>>
    tpu.enqueue_dma source(%dma_start3A_19 : memref<128xi32, #tpu.memory_space<hbm>>) target(%dma_start3A_17 : memref<128xi32, #tpu.memory_space<vmem>>) target_semaphore(%arg12 : memref<!tpu.dma_semaphore, #tpu.memory_space<semaphore_mem>>)
    %mul3A_20 = arith.constant 128 : i32
    %mul3A_21 = arith.muli %add3A_6, %mul3A_20 : i32
    %dma_start3A_22 = arith.constant 1 : i32
    %dma_start3A_23 = arith.constant 0 : i32
    %dma_start3A_24 = arith.constant 0 : i32
    %dma_start3A_25 = tpu.memref_slice %arg7[%dma_start3A_23, %dma_start3A_24] : memref<6x128xi32, #tpu.memory_space<vmem>> -> memref<1x128xi32, #tpu.memory_space<vmem>>
    %dma_start3A_26 = tpu.memref_squeeze %dma_start3A_25 : memref<1x128xi32, #tpu.memory_space<vmem>> -> memref<128xi32, #tpu.memory_space<vmem>>
    %dma_start3A_27 = tpu.memref_slice %arg3[%dma_start3A_22, %mul3A_21] : memref<2x320000xi32, #tpu.memory_space<hbm>> -> memref<1x128xi32, #tpu.memory_space<hbm>>
    %dma_start3A_28 = tpu.memref_squeeze %dma_start3A_27 : memref<1x128xi32, #tpu.memory_space<hbm>> -> memref<128xi32, #tpu.memory_space<hbm>>
    %dma_start3A_29 = arith.constant 0 : i32
    %dma_start3A_30 = tpu.memref_slice %arg7[%dma_start3A_23, %dma_start3A_29] : memref<6x128xi32, #tpu.memory_space<vmem>> -> memref<1x128xi32, #tpu.memory_space<vmem>>
    %dma_start3A_31 = tpu.memref_squeeze %dma_start3A_30 : memref<1x128xi32, #tpu.memory_space<vmem>> -> memref<128xi32, #tpu.memory_space<vmem>>
    %dma_start3A_32 = tpu.memref_slice %arg3[%dma_start3A_22, %mul3A_21] : memref<2x320000xi32, #tpu.memory_space<hbm>> -> memref<1x128xi32, #tpu.memory_space<hbm>>
    %dma_start3A_33 = tpu.memref_squeeze %dma_start3A_32 : memref<1x128xi32, #tpu.memory_space<hbm>> -> memref<128xi32, #tpu.memory_space<hbm>>
    tpu.enqueue_dma source(%dma_start3A_33 : memref<128xi32, #tpu.memory_space<hbm>>) target(%dma_start3A_31 : memref<128xi32, #tpu.memory_space<vmem>>) target_semaphore(%arg12 : memref<!tpu.dma_semaphore, #tpu.memory_space<semaphore_mem>>)
    %add3A_34 = arith.constant 1 : i32
    %add3A_35 = arith.addi %mul3A_2, %add3A_34 : i32
    %mul3A_36 = arith.constant 128 : i32
    %mul3A_37 = arith.muli %add3A_35, %mul3A_36 : i32
    %dma_start3A_38 = arith.constant 0 : i32
    %dma_start3A_39 = arith.constant 1 : i32
    %dma_start3A_40 = arith.constant 0 : i32
    %dma_start3A_41 = tpu.memref_slice %arg6[%dma_start3A_39, %dma_start3A_40] : memref<6x128xi32, #tpu.memory_space<vmem>> -> memref<1x128xi32, #tpu.memory_space<vmem>>
    %dma_start3A_42 = tpu.memref_squeeze %dma_start3A_41 : memref<1x128xi32, #tpu.memory_space<vmem>> -> memref<128xi32, #tpu.memory_space<vmem>>
    %dma_start3A_43 = tpu.memref_slice %arg3[%dma_start3A_38, %mul3A_37] : memref<2x320000xi32, #tpu.memory_space<hbm>> -> memref<1x128xi32, #tpu.memory_space<hbm>>
    %dma_start3A_44 = tpu.memref_squeeze %dma_start3A_43 : memref<1x128xi32, #tpu.memory_space<hbm>> -> memref<128xi32, #tpu.memory_space<hbm>>
    %dma_start3A_45 = arith.constant 0 : i32
    %dma_start3A_46 = tpu.memref_slice %arg6[%dma_start3A_39, %dma_start3A_45] : memref<6x128xi32, #tpu.memory_space<vmem>> -> memref<1x128xi32, #tpu.memory_space<vmem>>
    %dma_start3A_47 = tpu.memref_squeeze %dma_start3A_46 : memref<1x128xi32, #tpu.memory_space<vmem>> -> memref<128xi32, #tpu.memory_space<vmem>>
    %dma_start3A_48 = tpu.memref_slice %arg3[%dma_start3A_38, %mul3A_37] : memref<2x320000xi32, #tpu.memory_space<hbm>> -> memref<1x128xi32, #tpu.memory_space<hbm>>
    %dma_start3A_49 = tpu.memref_squeeze %dma_start3A_48 : memref<1x128xi32, #tpu.memory_space<hbm>> -> memref<128xi32, #tpu.memory_space<hbm>>
    tpu.enqueue_dma source(%dma_start3A_49 : memref<128xi32, #tpu.memory_space<hbm>>) target(%dma_start3A_47 : memref<128xi32, #tpu.memory_space<vmem>>) target_semaphore(%arg13 : memref<!tpu.dma_semaphore, #tpu.memory_space<semaphore_mem>>)
    %mul3A_50 = arith.constant 128 : i32
    %mul3A_51 = arith.muli %add3A_35, %mul3A_50 : i32
    %dma_start3A_52 = arith.constant 1 : i32
    %dma_start3A_53 = arith.constant 1 : i32
    %dma_start3A_54 = arith.constant 0 : i32
    %dma_start3A_55 = tpu.memref_slice %arg7[%dma_start3A_53, %dma_start3A_54] : memref<6x128xi32, #tpu.memory_space<vmem>> -> memref<1x128xi32, #tpu.memory_space<vmem>>
    %dma_start3A_56 = tpu.memref_squeeze %dma_start3A_55 : memref<1x128xi32, #tpu.memory_space<vmem>> -> memref<128xi32, #tpu.memory_space<vmem>>
    %dma_start3A_57 = tpu.memref_slice %arg3[%dma_start3A_52, %mul3A_51] : memref<2x320000xi32, #tpu.memory_space<hbm>> -> memref<1x128xi32, #tpu.memory_space<hbm>>
    %dma_start3A_58 = tpu.memref_squeeze %dma_start3A_57 : memref<1x128xi32, #tpu.memory_space<hbm>> -> memref<128xi32, #tpu.memory_space<hbm>>
    %dma_start3A_59 = arith.constant 0 : i32
    %dma_start3A_60 = tpu.memref_slice %arg7[%dma_start3A_53, %dma_start3A_59] : memref<6x128xi32, #tpu.memory_space<vmem>> -> memref<1x128xi32, #tpu.memory_space<vmem>>
    %dma_start3A_61 = tpu.memref_squeeze %dma_start3A_60 : memref<1x128xi32, #tpu.memory_space<vmem>> -> memref<128xi32, #tpu.memory_space<vmem>>
    %dma_start3A_62 = tpu.memref_slice %arg3[%dma_start3A_52, %mul3A_51] : memref<2x320000xi32, #tpu.memory_space<hbm>> -> memref<1x128xi32, #tpu.memory_space<hbm>>
    %dma_start3A_63 = tpu.memref_squeeze %dma_start3A_62 : memref<1x128xi32, #tpu.memory_space<hbm>> -> memref<128xi32, #tpu.memory_space<hbm>>
    tpu.enqueue_dma source(%dma_start3A_63 : memref<128xi32, #tpu.memory_space<hbm>>) target(%dma_start3A_61 : memref<128xi32, #tpu.memory_space<vmem>>) target_semaphore(%arg13 : memref<!tpu.dma_semaphore, #tpu.memory_space<semaphore_mem>>)
    %add3A_64 = arith.constant 2 : i32
    %add3A_65 = arith.addi %mul3A_2, %add3A_64 : i32
    %mul3A_66 = arith.constant 128 : i32
    %mul3A_67 = arith.muli %add3A_65, %mul3A_66 : i32
    %dma_start3A_68 = arith.constant 0 : i32
    %dma_start3A_69 = arith.constant 2 : i32
    %dma_start3A_70 = arith.constant 0 : i32
    %dma_start3A_71 = tpu.memref_slice %arg6[%dma_start3A_69, %dma_start3A_70] : memref<6x128xi32, #tpu.memory_space<vmem>> -> memref<1x128xi32, #tpu.memory_space<vmem>>
    %dma_start3A_72 = tpu.memref_squeeze %dma_start3A_71 : memref<1x128xi32, #tpu.memory_space<vmem>> -> memref<128xi32, #tpu.memory_space<vmem>>
    %dma_start3A_73 = tpu.memref_slice %arg3[%dma_start3A_68, %mul3A_67] : memref<2x320000xi32, #tpu.memory_space<hbm>> -> memref<1x128xi32, #tpu.memory_space<hbm>>
    %dma_start3A_74 = tpu.memref_squeeze %dma_start3A_73 : memref<1x128xi32, #tpu.memory_space<hbm>> -> memref<128xi32, #tpu.memory_space<hbm>>
    %dma_start3A_75 = arith.constant 0 : i32
    %dma_start3A_76 = tpu.memref_slice %arg6[%dma_start3A_69, %dma_start3A_75] : memref<6x128xi32, #tpu.memory_space<vmem>> -> memref<1x128xi32, #tpu.memory_space<vmem>>
    %dma_start3A_77 = tpu.memref_squeeze %dma_start3A_76 : memref<1x128xi32, #tpu.memory_space<vmem>> -> memref<128xi32, #tpu.memory_space<vmem>>
    %dma_start3A_78 = tpu.memref_slice %arg3[%dma_start3A_68, %mul3A_67] : memref<2x320000xi32, #tpu.memory_space<hbm>> -> memref<1x128xi32, #tpu.memory_space<hbm>>
    %dma_start3A_79 = tpu.memref_squeeze %dma_start3A_78 : memref<1x128xi32, #tpu.memory_space<hbm>> -> memref<128xi32, #tpu.memory_space<hbm>>
    tpu.enqueue_dma source(%dma_start3A_79 : memref<128xi32, #tpu.memory_space<hbm>>) target(%dma_start3A_77 : memref<128xi32, #tpu.memory_space<vmem>>) target_semaphore(%arg14 : memref<!tpu.dma_semaphore, #tpu.memory_space<semaphore_mem>>)
    %mul3A_80 = arith.constant 128 : i32
    %mul3A_81 = arith.muli %add3A_65, %mul3A_80 : i32
    %dma_start3A_82 = arith.constant 1 : i32
    %dma_start3A_83 = arith.constant 2 : i32
    %dma_start3A_84 = arith.constant 0 : i32
    %dma_start3A_85 = tpu.memref_slice %arg7[%dma_start3A_83, %dma_start3A_84] : memref<6x128xi32, #tpu.memory_space<vmem>> -> memref<1x128xi32, #tpu.memory_space<vmem>>
    %dma_start3A_86 = tpu.memref_squeeze %dma_start3A_85 : memref<1x128xi32, #tpu.memory_space<vmem>> -> memref<128xi32, #tpu.memory_space<vmem>>
    %dma_start3A_87 = tpu.memref_slice %arg3[%dma_start3A_82, %mul3A_81] : memref<2x320000xi32, #tpu.memory_space<hbm>> -> memref<1x128xi32, #tpu.memory_space<hbm>>
    %dma_start3A_88 = tpu.memref_squeeze %dma_start3A_87 : memref<1x128xi32, #tpu.memory_space<hbm>> -> memref<128xi32, #tpu.memory_space<hbm>>
    %dma_start3A_89 = arith.constant 0 : i32
    %dma_start3A_90 = tpu.memref_slice %arg7[%dma_start3A_83, %dma_start3A_89] : memref<6x128xi32, #tpu.memory_space<vmem>> -> memref<1x128xi32, #tpu.memory_space<vmem>>
    %dma_start3A_91 = tpu.memref_squeeze %dma_start3A_90 : memref<1x128xi32, #tpu.memory_space<vmem>> -> memref<128xi32, #tpu.memory_space<vmem>>
    %dma_start3A_92 = tpu.memref_slice %arg3[%dma_start3A_82, %mul3A_81] : memref<2x320000xi32, #tpu.memory_space<hbm>> -> memref<1x128xi32, #tpu.memory_space<hbm>>
    %dma_start3A_93 = tpu.memref_squeeze %dma_start3A_92 : memref<1x128xi32, #tpu.memory_space<hbm>> -> memref<128xi32, #tpu.memory_space<hbm>>
    tpu.enqueue_dma source(%dma_start3A_93 : memref<128xi32, #tpu.memory_space<hbm>>) target(%dma_start3A_91 : memref<128xi32, #tpu.memory_space<vmem>>) target_semaphore(%arg14 : memref<!tpu.dma_semaphore, #tpu.memory_space<semaphore_mem>>)
    %add3A_94 = arith.constant 3 : i32
    %add3A_95 = arith.addi %mul3A_2, %add3A_94 : i32
    %mul3A_96 = arith.constant 128 : i32
    %mul3A_97 = arith.muli %add3A_95, %mul3A_96 : i32
    %dma_start3A_98 = arith.constant 0 : i32
    %dma_start3A_99 = arith.constant 3 : i32
    %dma_start3A_100 = arith.constant 0 : i32
    %dma_start3A_101 = tpu.memref_slice %arg6[%dma_start3A_99, %dma_start3A_100] : memref<6x128xi32, #tpu.memory_space<vmem>> -> memref<1x128xi32, #tpu.memory_space<vmem>>
    %dma_start3A_102 = tpu.memref_squeeze %dma_start3A_101 : memref<1x128xi32, #tpu.memory_space<vmem>> -> memref<128xi32, #tpu.memory_space<vmem>>
    %dma_start3A_103 = tpu.memref_slice %arg3[%dma_start3A_98, %mul3A_97] : memref<2x320000xi32, #tpu.memory_space<hbm>> -> memref<1x128xi32, #tpu.memory_space<hbm>>
    %dma_start3A_104 = tpu.memref_squeeze %dma_start3A_103 : memref<1x128xi32, #tpu.memory_space<hbm>> -> memref<128xi32, #tpu.memory_space<hbm>>
    %dma_start3A_105 = arith.constant 0 : i32
    %dma_start3A_106 = tpu.memref_slice %arg6[%dma_start3A_99, %dma_start3A_105] : memref<6x128xi32, #tpu.memory_space<vmem>> -> memref<1x128xi32, #tpu.memory_space<vmem>>
    %dma_start3A_107 = tpu.memref_squeeze %dma_start3A_106 : memref<1x128xi32, #tpu.memory_space<vmem>> -> memref<128xi32, #tpu.memory_space<vmem>>
    %dma_start3A_108 = tpu.memref_slice %arg3[%dma_start3A_98, %mul3A_97] : memref<2x320000xi32, #tpu.memory_space<hbm>> -> memref<1x128xi32, #tpu.memory_space<hbm>>
    %dma_start3A_109 = tpu.memref_squeeze %dma_start3A_108 : memref<1x128xi32, #tpu.memory_space<hbm>> -> memref<128xi32, #tpu.memory_space<hbm>>
    tpu.enqueue_dma source(%dma_start3A_109 : memref<128xi32, #tpu.memory_space<hbm>>) target(%dma_start3A_107 : memref<128xi32, #tpu.memory_space<vmem>>) target_semaphore(%arg15 : memref<!tpu.dma_semaphore, #tpu.memory_space<semaphore_mem>>)
    %mul3A_110 = arith.constant 128 : i32
    %mul3A_111 = arith.muli %add3A_95, %mul3A_110 : i32
    %dma_start3A_112 = arith.constant 1 : i32
    %dma_start3A_113 = arith.constant 3 : i32
    %dma_start3A_114 = arith.constant 0 : i32
    %dma_start3A_115 = tpu.memref_slice %arg7[%dma_start3A_113, %dma_start3A_114] : memref<6x128xi32, #tpu.memory_space<vmem>> -> memref<1x128xi32, #tpu.memory_space<vmem>>
    %dma_start3A_116 = tpu.memref_squeeze %dma_start3A_115 : memref<1x128xi32, #tpu.memory_space<vmem>> -> memref<128xi32, #tpu.memory_space<vmem>>
    %dma_start3A_117 = tpu.memref_slice %arg3[%dma_start3A_112, %mul3A_111] : memref<2x320000xi32, #tpu.memory_space<hbm>> -> memref<1x128xi32, #tpu.memory_space<hbm>>
    %dma_start3A_118 = tpu.memref_squeeze %dma_start3A_117 : memref<1x128xi32, #tpu.memory_space<hbm>> -> memref<128xi32, #tpu.memory_space<hbm>>
    %dma_start3A_119 = arith.constant 0 : i32
    %dma_start3A_120 = tpu.memref_slice %arg7[%dma_start3A_113, %dma_start3A_119] : memref<6x128xi32, #tpu.memory_space<vmem>> -> memref<1x128xi32, #tpu.memory_space<vmem>>
    %dma_start3A_121 = tpu.memref_squeeze %dma_start3A_120 : memref<1x128xi32, #tpu.memory_space<vmem>> -> memref<128xi32, #tpu.memory_space<vmem>>
    %dma_start3A_122 = tpu.memref_slice %arg3[%dma_start3A_112, %mul3A_111] : memref<2x320000xi32, #tpu.memory_space<hbm>> -> memref<1x128xi32, #tpu.memory_space<hbm>>
    %dma_start3A_123 = tpu.memref_squeeze %dma_start3A_122 : memref<1x128xi32, #tpu.memory_space<hbm>> -> memref<128xi32, #tpu.memory_space<hbm>>
    tpu.enqueue_dma source(%dma_start3A_123 : memref<128xi32, #tpu.memory_space<hbm>>) target(%dma_start3A_121 : memref<128xi32, #tpu.memory_space<vmem>>) target_semaphore(%arg15 : memref<!tpu.dma_semaphore, #tpu.memory_space<semaphore_mem>>)
    %dma_wait3A = arith.constant 0 : i32
    %dma_wait3A_124 = arith.constant 0 : i32
    %dma_wait3A_125 = arith.constant 0 : i32
    %dma_wait3A_126 = tpu.memref_slice %arg6[%dma_wait3A_124, %dma_wait3A_125] : memref<6x128xi32, #tpu.memory_space<vmem>> -> memref<1x128xi32, #tpu.memory_space<vmem>>
    %dma_wait3A_127 = tpu.memref_squeeze %dma_wait3A_126 : memref<1x128xi32, #tpu.memory_space<vmem>> -> memref<128xi32, #tpu.memory_space<vmem>>
    %dma_wait3A_128 = arith.constant 0 : i32
    %dma_wait3A_129 = tpu.memref_slice %arg3[%dma_wait3A, %dma_wait3A_128] : memref<2x320000xi32, #tpu.memory_space<hbm>> -> memref<1x128xi32, #tpu.memory_space<hbm>>
    %dma_wait3A_130 = tpu.memref_squeeze %dma_wait3A_129 : memref<1x128xi32, #tpu.memory_space<hbm>> -> memref<128xi32, #tpu.memory_space<hbm>>
    %dma_wait3A_131 = arith.constant 0 : i32
    %dma_wait3A_132 = tpu.memref_slice %arg6[%dma_wait3A_124, %dma_wait3A_131] : memref<6x128xi32, #tpu.memory_space<vmem>> -> memref<1x128xi32, #tpu.memory_space<vmem>>
    %dma_wait3A_133 = tpu.memref_squeeze %dma_wait3A_132 : memref<1x128xi32, #tpu.memory_space<vmem>> -> memref<128xi32, #tpu.memory_space<vmem>>
    %dma_wait3A_134 = arith.constant 0 : i32
    %dma_wait3A_135 = tpu.memref_slice %arg3[%dma_wait3A, %dma_wait3A_134] : memref<2x320000xi32, #tpu.memory_space<hbm>> -> memref<1x128xi32, #tpu.memory_space<hbm>>
    %dma_wait3A_136 = tpu.memref_squeeze %dma_wait3A_135 : memref<1x128xi32, #tpu.memory_space<hbm>> -> memref<128xi32, #tpu.memory_space<hbm>>
    tpu.wait_dma2 semaphore(%arg12 : memref<!tpu.dma_semaphore, #tpu.memory_space<semaphore_mem>>) src(%dma_wait3A_136 : memref<128xi32, #tpu.memory_space<hbm>>) dst(%dma_wait3A_133 : memref<128xi32, #tpu.memory_space<vmem>>)
    %dma_wait3A_137 = arith.constant 1 : i32
    %dma_wait3A_138 = arith.constant 0 : i32
    %dma_wait3A_139 = arith.constant 0 : i32
    %dma_wait3A_140 = tpu.memref_slice %arg7[%dma_wait3A_138, %dma_wait3A_139] : memref<6x128xi32, #tpu.memory_space<vmem>> -> memref<1x128xi32, #tpu.memory_space<vmem>>
    %dma_wait3A_141 = tpu.memref_squeeze %dma_wait3A_140 : memref<1x128xi32, #tpu.memory_space<vmem>> -> memref<128xi32, #tpu.memory_space<vmem>>
    %dma_wait3A_142 = arith.constant 0 : i32
    %dma_wait3A_143 = tpu.memref_slice %arg3[%dma_wait3A_137, %dma_wait3A_142] : memref<2x320000xi32, #tpu.memory_space<hbm>> -> memref<1x128xi32, #tpu.memory_space<hbm>>
    %dma_wait3A_144 = tpu.memref_squeeze %dma_wait3A_143 : memref<1x128xi32, #tpu.memory_space<hbm>> -> memref<128xi32, #tpu.memory_space<hbm>>
    %dma_wait3A_145 = arith.constant 0 : i32
    %dma_wait3A_146 = tpu.memref_slice %arg7[%dma_wait3A_138, %dma_wait3A_145] : memref<6x128xi32, #tpu.memory_space<vmem>> -> memref<1x128xi32, #tpu.memory_space<vmem>>
    %dma_wait3A_147 = tpu.memref_squeeze %dma_wait3A_146 : memref<1x128xi32, #tpu.memory_space<vmem>> -> memref<128xi32, #tpu.memory_space<vmem>>
    %dma_wait3A_148 = arith.constant 0 : i32
    %dma_wait3A_149 = tpu.memref_slice %arg3[%dma_wait3A_137, %dma_wait3A_148] : memref<2x320000xi32, #tpu.memory_space<hbm>> -> memref<1x128xi32, #tpu.memory_space<hbm>>
    %dma_wait3A_150 = tpu.memref_squeeze %dma_wait3A_149 : memref<1x128xi32, #tpu.memory_space<hbm>> -> memref<128xi32, #tpu.memory_space<hbm>>
    tpu.wait_dma2 semaphore(%arg12 : memref<!tpu.dma_semaphore, #tpu.memory_space<semaphore_mem>>) src(%dma_wait3A_150 : memref<128xi32, #tpu.memory_space<hbm>>) dst(%dma_wait3A_147 : memref<128xi32, #tpu.memory_space<vmem>>)
    %dma_start3A_151 = arith.constant 0 : i32
    %dma_start3A_152 = arith.constant 0 : i32
    %dma_start3A_153 = tpu.memref_slice %arg6[%dma_start3A_151, %dma_start3A_152] : memref<6x128xi32, #tpu.memory_space<vmem>> -> memref<1x128xi32, #tpu.memory_space<vmem>>
    %dma_start3A_154 = tpu.memref_squeeze %dma_start3A_153 : memref<1x128xi32, #tpu.memory_space<vmem>> -> memref<128xi32, #tpu.memory_space<vmem>>
    %dma_start3A_155 = arith.constant 0 : i32
    %dma_start3A_156 = arith.constant 0 : i32
    %dma_start3A_157 = tpu.memref_slice %arg2[%dma_start3A_155, %dma_start3A_156] : memref<10000x128xf32, #tpu.memory_space<hbm>> -> memref<10000x128xf32, #tpu.memory_space<hbm>>
    tpu.enqueue_indirect_dma source(%dma_start3A_157 : memref<10000x128xf32, #tpu.memory_space<hbm>>) target(%arg8 : memref<128x128xf32, #tpu.memory_space<vmem>>) offsets(%dma_start3A_154 : memref<128xi32, #tpu.memory_space<vmem>>) semaphore(%arg18 : memref<!tpu.dma_semaphore, #tpu.memory_space<semaphore_mem>>)
    %dma_wait3A_158 = arith.constant 0 : i32
    %dma_wait3A_159 = arith.constant 1 : i32
    %dma_wait3A_160 = arith.constant 0 : i32
    %dma_wait3A_161 = tpu.memref_slice %arg6[%dma_wait3A_159, %dma_wait3A_160] : memref<6x128xi32, #tpu.memory_space<vmem>> -> memref<1x128xi32, #tpu.memory_space<vmem>>
    %dma_wait3A_162 = tpu.memref_squeeze %dma_wait3A_161 : memref<1x128xi32, #tpu.memory_space<vmem>> -> memref<128xi32, #tpu.memory_space<vmem>>
    %dma_wait3A_163 = arith.constant 0 : i32
    %dma_wait3A_164 = tpu.memref_slice %arg3[%dma_wait3A_158, %dma_wait3A_163] : memref<2x320000xi32, #tpu.memory_space<hbm>> -> memref<1x128xi32, #tpu.memory_space<hbm>>
    %dma_wait3A_165 = tpu.memref_squeeze %dma_wait3A_164 : memref<1x128xi32, #tpu.memory_space<hbm>> -> memref<128xi32, #tpu.memory_space<hbm>>
    %dma_wait3A_166 = arith.constant 0 : i32
    %dma_wait3A_167 = tpu.memref_slice %arg6[%dma_wait3A_159, %dma_wait3A_166] : memref<6x128xi32, #tpu.memory_space<vmem>> -> memref<1x128xi32, #tpu.memory_space<vmem>>
    %dma_wait3A_168 = tpu.memref_squeeze %dma_wait3A_167 : memref<1x128xi32, #tpu.memory_space<vmem>> -> memref<128xi32, #tpu.memory_space<vmem>>
    %dma_wait3A_169 = arith.constant 0 : i32
    %dma_wait3A_170 = tpu.memref_slice %arg3[%dma_wait3A_158, %dma_wait3A_169] : memref<2x320000xi32, #tpu.memory_space<hbm>> -> memref<1x128xi32, #tpu.memory_space<hbm>>
    %dma_wait3A_171 = tpu.memref_squeeze %dma_wait3A_170 : memref<1x128xi32, #tpu.memory_space<hbm>> -> memref<128xi32, #tpu.memory_space<hbm>>
    tpu.wait_dma2 semaphore(%arg13 : memref<!tpu.dma_semaphore, #tpu.memory_space<semaphore_mem>>) src(%dma_wait3A_171 : memref<128xi32, #tpu.memory_space<hbm>>) dst(%dma_wait3A_168 : memref<128xi32, #tpu.memory_space<vmem>>)
    %dma_wait3A_172 = arith.constant 1 : i32
    %dma_wait3A_173 = arith.constant 1 : i32
    %dma_wait3A_174 = arith.constant 0 : i32
    %dma_wait3A_175 = tpu.memref_slice %arg7[%dma_wait3A_173, %dma_wait3A_174] : memref<6x128xi32, #tpu.memory_space<vmem>> -> memref<1x128xi32, #tpu.memory_space<vmem>>
    %dma_wait3A_176 = tpu.memref_squeeze %dma_wait3A_175 : memref<1x128xi32, #tpu.memory_space<vmem>> -> memref<128xi32, #tpu.memory_space<vmem>>
    %dma_wait3A_177 = arith.constant 0 : i32
    %dma_wait3A_178 = tpu.memref_slice %arg3[%dma_wait3A_172, %dma_wait3A_177] : memref<2x320000xi32, #tpu.memory_space<hbm>> -> memref<1x128xi32, #tpu.memory_space<hbm>>
    %dma_wait3A_179 = tpu.memref_squeeze %dma_wait3A_178 : memref<1x128xi32, #tpu.memory_space<hbm>> -> memref<128xi32, #tpu.memory_space<hbm>>
    %dma_wait3A_180 = arith.constant 0 : i32
    %dma_wait3A_181 = tpu.memref_slice %arg7[%dma_wait3A_173, %dma_wait3A_180] : memref<6x128xi32, #tpu.memory_space<vmem>> -> memref<1x128xi32, #tpu.memory_space<vmem>>
    %dma_wait3A_182 = tpu.memref_squeeze %dma_wait3A_181 : memref<1x128xi32, #tpu.memory_space<vmem>> -> memref<128xi32, #tpu.memory_space<vmem>>
    %dma_wait3A_183 = arith.constant 0 : i32
    %dma_wait3A_184 = tpu.memref_slice %arg3[%dma_wait3A_172, %dma_wait3A_183] : memref<2x320000xi32, #tpu.memory_space<hbm>> -> memref<1x128xi32, #tpu.memory_space<hbm>>
    %dma_wait3A_185 = tpu.memref_squeeze %dma_wait3A_184 : memref<1x128xi32, #tpu.memory_space<hbm>> -> memref<128xi32, #tpu.memory_space<hbm>>
    tpu.wait_dma2 semaphore(%arg13 : memref<!tpu.dma_semaphore, #tpu.memory_space<semaphore_mem>>) src(%dma_wait3A_185 : memref<128xi32, #tpu.memory_space<hbm>>) dst(%dma_wait3A_182 : memref<128xi32, #tpu.memory_space<vmem>>)
    %dma_start3A_186 = arith.constant 1 : i32
    %dma_start3A_187 = arith.constant 0 : i32
    %dma_start3A_188 = tpu.memref_slice %arg6[%dma_start3A_186, %dma_start3A_187] : memref<6x128xi32, #tpu.memory_space<vmem>> -> memref<1x128xi32, #tpu.memory_space<vmem>>
    %dma_start3A_189 = tpu.memref_squeeze %dma_start3A_188 : memref<1x128xi32, #tpu.memory_space<vmem>> -> memref<128xi32, #tpu.memory_space<vmem>>
    %dma_start3A_190 = arith.constant 0 : i32
    %dma_start3A_191 = arith.constant 0 : i32
    %dma_start3A_192 = tpu.memref_slice %arg2[%dma_start3A_190, %dma_start3A_191] : memref<10000x128xf32, #tpu.memory_space<hbm>> -> memref<10000x128xf32, #tpu.memory_space<hbm>>
    tpu.enqueue_indirect_dma source(%dma_start3A_192 : memref<10000x128xf32, #tpu.memory_space<hbm>>) target(%arg9 : memref<128x128xf32, #tpu.memory_space<vmem>>) offsets(%dma_start3A_189 : memref<128xi32, #tpu.memory_space<vmem>>) semaphore(%arg19 : memref<!tpu.dma_semaphore, #tpu.memory_space<semaphore_mem>>)
    %lt3A = arith.constant 15 : i32
    %lt3A_193 = arith.cmpi slt, %arg1, %lt3A : i32
    %convert_element_type3A = arith.extui %lt3A_193 : i1 to i32
    %cond3A = arith.constant 0 : i32
    %cond3A_194 = arith.cmpi ne, %convert_element_type3A, %cond3A : i32
    scf.if %cond3A_194 {
      "tpu.region"() ({
        %run_scoped3A = tpu.sem_alloc : memref<!tpu.dma_semaphore, #tpu.memory_space<semaphore_mem>>
        %dma_start3A_226 = arith.constant 0 : i32
        %dma_start3A_227 = tpu.memref_slice %arg11[%mul3A_4, %dma_start3A_226] : memref<10000x128xf32, #tpu.memory_space<vmem_shared>> -> memref<624x128xf32, #tpu.memory_space<vmem_shared>>
        %dma_start3A_228 = arith.constant 0 : i32
        %dma_start3A_229 = tpu.memref_slice %arg4[%mul3A_4, %dma_start3A_228] : memref<10000x128xf32, #tpu.memory_space<hbm>> -> memref<624x128xf32, #tpu.memory_space<hbm>>
        tpu.enqueue_dma source(%dma_start3A_229 : memref<624x128xf32, #tpu.memory_space<hbm>>) target(%dma_start3A_227 : memref<624x128xf32, #tpu.memory_space<vmem_shared>>) target_semaphore(%run_scoped3A : memref<!tpu.dma_semaphore, #tpu.memory_space<semaphore_mem>>)
        %dma_wait3A_230 = arith.constant 0 : i32
        %dma_wait3A_231 = tpu.memref_slice %arg11[%mul3A_4, %dma_wait3A_230] : memref<10000x128xf32, #tpu.memory_space<vmem_shared>> -> memref<624x128xf32, #tpu.memory_space<vmem_shared>>
        %dma_wait3A_232 = arith.constant 0 : i32
        %dma_wait3A_233 = tpu.memref_slice %arg4[%mul3A_4, %dma_wait3A_232] : memref<10000x128xf32, #tpu.memory_space<hbm>> -> memref<624x128xf32, #tpu.memory_space<hbm>>
        tpu.wait_dma2 semaphore(%run_scoped3A : memref<!tpu.dma_semaphore, #tpu.memory_space<semaphore_mem>>) src(%dma_wait3A_233 : memref<624x128xf32, #tpu.memory_space<hbm>>) dst(%dma_wait3A_231 : memref<624x128xf32, #tpu.memory_space<vmem_shared>>)
        tpu.yield
      }) : () -> ()
    } else {
    }
    %eq3A = arith.constant 15 : i32
    %eq3A_195 = arith.cmpi eq, %arg1, %eq3A : i32
    %convert_element_type3A_196 = arith.extui %eq3A_195 : i1 to i32
    %cond3A_197 = arith.constant 0 : i32
    %cond3A_198 = arith.cmpi ne, %convert_element_type3A_196, %cond3A_197 : i32
    scf.if %cond3A_198 {
      "tpu.region"() ({
        %run_scoped3A = tpu.sem_alloc : memref<!tpu.dma_semaphore, #tpu.memory_space<semaphore_mem>>
        %dma_start3A_226 = arith.constant 0 : i32
        %dma_start3A_227 = tpu.memref_slice %arg11[%mul3A_4, %dma_start3A_226] : memref<10000x128xf32, #tpu.memory_space<vmem_shared>> -> memref<640x128xf32, #tpu.memory_space<vmem_shared>>
        %dma_start3A_228 = arith.constant 0 : i32
        %dma_start3A_229 = tpu.memref_slice %arg4[%mul3A_4, %dma_start3A_228] : memref<10000x128xf32, #tpu.memory_space<hbm>> -> memref<640x128xf32, #tpu.memory_space<hbm>>
        tpu.enqueue_dma source(%dma_start3A_229 : memref<640x128xf32, #tpu.memory_space<hbm>>) target(%dma_start3A_227 : memref<640x128xf32, #tpu.memory_space<vmem_shared>>) target_semaphore(%run_scoped3A : memref<!tpu.dma_semaphore, #tpu.memory_space<semaphore_mem>>)
        %dma_wait3A_230 = arith.constant 0 : i32
        %dma_wait3A_231 = tpu.memref_slice %arg11[%mul3A_4, %dma_wait3A_230] : memref<10000x128xf32, #tpu.memory_space<vmem_shared>> -> memref<640x128xf32, #tpu.memory_space<vmem_shared>>
        %dma_wait3A_232 = arith.constant 0 : i32
        %dma_wait3A_233 = tpu.memref_slice %arg4[%mul3A_4, %dma_wait3A_232] : memref<10000x128xf32, #tpu.memory_space<hbm>> -> memref<640x128xf32, #tpu.memory_space<hbm>>
        tpu.wait_dma2 semaphore(%run_scoped3A : memref<!tpu.dma_semaphore, #tpu.memory_space<semaphore_mem>>) src(%dma_wait3A_233 : memref<640x128xf32, #tpu.memory_space<hbm>>) dst(%dma_wait3A_231 : memref<640x128xf32, #tpu.memory_space<vmem_shared>>)
        tpu.yield
      }) : () -> ()
    } else {
    }
    %barrier3A = arith.constant 0 : index
    tpu.barrier barrier_id(%barrier3A)
    %scan3A = arith.constant 0 : i32
    %scan3A_199 = arith.constant 0 : i32
    %scan3A_200 = arith.constant 13 : i32
    %scan3A_201 = arith.addi %scan3A_199, %scan3A_200 : i32
    %scan3A_202 = arith.constant 1 : i32
    scf.for %scan3A_226 = %scan3A_199 to %scan3A_201 step %scan3A_202  : i32 {
      %mul3A_227 = arith.constant 6 : i32
      %mul3A_228 = arith.muli %scan3A_226, %mul3A_227 : i32
      %add3A_229 = arith.constant 0 : i32
      %add3A_230 = arith.addi %mul3A_228, %add3A_229 : i32
      %dma_wait3A_231 = arith.constant 0 : i32
      %dma_wait3A_232 = arith.constant 0 : i32
      %dma_wait3A_233 = tpu.memref_slice %arg2[%dma_wait3A_231, %dma_wait3A_232] : memref<10000x128xf32, #tpu.memory_space<hbm>> -> memref<128x128xf32, #tpu.memory_space<hbm>>
      %dma_wait3A_234 = arith.constant 0 : i32
      %dma_wait3A_235 = arith.constant 0 : i32
      %dma_wait3A_236 = tpu.memref_slice %arg2[%dma_wait3A_234, %dma_wait3A_235] : memref<10000x128xf32, #tpu.memory_space<hbm>> -> memref<128x128xf32, #tpu.memory_space<hbm>>
      tpu.wait_dma2 semaphore(%arg18 : memref<!tpu.dma_semaphore, #tpu.memory_space<semaphore_mem>>) src(%dma_wait3A_236 : memref<128x128xf32, #tpu.memory_space<hbm>>) dst(%arg8 : memref<128x128xf32, #tpu.memory_space<vmem>>)
      %gt3A = arith.constant 0 : i32
      %gt3A_237 = arith.cmpi sgt, %add3A_230, %gt3A : i32
      %convert_element_type3A_238 = arith.extui %gt3A_237 : i1 to i32
      %cond3A_239 = arith.constant 0 : i32
      %cond3A_240 = arith.cmpi ne, %convert_element_type3A_238, %cond3A_239 : i32
      scf.if %cond3A_240 {
        %dma_wait3A_442 = arith.constant 0 : i32
        %dma_wait3A_443 = arith.constant 0 : i32
        %dma_wait3A_444 = tpu.memref_slice %arg11[%dma_wait3A_442, %dma_wait3A_443] : memref<10000x128xf32, #tpu.memory_space<vmem_shared>> -> memref<128x128xf32, #tpu.memory_space<vmem_shared>>
        %dma_wait3A_445 = arith.constant 0 : i32
        %dma_wait3A_446 = arith.constant 0 : i32
        %dma_wait3A_447 = tpu.memref_slice %arg11[%dma_wait3A_445, %dma_wait3A_446] : memref<10000x128xf32, #tpu.memory_space<vmem_shared>> -> memref<128x128xf32, #tpu.memory_space<vmem_shared>>
        tpu.wait_dma2 semaphore(%arg23 : memref<!tpu.dma_semaphore, #tpu.memory_space<semaphore_mem>>) src(%arg10 : memref<128x128xf32, #tpu.memory_space<vmem>>) dst(%dma_wait3A_447 : memref<128x128xf32, #tpu.memory_space<vmem_shared>>)
      } else {
      }
      %dma_start3A_241 = arith.constant 0 : i32
      %dma_start3A_242 = arith.constant 0 : i32
      %dma_start3A_243 = tpu.memref_slice %arg7[%dma_start3A_241, %dma_start3A_242] : memref<6x128xi32, #tpu.memory_space<vmem>> -> memref<1x128xi32, #tpu.memory_space<vmem>>
      %dma_start3A_244 = tpu.memref_squeeze %dma_start3A_243 : memref<1x128xi32, #tpu.memory_space<vmem>> -> memref<128xi32, #tpu.memory_space<vmem>>
      %dma_start3A_245 = arith.constant 0 : i32
      %dma_start3A_246 = arith.constant 0 : i32
      %dma_start3A_247 = tpu.memref_slice %arg11[%dma_start3A_245, %dma_start3A_246] : memref<10000x128xf32, #tpu.memory_space<vmem_shared>> -> memref<10000x128xf32, #tpu.memory_space<vmem_shared>>
      tpu.enqueue_indirect_dma source(%arg8 : memref<128x128xf32, #tpu.memory_space<vmem>>) target(%dma_start3A_247 : memref<10000x128xf32, #tpu.memory_space<vmem_shared>>) offsets(%dma_start3A_244 : memref<128xi32, #tpu.memory_space<vmem>>) semaphore(%arg21 : memref<!tpu.dma_semaphore, #tpu.memory_space<semaphore_mem>>) {add = true}
      %add3A_248 = arith.constant 4 : i32
      %add3A_249 = arith.addi %add3A_230, %add3A_248 : i32
      %lt3A_250 = arith.constant 78 : i32
      %lt3A_251 = arith.cmpi slt, %add3A_249, %lt3A_250 : i32
      %convert_element_type3A_252 = arith.extui %lt3A_251 : i1 to i32
      %cond3A_253 = arith.constant 0 : i32
      %cond3A_254 = arith.cmpi ne, %convert_element_type3A_252, %cond3A_253 : i32
      scf.if %cond3A_254 {
        %add3A_442 = arith.addi %mul3A_2, %add3A_230 : i32
        %add3A_443 = arith.constant 4 : i32
        %add3A_444 = arith.addi %add3A_442, %add3A_443 : i32
        %mul3A_445 = arith.constant 128 : i32
        %mul3A_446 = arith.muli %add3A_444, %mul3A_445 : i32
        %dma_start3A_447 = arith.constant 0 : i32
        %dma_start3A_448 = arith.constant 4 : i32
        %dma_start3A_449 = arith.constant 0 : i32
        %dma_start3A_450 = tpu.memref_slice %arg6[%dma_start3A_448, %dma_start3A_449] : memref<6x128xi32, #tpu.memory_space<vmem>> -> memref<1x128xi32, #tpu.memory_space<vmem>>
        %dma_start3A_451 = tpu.memref_squeeze %dma_start3A_450 : memref<1x128xi32, #tpu.memory_space<vmem>> -> memref<128xi32, #tpu.memory_space<vmem>>
        %dma_start3A_452 = tpu.memref_slice %arg3[%dma_start3A_447, %mul3A_446] : memref<2x320000xi32, #tpu.memory_space<hbm>> -> memref<1x128xi32, #tpu.memory_space<hbm>>
        %dma_start3A_453 = tpu.memref_squeeze %dma_start3A_452 : memref<1x128xi32, #tpu.memory_space<hbm>> -> memref<128xi32, #tpu.memory_space<hbm>>
        %dma_start3A_454 = arith.constant 0 : i32
        %dma_start3A_455 = tpu.memref_slice %arg6[%dma_start3A_448, %dma_start3A_454] : memref<6x128xi32, #tpu.memory_space<vmem>> -> memref<1x128xi32, #tpu.memory_space<vmem>>
        %dma_start3A_456 = tpu.memref_squeeze %dma_start3A_455 : memref<1x128xi32, #tpu.memory_space<vmem>> -> memref<128xi32, #tpu.memory_space<vmem>>
        %dma_start3A_457 = tpu.memref_slice %arg3[%dma_start3A_447, %mul3A_446] : memref<2x320000xi32, #tpu.memory_space<hbm>> -> memref<1x128xi32, #tpu.memory_space<hbm>>
        %dma_start3A_458 = tpu.memref_squeeze %dma_start3A_457 : memref<1x128xi32, #tpu.memory_space<hbm>> -> memref<128xi32, #tpu.memory_space<hbm>>
        tpu.enqueue_dma source(%dma_start3A_458 : memref<128xi32, #tpu.memory_space<hbm>>) target(%dma_start3A_456 : memref<128xi32, #tpu.memory_space<vmem>>) target_semaphore(%arg16 : memref<!tpu.dma_semaphore, #tpu.memory_space<semaphore_mem>>)
        %mul3A_459 = arith.constant 128 : i32
        %mul3A_460 = arith.muli %add3A_444, %mul3A_459 : i32
        %dma_start3A_461 = arith.constant 1 : i32
        %dma_start3A_462 = arith.constant 4 : i32
        %dma_start3A_463 = arith.constant 0 : i32
        %dma_start3A_464 = tpu.memref_slice %arg7[%dma_start3A_462, %dma_start3A_463] : memref<6x128xi32, #tpu.memory_space<vmem>> -> memref<1x128xi32, #tpu.memory_space<vmem>>
        %dma_start3A_465 = tpu.memref_squeeze %dma_start3A_464 : memref<1x128xi32, #tpu.memory_space<vmem>> -> memref<128xi32, #tpu.memory_space<vmem>>
        %dma_start3A_466 = tpu.memref_slice %arg3[%dma_start3A_461, %mul3A_460] : memref<2x320000xi32, #tpu.memory_space<hbm>> -> memref<1x128xi32, #tpu.memory_space<hbm>>
        %dma_start3A_467 = tpu.memref_squeeze %dma_start3A_466 : memref<1x128xi32, #tpu.memory_space<hbm>> -> memref<128xi32, #tpu.memory_space<hbm>>
        %dma_start3A_468 = arith.constant 0 : i32
        %dma_start3A_469 = tpu.memref_slice %arg7[%dma_start3A_462, %dma_start3A_468] : memref<6x128xi32, #tpu.memory_space<vmem>> -> memref<1x128xi32, #tpu.memory_space<vmem>>
        %dma_start3A_470 = tpu.memref_squeeze %dma_start3A_469 : memref<1x128xi32, #tpu.memory_space<vmem>> -> memref<128xi32, #tpu.memory_space<vmem>>
        %dma_start3A_471 = tpu.memref_slice %arg3[%dma_start3A_461, %mul3A_460] : memref<2x320000xi32, #tpu.memory_space<hbm>> -> memref<1x128xi32, #tpu.memory_space<hbm>>
        %dma_start3A_472 = tpu.memref_squeeze %dma_start3A_471 : memref<1x128xi32, #tpu.memory_space<hbm>> -> memref<128xi32, #tpu.memory_space<hbm>>
        tpu.enqueue_dma source(%dma_start3A_472 : memref<128xi32, #tpu.memory_space<hbm>>) target(%dma_start3A_470 : memref<128xi32, #tpu.memory_space<vmem>>) target_semaphore(%arg16 : memref<!tpu.dma_semaphore, #tpu.memory_space<semaphore_mem>>)
      } else {
      }
      %add3A_255 = arith.constant 2 : i32
      %add3A_256 = arith.addi %add3A_230, %add3A_255 : i32
      %lt3A_257 = arith.constant 78 : i32
      %lt3A_258 = arith.cmpi slt, %add3A_256, %lt3A_257 : i32
      %convert_element_type3A_259 = arith.extui %lt3A_258 : i1 to i32
      %cond3A_260 = arith.constant 0 : i32
      %cond3A_261 = arith.cmpi ne, %convert_element_type3A_259, %cond3A_260 : i32
      scf.if %cond3A_261 {
        %dma_wait3A_442 = arith.constant 0 : i32
        %dma_wait3A_443 = arith.constant 2 : i32
        %dma_wait3A_444 = arith.constant 0 : i32
        %dma_wait3A_445 = tpu.memref_slice %arg6[%dma_wait3A_443, %dma_wait3A_444] : memref<6x128xi32, #tpu.memory_space<vmem>> -> memref<1x128xi32, #tpu.memory_space<vmem>>
        %dma_wait3A_446 = tpu.memref_squeeze %dma_wait3A_445 : memref<1x128xi32, #tpu.memory_space<vmem>> -> memref<128xi32, #tpu.memory_space<vmem>>
        %dma_wait3A_447 = arith.constant 0 : i32
        %dma_wait3A_448 = tpu.memref_slice %arg3[%dma_wait3A_442, %dma_wait3A_447] : memref<2x320000xi32, #tpu.memory_space<hbm>> -> memref<1x128xi32, #tpu.memory_space<hbm>>
        %dma_wait3A_449 = tpu.memref_squeeze %dma_wait3A_448 : memref<1x128xi32, #tpu.memory_space<hbm>> -> memref<128xi32, #tpu.memory_space<hbm>>
        %dma_wait3A_450 = arith.constant 0 : i32
        %dma_wait3A_451 = tpu.memref_slice %arg6[%dma_wait3A_443, %dma_wait3A_450] : memref<6x128xi32, #tpu.memory_space<vmem>> -> memref<1x128xi32, #tpu.memory_space<vmem>>
        %dma_wait3A_452 = tpu.memref_squeeze %dma_wait3A_451 : memref<1x128xi32, #tpu.memory_space<vmem>> -> memref<128xi32, #tpu.memory_space<vmem>>
        %dma_wait3A_453 = arith.constant 0 : i32
        %dma_wait3A_454 = tpu.memref_slice %arg3[%dma_wait3A_442, %dma_wait3A_453] : memref<2x320000xi32, #tpu.memory_space<hbm>> -> memref<1x128xi32, #tpu.memory_space<hbm>>
        %dma_wait3A_455 = tpu.memref_squeeze %dma_wait3A_454 : memref<1x128xi32, #tpu.memory_space<hbm>> -> memref<128xi32, #tpu.memory_space<hbm>>
        tpu.wait_dma2 semaphore(%arg14 : memref<!tpu.dma_semaphore, #tpu.memory_space<semaphore_mem>>) src(%dma_wait3A_455 : memref<128xi32, #tpu.memory_space<hbm>>) dst(%dma_wait3A_452 : memref<128xi32, #tpu.memory_space<vmem>>)
        %dma_wait3A_456 = arith.constant 1 : i32
        %dma_wait3A_457 = arith.constant 2 : i32
        %dma_wait3A_458 = arith.constant 0 : i32
        %dma_wait3A_459 = tpu.memref_slice %arg7[%dma_wait3A_457, %dma_wait3A_458] : memref<6x128xi32, #tpu.memory_space<vmem>> -> memref<1x128xi32, #tpu.memory_space<vmem>>
        %dma_wait3A_460 = tpu.memref_squeeze %dma_wait3A_459 : memref<1x128xi32, #tpu.memory_space<vmem>> -> memref<128xi32, #tpu.memory_space<vmem>>
        %dma_wait3A_461 = arith.constant 0 : i32
        %dma_wait3A_462 = tpu.memref_slice %arg3[%dma_wait3A_456, %dma_wait3A_461] : memref<2x320000xi32, #tpu.memory_space<hbm>> -> memref<1x128xi32, #tpu.memory_space<hbm>>
        %dma_wait3A_463 = tpu.memref_squeeze %dma_wait3A_462 : memref<1x128xi32, #tpu.memory_space<hbm>> -> memref<128xi32, #tpu.memory_space<hbm>>
        %dma_wait3A_464 = arith.constant 0 : i32
        %dma_wait3A_465 = tpu.memref_slice %arg7[%dma_wait3A_457, %dma_wait3A_464] : memref<6x128xi32, #tpu.memory_space<vmem>> -> memref<1x128xi32, #tpu.memory_space<vmem>>
        %dma_wait3A_466 = tpu.memref_squeeze %dma_wait3A_465 : memref<1x128xi32, #tpu.memory_space<vmem>> -> memref<128xi32, #tpu.memory_space<vmem>>
        %dma_wait3A_467 = arith.constant 0 : i32
        %dma_wait3A_468 = tpu.memref_slice %arg3[%dma_wait3A_456, %dma_wait3A_467] : memref<2x320000xi32, #tpu.memory_space<hbm>> -> memref<1x128xi32, #tpu.memory_space<hbm>>
        %dma_wait3A_469 = tpu.memref_squeeze %dma_wait3A_468 : memref<1x128xi32, #tpu.memory_space<hbm>> -> memref<128xi32, #tpu.memory_space<hbm>>
        tpu.wait_dma2 semaphore(%arg14 : memref<!tpu.dma_semaphore, #tpu.memory_space<semaphore_mem>>) src(%dma_wait3A_469 : memref<128xi32, #tpu.memory_space<hbm>>) dst(%dma_wait3A_466 : memref<128xi32, #tpu.memory_space<vmem>>)
        %dma_start3A_470 = arith.constant 2 : i32
        %dma_start3A_471 = arith.constant 0 : i32
        %dma_start3A_472 = tpu.memref_slice %arg6[%dma_start3A_470, %dma_start3A_471] : memref<6x128xi32, #tpu.memory_space<vmem>> -> memref<1x128xi32, #tpu.memory_space<vmem>>
        %dma_start3A_473 = tpu.memref_squeeze %dma_start3A_472 : memref<1x128xi32, #tpu.memory_space<vmem>> -> memref<128xi32, #tpu.memory_space<vmem>>
        %dma_start3A_474 = arith.constant 0 : i32
        %dma_start3A_475 = arith.constant 0 : i32
        %dma_start3A_476 = tpu.memref_slice %arg2[%dma_start3A_474, %dma_start3A_475] : memref<10000x128xf32, #tpu.memory_space<hbm>> -> memref<10000x128xf32, #tpu.memory_space<hbm>>
        tpu.enqueue_indirect_dma source(%dma_start3A_476 : memref<10000x128xf32, #tpu.memory_space<hbm>>) target(%arg10 : memref<128x128xf32, #tpu.memory_space<vmem>>) offsets(%dma_start3A_473 : memref<128xi32, #tpu.memory_space<vmem>>) semaphore(%arg20 : memref<!tpu.dma_semaphore, #tpu.memory_space<semaphore_mem>>)
      } else {
      }
      %mul3A_262 = arith.constant 6 : i32
      %mul3A_263 = arith.muli %scan3A_226, %mul3A_262 : i32
      %add3A_264 = arith.constant 1 : i32
      %add3A_265 = arith.addi %mul3A_263, %add3A_264 : i32
      %dma_wait3A_266 = arith.constant 0 : i32
      %dma_wait3A_267 = arith.constant 0 : i32
      %dma_wait3A_268 = tpu.memref_slice %arg2[%dma_wait3A_266, %dma_wait3A_267] : memref<10000x128xf32, #tpu.memory_space<hbm>> -> memref<128x128xf32, #tpu.memory_space<hbm>>
      %dma_wait3A_269 = arith.constant 0 : i32
      %dma_wait3A_270 = arith.constant 0 : i32
      %dma_wait3A_271 = tpu.memref_slice %arg2[%dma_wait3A_269, %dma_wait3A_270] : memref<10000x128xf32, #tpu.memory_space<hbm>> -> memref<128x128xf32, #tpu.memory_space<hbm>>
      tpu.wait_dma2 semaphore(%arg19 : memref<!tpu.dma_semaphore, #tpu.memory_space<semaphore_mem>>) src(%dma_wait3A_271 : memref<128x128xf32, #tpu.memory_space<hbm>>) dst(%arg9 : memref<128x128xf32, #tpu.memory_space<vmem>>)
      %gt3A_272 = arith.constant 0 : i32
      %gt3A_273 = arith.cmpi sgt, %add3A_265, %gt3A_272 : i32
      %convert_element_type3A_274 = arith.extui %gt3A_273 : i1 to i32
      %cond3A_275 = arith.constant 0 : i32
      %cond3A_276 = arith.cmpi ne, %convert_element_type3A_274, %cond3A_275 : i32
      scf.if %cond3A_276 {
        %dma_wait3A_442 = arith.constant 0 : i32
        %dma_wait3A_443 = arith.constant 0 : i32
        %dma_wait3A_444 = tpu.memref_slice %arg11[%dma_wait3A_442, %dma_wait3A_443] : memref<10000x128xf32, #tpu.memory_space<vmem_shared>> -> memref<128x128xf32, #tpu.memory_space<vmem_shared>>
        %dma_wait3A_445 = arith.constant 0 : i32
        %dma_wait3A_446 = arith.constant 0 : i32
        %dma_wait3A_447 = tpu.memref_slice %arg11[%dma_wait3A_445, %dma_wait3A_446] : memref<10000x128xf32, #tpu.memory_space<vmem_shared>> -> memref<128x128xf32, #tpu.memory_space<vmem_shared>>
        tpu.wait_dma2 semaphore(%arg21 : memref<!tpu.dma_semaphore, #tpu.memory_space<semaphore_mem>>) src(%arg8 : memref<128x128xf32, #tpu.memory_space<vmem>>) dst(%dma_wait3A_447 : memref<128x128xf32, #tpu.memory_space<vmem_shared>>)
      } else {
      }
      %dma_start3A_277 = arith.constant 1 : i32
      %dma_start3A_278 = arith.constant 0 : i32
      %dma_start3A_279 = tpu.memref_slice %arg7[%dma_start3A_277, %dma_start3A_278] : memref<6x128xi32, #tpu.memory_space<vmem>> -> memref<1x128xi32, #tpu.memory_space<vmem>>
      %dma_start3A_280 = tpu.memref_squeeze %dma_start3A_279 : memref<1x128xi32, #tpu.memory_space<vmem>> -> memref<128xi32, #tpu.memory_space<vmem>>
      %dma_start3A_281 = arith.constant 0 : i32
      %dma_start3A_282 = arith.constant 0 : i32
      %dma_start3A_283 = tpu.memref_slice %arg11[%dma_start3A_281, %dma_start3A_282] : memref<10000x128xf32, #tpu.memory_space<vmem_shared>> -> memref<10000x128xf32, #tpu.memory_space<vmem_shared>>
      tpu.enqueue_indirect_dma source(%arg9 : memref<128x128xf32, #tpu.memory_space<vmem>>) target(%dma_start3A_283 : memref<10000x128xf32, #tpu.memory_space<vmem_shared>>) offsets(%dma_start3A_280 : memref<128xi32, #tpu.memory_space<vmem>>) semaphore(%arg22 : memref<!tpu.dma_semaphore, #tpu.memory_space<semaphore_mem>>) {add = true}
      %add3A_284 = arith.constant 4 : i32
      %add3A_285 = arith.addi %add3A_265, %add3A_284 : i32
      %lt3A_286 = arith.constant 78 : i32
      %lt3A_287 = arith.cmpi slt, %add3A_285, %lt3A_286 : i32
      %convert_element_type3A_288 = arith.extui %lt3A_287 : i1 to i32
      %cond3A_289 = arith.constant 0 : i32
      %cond3A_290 = arith.cmpi ne, %convert_element_type3A_288, %cond3A_289 : i32
      scf.if %cond3A_290 {
        %add3A_442 = arith.addi %mul3A_2, %add3A_265 : i32
        %add3A_443 = arith.constant 4 : i32
        %add3A_444 = arith.addi %add3A_442, %add3A_443 : i32
        %mul3A_445 = arith.constant 128 : i32
        %mul3A_446 = arith.muli %add3A_444, %mul3A_445 : i32
        %dma_start3A_447 = arith.constant 0 : i32
        %dma_start3A_448 = arith.constant 5 : i32
        %dma_start3A_449 = arith.constant 0 : i32
        %dma_start3A_450 = tpu.memref_slice %arg6[%dma_start3A_448, %dma_start3A_449] : memref<6x128xi32, #tpu.memory_space<vmem>> -> memref<1x128xi32, #tpu.memory_space<vmem>>
        %dma_start3A_451 = tpu.memref_squeeze %dma_start3A_450 : memref<1x128xi32, #tpu.memory_space<vmem>> -> memref<128xi32, #tpu.memory_space<vmem>>
        %dma_start3A_452 = tpu.memref_slice %arg3[%dma_start3A_447, %mul3A_446] : memref<2x320000xi32, #tpu.memory_space<hbm>> -> memref<1x128xi32, #tpu.memory_space<hbm>>
        %dma_start3A_453 = tpu.memref_squeeze %dma_start3A_452 : memref<1x128xi32, #tpu.memory_space<hbm>> -> memref<128xi32, #tpu.memory_space<hbm>>
        %dma_start3A_454 = arith.constant 0 : i32
        %dma_start3A_455 = tpu.memref_slice %arg6[%dma_start3A_448, %dma_start3A_454] : memref<6x128xi32, #tpu.memory_space<vmem>> -> memref<1x128xi32, #tpu.memory_space<vmem>>
        %dma_start3A_456 = tpu.memref_squeeze %dma_start3A_455 : memref<1x128xi32, #tpu.memory_space<vmem>> -> memref<128xi32, #tpu.memory_space<vmem>>
        %dma_start3A_457 = tpu.memref_slice %arg3[%dma_start3A_447, %mul3A_446] : memref<2x320000xi32, #tpu.memory_space<hbm>> -> memref<1x128xi32, #tpu.memory_space<hbm>>
        %dma_start3A_458 = tpu.memref_squeeze %dma_start3A_457 : memref<1x128xi32, #tpu.memory_space<hbm>> -> memref<128xi32, #tpu.memory_space<hbm>>
        tpu.enqueue_dma source(%dma_start3A_458 : memref<128xi32, #tpu.memory_space<hbm>>) target(%dma_start3A_456 : memref<128xi32, #tpu.memory_space<vmem>>) target_semaphore(%arg17 : memref<!tpu.dma_semaphore, #tpu.memory_space<semaphore_mem>>)
        %mul3A_459 = arith.constant 128 : i32
        %mul3A_460 = arith.muli %add3A_444, %mul3A_459 : i32
        %dma_start3A_461 = arith.constant 1 : i32
        %dma_start3A_462 = arith.constant 5 : i32
        %dma_start3A_463 = arith.constant 0 : i32
        %dma_start3A_464 = tpu.memref_slice %arg7[%dma_start3A_462, %dma_start3A_463] : memref<6x128xi32, #tpu.memory_space<vmem>> -> memref<1x128xi32, #tpu.memory_space<vmem>>
        %dma_start3A_465 = tpu.memref_squeeze %dma_start3A_464 : memref<1x128xi32, #tpu.memory_space<vmem>> -> memref<128xi32, #tpu.memory_space<vmem>>
        %dma_start3A_466 = tpu.memref_slice %arg3[%dma_start3A_461, %mul3A_460] : memref<2x320000xi32, #tpu.memory_space<hbm>> -> memref<1x128xi32, #tpu.memory_space<hbm>>
        %dma_start3A_467 = tpu.memref_squeeze %dma_start3A_466 : memref<1x128xi32, #tpu.memory_space<hbm>> -> memref<128xi32, #tpu.memory_space<hbm>>
        %dma_start3A_468 = arith.constant 0 : i32
        %dma_start3A_469 = tpu.memref_slice %arg7[%dma_start3A_462, %dma_start3A_468] : memref<6x128xi32, #tpu.memory_space<vmem>> -> memref<1x128xi32, #tpu.memory_space<vmem>>
        %dma_start3A_470 = tpu.memref_squeeze %dma_start3A_469 : memref<1x128xi32, #tpu.memory_space<vmem>> -> memref<128xi32, #tpu.memory_space<vmem>>
        %dma_start3A_471 = tpu.memref_slice %arg3[%dma_start3A_461, %mul3A_460] : memref<2x320000xi32, #tpu.memory_space<hbm>> -> memref<1x128xi32, #tpu.memory_space<hbm>>
        %dma_start3A_472 = tpu.memref_squeeze %dma_start3A_471 : memref<1x128xi32, #tpu.memory_space<hbm>> -> memref<128xi32, #tpu.memory_space<hbm>>
        tpu.enqueue_dma source(%dma_start3A_472 : memref<128xi32, #tpu.memory_space<hbm>>) target(%dma_start3A_470 : memref<128xi32, #tpu.memory_space<vmem>>) target_semaphore(%arg17 : memref<!tpu.dma_semaphore, #tpu.memory_space<semaphore_mem>>)
      } else {
      }
      %add3A_291 = arith.constant 2 : i32
      %add3A_292 = arith.addi %add3A_265, %add3A_291 : i32
      %lt3A_293 = arith.constant 78 : i32
      %lt3A_294 = arith.cmpi slt, %add3A_292, %lt3A_293 : i32
      %convert_element_type3A_295 = arith.extui %lt3A_294 : i1 to i32
      %cond3A_296 = arith.constant 0 : i32
      %cond3A_297 = arith.cmpi ne, %convert_element_type3A_295, %cond3A_296 : i32
      scf.if %cond3A_297 {
        %dma_wait3A_442 = arith.constant 0 : i32
        %dma_wait3A_443 = arith.constant 3 : i32
        %dma_wait3A_444 = arith.constant 0 : i32
        %dma_wait3A_445 = tpu.memref_slice %arg6[%dma_wait3A_443, %dma_wait3A_444] : memref<6x128xi32, #tpu.memory_space<vmem>> -> memref<1x128xi32, #tpu.memory_space<vmem>>
        %dma_wait3A_446 = tpu.memref_squeeze %dma_wait3A_445 : memref<1x128xi32, #tpu.memory_space<vmem>> -> memref<128xi32, #tpu.memory_space<vmem>>
        %dma_wait3A_447 = arith.constant 0 : i32
        %dma_wait3A_448 = tpu.memref_slice %arg3[%dma_wait3A_442, %dma_wait3A_447] : memref<2x320000xi32, #tpu.memory_space<hbm>> -> memref<1x128xi32, #tpu.memory_space<hbm>>
        %dma_wait3A_449 = tpu.memref_squeeze %dma_wait3A_448 : memref<1x128xi32, #tpu.memory_space<hbm>> -> memref<128xi32, #tpu.memory_space<hbm>>
        %dma_wait3A_450 = arith.constant 0 : i32
        %dma_wait3A_451 = tpu.memref_slice %arg6[%dma_wait3A_443, %dma_wait3A_450] : memref<6x128xi32, #tpu.memory_space<vmem>> -> memref<1x128xi32, #tpu.memory_space<vmem>>
        %dma_wait3A_452 = tpu.memref_squeeze %dma_wait3A_451 : memref<1x128xi32, #tpu.memory_space<vmem>> -> memref<128xi32, #tpu.memory_space<vmem>>
        %dma_wait3A_453 = arith.constant 0 : i32
        %dma_wait3A_454 = tpu.memref_slice %arg3[%dma_wait3A_442, %dma_wait3A_453] : memref<2x320000xi32, #tpu.memory_space<hbm>> -> memref<1x128xi32, #tpu.memory_space<hbm>>
        %dma_wait3A_455 = tpu.memref_squeeze %dma_wait3A_454 : memref<1x128xi32, #tpu.memory_space<hbm>> -> memref<128xi32, #tpu.memory_space<hbm>>
        tpu.wait_dma2 semaphore(%arg15 : memref<!tpu.dma_semaphore, #tpu.memory_space<semaphore_mem>>) src(%dma_wait3A_455 : memref<128xi32, #tpu.memory_space<hbm>>) dst(%dma_wait3A_452 : memref<128xi32, #tpu.memory_space<vmem>>)
        %dma_wait3A_456 = arith.constant 1 : i32
        %dma_wait3A_457 = arith.constant 3 : i32
        %dma_wait3A_458 = arith.constant 0 : i32
        %dma_wait3A_459 = tpu.memref_slice %arg7[%dma_wait3A_457, %dma_wait3A_458] : memref<6x128xi32, #tpu.memory_space<vmem>> -> memref<1x128xi32, #tpu.memory_space<vmem>>
        %dma_wait3A_460 = tpu.memref_squeeze %dma_wait3A_459 : memref<1x128xi32, #tpu.memory_space<vmem>> -> memref<128xi32, #tpu.memory_space<vmem>>
        %dma_wait3A_461 = arith.constant 0 : i32
        %dma_wait3A_462 = tpu.memref_slice %arg3[%dma_wait3A_456, %dma_wait3A_461] : memref<2x320000xi32, #tpu.memory_space<hbm>> -> memref<1x128xi32, #tpu.memory_space<hbm>>
        %dma_wait3A_463 = tpu.memref_squeeze %dma_wait3A_462 : memref<1x128xi32, #tpu.memory_space<hbm>> -> memref<128xi32, #tpu.memory_space<hbm>>
        %dma_wait3A_464 = arith.constant 0 : i32
        %dma_wait3A_465 = tpu.memref_slice %arg7[%dma_wait3A_457, %dma_wait3A_464] : memref<6x128xi32, #tpu.memory_space<vmem>> -> memref<1x128xi32, #tpu.memory_space<vmem>>
        %dma_wait3A_466 = tpu.memref_squeeze %dma_wait3A_465 : memref<1x128xi32, #tpu.memory_space<vmem>> -> memref<128xi32, #tpu.memory_space<vmem>>
        %dma_wait3A_467 = arith.constant 0 : i32
        %dma_wait3A_468 = tpu.memref_slice %arg3[%dma_wait3A_456, %dma_wait3A_467] : memref<2x320000xi32, #tpu.memory_space<hbm>> -> memref<1x128xi32, #tpu.memory_space<hbm>>
        %dma_wait3A_469 = tpu.memref_squeeze %dma_wait3A_468 : memref<1x128xi32, #tpu.memory_space<hbm>> -> memref<128xi32, #tpu.memory_space<hbm>>
        tpu.wait_dma2 semaphore(%arg15 : memref<!tpu.dma_semaphore, #tpu.memory_space<semaphore_mem>>) src(%dma_wait3A_469 : memref<128xi32, #tpu.memory_space<hbm>>) dst(%dma_wait3A_466 : memref<128xi32, #tpu.memory_space<vmem>>)
        %dma_start3A_470 = arith.constant 3 : i32
        %dma_start3A_471 = arith.constant 0 : i32
        %dma_start3A_472 = tpu.memref_slice %arg6[%dma_start3A_470, %dma_start3A_471] : memref<6x128xi32, #tpu.memory_space<vmem>> -> memref<1x128xi32, #tpu.memory_space<vmem>>
        %dma_start3A_473 = tpu.memref_squeeze %dma_start3A_472 : memref<1x128xi32, #tpu.memory_space<vmem>> -> memref<128xi32, #tpu.memory_space<vmem>>
        %dma_start3A_474 = arith.constant 0 : i32
        %dma_start3A_475 = arith.constant 0 : i32
        %dma_start3A_476 = tpu.memref_slice %arg2[%dma_start3A_474, %dma_start3A_475] : memref<10000x128xf32, #tpu.memory_space<hbm>> -> memref<10000x128xf32, #tpu.memory_space<hbm>>
        tpu.enqueue_indirect_dma source(%dma_start3A_476 : memref<10000x128xf32, #tpu.memory_space<hbm>>) target(%arg8 : memref<128x128xf32, #tpu.memory_space<vmem>>) offsets(%dma_start3A_473 : memref<128xi32, #tpu.memory_space<vmem>>) semaphore(%arg18 : memref<!tpu.dma_semaphore, #tpu.memory_space<semaphore_mem>>)
      } else {
      }
      %mul3A_298 = arith.constant 6 : i32
      %mul3A_299 = arith.muli %scan3A_226, %mul3A_298 : i32
      %add3A_300 = arith.constant 2 : i32
      %add3A_301 = arith.addi %mul3A_299, %add3A_300 : i32
      %dma_wait3A_302 = arith.constant 0 : i32
      %dma_wait3A_303 = arith.constant 0 : i32
      %dma_wait3A_304 = tpu.memref_slice %arg2[%dma_wait3A_302, %dma_wait3A_303] : memref<10000x128xf32, #tpu.memory_space<hbm>> -> memref<128x128xf32, #tpu.memory_space<hbm>>
      %dma_wait3A_305 = arith.constant 0 : i32
      %dma_wait3A_306 = arith.constant 0 : i32
      %dma_wait3A_307 = tpu.memref_slice %arg2[%dma_wait3A_305, %dma_wait3A_306] : memref<10000x128xf32, #tpu.memory_space<hbm>> -> memref<128x128xf32, #tpu.memory_space<hbm>>
      tpu.wait_dma2 semaphore(%arg20 : memref<!tpu.dma_semaphore, #tpu.memory_space<semaphore_mem>>) src(%dma_wait3A_307 : memref<128x128xf32, #tpu.memory_space<hbm>>) dst(%arg10 : memref<128x128xf32, #tpu.memory_space<vmem>>)
      %gt3A_308 = arith.constant 0 : i32
      %gt3A_309 = arith.cmpi sgt, %add3A_301, %gt3A_308 : i32
      %convert_element_type3A_310 = arith.extui %gt3A_309 : i1 to i32
      %cond3A_311 = arith.constant 0 : i32
      %cond3A_312 = arith.cmpi ne, %convert_element_type3A_310, %cond3A_311 : i32
      scf.if %cond3A_312 {
        %dma_wait3A_442 = arith.constant 0 : i32
        %dma_wait3A_443 = arith.constant 0 : i32
        %dma_wait3A_444 = tpu.memref_slice %arg11[%dma_wait3A_442, %dma_wait3A_443] : memref<10000x128xf32, #tpu.memory_space<vmem_shared>> -> memref<128x128xf32, #tpu.memory_space<vmem_shared>>
        %dma_wait3A_445 = arith.constant 0 : i32
        %dma_wait3A_446 = arith.constant 0 : i32
        %dma_wait3A_447 = tpu.memref_slice %arg11[%dma_wait3A_445, %dma_wait3A_446] : memref<10000x128xf32, #tpu.memory_space<vmem_shared>> -> memref<128x128xf32, #tpu.memory_space<vmem_shared>>
        tpu.wait_dma2 semaphore(%arg22 : memref<!tpu.dma_semaphore, #tpu.memory_space<semaphore_mem>>) src(%arg9 : memref<128x128xf32, #tpu.memory_space<vmem>>) dst(%dma_wait3A_447 : memref<128x128xf32, #tpu.memory_space<vmem_shared>>)
      } else {
      }
      %dma_start3A_313 = arith.constant 2 : i32
      %dma_start3A_314 = arith.constant 0 : i32
      %dma_start3A_315 = tpu.memref_slice %arg7[%dma_start3A_313, %dma_start3A_314] : memref<6x128xi32, #tpu.memory_space<vmem>> -> memref<1x128xi32, #tpu.memory_space<vmem>>
      %dma_start3A_316 = tpu.memref_squeeze %dma_start3A_315 : memref<1x128xi32, #tpu.memory_space<vmem>> -> memref<128xi32, #tpu.memory_space<vmem>>
      %dma_start3A_317 = arith.constant 0 : i32
      %dma_start3A_318 = arith.constant 0 : i32
      %dma_start3A_319 = tpu.memref_slice %arg11[%dma_start3A_317, %dma_start3A_318] : memref<10000x128xf32, #tpu.memory_space<vmem_shared>> -> memref<10000x128xf32, #tpu.memory_space<vmem_shared>>
      tpu.enqueue_indirect_dma source(%arg10 : memref<128x128xf32, #tpu.memory_space<vmem>>) target(%dma_start3A_319 : memref<10000x128xf32, #tpu.memory_space<vmem_shared>>) offsets(%dma_start3A_316 : memref<128xi32, #tpu.memory_space<vmem>>) semaphore(%arg23 : memref<!tpu.dma_semaphore, #tpu.memory_space<semaphore_mem>>) {add = true}
      %add3A_320 = arith.constant 4 : i32
      %add3A_321 = arith.addi %add3A_301, %add3A_320 : i32
      %lt3A_322 = arith.constant 78 : i32
      %lt3A_323 = arith.cmpi slt, %add3A_321, %lt3A_322 : i32
      %convert_element_type3A_324 = arith.extui %lt3A_323 : i1 to i32
      %cond3A_325 = arith.constant 0 : i32
      %cond3A_326 = arith.cmpi ne, %convert_element_type3A_324, %cond3A_325 : i32
      scf.if %cond3A_326 {
        %add3A_442 = arith.addi %mul3A_2, %add3A_301 : i32
        %add3A_443 = arith.constant 4 : i32
        %add3A_444 = arith.addi %add3A_442, %add3A_443 : i32
        %mul3A_445 = arith.constant 128 : i32
        %mul3A_446 = arith.muli %add3A_444, %mul3A_445 : i32
        %dma_start3A_447 = arith.constant 0 : i32
        %dma_start3A_448 = arith.constant 0 : i32
        %dma_start3A_449 = arith.constant 0 : i32
        %dma_start3A_450 = tpu.memref_slice %arg6[%dma_start3A_448, %dma_start3A_449] : memref<6x128xi32, #tpu.memory_space<vmem>> -> memref<1x128xi32, #tpu.memory_space<vmem>>
        %dma_start3A_451 = tpu.memref_squeeze %dma_start3A_450 : memref<1x128xi32, #tpu.memory_space<vmem>> -> memref<128xi32, #tpu.memory_space<vmem>>
        %dma_start3A_452 = tpu.memref_slice %arg3[%dma_start3A_447, %mul3A_446] : memref<2x320000xi32, #tpu.memory_space<hbm>> -> memref<1x128xi32, #tpu.memory_space<hbm>>
        %dma_start3A_453 = tpu.memref_squeeze %dma_start3A_452 : memref<1x128xi32, #tpu.memory_space<hbm>> -> memref<128xi32, #tpu.memory_space<hbm>>
        %dma_start3A_454 = arith.constant 0 : i32
        %dma_start3A_455 = tpu.memref_slice %arg6[%dma_start3A_448, %dma_start3A_454] : memref<6x128xi32, #tpu.memory_space<vmem>> -> memref<1x128xi32, #tpu.memory_space<vmem>>
        %dma_start3A_456 = tpu.memref_squeeze %dma_start3A_455 : memref<1x128xi32, #tpu.memory_space<vmem>> -> memref<128xi32, #tpu.memory_space<vmem>>
        %dma_start3A_457 = tpu.memref_slice %arg3[%dma_start3A_447, %mul3A_446] : memref<2x320000xi32, #tpu.memory_space<hbm>> -> memref<1x128xi32, #tpu.memory_space<hbm>>
        %dma_start3A_458 = tpu.memref_squeeze %dma_start3A_457 : memref<1x128xi32, #tpu.memory_space<hbm>> -> memref<128xi32, #tpu.memory_space<hbm>>
        tpu.enqueue_dma source(%dma_start3A_458 : memref<128xi32, #tpu.memory_space<hbm>>) target(%dma_start3A_456 : memref<128xi32, #tpu.memory_space<vmem>>) target_semaphore(%arg12 : memref<!tpu.dma_semaphore, #tpu.memory_space<semaphore_mem>>)
        %mul3A_459 = arith.constant 128 : i32
        %mul3A_460 = arith.muli %add3A_444, %mul3A_459 : i32
        %dma_start3A_461 = arith.constant 1 : i32
        %dma_start3A_462 = arith.constant 0 : i32
        %dma_start3A_463 = arith.constant 0 : i32
        %dma_start3A_464 = tpu.memref_slice %arg7[%dma_start3A_462, %dma_start3A_463] : memref<6x128xi32, #tpu.memory_space<vmem>> -> memref<1x128xi32, #tpu.memory_space<vmem>>
        %dma_start3A_465 = tpu.memref_squeeze %dma_start3A_464 : memref<1x128xi32, #tpu.memory_space<vmem>> -> memref<128xi32, #tpu.memory_space<vmem>>
        %dma_start3A_466 = tpu.memref_slice %arg3[%dma_start3A_461, %mul3A_460] : memref<2x320000xi32, #tpu.memory_space<hbm>> -> memref<1x128xi32, #tpu.memory_space<hbm>>
        %dma_start3A_467 = tpu.memref_squeeze %dma_start3A_466 : memref<1x128xi32, #tpu.memory_space<hbm>> -> memref<128xi32, #tpu.memory_space<hbm>>
        %dma_start3A_468 = arith.constant 0 : i32
        %dma_start3A_469 = tpu.memref_slice %arg7[%dma_start3A_462, %dma_start3A_468] : memref<6x128xi32, #tpu.memory_space<vmem>> -> memref<1x128xi32, #tpu.memory_space<vmem>>
        %dma_start3A_470 = tpu.memref_squeeze %dma_start3A_469 : memref<1x128xi32, #tpu.memory_space<vmem>> -> memref<128xi32, #tpu.memory_space<vmem>>
        %dma_start3A_471 = tpu.memref_slice %arg3[%dma_start3A_461, %mul3A_460] : memref<2x320000xi32, #tpu.memory_space<hbm>> -> memref<1x128xi32, #tpu.memory_space<hbm>>
        %dma_start3A_472 = tpu.memref_squeeze %dma_start3A_471 : memref<1x128xi32, #tpu.memory_space<hbm>> -> memref<128xi32, #tpu.memory_space<hbm>>
        tpu.enqueue_dma source(%dma_start3A_472 : memref<128xi32, #tpu.memory_space<hbm>>) target(%dma_start3A_470 : memref<128xi32, #tpu.memory_space<vmem>>) target_semaphore(%arg12 : memref<!tpu.dma_semaphore, #tpu.memory_space<semaphore_mem>>)
      } else {
      }
      %add3A_327 = arith.constant 2 : i32
      %add3A_328 = arith.addi %add3A_301, %add3A_327 : i32
      %lt3A_329 = arith.constant 78 : i32
      %lt3A_330 = arith.cmpi slt, %add3A_328, %lt3A_329 : i32
      %convert_element_type3A_331 = arith.extui %lt3A_330 : i1 to i32
      %cond3A_332 = arith.constant 0 : i32
      %cond3A_333 = arith.cmpi ne, %convert_element_type3A_331, %cond3A_332 : i32
      scf.if %cond3A_333 {
        %dma_wait3A_442 = arith.constant 0 : i32
        %dma_wait3A_443 = arith.constant 4 : i32
        %dma_wait3A_444 = arith.constant 0 : i32
        %dma_wait3A_445 = tpu.memref_slice %arg6[%dma_wait3A_443, %dma_wait3A_444] : memref<6x128xi32, #tpu.memory_space<vmem>> -> memref<1x128xi32, #tpu.memory_space<vmem>>
        %dma_wait3A_446 = tpu.memref_squeeze %dma_wait3A_445 : memref<1x128xi32, #tpu.memory_space<vmem>> -> memref<128xi32, #tpu.memory_space<vmem>>
        %dma_wait3A_447 = arith.constant 0 : i32
        %dma_wait3A_448 = tpu.memref_slice %arg3[%dma_wait3A_442, %dma_wait3A_447] : memref<2x320000xi32, #tpu.memory_space<hbm>> -> memref<1x128xi32, #tpu.memory_space<hbm>>
        %dma_wait3A_449 = tpu.memref_squeeze %dma_wait3A_448 : memref<1x128xi32, #tpu.memory_space<hbm>> -> memref<128xi32, #tpu.memory_space<hbm>>
        %dma_wait3A_450 = arith.constant 0 : i32
        %dma_wait3A_451 = tpu.memref_slice %arg6[%dma_wait3A_443, %dma_wait3A_450] : memref<6x128xi32, #tpu.memory_space<vmem>> -> memref<1x128xi32, #tpu.memory_space<vmem>>
        %dma_wait3A_452 = tpu.memref_squeeze %dma_wait3A_451 : memref<1x128xi32, #tpu.memory_space<vmem>> -> memref<128xi32, #tpu.memory_space<vmem>>
        %dma_wait3A_453 = arith.constant 0 : i32
        %dma_wait3A_454 = tpu.memref_slice %arg3[%dma_wait3A_442, %dma_wait3A_453] : memref<2x320000xi32, #tpu.memory_space<hbm>> -> memref<1x128xi32, #tpu.memory_space<hbm>>
        %dma_wait3A_455 = tpu.memref_squeeze %dma_wait3A_454 : memref<1x128xi32, #tpu.memory_space<hbm>> -> memref<128xi32, #tpu.memory_space<hbm>>
        tpu.wait_dma2 semaphore(%arg16 : memref<!tpu.dma_semaphore, #tpu.memory_space<semaphore_mem>>) src(%dma_wait3A_455 : memref<128xi32, #tpu.memory_space<hbm>>) dst(%dma_wait3A_452 : memref<128xi32, #tpu.memory_space<vmem>>)
        %dma_wait3A_456 = arith.constant 1 : i32
        %dma_wait3A_457 = arith.constant 4 : i32
        %dma_wait3A_458 = arith.constant 0 : i32
        %dma_wait3A_459 = tpu.memref_slice %arg7[%dma_wait3A_457, %dma_wait3A_458] : memref<6x128xi32, #tpu.memory_space<vmem>> -> memref<1x128xi32, #tpu.memory_space<vmem>>
        %dma_wait3A_460 = tpu.memref_squeeze %dma_wait3A_459 : memref<1x128xi32, #tpu.memory_space<vmem>> -> memref<128xi32, #tpu.memory_space<vmem>>
        %dma_wait3A_461 = arith.constant 0 : i32
        %dma_wait3A_462 = tpu.memref_slice %arg3[%dma_wait3A_456, %dma_wait3A_461] : memref<2x320000xi32, #tpu.memory_space<hbm>> -> memref<1x128xi32, #tpu.memory_space<hbm>>
        %dma_wait3A_463 = tpu.memref_squeeze %dma_wait3A_462 : memref<1x128xi32, #tpu.memory_space<hbm>> -> memref<128xi32, #tpu.memory_space<hbm>>
        %dma_wait3A_464 = arith.constant 0 : i32
        %dma_wait3A_465 = tpu.memref_slice %arg7[%dma_wait3A_457, %dma_wait3A_464] : memref<6x128xi32, #tpu.memory_space<vmem>> -> memref<1x128xi32, #tpu.memory_space<vmem>>
        %dma_wait3A_466 = tpu.memref_squeeze %dma_wait3A_465 : memref<1x128xi32, #tpu.memory_space<vmem>> -> memref<128xi32, #tpu.memory_space<vmem>>
        %dma_wait3A_467 = arith.constant 0 : i32
        %dma_wait3A_468 = tpu.memref_slice %arg3[%dma_wait3A_456, %dma_wait3A_467] : memref<2x320000xi32, #tpu.memory_space<hbm>> -> memref<1x128xi32, #tpu.memory_space<hbm>>
        %dma_wait3A_469 = tpu.memref_squeeze %dma_wait3A_468 : memref<1x128xi32, #tpu.memory_space<hbm>> -> memref<128xi32, #tpu.memory_space<hbm>>
        tpu.wait_dma2 semaphore(%arg16 : memref<!tpu.dma_semaphore, #tpu.memory_space<semaphore_mem>>) src(%dma_wait3A_469 : memref<128xi32, #tpu.memory_space<hbm>>) dst(%dma_wait3A_466 : memref<128xi32, #tpu.memory_space<vmem>>)
        %dma_start3A_470 = arith.constant 4 : i32
        %dma_start3A_471 = arith.constant 0 : i32
        %dma_start3A_472 = tpu.memref_slice %arg6[%dma_start3A_470, %dma_start3A_471] : memref<6x128xi32, #tpu.memory_space<vmem>> -> memref<1x128xi32, #tpu.memory_space<vmem>>
        %dma_start3A_473 = tpu.memref_squeeze %dma_start3A_472 : memref<1x128xi32, #tpu.memory_space<vmem>> -> memref<128xi32, #tpu.memory_space<vmem>>
        %dma_start3A_474 = arith.constant 0 : i32
        %dma_start3A_475 = arith.constant 0 : i32
        %dma_start3A_476 = tpu.memref_slice %arg2[%dma_start3A_474, %dma_start3A_475] : memref<10000x128xf32, #tpu.memory_space<hbm>> -> memref<10000x128xf32, #tpu.memory_space<hbm>>
        tpu.enqueue_indirect_dma source(%dma_start3A_476 : memref<10000x128xf32, #tpu.memory_space<hbm>>) target(%arg9 : memref<128x128xf32, #tpu.memory_space<vmem>>) offsets(%dma_start3A_473 : memref<128xi32, #tpu.memory_space<vmem>>) semaphore(%arg19 : memref<!tpu.dma_semaphore, #tpu.memory_space<semaphore_mem>>)
      } else {
      }
      %mul3A_334 = arith.constant 6 : i32
      %mul3A_335 = arith.muli %scan3A_226, %mul3A_334 : i32
      %add3A_336 = arith.constant 3 : i32
      %add3A_337 = arith.addi %mul3A_335, %add3A_336 : i32
      %dma_wait3A_338 = arith.constant 0 : i32
      %dma_wait3A_339 = arith.constant 0 : i32
      %dma_wait3A_340 = tpu.memref_slice %arg2[%dma_wait3A_338, %dma_wait3A_339] : memref<10000x128xf32, #tpu.memory_space<hbm>> -> memref<128x128xf32, #tpu.memory_space<hbm>>
      %dma_wait3A_341 = arith.constant 0 : i32
      %dma_wait3A_342 = arith.constant 0 : i32
      %dma_wait3A_343 = tpu.memref_slice %arg2[%dma_wait3A_341, %dma_wait3A_342] : memref<10000x128xf32, #tpu.memory_space<hbm>> -> memref<128x128xf32, #tpu.memory_space<hbm>>
      tpu.wait_dma2 semaphore(%arg18 : memref<!tpu.dma_semaphore, #tpu.memory_space<semaphore_mem>>) src(%dma_wait3A_343 : memref<128x128xf32, #tpu.memory_space<hbm>>) dst(%arg8 : memref<128x128xf32, #tpu.memory_space<vmem>>)
      %gt3A_344 = arith.constant 0 : i32
      %gt3A_345 = arith.cmpi sgt, %add3A_337, %gt3A_344 : i32
      %convert_element_type3A_346 = arith.extui %gt3A_345 : i1 to i32
      %cond3A_347 = arith.constant 0 : i32
      %cond3A_348 = arith.cmpi ne, %convert_element_type3A_346, %cond3A_347 : i32
      scf.if %cond3A_348 {
        %dma_wait3A_442 = arith.constant 0 : i32
        %dma_wait3A_443 = arith.constant 0 : i32
        %dma_wait3A_444 = tpu.memref_slice %arg11[%dma_wait3A_442, %dma_wait3A_443] : memref<10000x128xf32, #tpu.memory_space<vmem_shared>> -> memref<128x128xf32, #tpu.memory_space<vmem_shared>>
        %dma_wait3A_445 = arith.constant 0 : i32
        %dma_wait3A_446 = arith.constant 0 : i32
        %dma_wait3A_447 = tpu.memref_slice %arg11[%dma_wait3A_445, %dma_wait3A_446] : memref<10000x128xf32, #tpu.memory_space<vmem_shared>> -> memref<128x128xf32, #tpu.memory_space<vmem_shared>>
        tpu.wait_dma2 semaphore(%arg23 : memref<!tpu.dma_semaphore, #tpu.memory_space<semaphore_mem>>) src(%arg10 : memref<128x128xf32, #tpu.memory_space<vmem>>) dst(%dma_wait3A_447 : memref<128x128xf32, #tpu.memory_space<vmem_shared>>)
      } else {
      }
      %dma_start3A_349 = arith.constant 3 : i32
      %dma_start3A_350 = arith.constant 0 : i32
      %dma_start3A_351 = tpu.memref_slice %arg7[%dma_start3A_349, %dma_start3A_350] : memref<6x128xi32, #tpu.memory_space<vmem>> -> memref<1x128xi32, #tpu.memory_space<vmem>>
      %dma_start3A_352 = tpu.memref_squeeze %dma_start3A_351 : memref<1x128xi32, #tpu.memory_space<vmem>> -> memref<128xi32, #tpu.memory_space<vmem>>
      %dma_start3A_353 = arith.constant 0 : i32
      %dma_start3A_354 = arith.constant 0 : i32
      %dma_start3A_355 = tpu.memref_slice %arg11[%dma_start3A_353, %dma_start3A_354] : memref<10000x128xf32, #tpu.memory_space<vmem_shared>> -> memref<10000x128xf32, #tpu.memory_space<vmem_shared>>
      tpu.enqueue_indirect_dma source(%arg8 : memref<128x128xf32, #tpu.memory_space<vmem>>) target(%dma_start3A_355 : memref<10000x128xf32, #tpu.memory_space<vmem_shared>>) offsets(%dma_start3A_352 : memref<128xi32, #tpu.memory_space<vmem>>) semaphore(%arg21 : memref<!tpu.dma_semaphore, #tpu.memory_space<semaphore_mem>>) {add = true}
      %add3A_356 = arith.constant 4 : i32
      %add3A_357 = arith.addi %add3A_337, %add3A_356 : i32
      %lt3A_358 = arith.constant 78 : i32
      %lt3A_359 = arith.cmpi slt, %add3A_357, %lt3A_358 : i32
      %convert_element_type3A_360 = arith.extui %lt3A_359 : i1 to i32
      %cond3A_361 = arith.constant 0 : i32
      %cond3A_362 = arith.cmpi ne, %convert_element_type3A_360, %cond3A_361 : i32
      scf.if %cond3A_362 {
        %add3A_442 = arith.addi %mul3A_2, %add3A_337 : i32
        %add3A_443 = arith.constant 4 : i32
        %add3A_444 = arith.addi %add3A_442, %add3A_443 : i32
        %mul3A_445 = arith.constant 128 : i32
        %mul3A_446 = arith.muli %add3A_444, %mul3A_445 : i32
        %dma_start3A_447 = arith.constant 0 : i32
        %dma_start3A_448 = arith.constant 1 : i32
        %dma_start3A_449 = arith.constant 0 : i32
        %dma_start3A_450 = tpu.memref_slice %arg6[%dma_start3A_448, %dma_start3A_449] : memref<6x128xi32, #tpu.memory_space<vmem>> -> memref<1x128xi32, #tpu.memory_space<vmem>>
        %dma_start3A_451 = tpu.memref_squeeze %dma_start3A_450 : memref<1x128xi32, #tpu.memory_space<vmem>> -> memref<128xi32, #tpu.memory_space<vmem>>
        %dma_start3A_452 = tpu.memref_slice %arg3[%dma_start3A_447, %mul3A_446] : memref<2x320000xi32, #tpu.memory_space<hbm>> -> memref<1x128xi32, #tpu.memory_space<hbm>>
        %dma_start3A_453 = tpu.memref_squeeze %dma_start3A_452 : memref<1x128xi32, #tpu.memory_space<hbm>> -> memref<128xi32, #tpu.memory_space<hbm>>
        %dma_start3A_454 = arith.constant 0 : i32
        %dma_start3A_455 = tpu.memref_slice %arg6[%dma_start3A_448, %dma_start3A_454] : memref<6x128xi32, #tpu.memory_space<vmem>> -> memref<1x128xi32, #tpu.memory_space<vmem>>
        %dma_start3A_456 = tpu.memref_squeeze %dma_start3A_455 : memref<1x128xi32, #tpu.memory_space<vmem>> -> memref<128xi32, #tpu.memory_space<vmem>>
        %dma_start3A_457 = tpu.memref_slice %arg3[%dma_start3A_447, %mul3A_446] : memref<2x320000xi32, #tpu.memory_space<hbm>> -> memref<1x128xi32, #tpu.memory_space<hbm>>
        %dma_start3A_458 = tpu.memref_squeeze %dma_start3A_457 : memref<1x128xi32, #tpu.memory_space<hbm>> -> memref<128xi32, #tpu.memory_space<hbm>>
        tpu.enqueue_dma source(%dma_start3A_458 : memref<128xi32, #tpu.memory_space<hbm>>) target(%dma_start3A_456 : memref<128xi32, #tpu.memory_space<vmem>>) target_semaphore(%arg13 : memref<!tpu.dma_semaphore, #tpu.memory_space<semaphore_mem>>)
        %mul3A_459 = arith.constant 128 : i32
        %mul3A_460 = arith.muli %add3A_444, %mul3A_459 : i32
        %dma_start3A_461 = arith.constant 1 : i32
        %dma_start3A_462 = arith.constant 1 : i32
        %dma_start3A_463 = arith.constant 0 : i32
        %dma_start3A_464 = tpu.memref_slice %arg7[%dma_start3A_462, %dma_start3A_463] : memref<6x128xi32, #tpu.memory_space<vmem>> -> memref<1x128xi32, #tpu.memory_space<vmem>>
        %dma_start3A_465 = tpu.memref_squeeze %dma_start3A_464 : memref<1x128xi32, #tpu.memory_space<vmem>> -> memref<128xi32, #tpu.memory_space<vmem>>
        %dma_start3A_466 = tpu.memref_slice %arg3[%dma_start3A_461, %mul3A_460] : memref<2x320000xi32, #tpu.memory_space<hbm>> -> memref<1x128xi32, #tpu.memory_space<hbm>>
        %dma_start3A_467 = tpu.memref_squeeze %dma_start3A_466 : memref<1x128xi32, #tpu.memory_space<hbm>> -> memref<128xi32, #tpu.memory_space<hbm>>
        %dma_start3A_468 = arith.constant 0 : i32
        %dma_start3A_469 = tpu.memref_slice %arg7[%dma_start3A_462, %dma_start3A_468] : memref<6x128xi32, #tpu.memory_space<vmem>> -> memref<1x128xi32, #tpu.memory_space<vmem>>
        %dma_start3A_470 = tpu.memref_squeeze %dma_start3A_469 : memref<1x128xi32, #tpu.memory_space<vmem>> -> memref<128xi32, #tpu.memory_space<vmem>>
        %dma_start3A_471 = tpu.memref_slice %arg3[%dma_start3A_461, %mul3A_460] : memref<2x320000xi32, #tpu.memory_space<hbm>> -> memref<1x128xi32, #tpu.memory_space<hbm>>
        %dma_start3A_472 = tpu.memref_squeeze %dma_start3A_471 : memref<1x128xi32, #tpu.memory_space<hbm>> -> memref<128xi32, #tpu.memory_space<hbm>>
        tpu.enqueue_dma source(%dma_start3A_472 : memref<128xi32, #tpu.memory_space<hbm>>) target(%dma_start3A_470 : memref<128xi32, #tpu.memory_space<vmem>>) target_semaphore(%arg13 : memref<!tpu.dma_semaphore, #tpu.memory_space<semaphore_mem>>)
      } else {
      }
      %add3A_363 = arith.constant 2 : i32
      %add3A_364 = arith.addi %add3A_337, %add3A_363 : i32
      %lt3A_365 = arith.constant 78 : i32
      %lt3A_366 = arith.cmpi slt, %add3A_364, %lt3A_365 : i32
      %convert_element_type3A_367 = arith.extui %lt3A_366 : i1 to i32
      %cond3A_368 = arith.constant 0 : i32
      %cond3A_369 = arith.cmpi ne, %convert_element_type3A_367, %cond3A_368 : i32
      scf.if %cond3A_369 {
        %dma_wait3A_442 = arith.constant 0 : i32
        %dma_wait3A_443 = arith.constant 5 : i32
        %dma_wait3A_444 = arith.constant 0 : i32
        %dma_wait3A_445 = tpu.memref_slice %arg6[%dma_wait3A_443, %dma_wait3A_444] : memref<6x128xi32, #tpu.memory_space<vmem>> -> memref<1x128xi32, #tpu.memory_space<vmem>>
        %dma_wait3A_446 = tpu.memref_squeeze %dma_wait3A_445 : memref<1x128xi32, #tpu.memory_space<vmem>> -> memref<128xi32, #tpu.memory_space<vmem>>
        %dma_wait3A_447 = arith.constant 0 : i32
        %dma_wait3A_448 = tpu.memref_slice %arg3[%dma_wait3A_442, %dma_wait3A_447] : memref<2x320000xi32, #tpu.memory_space<hbm>> -> memref<1x128xi32, #tpu.memory_space<hbm>>
        %dma_wait3A_449 = tpu.memref_squeeze %dma_wait3A_448 : memref<1x128xi32, #tpu.memory_space<hbm>> -> memref<128xi32, #tpu.memory_space<hbm>>
        %dma_wait3A_450 = arith.constant 0 : i32
        %dma_wait3A_451 = tpu.memref_slice %arg6[%dma_wait3A_443, %dma_wait3A_450] : memref<6x128xi32, #tpu.memory_space<vmem>> -> memref<1x128xi32, #tpu.memory_space<vmem>>
        %dma_wait3A_452 = tpu.memref_squeeze %dma_wait3A_451 : memref<1x128xi32, #tpu.memory_space<vmem>> -> memref<128xi32, #tpu.memory_space<vmem>>
        %dma_wait3A_453 = arith.constant 0 : i32
        %dma_wait3A_454 = tpu.memref_slice %arg3[%dma_wait3A_442, %dma_wait3A_453] : memref<2x320000xi32, #tpu.memory_space<hbm>> -> memref<1x128xi32, #tpu.memory_space<hbm>>
        %dma_wait3A_455 = tpu.memref_squeeze %dma_wait3A_454 : memref<1x128xi32, #tpu.memory_space<hbm>> -> memref<128xi32, #tpu.memory_space<hbm>>
        tpu.wait_dma2 semaphore(%arg17 : memref<!tpu.dma_semaphore, #tpu.memory_space<semaphore_mem>>) src(%dma_wait3A_455 : memref<128xi32, #tpu.memory_space<hbm>>) dst(%dma_wait3A_452 : memref<128xi32, #tpu.memory_space<vmem>>)
        %dma_wait3A_456 = arith.constant 1 : i32
        %dma_wait3A_457 = arith.constant 5 : i32
        %dma_wait3A_458 = arith.constant 0 : i32
        %dma_wait3A_459 = tpu.memref_slice %arg7[%dma_wait3A_457, %dma_wait3A_458] : memref<6x128xi32, #tpu.memory_space<vmem>> -> memref<1x128xi32, #tpu.memory_space<vmem>>
        %dma_wait3A_460 = tpu.memref_squeeze %dma_wait3A_459 : memref<1x128xi32, #tpu.memory_space<vmem>> -> memref<128xi32, #tpu.memory_space<vmem>>
        %dma_wait3A_461 = arith.constant 0 : i32
        %dma_wait3A_462 = tpu.memref_slice %arg3[%dma_wait3A_456, %dma_wait3A_461] : memref<2x320000xi32, #tpu.memory_space<hbm>> -> memref<1x128xi32, #tpu.memory_space<hbm>>
        %dma_wait3A_463 = tpu.memref_squeeze %dma_wait3A_462 : memref<1x128xi32, #tpu.memory_space<hbm>> -> memref<128xi32, #tpu.memory_space<hbm>>
        %dma_wait3A_464 = arith.constant 0 : i32
        %dma_wait3A_465 = tpu.memref_slice %arg7[%dma_wait3A_457, %dma_wait3A_464] : memref<6x128xi32, #tpu.memory_space<vmem>> -> memref<1x128xi32, #tpu.memory_space<vmem>>
        %dma_wait3A_466 = tpu.memref_squeeze %dma_wait3A_465 : memref<1x128xi32, #tpu.memory_space<vmem>> -> memref<128xi32, #tpu.memory_space<vmem>>
        %dma_wait3A_467 = arith.constant 0 : i32
        %dma_wait3A_468 = tpu.memref_slice %arg3[%dma_wait3A_456, %dma_wait3A_467] : memref<2x320000xi32, #tpu.memory_space<hbm>> -> memref<1x128xi32, #tpu.memory_space<hbm>>
        %dma_wait3A_469 = tpu.memref_squeeze %dma_wait3A_468 : memref<1x128xi32, #tpu.memory_space<hbm>> -> memref<128xi32, #tpu.memory_space<hbm>>
        tpu.wait_dma2 semaphore(%arg17 : memref<!tpu.dma_semaphore, #tpu.memory_space<semaphore_mem>>) src(%dma_wait3A_469 : memref<128xi32, #tpu.memory_space<hbm>>) dst(%dma_wait3A_466 : memref<128xi32, #tpu.memory_space<vmem>>)
        %dma_start3A_470 = arith.constant 5 : i32
        %dma_start3A_471 = arith.constant 0 : i32
        %dma_start3A_472 = tpu.memref_slice %arg6[%dma_start3A_470, %dma_start3A_471] : memref<6x128xi32, #tpu.memory_space<vmem>> -> memref<1x128xi32, #tpu.memory_space<vmem>>
        %dma_start3A_473 = tpu.memref_squeeze %dma_start3A_472 : memref<1x128xi32, #tpu.memory_space<vmem>> -> memref<128xi32, #tpu.memory_space<vmem>>
        %dma_start3A_474 = arith.constant 0 : i32
        %dma_start3A_475 = arith.constant 0 : i32
        %dma_start3A_476 = tpu.memref_slice %arg2[%dma_start3A_474, %dma_start3A_475] : memref<10000x128xf32, #tpu.memory_space<hbm>> -> memref<10000x128xf32, #tpu.memory_space<hbm>>
        tpu.enqueue_indirect_dma source(%dma_start3A_476 : memref<10000x128xf32, #tpu.memory_space<hbm>>) target(%arg10 : memref<128x128xf32, #tpu.memory_space<vmem>>) offsets(%dma_start3A_473 : memref<128xi32, #tpu.memory_space<vmem>>) semaphore(%arg20 : memref<!tpu.dma_semaphore, #tpu.memory_space<semaphore_mem>>)
      } else {
      }
      %mul3A_370 = arith.constant 6 : i32
      %mul3A_371 = arith.muli %scan3A_226, %mul3A_370 : i32
      %add3A_372 = arith.constant 4 : i32
      %add3A_373 = arith.addi %mul3A_371, %add3A_372 : i32
      %dma_wait3A_374 = arith.constant 0 : i32
      %dma_wait3A_375 = arith.constant 0 : i32
      %dma_wait3A_376 = tpu.memref_slice %arg2[%dma_wait3A_374, %dma_wait3A_375] : memref<10000x128xf32, #tpu.memory_space<hbm>> -> memref<128x128xf32, #tpu.memory_space<hbm>>
      %dma_wait3A_377 = arith.constant 0 : i32
      %dma_wait3A_378 = arith.constant 0 : i32
      %dma_wait3A_379 = tpu.memref_slice %arg2[%dma_wait3A_377, %dma_wait3A_378] : memref<10000x128xf32, #tpu.memory_space<hbm>> -> memref<128x128xf32, #tpu.memory_space<hbm>>
      tpu.wait_dma2 semaphore(%arg19 : memref<!tpu.dma_semaphore, #tpu.memory_space<semaphore_mem>>) src(%dma_wait3A_379 : memref<128x128xf32, #tpu.memory_space<hbm>>) dst(%arg9 : memref<128x128xf32, #tpu.memory_space<vmem>>)
      %gt3A_380 = arith.constant 0 : i32
      %gt3A_381 = arith.cmpi sgt, %add3A_373, %gt3A_380 : i32
      %convert_element_type3A_382 = arith.extui %gt3A_381 : i1 to i32
      %cond3A_383 = arith.constant 0 : i32
      %cond3A_384 = arith.cmpi ne, %convert_element_type3A_382, %cond3A_383 : i32
      scf.if %cond3A_384 {
        %dma_wait3A_442 = arith.constant 0 : i32
        %dma_wait3A_443 = arith.constant 0 : i32
        %dma_wait3A_444 = tpu.memref_slice %arg11[%dma_wait3A_442, %dma_wait3A_443] : memref<10000x128xf32, #tpu.memory_space<vmem_shared>> -> memref<128x128xf32, #tpu.memory_space<vmem_shared>>
        %dma_wait3A_445 = arith.constant 0 : i32
        %dma_wait3A_446 = arith.constant 0 : i32
        %dma_wait3A_447 = tpu.memref_slice %arg11[%dma_wait3A_445, %dma_wait3A_446] : memref<10000x128xf32, #tpu.memory_space<vmem_shared>> -> memref<128x128xf32, #tpu.memory_space<vmem_shared>>
        tpu.wait_dma2 semaphore(%arg21 : memref<!tpu.dma_semaphore, #tpu.memory_space<semaphore_mem>>) src(%arg8 : memref<128x128xf32, #tpu.memory_space<vmem>>) dst(%dma_wait3A_447 : memref<128x128xf32, #tpu.memory_space<vmem_shared>>)
      } else {
      }
      %dma_start3A_385 = arith.constant 4 : i32
      %dma_start3A_386 = arith.constant 0 : i32
      %dma_start3A_387 = tpu.memref_slice %arg7[%dma_start3A_385, %dma_start3A_386] : memref<6x128xi32, #tpu.memory_space<vmem>> -> memref<1x128xi32, #tpu.memory_space<vmem>>
      %dma_start3A_388 = tpu.memref_squeeze %dma_start3A_387 : memref<1x128xi32, #tpu.memory_space<vmem>> -> memref<128xi32, #tpu.memory_space<vmem>>
      %dma_start3A_389 = arith.constant 0 : i32
      %dma_start3A_390 = arith.constant 0 : i32
      %dma_start3A_391 = tpu.memref_slice %arg11[%dma_start3A_389, %dma_start3A_390] : memref<10000x128xf32, #tpu.memory_space<vmem_shared>> -> memref<10000x128xf32, #tpu.memory_space<vmem_shared>>
      tpu.enqueue_indirect_dma source(%arg9 : memref<128x128xf32, #tpu.memory_space<vmem>>) target(%dma_start3A_391 : memref<10000x128xf32, #tpu.memory_space<vmem_shared>>) offsets(%dma_start3A_388 : memref<128xi32, #tpu.memory_space<vmem>>) semaphore(%arg22 : memref<!tpu.dma_semaphore, #tpu.memory_space<semaphore_mem>>) {add = true}
      %add3A_392 = arith.constant 4 : i32
      %add3A_393 = arith.addi %add3A_373, %add3A_392 : i32
      %lt3A_394 = arith.constant 78 : i32
      %lt3A_395 = arith.cmpi slt, %add3A_393, %lt3A_394 : i32
      %convert_element_type3A_396 = arith.extui %lt3A_395 : i1 to i32
      %cond3A_397 = arith.constant 0 : i32
      %cond3A_398 = arith.cmpi ne, %convert_element_type3A_396, %cond3A_397 : i32
      scf.if %cond3A_398 {
        %add3A_442 = arith.addi %mul3A_2, %add3A_373 : i32
        %add3A_443 = arith.constant 4 : i32
        %add3A_444 = arith.addi %add3A_442, %add3A_443 : i32
        %mul3A_445 = arith.constant 128 : i32
        %mul3A_446 = arith.muli %add3A_444, %mul3A_445 : i32
        %dma_start3A_447 = arith.constant 0 : i32
        %dma_start3A_448 = arith.constant 2 : i32
        %dma_start3A_449 = arith.constant 0 : i32
        %dma_start3A_450 = tpu.memref_slice %arg6[%dma_start3A_448, %dma_start3A_449] : memref<6x128xi32, #tpu.memory_space<vmem>> -> memref<1x128xi32, #tpu.memory_space<vmem>>
        %dma_start3A_451 = tpu.memref_squeeze %dma_start3A_450 : memref<1x128xi32, #tpu.memory_space<vmem>> -> memref<128xi32, #tpu.memory_space<vmem>>
        %dma_start3A_452 = tpu.memref_slice %arg3[%dma_start3A_447, %mul3A_446] : memref<2x320000xi32, #tpu.memory_space<hbm>> -> memref<1x128xi32, #tpu.memory_space<hbm>>
        %dma_start3A_453 = tpu.memref_squeeze %dma_start3A_452 : memref<1x128xi32, #tpu.memory_space<hbm>> -> memref<128xi32, #tpu.memory_space<hbm>>
        %dma_start3A_454 = arith.constant 0 : i32
        %dma_start3A_455 = tpu.memref_slice %arg6[%dma_start3A_448, %dma_start3A_454] : memref<6x128xi32, #tpu.memory_space<vmem>> -> memref<1x128xi32, #tpu.memory_space<vmem>>
        %dma_start3A_456 = tpu.memref_squeeze %dma_start3A_455 : memref<1x128xi32, #tpu.memory_space<vmem>> -> memref<128xi32, #tpu.memory_space<vmem>>
        %dma_start3A_457 = tpu.memref_slice %arg3[%dma_start3A_447, %mul3A_446] : memref<2x320000xi32, #tpu.memory_space<hbm>> -> memref<1x128xi32, #tpu.memory_space<hbm>>
        %dma_start3A_458 = tpu.memref_squeeze %dma_start3A_457 : memref<1x128xi32, #tpu.memory_space<hbm>> -> memref<128xi32, #tpu.memory_space<hbm>>
        tpu.enqueue_dma source(%dma_start3A_458 : memref<128xi32, #tpu.memory_space<hbm>>) target(%dma_start3A_456 : memref<128xi32, #tpu.memory_space<vmem>>) target_semaphore(%arg14 : memref<!tpu.dma_semaphore, #tpu.memory_space<semaphore_mem>>)
        %mul3A_459 = arith.constant 128 : i32
        %mul3A_460 = arith.muli %add3A_444, %mul3A_459 : i32
        %dma_start3A_461 = arith.constant 1 : i32
        %dma_start3A_462 = arith.constant 2 : i32
        %dma_start3A_463 = arith.constant 0 : i32
        %dma_start3A_464 = tpu.memref_slice %arg7[%dma_start3A_462, %dma_start3A_463] : memref<6x128xi32, #tpu.memory_space<vmem>> -> memref<1x128xi32, #tpu.memory_space<vmem>>
        %dma_start3A_465 = tpu.memref_squeeze %dma_start3A_464 : memref<1x128xi32, #tpu.memory_space<vmem>> -> memref<128xi32, #tpu.memory_space<vmem>>
        %dma_start3A_466 = tpu.memref_slice %arg3[%dma_start3A_461, %mul3A_460] : memref<2x320000xi32, #tpu.memory_space<hbm>> -> memref<1x128xi32, #tpu.memory_space<hbm>>
        %dma_start3A_467 = tpu.memref_squeeze %dma_start3A_466 : memref<1x128xi32, #tpu.memory_space<hbm>> -> memref<128xi32, #tpu.memory_space<hbm>>
        %dma_start3A_468 = arith.constant 0 : i32
        %dma_start3A_469 = tpu.memref_slice %arg7[%dma_start3A_462, %dma_start3A_468] : memref<6x128xi32, #tpu.memory_space<vmem>> -> memref<1x128xi32, #tpu.memory_space<vmem>>
        %dma_start3A_470 = tpu.memref_squeeze %dma_start3A_469 : memref<1x128xi32, #tpu.memory_space<vmem>> -> memref<128xi32, #tpu.memory_space<vmem>>
        %dma_start3A_471 = tpu.memref_slice %arg3[%dma_start3A_461, %mul3A_460] : memref<2x320000xi32, #tpu.memory_space<hbm>> -> memref<1x128xi32, #tpu.memory_space<hbm>>
        %dma_start3A_472 = tpu.memref_squeeze %dma_start3A_471 : memref<1x128xi32, #tpu.memory_space<hbm>> -> memref<128xi32, #tpu.memory_space<hbm>>
        tpu.enqueue_dma source(%dma_start3A_472 : memref<128xi32, #tpu.memory_space<hbm>>) target(%dma_start3A_470 : memref<128xi32, #tpu.memory_space<vmem>>) target_semaphore(%arg14 : memref<!tpu.dma_semaphore, #tpu.memory_space<semaphore_mem>>)
      } else {
      }
      %add3A_399 = arith.constant 2 : i32
      %add3A_400 = arith.addi %add3A_373, %add3A_399 : i32
      %lt3A_401 = arith.constant 78 : i32
      %lt3A_402 = arith.cmpi slt, %add3A_400, %lt3A_401 : i32
      %convert_element_type3A_403 = arith.extui %lt3A_402 : i1 to i32
      %cond3A_404 = arith.constant 0 : i32
      %cond3A_405 = arith.cmpi ne, %convert_element_type3A_403, %cond3A_404 : i32
      scf.if %cond3A_405 {
        %dma_wait3A_442 = arith.constant 0 : i32
        %dma_wait3A_443 = arith.constant 0 : i32
        %dma_wait3A_444 = arith.constant 0 : i32
        %dma_wait3A_445 = tpu.memref_slice %arg6[%dma_wait3A_443, %dma_wait3A_444] : memref<6x128xi32, #tpu.memory_space<vmem>> -> memref<1x128xi32, #tpu.memory_space<vmem>>
        %dma_wait3A_446 = tpu.memref_squeeze %dma_wait3A_445 : memref<1x128xi32, #tpu.memory_space<vmem>> -> memref<128xi32, #tpu.memory_space<vmem>>
        %dma_wait3A_447 = arith.constant 0 : i32
        %dma_wait3A_448 = tpu.memref_slice %arg3[%dma_wait3A_442, %dma_wait3A_447] : memref<2x320000xi32, #tpu.memory_space<hbm>> -> memref<1x128xi32, #tpu.memory_space<hbm>>
        %dma_wait3A_449 = tpu.memref_squeeze %dma_wait3A_448 : memref<1x128xi32, #tpu.memory_space<hbm>> -> memref<128xi32, #tpu.memory_space<hbm>>
        %dma_wait3A_450 = arith.constant 0 : i32
        %dma_wait3A_451 = tpu.memref_slice %arg6[%dma_wait3A_443, %dma_wait3A_450] : memref<6x128xi32, #tpu.memory_space<vmem>> -> memref<1x128xi32, #tpu.memory_space<vmem>>
        %dma_wait3A_452 = tpu.memref_squeeze %dma_wait3A_451 : memref<1x128xi32, #tpu.memory_space<vmem>> -> memref<128xi32, #tpu.memory_space<vmem>>
        %dma_wait3A_453 = arith.constant 0 : i32
        %dma_wait3A_454 = tpu.memref_slice %arg3[%dma_wait3A_442, %dma_wait3A_453] : memref<2x320000xi32, #tpu.memory_space<hbm>> -> memref<1x128xi32, #tpu.memory_space<hbm>>
        %dma_wait3A_455 = tpu.memref_squeeze %dma_wait3A_454 : memref<1x128xi32, #tpu.memory_space<hbm>> -> memref<128xi32, #tpu.memory_space<hbm>>
        tpu.wait_dma2 semaphore(%arg12 : memref<!tpu.dma_semaphore, #tpu.memory_space<semaphore_mem>>) src(%dma_wait3A_455 : memref<128xi32, #tpu.memory_space<hbm>>) dst(%dma_wait3A_452 : memref<128xi32, #tpu.memory_space<vmem>>)
        %dma_wait3A_456 = arith.constant 1 : i32
        %dma_wait3A_457 = arith.constant 0 : i32
        %dma_wait3A_458 = arith.constant 0 : i32
        %dma_wait3A_459 = tpu.memref_slice %arg7[%dma_wait3A_457, %dma_wait3A_458] : memref<6x128xi32, #tpu.memory_space<vmem>> -> memref<1x128xi32, #tpu.memory_space<vmem>>
        %dma_wait3A_460 = tpu.memref_squeeze %dma_wait3A_459 : memref<1x128xi32, #tpu.memory_space<vmem>> -> memref<128xi32, #tpu.memory_space<vmem>>
        %dma_wait3A_461 = arith.constant 0 : i32
        %dma_wait3A_462 = tpu.memref_slice %arg3[%dma_wait3A_456, %dma_wait3A_461] : memref<2x320000xi32, #tpu.memory_space<hbm>> -> memref<1x128xi32, #tpu.memory_space<hbm>>
        %dma_wait3A_463 = tpu.memref_squeeze %dma_wait3A_462 : memref<1x128xi32, #tpu.memory_space<hbm>> -> memref<128xi32, #tpu.memory_space<hbm>>
        %dma_wait3A_464 = arith.constant 0 : i32
        %dma_wait3A_465 = tpu.memref_slice %arg7[%dma_wait3A_457, %dma_wait3A_464] : memref<6x128xi32, #tpu.memory_space<vmem>> -> memref<1x128xi32, #tpu.memory_space<vmem>>
        %dma_wait3A_466 = tpu.memref_squeeze %dma_wait3A_465 : memref<1x128xi32, #tpu.memory_space<vmem>> -> memref<128xi32, #tpu.memory_space<vmem>>
        %dma_wait3A_467 = arith.constant 0 : i32
        %dma_wait3A_468 = tpu.memref_slice %arg3[%dma_wait3A_456, %dma_wait3A_467] : memref<2x320000xi32, #tpu.memory_space<hbm>> -> memref<1x128xi32, #tpu.memory_space<hbm>>
        %dma_wait3A_469 = tpu.memref_squeeze %dma_wait3A_468 : memref<1x128xi32, #tpu.memory_space<hbm>> -> memref<128xi32, #tpu.memory_space<hbm>>
        tpu.wait_dma2 semaphore(%arg12 : memref<!tpu.dma_semaphore, #tpu.memory_space<semaphore_mem>>) src(%dma_wait3A_469 : memref<128xi32, #tpu.memory_space<hbm>>) dst(%dma_wait3A_466 : memref<128xi32, #tpu.memory_space<vmem>>)
        %dma_start3A_470 = arith.constant 0 : i32
        %dma_start3A_471 = arith.constant 0 : i32
        %dma_start3A_472 = tpu.memref_slice %arg6[%dma_start3A_470, %dma_start3A_471] : memref<6x128xi32, #tpu.memory_space<vmem>> -> memref<1x128xi32, #tpu.memory_space<vmem>>
        %dma_start3A_473 = tpu.memref_squeeze %dma_start3A_472 : memref<1x128xi32, #tpu.memory_space<vmem>> -> memref<128xi32, #tpu.memory_space<vmem>>
        %dma_start3A_474 = arith.constant 0 : i32
        %dma_start3A_475 = arith.constant 0 : i32
        %dma_start3A_476 = tpu.memref_slice %arg2[%dma_start3A_474, %dma_start3A_475] : memref<10000x128xf32, #tpu.memory_space<hbm>> -> memref<10000x128xf32, #tpu.memory_space<hbm>>
        tpu.enqueue_indirect_dma source(%dma_start3A_476 : memref<10000x128xf32, #tpu.memory_space<hbm>>) target(%arg8 : memref<128x128xf32, #tpu.memory_space<vmem>>) offsets(%dma_start3A_473 : memref<128xi32, #tpu.memory_space<vmem>>) semaphore(%arg18 : memref<!tpu.dma_semaphore, #tpu.memory_space<semaphore_mem>>)
      } else {
      }
      %mul3A_406 = arith.constant 6 : i32
      %mul3A_407 = arith.muli %scan3A_226, %mul3A_406 : i32
      %add3A_408 = arith.constant 5 : i32
      %add3A_409 = arith.addi %mul3A_407, %add3A_408 : i32
      %dma_wait3A_410 = arith.constant 0 : i32
      %dma_wait3A_411 = arith.constant 0 : i32
      %dma_wait3A_412 = tpu.memref_slice %arg2[%dma_wait3A_410, %dma_wait3A_411] : memref<10000x128xf32, #tpu.memory_space<hbm>> -> memref<128x128xf32, #tpu.memory_space<hbm>>
      %dma_wait3A_413 = arith.constant 0 : i32
      %dma_wait3A_414 = arith.constant 0 : i32
      %dma_wait3A_415 = tpu.memref_slice %arg2[%dma_wait3A_413, %dma_wait3A_414] : memref<10000x128xf32, #tpu.memory_space<hbm>> -> memref<128x128xf32, #tpu.memory_space<hbm>>
      tpu.wait_dma2 semaphore(%arg20 : memref<!tpu.dma_semaphore, #tpu.memory_space<semaphore_mem>>) src(%dma_wait3A_415 : memref<128x128xf32, #tpu.memory_space<hbm>>) dst(%arg10 : memref<128x128xf32, #tpu.memory_space<vmem>>)
      %gt3A_416 = arith.constant 0 : i32
      %gt3A_417 = arith.cmpi sgt, %add3A_409, %gt3A_416 : i32
      %convert_element_type3A_418 = arith.extui %gt3A_417 : i1 to i32
      %cond3A_419 = arith.constant 0 : i32
      %cond3A_420 = arith.cmpi ne, %convert_element_type3A_418, %cond3A_419 : i32
      scf.if %cond3A_420 {
        %dma_wait3A_442 = arith.constant 0 : i32
        %dma_wait3A_443 = arith.constant 0 : i32
        %dma_wait3A_444 = tpu.memref_slice %arg11[%dma_wait3A_442, %dma_wait3A_443] : memref<10000x128xf32, #tpu.memory_space<vmem_shared>> -> memref<128x128xf32, #tpu.memory_space<vmem_shared>>
        %dma_wait3A_445 = arith.constant 0 : i32
        %dma_wait3A_446 = arith.constant 0 : i32
        %dma_wait3A_447 = tpu.memref_slice %arg11[%dma_wait3A_445, %dma_wait3A_446] : memref<10000x128xf32, #tpu.memory_space<vmem_shared>> -> memref<128x128xf32, #tpu.memory_space<vmem_shared>>
        tpu.wait_dma2 semaphore(%arg22 : memref<!tpu.dma_semaphore, #tpu.memory_space<semaphore_mem>>) src(%arg9 : memref<128x128xf32, #tpu.memory_space<vmem>>) dst(%dma_wait3A_447 : memref<128x128xf32, #tpu.memory_space<vmem_shared>>)
      } else {
      }
      %dma_start3A_421 = arith.constant 5 : i32
      %dma_start3A_422 = arith.constant 0 : i32
      %dma_start3A_423 = tpu.memref_slice %arg7[%dma_start3A_421, %dma_start3A_422] : memref<6x128xi32, #tpu.memory_space<vmem>> -> memref<1x128xi32, #tpu.memory_space<vmem>>
      %dma_start3A_424 = tpu.memref_squeeze %dma_start3A_423 : memref<1x128xi32, #tpu.memory_space<vmem>> -> memref<128xi32, #tpu.memory_space<vmem>>
      %dma_start3A_425 = arith.constant 0 : i32
      %dma_start3A_426 = arith.constant 0 : i32
      %dma_start3A_427 = tpu.memref_slice %arg11[%dma_start3A_425, %dma_start3A_426] : memref<10000x128xf32, #tpu.memory_space<vmem_shared>> -> memref<10000x128xf32, #tpu.memory_space<vmem_shared>>
      tpu.enqueue_indirect_dma source(%arg10 : memref<128x128xf32, #tpu.memory_space<vmem>>) target(%dma_start3A_427 : memref<10000x128xf32, #tpu.memory_space<vmem_shared>>) offsets(%dma_start3A_424 : memref<128xi32, #tpu.memory_space<vmem>>) semaphore(%arg23 : memref<!tpu.dma_semaphore, #tpu.memory_space<semaphore_mem>>) {add = true}
      %add3A_428 = arith.constant 4 : i32
      %add3A_429 = arith.addi %add3A_409, %add3A_428 : i32
      %lt3A_430 = arith.constant 78 : i32
      %lt3A_431 = arith.cmpi slt, %add3A_429, %lt3A_430 : i32
      %convert_element_type3A_432 = arith.extui %lt3A_431 : i1 to i32
      %cond3A_433 = arith.constant 0 : i32
      %cond3A_434 = arith.cmpi ne, %convert_element_type3A_432, %cond3A_433 : i32
      scf.if %cond3A_434 {
        %add3A_442 = arith.addi %mul3A_2, %add3A_409 : i32
        %add3A_443 = arith.constant 4 : i32
        %add3A_444 = arith.addi %add3A_442, %add3A_443 : i32
        %mul3A_445 = arith.constant 128 : i32
        %mul3A_446 = arith.muli %add3A_444, %mul3A_445 : i32
        %dma_start3A_447 = arith.constant 0 : i32
        %dma_start3A_448 = arith.constant 3 : i32
        %dma_start3A_449 = arith.constant 0 : i32
        %dma_start3A_450 = tpu.memref_slice %arg6[%dma_start3A_448, %dma_start3A_449] : memref<6x128xi32, #tpu.memory_space<vmem>> -> memref<1x128xi32, #tpu.memory_space<vmem>>
        %dma_start3A_451 = tpu.memref_squeeze %dma_start3A_450 : memref<1x128xi32, #tpu.memory_space<vmem>> -> memref<128xi32, #tpu.memory_space<vmem>>
        %dma_start3A_452 = tpu.memref_slice %arg3[%dma_start3A_447, %mul3A_446] : memref<2x320000xi32, #tpu.memory_space<hbm>> -> memref<1x128xi32, #tpu.memory_space<hbm>>
        %dma_start3A_453 = tpu.memref_squeeze %dma_start3A_452 : memref<1x128xi32, #tpu.memory_space<hbm>> -> memref<128xi32, #tpu.memory_space<hbm>>
        %dma_start3A_454 = arith.constant 0 : i32
        %dma_start3A_455 = tpu.memref_slice %arg6[%dma_start3A_448, %dma_start3A_454] : memref<6x128xi32, #tpu.memory_space<vmem>> -> memref<1x128xi32, #tpu.memory_space<vmem>>
        %dma_start3A_456 = tpu.memref_squeeze %dma_start3A_455 : memref<1x128xi32, #tpu.memory_space<vmem>> -> memref<128xi32, #tpu.memory_space<vmem>>
        %dma_start3A_457 = tpu.memref_slice %arg3[%dma_start3A_447, %mul3A_446] : memref<2x320000xi32, #tpu.memory_space<hbm>> -> memref<1x128xi32, #tpu.memory_space<hbm>>
        %dma_start3A_458 = tpu.memref_squeeze %dma_start3A_457 : memref<1x128xi32, #tpu.memory_space<hbm>> -> memref<128xi32, #tpu.memory_space<hbm>>
        tpu.enqueue_dma source(%dma_start3A_458 : memref<128xi32, #tpu.memory_space<hbm>>) target(%dma_start3A_456 : memref<128xi32, #tpu.memory_space<vmem>>) target_semaphore(%arg15 : memref<!tpu.dma_semaphore, #tpu.memory_space<semaphore_mem>>)
        %mul3A_459 = arith.constant 128 : i32
        %mul3A_460 = arith.muli %add3A_444, %mul3A_459 : i32
        %dma_start3A_461 = arith.constant 1 : i32
        %dma_start3A_462 = arith.constant 3 : i32
        %dma_start3A_463 = arith.constant 0 : i32
        %dma_start3A_464 = tpu.memref_slice %arg7[%dma_start3A_462, %dma_start3A_463] : memref<6x128xi32, #tpu.memory_space<vmem>> -> memref<1x128xi32, #tpu.memory_space<vmem>>
        %dma_start3A_465 = tpu.memref_squeeze %dma_start3A_464 : memref<1x128xi32, #tpu.memory_space<vmem>> -> memref<128xi32, #tpu.memory_space<vmem>>
        %dma_start3A_466 = tpu.memref_slice %arg3[%dma_start3A_461, %mul3A_460] : memref<2x320000xi32, #tpu.memory_space<hbm>> -> memref<1x128xi32, #tpu.memory_space<hbm>>
        %dma_start3A_467 = tpu.memref_squeeze %dma_start3A_466 : memref<1x128xi32, #tpu.memory_space<hbm>> -> memref<128xi32, #tpu.memory_space<hbm>>
        %dma_start3A_468 = arith.constant 0 : i32
        %dma_start3A_469 = tpu.memref_slice %arg7[%dma_start3A_462, %dma_start3A_468] : memref<6x128xi32, #tpu.memory_space<vmem>> -> memref<1x128xi32, #tpu.memory_space<vmem>>
        %dma_start3A_470 = tpu.memref_squeeze %dma_start3A_469 : memref<1x128xi32, #tpu.memory_space<vmem>> -> memref<128xi32, #tpu.memory_space<vmem>>
        %dma_start3A_471 = tpu.memref_slice %arg3[%dma_start3A_461, %mul3A_460] : memref<2x320000xi32, #tpu.memory_space<hbm>> -> memref<1x128xi32, #tpu.memory_space<hbm>>
        %dma_start3A_472 = tpu.memref_squeeze %dma_start3A_471 : memref<1x128xi32, #tpu.memory_space<hbm>> -> memref<128xi32, #tpu.memory_space<hbm>>
        tpu.enqueue_dma source(%dma_start3A_472 : memref<128xi32, #tpu.memory_space<hbm>>) target(%dma_start3A_470 : memref<128xi32, #tpu.memory_space<vmem>>) target_semaphore(%arg15 : memref<!tpu.dma_semaphore, #tpu.memory_space<semaphore_mem>>)
      } else {
      }
      %add3A_435 = arith.constant 2 : i32
      %add3A_436 = arith.addi %add3A_409, %add3A_435 : i32
      %lt3A_437 = arith.constant 78 : i32
      %lt3A_438 = arith.cmpi slt, %add3A_436, %lt3A_437 : i32
      %convert_element_type3A_439 = arith.extui %lt3A_438 : i1 to i32
      %cond3A_440 = arith.constant 0 : i32
      %cond3A_441 = arith.cmpi ne, %convert_element_type3A_439, %cond3A_440 : i32
      scf.if %cond3A_441 {
        %dma_wait3A_442 = arith.constant 0 : i32
        %dma_wait3A_443 = arith.constant 1 : i32
        %dma_wait3A_444 = arith.constant 0 : i32
        %dma_wait3A_445 = tpu.memref_slice %arg6[%dma_wait3A_443, %dma_wait3A_444] : memref<6x128xi32, #tpu.memory_space<vmem>> -> memref<1x128xi32, #tpu.memory_space<vmem>>
        %dma_wait3A_446 = tpu.memref_squeeze %dma_wait3A_445 : memref<1x128xi32, #tpu.memory_space<vmem>> -> memref<128xi32, #tpu.memory_space<vmem>>
        %dma_wait3A_447 = arith.constant 0 : i32
        %dma_wait3A_448 = tpu.memref_slice %arg3[%dma_wait3A_442, %dma_wait3A_447] : memref<2x320000xi32, #tpu.memory_space<hbm>> -> memref<1x128xi32, #tpu.memory_space<hbm>>
        %dma_wait3A_449 = tpu.memref_squeeze %dma_wait3A_448 : memref<1x128xi32, #tpu.memory_space<hbm>> -> memref<128xi32, #tpu.memory_space<hbm>>
        %dma_wait3A_450 = arith.constant 0 : i32
        %dma_wait3A_451 = tpu.memref_slice %arg6[%dma_wait3A_443, %dma_wait3A_450] : memref<6x128xi32, #tpu.memory_space<vmem>> -> memref<1x128xi32, #tpu.memory_space<vmem>>
        %dma_wait3A_452 = tpu.memref_squeeze %dma_wait3A_451 : memref<1x128xi32, #tpu.memory_space<vmem>> -> memref<128xi32, #tpu.memory_space<vmem>>
        %dma_wait3A_453 = arith.constant 0 : i32
        %dma_wait3A_454 = tpu.memref_slice %arg3[%dma_wait3A_442, %dma_wait3A_453] : memref<2x320000xi32, #tpu.memory_space<hbm>> -> memref<1x128xi32, #tpu.memory_space<hbm>>
        %dma_wait3A_455 = tpu.memref_squeeze %dma_wait3A_454 : memref<1x128xi32, #tpu.memory_space<hbm>> -> memref<128xi32, #tpu.memory_space<hbm>>
        tpu.wait_dma2 semaphore(%arg13 : memref<!tpu.dma_semaphore, #tpu.memory_space<semaphore_mem>>) src(%dma_wait3A_455 : memref<128xi32, #tpu.memory_space<hbm>>) dst(%dma_wait3A_452 : memref<128xi32, #tpu.memory_space<vmem>>)
        %dma_wait3A_456 = arith.constant 1 : i32
        %dma_wait3A_457 = arith.constant 1 : i32
        %dma_wait3A_458 = arith.constant 0 : i32
        %dma_wait3A_459 = tpu.memref_slice %arg7[%dma_wait3A_457, %dma_wait3A_458] : memref<6x128xi32, #tpu.memory_space<vmem>> -> memref<1x128xi32, #tpu.memory_space<vmem>>
        %dma_wait3A_460 = tpu.memref_squeeze %dma_wait3A_459 : memref<1x128xi32, #tpu.memory_space<vmem>> -> memref<128xi32, #tpu.memory_space<vmem>>
        %dma_wait3A_461 = arith.constant 0 : i32
        %dma_wait3A_462 = tpu.memref_slice %arg3[%dma_wait3A_456, %dma_wait3A_461] : memref<2x320000xi32, #tpu.memory_space<hbm>> -> memref<1x128xi32, #tpu.memory_space<hbm>>
        %dma_wait3A_463 = tpu.memref_squeeze %dma_wait3A_462 : memref<1x128xi32, #tpu.memory_space<hbm>> -> memref<128xi32, #tpu.memory_space<hbm>>
        %dma_wait3A_464 = arith.constant 0 : i32
        %dma_wait3A_465 = tpu.memref_slice %arg7[%dma_wait3A_457, %dma_wait3A_464] : memref<6x128xi32, #tpu.memory_space<vmem>> -> memref<1x128xi32, #tpu.memory_space<vmem>>
        %dma_wait3A_466 = tpu.memref_squeeze %dma_wait3A_465 : memref<1x128xi32, #tpu.memory_space<vmem>> -> memref<128xi32, #tpu.memory_space<vmem>>
        %dma_wait3A_467 = arith.constant 0 : i32
        %dma_wait3A_468 = tpu.memref_slice %arg3[%dma_wait3A_456, %dma_wait3A_467] : memref<2x320000xi32, #tpu.memory_space<hbm>> -> memref<1x128xi32, #tpu.memory_space<hbm>>
        %dma_wait3A_469 = tpu.memref_squeeze %dma_wait3A_468 : memref<1x128xi32, #tpu.memory_space<hbm>> -> memref<128xi32, #tpu.memory_space<hbm>>
        tpu.wait_dma2 semaphore(%arg13 : memref<!tpu.dma_semaphore, #tpu.memory_space<semaphore_mem>>) src(%dma_wait3A_469 : memref<128xi32, #tpu.memory_space<hbm>>) dst(%dma_wait3A_466 : memref<128xi32, #tpu.memory_space<vmem>>)
        %dma_start3A_470 = arith.constant 1 : i32
        %dma_start3A_471 = arith.constant 0 : i32
        %dma_start3A_472 = tpu.memref_slice %arg6[%dma_start3A_470, %dma_start3A_471] : memref<6x128xi32, #tpu.memory_space<vmem>> -> memref<1x128xi32, #tpu.memory_space<vmem>>
        %dma_start3A_473 = tpu.memref_squeeze %dma_start3A_472 : memref<1x128xi32, #tpu.memory_space<vmem>> -> memref<128xi32, #tpu.memory_space<vmem>>
        %dma_start3A_474 = arith.constant 0 : i32
        %dma_start3A_475 = arith.constant 0 : i32
        %dma_start3A_476 = tpu.memref_slice %arg2[%dma_start3A_474, %dma_start3A_475] : memref<10000x128xf32, #tpu.memory_space<hbm>> -> memref<10000x128xf32, #tpu.memory_space<hbm>>
        tpu.enqueue_indirect_dma source(%dma_start3A_476 : memref<10000x128xf32, #tpu.memory_space<hbm>>) target(%arg9 : memref<128x128xf32, #tpu.memory_space<vmem>>) offsets(%dma_start3A_473 : memref<128xi32, #tpu.memory_space<vmem>>) semaphore(%arg19 : memref<!tpu.dma_semaphore, #tpu.memory_space<semaphore_mem>>)
      } else {
      }
    }
    %scan3A_203 = arith.constant 13 : i32
    %dma_wait3A_204 = arith.constant 0 : i32
    %dma_wait3A_205 = arith.constant 0 : i32
    %dma_wait3A_206 = tpu.memref_slice %arg11[%dma_wait3A_204, %dma_wait3A_205] : memref<10000x128xf32, #tpu.memory_space<vmem_shared>> -> memref<128x128xf32, #tpu.memory_space<vmem_shared>>
    %dma_wait3A_207 = arith.constant 0 : i32
    %dma_wait3A_208 = arith.constant 0 : i32
    %dma_wait3A_209 = tpu.memref_slice %arg11[%dma_wait3A_207, %dma_wait3A_208] : memref<10000x128xf32, #tpu.memory_space<vmem_shared>> -> memref<128x128xf32, #tpu.memory_space<vmem_shared>>
    tpu.wait_dma2 semaphore(%arg23 : memref<!tpu.dma_semaphore, #tpu.memory_space<semaphore_mem>>) src(%arg10 : memref<128x128xf32, #tpu.memory_space<vmem>>) dst(%dma_wait3A_209 : memref<128x128xf32, #tpu.memory_space<vmem_shared>>)
    %lt3A_210 = arith.constant 4 : i32
    %lt3A_211 = arith.cmpi slt, %add3A, %lt3A_210 : i32
    %convert_element_type3A_212 = arith.extui %lt3A_211 : i1 to i32
    %cond3A_213 = arith.constant 0 : i32
    %cond3A_214 = arith.cmpi ne, %convert_element_type3A_212, %cond3A_213 : i32
    scf.if %cond3A_214 {
      %add3A_226 = arith.constant 2496 : i32
      %add3A_227 = arith.addi %add3A_226, %add3A : i32
      %mul3A_228 = arith.constant 128 : i32
      %mul3A_229 = arith.muli %add3A_227, %mul3A_228 : i32
      %dma_start3A_230 = arith.constant 0 : i32
      %dma_start3A_231 = arith.constant 0 : i32
      %dma_start3A_232 = arith.constant 0 : i32
      %dma_start3A_233 = tpu.memref_slice %arg6[%dma_start3A_231, %dma_start3A_232] : memref<6x128xi32, #tpu.memory_space<vmem>> -> memref<1x128xi32, #tpu.memory_space<vmem>>
      %dma_start3A_234 = tpu.memref_squeeze %dma_start3A_233 : memref<1x128xi32, #tpu.memory_space<vmem>> -> memref<128xi32, #tpu.memory_space<vmem>>
      %dma_start3A_235 = tpu.memref_slice %arg3[%dma_start3A_230, %mul3A_229] : memref<2x320000xi32, #tpu.memory_space<hbm>> -> memref<1x128xi32, #tpu.memory_space<hbm>>
      %dma_start3A_236 = tpu.memref_squeeze %dma_start3A_235 : memref<1x128xi32, #tpu.memory_space<hbm>> -> memref<128xi32, #tpu.memory_space<hbm>>
      %dma_start3A_237 = arith.constant 0 : i32
      %dma_start3A_238 = tpu.memref_slice %arg6[%dma_start3A_231, %dma_start3A_237] : memref<6x128xi32, #tpu.memory_space<vmem>> -> memref<1x128xi32, #tpu.memory_space<vmem>>
      %dma_start3A_239 = tpu.memref_squeeze %dma_start3A_238 : memref<1x128xi32, #tpu.memory_space<vmem>> -> memref<128xi32, #tpu.memory_space<vmem>>
      %dma_start3A_240 = tpu.memref_slice %arg3[%dma_start3A_230, %mul3A_229] : memref<2x320000xi32, #tpu.memory_space<hbm>> -> memref<1x128xi32, #tpu.memory_space<hbm>>
      %dma_start3A_241 = tpu.memref_squeeze %dma_start3A_240 : memref<1x128xi32, #tpu.memory_space<hbm>> -> memref<128xi32, #tpu.memory_space<hbm>>
      tpu.enqueue_dma source(%dma_start3A_241 : memref<128xi32, #tpu.memory_space<hbm>>) target(%dma_start3A_239 : memref<128xi32, #tpu.memory_space<vmem>>) target_semaphore(%arg12 : memref<!tpu.dma_semaphore, #tpu.memory_space<semaphore_mem>>)
      %mul3A_242 = arith.constant 128 : i32
      %mul3A_243 = arith.muli %add3A_227, %mul3A_242 : i32
      %dma_start3A_244 = arith.constant 1 : i32
      %dma_start3A_245 = arith.constant 0 : i32
      %dma_start3A_246 = arith.constant 0 : i32
      %dma_start3A_247 = tpu.memref_slice %arg7[%dma_start3A_245, %dma_start3A_246] : memref<6x128xi32, #tpu.memory_space<vmem>> -> memref<1x128xi32, #tpu.memory_space<vmem>>
      %dma_start3A_248 = tpu.memref_squeeze %dma_start3A_247 : memref<1x128xi32, #tpu.memory_space<vmem>> -> memref<128xi32, #tpu.memory_space<vmem>>
      %dma_start3A_249 = tpu.memref_slice %arg3[%dma_start3A_244, %mul3A_243] : memref<2x320000xi32, #tpu.memory_space<hbm>> -> memref<1x128xi32, #tpu.memory_space<hbm>>
      %dma_start3A_250 = tpu.memref_squeeze %dma_start3A_249 : memref<1x128xi32, #tpu.memory_space<hbm>> -> memref<128xi32, #tpu.memory_space<hbm>>
      %dma_start3A_251 = arith.constant 0 : i32
      %dma_start3A_252 = tpu.memref_slice %arg7[%dma_start3A_245, %dma_start3A_251] : memref<6x128xi32, #tpu.memory_space<vmem>> -> memref<1x128xi32, #tpu.memory_space<vmem>>
      %dma_start3A_253 = tpu.memref_squeeze %dma_start3A_252 : memref<1x128xi32, #tpu.memory_space<vmem>> -> memref<128xi32, #tpu.memory_space<vmem>>
      %dma_start3A_254 = tpu.memref_slice %arg3[%dma_start3A_244, %mul3A_243] : memref<2x320000xi32, #tpu.memory_space<hbm>> -> memref<1x128xi32, #tpu.memory_space<hbm>>
      %dma_start3A_255 = tpu.memref_squeeze %dma_start3A_254 : memref<1x128xi32, #tpu.memory_space<hbm>> -> memref<128xi32, #tpu.memory_space<hbm>>
      tpu.enqueue_dma source(%dma_start3A_255 : memref<128xi32, #tpu.memory_space<hbm>>) target(%dma_start3A_253 : memref<128xi32, #tpu.memory_space<vmem>>) target_semaphore(%arg12 : memref<!tpu.dma_semaphore, #tpu.memory_space<semaphore_mem>>)
      %dma_wait3A_256 = arith.constant 0 : i32
      %dma_wait3A_257 = arith.constant 0 : i32
      %dma_wait3A_258 = arith.constant 0 : i32
      %dma_wait3A_259 = tpu.memref_slice %arg6[%dma_wait3A_257, %dma_wait3A_258] : memref<6x128xi32, #tpu.memory_space<vmem>> -> memref<1x128xi32, #tpu.memory_space<vmem>>
      %dma_wait3A_260 = tpu.memref_squeeze %dma_wait3A_259 : memref<1x128xi32, #tpu.memory_space<vmem>> -> memref<128xi32, #tpu.memory_space<vmem>>
      %dma_wait3A_261 = arith.constant 0 : i32
      %dma_wait3A_262 = tpu.memref_slice %arg3[%dma_wait3A_256, %dma_wait3A_261] : memref<2x320000xi32, #tpu.memory_space<hbm>> -> memref<1x128xi32, #tpu.memory_space<hbm>>
      %dma_wait3A_263 = tpu.memref_squeeze %dma_wait3A_262 : memref<1x128xi32, #tpu.memory_space<hbm>> -> memref<128xi32, #tpu.memory_space<hbm>>
      %dma_wait3A_264 = arith.constant 0 : i32
      %dma_wait3A_265 = tpu.memref_slice %arg6[%dma_wait3A_257, %dma_wait3A_264] : memref<6x128xi32, #tpu.memory_space<vmem>> -> memref<1x128xi32, #tpu.memory_space<vmem>>
      %dma_wait3A_266 = tpu.memref_squeeze %dma_wait3A_265 : memref<1x128xi32, #tpu.memory_space<vmem>> -> memref<128xi32, #tpu.memory_space<vmem>>
      %dma_wait3A_267 = arith.constant 0 : i32
      %dma_wait3A_268 = tpu.memref_slice %arg3[%dma_wait3A_256, %dma_wait3A_267] : memref<2x320000xi32, #tpu.memory_space<hbm>> -> memref<1x128xi32, #tpu.memory_space<hbm>>
      %dma_wait3A_269 = tpu.memref_squeeze %dma_wait3A_268 : memref<1x128xi32, #tpu.memory_space<hbm>> -> memref<128xi32, #tpu.memory_space<hbm>>
      tpu.wait_dma2 semaphore(%arg12 : memref<!tpu.dma_semaphore, #tpu.memory_space<semaphore_mem>>) src(%dma_wait3A_269 : memref<128xi32, #tpu.memory_space<hbm>>) dst(%dma_wait3A_266 : memref<128xi32, #tpu.memory_space<vmem>>)
      %dma_wait3A_270 = arith.constant 1 : i32
      %dma_wait3A_271 = arith.constant 0 : i32
      %dma_wait3A_272 = arith.constant 0 : i32
      %dma_wait3A_273 = tpu.memref_slice %arg7[%dma_wait3A_271, %dma_wait3A_272] : memref<6x128xi32, #tpu.memory_space<vmem>> -> memref<1x128xi32, #tpu.memory_space<vmem>>
      %dma_wait3A_274 = tpu.memref_squeeze %dma_wait3A_273 : memref<1x128xi32, #tpu.memory_space<vmem>> -> memref<128xi32, #tpu.memory_space<vmem>>
      %dma_wait3A_275 = arith.constant 0 : i32
      %dma_wait3A_276 = tpu.memref_slice %arg3[%dma_wait3A_270, %dma_wait3A_275] : memref<2x320000xi32, #tpu.memory_space<hbm>> -> memref<1x128xi32, #tpu.memory_space<hbm>>
      %dma_wait3A_277 = tpu.memref_squeeze %dma_wait3A_276 : memref<1x128xi32, #tpu.memory_space<hbm>> -> memref<128xi32, #tpu.memory_space<hbm>>
      %dma_wait3A_278 = arith.constant 0 : i32
      %dma_wait3A_279 = tpu.memref_slice %arg7[%dma_wait3A_271, %dma_wait3A_278] : memref<6x128xi32, #tpu.memory_space<vmem>> -> memref<1x128xi32, #tpu.memory_space<vmem>>
      %dma_wait3A_280 = tpu.memref_squeeze %dma_wait3A_279 : memref<1x128xi32, #tpu.memory_space<vmem>> -> memref<128xi32, #tpu.memory_space<vmem>>
      %dma_wait3A_281 = arith.constant 0 : i32
      %dma_wait3A_282 = tpu.memref_slice %arg3[%dma_wait3A_270, %dma_wait3A_281] : memref<2x320000xi32, #tpu.memory_space<hbm>> -> memref<1x128xi32, #tpu.memory_space<hbm>>
      %dma_wait3A_283 = tpu.memref_squeeze %dma_wait3A_282 : memref<1x128xi32, #tpu.memory_space<hbm>> -> memref<128xi32, #tpu.memory_space<hbm>>
      tpu.wait_dma2 semaphore(%arg12 : memref<!tpu.dma_semaphore, #tpu.memory_space<semaphore_mem>>) src(%dma_wait3A_283 : memref<128xi32, #tpu.memory_space<hbm>>) dst(%dma_wait3A_280 : memref<128xi32, #tpu.memory_space<vmem>>)
      %dma_start3A_284 = arith.constant 0 : i32
      %dma_start3A_285 = arith.constant 0 : i32
      %dma_start3A_286 = tpu.memref_slice %arg6[%dma_start3A_284, %dma_start3A_285] : memref<6x128xi32, #tpu.memory_space<vmem>> -> memref<1x128xi32, #tpu.memory_space<vmem>>
      %dma_start3A_287 = tpu.memref_squeeze %dma_start3A_286 : memref<1x128xi32, #tpu.memory_space<vmem>> -> memref<128xi32, #tpu.memory_space<vmem>>
      %dma_start3A_288 = arith.constant 0 : i32
      %dma_start3A_289 = arith.constant 0 : i32
      %dma_start3A_290 = tpu.memref_slice %arg2[%dma_start3A_288, %dma_start3A_289] : memref<10000x128xf32, #tpu.memory_space<hbm>> -> memref<10000x128xf32, #tpu.memory_space<hbm>>
      tpu.enqueue_indirect_dma source(%dma_start3A_290 : memref<10000x128xf32, #tpu.memory_space<hbm>>) target(%arg8 : memref<128x128xf32, #tpu.memory_space<vmem>>) offsets(%dma_start3A_287 : memref<128xi32, #tpu.memory_space<vmem>>) semaphore(%arg18 : memref<!tpu.dma_semaphore, #tpu.memory_space<semaphore_mem>>)
      %dma_wait3A_291 = arith.constant 0 : i32
      %dma_wait3A_292 = arith.constant 0 : i32
      %dma_wait3A_293 = tpu.memref_slice %arg2[%dma_wait3A_291, %dma_wait3A_292] : memref<10000x128xf32, #tpu.memory_space<hbm>> -> memref<128x128xf32, #tpu.memory_space<hbm>>
      %dma_wait3A_294 = arith.constant 0 : i32
      %dma_wait3A_295 = arith.constant 0 : i32
      %dma_wait3A_296 = tpu.memref_slice %arg2[%dma_wait3A_294, %dma_wait3A_295] : memref<10000x128xf32, #tpu.memory_space<hbm>> -> memref<128x128xf32, #tpu.memory_space<hbm>>
      tpu.wait_dma2 semaphore(%arg18 : memref<!tpu.dma_semaphore, #tpu.memory_space<semaphore_mem>>) src(%dma_wait3A_296 : memref<128x128xf32, #tpu.memory_space<hbm>>) dst(%arg8 : memref<128x128xf32, #tpu.memory_space<vmem>>)
      %dma_start3A_297 = arith.constant 0 : i32
      %dma_start3A_298 = arith.constant 0 : i32
      %dma_start3A_299 = tpu.memref_slice %arg7[%dma_start3A_297, %dma_start3A_298] : memref<6x128xi32, #tpu.memory_space<vmem>> -> memref<1x128xi32, #tpu.memory_space<vmem>>
      %dma_start3A_300 = tpu.memref_squeeze %dma_start3A_299 : memref<1x128xi32, #tpu.memory_space<vmem>> -> memref<128xi32, #tpu.memory_space<vmem>>
      %dma_start3A_301 = arith.constant 0 : i32
      %dma_start3A_302 = arith.constant 0 : i32
      %dma_start3A_303 = tpu.memref_slice %arg11[%dma_start3A_301, %dma_start3A_302] : memref<10000x128xf32, #tpu.memory_space<vmem_shared>> -> memref<10000x128xf32, #tpu.memory_space<vmem_shared>>
      tpu.enqueue_indirect_dma source(%arg8 : memref<128x128xf32, #tpu.memory_space<vmem>>) target(%dma_start3A_303 : memref<10000x128xf32, #tpu.memory_space<vmem_shared>>) offsets(%dma_start3A_300 : memref<128xi32, #tpu.memory_space<vmem>>) semaphore(%arg21 : memref<!tpu.dma_semaphore, #tpu.memory_space<semaphore_mem>>) {add = true}
      %dma_wait3A_304 = arith.constant 0 : i32
      %dma_wait3A_305 = arith.constant 0 : i32
      %dma_wait3A_306 = tpu.memref_slice %arg11[%dma_wait3A_304, %dma_wait3A_305] : memref<10000x128xf32, #tpu.memory_space<vmem_shared>> -> memref<128x128xf32, #tpu.memory_space<vmem_shared>>
      %dma_wait3A_307 = arith.constant 0 : i32
      %dma_wait3A_308 = arith.constant 0 : i32
      %dma_wait3A_309 = tpu.memref_slice %arg11[%dma_wait3A_307, %dma_wait3A_308] : memref<10000x128xf32, #tpu.memory_space<vmem_shared>> -> memref<128x128xf32, #tpu.memory_space<vmem_shared>>
      tpu.wait_dma2 semaphore(%arg21 : memref<!tpu.dma_semaphore, #tpu.memory_space<semaphore_mem>>) src(%arg8 : memref<128x128xf32, #tpu.memory_space<vmem>>) dst(%dma_wait3A_309 : memref<128x128xf32, #tpu.memory_space<vmem_shared>>)
    } else {
    }
    %barrier3A_215 = arith.constant 0 : index
    tpu.barrier barrier_id(%barrier3A_215)
    %lt3A_216 = arith.constant 15 : i32
    %lt3A_217 = arith.cmpi slt, %arg1, %lt3A_216 : i32
    %convert_element_type3A_218 = arith.extui %lt3A_217 : i1 to i32
    %cond3A_219 = arith.constant 0 : i32
    %cond3A_220 = arith.cmpi ne, %convert_element_type3A_218, %cond3A_219 : i32
    scf.if %cond3A_220 {
      "tpu.region"() ({
        %run_scoped3A = tpu.sem_alloc : memref<!tpu.dma_semaphore, #tpu.memory_space<semaphore_mem>>
        %dma_start3A_226 = arith.constant 0 : i32
        %dma_start3A_227 = tpu.memref_slice %arg5[%arg0, %mul3A_4, %dma_start3A_226] : memref<2x10000x128xf32, #tpu.memory_space<hbm>> -> memref<1x624x128xf32, #tpu.memory_space<hbm>>
        %dma_start3A_228 = tpu.memref_squeeze %dma_start3A_227 : memref<1x624x128xf32, #tpu.memory_space<hbm>> -> memref<624x128xf32, #tpu.memory_space<hbm>>
        %dma_start3A_229 = arith.constant 0 : i32
        %dma_start3A_230 = tpu.memref_slice %arg11[%mul3A_4, %dma_start3A_229] : memref<10000x128xf32, #tpu.memory_space<vmem_shared>> -> memref<624x128xf32, #tpu.memory_space<vmem_shared>>
        tpu.enqueue_dma source(%dma_start3A_230 : memref<624x128xf32, #tpu.memory_space<vmem_shared>>) target(%dma_start3A_228 : memref<624x128xf32, #tpu.memory_space<hbm>>) target_semaphore(%run_scoped3A : memref<!tpu.dma_semaphore, #tpu.memory_space<semaphore_mem>>)
        %dma_wait3A_231 = arith.constant 0 : i32
        %dma_wait3A_232 = tpu.memref_slice %arg5[%arg0, %mul3A_4, %dma_wait3A_231] : memref<2x10000x128xf32, #tpu.memory_space<hbm>> -> memref<1x624x128xf32, #tpu.memory_space<hbm>>
        %dma_wait3A_233 = tpu.memref_squeeze %dma_wait3A_232 : memref<1x624x128xf32, #tpu.memory_space<hbm>> -> memref<624x128xf32, #tpu.memory_space<hbm>>
        %dma_wait3A_234 = arith.constant 0 : i32
        %dma_wait3A_235 = tpu.memref_slice %arg11[%mul3A_4, %dma_wait3A_234] : memref<10000x128xf32, #tpu.memory_space<vmem_shared>> -> memref<624x128xf32, #tpu.memory_space<vmem_shared>>
        tpu.wait_dma2 semaphore(%run_scoped3A : memref<!tpu.dma_semaphore, #tpu.memory_space<semaphore_mem>>) src(%dma_wait3A_235 : memref<624x128xf32, #tpu.memory_space<vmem_shared>>) dst(%dma_wait3A_233 : memref<624x128xf32, #tpu.memory_space<hbm>>)
        tpu.yield
      }) : () -> ()
    } else {
    }
    %eq3A_221 = arith.constant 15 : i32
    %eq3A_222 = arith.cmpi eq, %arg1, %eq3A_221 : i32
    %convert_element_type3A_223 = arith.extui %eq3A_222 : i1 to i32
    %cond3A_224 = arith.constant 0 : i32
    %cond3A_225 = arith.cmpi ne, %convert_element_type3A_223, %cond3A_224 : i32
    scf.if %cond3A_225 {
      "tpu.region"() ({
        %run_scoped3A = tpu.sem_alloc : memref<!tpu.dma_semaphore, #tpu.memory_space<semaphore_mem>>
        %dma_start3A_226 = arith.constant 0 : i32
        %dma_start3A_227 = tpu.memref_slice %arg5[%arg0, %mul3A_4, %dma_start3A_226] : memref<2x10000x128xf32, #tpu.memory_space<hbm>> -> memref<1x640x128xf32, #tpu.memory_space<hbm>>
        %dma_start3A_228 = tpu.memref_squeeze %dma_start3A_227 : memref<1x640x128xf32, #tpu.memory_space<hbm>> -> memref<640x128xf32, #tpu.memory_space<hbm>>
        %dma_start3A_229 = arith.constant 0 : i32
        %dma_start3A_230 = tpu.memref_slice %arg11[%mul3A_4, %dma_start3A_229] : memref<10000x128xf32, #tpu.memory_space<vmem_shared>> -> memref<640x128xf32, #tpu.memory_space<vmem_shared>>
        tpu.enqueue_dma source(%dma_start3A_230 : memref<640x128xf32, #tpu.memory_space<vmem_shared>>) target(%dma_start3A_228 : memref<640x128xf32, #tpu.memory_space<hbm>>) target_semaphore(%run_scoped3A : memref<!tpu.dma_semaphore, #tpu.memory_space<semaphore_mem>>)
        %dma_wait3A_231 = arith.constant 0 : i32
        %dma_wait3A_232 = tpu.memref_slice %arg5[%arg0, %mul3A_4, %dma_wait3A_231] : memref<2x10000x128xf32, #tpu.memory_space<hbm>> -> memref<1x640x128xf32, #tpu.memory_space<hbm>>
        %dma_wait3A_233 = tpu.memref_squeeze %dma_wait3A_232 : memref<1x640x128xf32, #tpu.memory_space<hbm>> -> memref<640x128xf32, #tpu.memory_space<hbm>>
        %dma_wait3A_234 = arith.constant 0 : i32
        %dma_wait3A_235 = tpu.memref_slice %arg11[%mul3A_4, %dma_wait3A_234] : memref<10000x128xf32, #tpu.memory_space<vmem_shared>> -> memref<640x128xf32, #tpu.memory_space<vmem_shared>>
        tpu.wait_dma2 semaphore(%run_scoped3A : memref<!tpu.dma_semaphore, #tpu.memory_space<semaphore_mem>>) src(%dma_wait3A_235 : memref<640x128xf32, #tpu.memory_space<vmem_shared>>) dst(%dma_wait3A_233 : memref<640x128xf32, #tpu.memory_space<hbm>>)
        tpu.yield
      }) : () -> ()
    } else {
    }
    return
  }
}

#map = affine_map<(d0, d1) -> (0, 0)>
#map1 = affine_map<(d0, d1) -> (0, 0, 0)>
module attributes {stable_mosaic.version = 14 : i64} {
  func.func @body(%arg0: i32, %arg1: i32, %arg2: memref<10000x128xf32, #tpu.memory_space<hbm>>, %arg3: memref<2x320000xi32, #tpu.memory_space<hbm>>, %arg4: memref<10000x128xf32, #tpu.memory_space<hbm>>, %arg5: memref<2x10000x128xf32, #tpu.memory_space<hbm>>, %arg6: memref<6x128xi32, #tpu.memory_space<vmem>>, %arg7: memref<6x128xi32, #tpu.memory_space<vmem>>, %arg8: memref<128x128xf32, #tpu.memory_space<vmem>>, %arg9: memref<128x128xf32, #tpu.memory_space<vmem>>, %arg10: memref<128x128xf32, #tpu.memory_space<vmem>>, %arg11: memref<10000x128xf32, #tpu.memory_space<vmem_shared>>, %arg12: memref<!tpu.dma_semaphore, #tpu.memory_space<semaphore_mem>>, %arg13: memref<!tpu.dma_semaphore, #tpu.memory_space<semaphore_mem>>, %arg14: memref<!tpu.dma_semaphore, #tpu.memory_space<semaphore_mem>>, %arg15: memref<!tpu.dma_semaphore, #tpu.memory_space<semaphore_mem>>, %arg16: memref<!tpu.dma_semaphore, #tpu.memory_space<semaphore_mem>>, %arg17: memref<!tpu.dma_semaphore, #tpu.memory_space<semaphore_mem>>, %arg18: memref<!tpu.dma_semaphore, #tpu.memory_space<semaphore_mem>>, %arg19: memref<!tpu.dma_semaphore, #tpu.memory_space<semaphore_mem>>, %arg20: memref<!tpu.dma_semaphore, #tpu.memory_space<semaphore_mem>>, %arg21: memref<!tpu.dma_semaphore, #tpu.memory_space<semaphore_mem>>, %arg22: memref<!tpu.dma_semaphore, #tpu.memory_space<semaphore_mem>>, %arg23: memref<!tpu.dma_semaphore, #tpu.memory_space<semaphore_mem>>) attributes {dimension_semantics = [#tpu.dimension_semantics<core_parallel>, #tpu.dimension_semantics<subcore_parallel>], iteration_bounds = array<i64: 2, 16>, scalar_prefetch = 0 : i64, scratch_operands = 18 : i64, tpu.core_type = #tpu.core_type<sc_vector_subcore>, window_params = [{transform_indices = #map}, {transform_indices = #map}, {transform_indices = #map}, {transform_indices = #map1}]} {
    %mul3A = arith.constant 2 : i32
    %mul3A_0 = arith.muli %arg1, %mul3A : i32
    %add3A = arith.addi %mul3A_0, %arg0 : i32
    %mul3A_1 = arith.constant 78 : i32
    %mul3A_2 = arith.muli %add3A, %mul3A_1 : i32
    %mul3A_3 = arith.constant 624 : i32
    %mul3A_4 = arith.muli %arg1, %mul3A_3 : i32
    %add3A_5 = arith.constant 0 : i32
    %add3A_6 = arith.addi %mul3A_2, %add3A_5 : i32
    %mul3A_7 = arith.constant 128 : i32
    %mul3A_8 = arith.muli %add3A_6, %mul3A_7 : i32
    %dma_start3A = arith.constant 0 : i32
    %dma_start3A_9 = arith.constant 0 : i32
    %dma_start3A_10 = arith.constant 0 : i32
    %dma_start3A_11 = tpu.memref_slice %arg6[%dma_start3A_9, %dma_start3A_10] : memref<6x128xi32, #tpu.memory_space<vmem>> -> memref<1x128xi32, #tpu.memory_space<vmem>>
    %dma_start3A_12 = tpu.memref_squeeze %dma_start3A_11 : memref<1x128xi32, #tpu.memory_space<vmem>> -> memref<128xi32, #tpu.memory_space<vmem>>
    %dma_start3A_13 = tpu.memref_slice %arg3[%dma_start3A, %mul3A_8] : memref<2x320000xi32, #tpu.memory_space<hbm>> -> memref<1x128xi32, #tpu.memory_space<hbm>>
    %dma_start3A_14 = tpu.memref_squeeze %dma_start3A_13 : memref<1x128xi32, #tpu.memory_space<hbm>> -> memref<128xi32, #tpu.memory_space<hbm>>
    %dma_start3A_15 = arith.constant 0 : i32
    %dma_start3A_16 = tpu.memref_slice %arg6[%dma_start3A_9, %dma_start3A_15] : memref<6x128xi32, #tpu.memory_space<vmem>> -> memref<1x128xi32, #tpu.memory_space<vmem>>
    %dma_start3A_17 = tpu.memref_squeeze %dma_start3A_16 : memref<1x128xi32, #tpu.memory_space<vmem>> -> memref<128xi32, #tpu.memory_space<vmem>>
    %dma_start3A_18 = tpu.memref_slice %arg3[%dma_start3A, %mul3A_8] : memref<2x320000xi32, #tpu.memory_space<hbm>> -> memref<1x128xi32, #tpu.memory_space<hbm>>
    %dma_start3A_19 = tpu.memref_squeeze %dma_start3A_18 : memref<1x128xi32, #tpu.memory_space<hbm>> -> memref<128xi32, #tpu.memory_space<hbm>>
    tpu.enqueue_dma source(%dma_start3A_19 : memref<128xi32, #tpu.memory_space<hbm>>) target(%dma_start3A_17 : memref<128xi32, #tpu.memory_space<vmem>>) target_semaphore(%arg12 : memref<!tpu.dma_semaphore, #tpu.memory_space<semaphore_mem>>)
    %mul3A_20 = arith.constant 128 : i32
    %mul3A_21 = arith.muli %add3A_6, %mul3A_20 : i32
    %dma_start3A_22 = arith.constant 1 : i32
    %dma_start3A_23 = arith.constant 0 : i32
    %dma_start3A_24 = arith.constant 0 : i32
    %dma_start3A_25 = tpu.memref_slice %arg7[%dma_start3A_23, %dma_start3A_24] : memref<6x128xi32, #tpu.memory_space<vmem>> -> memref<1x128xi32, #tpu.memory_space<vmem>>
    %dma_start3A_26 = tpu.memref_squeeze %dma_start3A_25 : memref<1x128xi32, #tpu.memory_space<vmem>> -> memref<128xi32, #tpu.memory_space<vmem>>
    %dma_start3A_27 = tpu.memref_slice %arg3[%dma_start3A_22, %mul3A_21] : memref<2x320000xi32, #tpu.memory_space<hbm>> -> memref<1x128xi32, #tpu.memory_space<hbm>>
    %dma_start3A_28 = tpu.memref_squeeze %dma_start3A_27 : memref<1x128xi32, #tpu.memory_space<hbm>> -> memref<128xi32, #tpu.memory_space<hbm>>
    %dma_start3A_29 = arith.constant 0 : i32
    %dma_start3A_30 = tpu.memref_slice %arg7[%dma_start3A_23, %dma_start3A_29] : memref<6x128xi32, #tpu.memory_space<vmem>> -> memref<1x128xi32, #tpu.memory_space<vmem>>
    %dma_start3A_31 = tpu.memref_squeeze %dma_start3A_30 : memref<1x128xi32, #tpu.memory_space<vmem>> -> memref<128xi32, #tpu.memory_space<vmem>>
    %dma_start3A_32 = tpu.memref_slice %arg3[%dma_start3A_22, %mul3A_21] : memref<2x320000xi32, #tpu.memory_space<hbm>> -> memref<1x128xi32, #tpu.memory_space<hbm>>
    %dma_start3A_33 = tpu.memref_squeeze %dma_start3A_32 : memref<1x128xi32, #tpu.memory_space<hbm>> -> memref<128xi32, #tpu.memory_space<hbm>>
    tpu.enqueue_dma source(%dma_start3A_33 : memref<128xi32, #tpu.memory_space<hbm>>) target(%dma_start3A_31 : memref<128xi32, #tpu.memory_space<vmem>>) target_semaphore(%arg12 : memref<!tpu.dma_semaphore, #tpu.memory_space<semaphore_mem>>)
    %add3A_34 = arith.constant 1 : i32
    %add3A_35 = arith.addi %mul3A_2, %add3A_34 : i32
    %mul3A_36 = arith.constant 128 : i32
    %mul3A_37 = arith.muli %add3A_35, %mul3A_36 : i32
    %dma_start3A_38 = arith.constant 0 : i32
    %dma_start3A_39 = arith.constant 1 : i32
    %dma_start3A_40 = arith.constant 0 : i32
    %dma_start3A_41 = tpu.memref_slice %arg6[%dma_start3A_39, %dma_start3A_40] : memref<6x128xi32, #tpu.memory_space<vmem>> -> memref<1x128xi32, #tpu.memory_space<vmem>>
    %dma_start3A_42 = tpu.memref_squeeze %dma_start3A_41 : memref<1x128xi32, #tpu.memory_space<vmem>> -> memref<128xi32, #tpu.memory_space<vmem>>
    %dma_start3A_43 = tpu.memref_slice %arg3[%dma_start3A_38, %mul3A_37] : memref<2x320000xi32, #tpu.memory_space<hbm>> -> memref<1x128xi32, #tpu.memory_space<hbm>>
    %dma_start3A_44 = tpu.memref_squeeze %dma_start3A_43 : memref<1x128xi32, #tpu.memory_space<hbm>> -> memref<128xi32, #tpu.memory_space<hbm>>
    %dma_start3A_45 = arith.constant 0 : i32
    %dma_start3A_46 = tpu.memref_slice %arg6[%dma_start3A_39, %dma_start3A_45] : memref<6x128xi32, #tpu.memory_space<vmem>> -> memref<1x128xi32, #tpu.memory_space<vmem>>
    %dma_start3A_47 = tpu.memref_squeeze %dma_start3A_46 : memref<1x128xi32, #tpu.memory_space<vmem>> -> memref<128xi32, #tpu.memory_space<vmem>>
    %dma_start3A_48 = tpu.memref_slice %arg3[%dma_start3A_38, %mul3A_37] : memref<2x320000xi32, #tpu.memory_space<hbm>> -> memref<1x128xi32, #tpu.memory_space<hbm>>
    %dma_start3A_49 = tpu.memref_squeeze %dma_start3A_48 : memref<1x128xi32, #tpu.memory_space<hbm>> -> memref<128xi32, #tpu.memory_space<hbm>>
    tpu.enqueue_dma source(%dma_start3A_49 : memref<128xi32, #tpu.memory_space<hbm>>) target(%dma_start3A_47 : memref<128xi32, #tpu.memory_space<vmem>>) target_semaphore(%arg13 : memref<!tpu.dma_semaphore, #tpu.memory_space<semaphore_mem>>)
    %mul3A_50 = arith.constant 128 : i32
    %mul3A_51 = arith.muli %add3A_35, %mul3A_50 : i32
    %dma_start3A_52 = arith.constant 1 : i32
    %dma_start3A_53 = arith.constant 1 : i32
    %dma_start3A_54 = arith.constant 0 : i32
    %dma_start3A_55 = tpu.memref_slice %arg7[%dma_start3A_53, %dma_start3A_54] : memref<6x128xi32, #tpu.memory_space<vmem>> -> memref<1x128xi32, #tpu.memory_space<vmem>>
    %dma_start3A_56 = tpu.memref_squeeze %dma_start3A_55 : memref<1x128xi32, #tpu.memory_space<vmem>> -> memref<128xi32, #tpu.memory_space<vmem>>
    %dma_start3A_57 = tpu.memref_slice %arg3[%dma_start3A_52, %mul3A_51] : memref<2x320000xi32, #tpu.memory_space<hbm>> -> memref<1x128xi32, #tpu.memory_space<hbm>>
    %dma_start3A_58 = tpu.memref_squeeze %dma_start3A_57 : memref<1x128xi32, #tpu.memory_space<hbm>> -> memref<128xi32, #tpu.memory_space<hbm>>
    %dma_start3A_59 = arith.constant 0 : i32
    %dma_start3A_60 = tpu.memref_slice %arg7[%dma_start3A_53, %dma_start3A_59] : memref<6x128xi32, #tpu.memory_space<vmem>> -> memref<1x128xi32, #tpu.memory_space<vmem>>
    %dma_start3A_61 = tpu.memref_squeeze %dma_start3A_60 : memref<1x128xi32, #tpu.memory_space<vmem>> -> memref<128xi32, #tpu.memory_space<vmem>>
    %dma_start3A_62 = tpu.memref_slice %arg3[%dma_start3A_52, %mul3A_51] : memref<2x320000xi32, #tpu.memory_space<hbm>> -> memref<1x128xi32, #tpu.memory_space<hbm>>
    %dma_start3A_63 = tpu.memref_squeeze %dma_start3A_62 : memref<1x128xi32, #tpu.memory_space<hbm>> -> memref<128xi32, #tpu.memory_space<hbm>>
    tpu.enqueue_dma source(%dma_start3A_63 : memref<128xi32, #tpu.memory_space<hbm>>) target(%dma_start3A_61 : memref<128xi32, #tpu.memory_space<vmem>>) target_semaphore(%arg13 : memref<!tpu.dma_semaphore, #tpu.memory_space<semaphore_mem>>)
    %add3A_64 = arith.constant 2 : i32
    %add3A_65 = arith.addi %mul3A_2, %add3A_64 : i32
    %mul3A_66 = arith.constant 128 : i32
    %mul3A_67 = arith.muli %add3A_65, %mul3A_66 : i32
    %dma_start3A_68 = arith.constant 0 : i32
    %dma_start3A_69 = arith.constant 2 : i32
    %dma_start3A_70 = arith.constant 0 : i32
    %dma_start3A_71 = tpu.memref_slice %arg6[%dma_start3A_69, %dma_start3A_70] : memref<6x128xi32, #tpu.memory_space<vmem>> -> memref<1x128xi32, #tpu.memory_space<vmem>>
    %dma_start3A_72 = tpu.memref_squeeze %dma_start3A_71 : memref<1x128xi32, #tpu.memory_space<vmem>> -> memref<128xi32, #tpu.memory_space<vmem>>
    %dma_start3A_73 = tpu.memref_slice %arg3[%dma_start3A_68, %mul3A_67] : memref<2x320000xi32, #tpu.memory_space<hbm>> -> memref<1x128xi32, #tpu.memory_space<hbm>>
    %dma_start3A_74 = tpu.memref_squeeze %dma_start3A_73 : memref<1x128xi32, #tpu.memory_space<hbm>> -> memref<128xi32, #tpu.memory_space<hbm>>
    %dma_start3A_75 = arith.constant 0 : i32
    %dma_start3A_76 = tpu.memref_slice %arg6[%dma_start3A_69, %dma_start3A_75] : memref<6x128xi32, #tpu.memory_space<vmem>> -> memref<1x128xi32, #tpu.memory_space<vmem>>
    %dma_start3A_77 = tpu.memref_squeeze %dma_start3A_76 : memref<1x128xi32, #tpu.memory_space<vmem>> -> memref<128xi32, #tpu.memory_space<vmem>>
    %dma_start3A_78 = tpu.memref_slice %arg3[%dma_start3A_68, %mul3A_67] : memref<2x320000xi32, #tpu.memory_space<hbm>> -> memref<1x128xi32, #tpu.memory_space<hbm>>
    %dma_start3A_79 = tpu.memref_squeeze %dma_start3A_78 : memref<1x128xi32, #tpu.memory_space<hbm>> -> memref<128xi32, #tpu.memory_space<hbm>>
    tpu.enqueue_dma source(%dma_start3A_79 : memref<128xi32, #tpu.memory_space<hbm>>) target(%dma_start3A_77 : memref<128xi32, #tpu.memory_space<vmem>>) target_semaphore(%arg14 : memref<!tpu.dma_semaphore, #tpu.memory_space<semaphore_mem>>)
    %mul3A_80 = arith.constant 128 : i32
    %mul3A_81 = arith.muli %add3A_65, %mul3A_80 : i32
    %dma_start3A_82 = arith.constant 1 : i32
    %dma_start3A_83 = arith.constant 2 : i32
    %dma_start3A_84 = arith.constant 0 : i32
    %dma_start3A_85 = tpu.memref_slice %arg7[%dma_start3A_83, %dma_start3A_84] : memref<6x128xi32, #tpu.memory_space<vmem>> -> memref<1x128xi32, #tpu.memory_space<vmem>>
    %dma_start3A_86 = tpu.memref_squeeze %dma_start3A_85 : memref<1x128xi32, #tpu.memory_space<vmem>> -> memref<128xi32, #tpu.memory_space<vmem>>
    %dma_start3A_87 = tpu.memref_slice %arg3[%dma_start3A_82, %mul3A_81] : memref<2x320000xi32, #tpu.memory_space<hbm>> -> memref<1x128xi32, #tpu.memory_space<hbm>>
    %dma_start3A_88 = tpu.memref_squeeze %dma_start3A_87 : memref<1x128xi32, #tpu.memory_space<hbm>> -> memref<128xi32, #tpu.memory_space<hbm>>
    %dma_start3A_89 = arith.constant 0 : i32
    %dma_start3A_90 = tpu.memref_slice %arg7[%dma_start3A_83, %dma_start3A_89] : memref<6x128xi32, #tpu.memory_space<vmem>> -> memref<1x128xi32, #tpu.memory_space<vmem>>
    %dma_start3A_91 = tpu.memref_squeeze %dma_start3A_90 : memref<1x128xi32, #tpu.memory_space<vmem>> -> memref<128xi32, #tpu.memory_space<vmem>>
    %dma_start3A_92 = tpu.memref_slice %arg3[%dma_start3A_82, %mul3A_81] : memref<2x320000xi32, #tpu.memory_space<hbm>> -> memref<1x128xi32, #tpu.memory_space<hbm>>
    %dma_start3A_93 = tpu.memref_squeeze %dma_start3A_92 : memref<1x128xi32, #tpu.memory_space<hbm>> -> memref<128xi32, #tpu.memory_space<hbm>>
    tpu.enqueue_dma source(%dma_start3A_93 : memref<128xi32, #tpu.memory_space<hbm>>) target(%dma_start3A_91 : memref<128xi32, #tpu.memory_space<vmem>>) target_semaphore(%arg14 : memref<!tpu.dma_semaphore, #tpu.memory_space<semaphore_mem>>)
    %add3A_94 = arith.constant 3 : i32
    %add3A_95 = arith.addi %mul3A_2, %add3A_94 : i32
    %mul3A_96 = arith.constant 128 : i32
    %mul3A_97 = arith.muli %add3A_95, %mul3A_96 : i32
    %dma_start3A_98 = arith.constant 0 : i32
    %dma_start3A_99 = arith.constant 3 : i32
    %dma_start3A_100 = arith.constant 0 : i32
    %dma_start3A_101 = tpu.memref_slice %arg6[%dma_start3A_99, %dma_start3A_100] : memref<6x128xi32, #tpu.memory_space<vmem>> -> memref<1x128xi32, #tpu.memory_space<vmem>>
    %dma_start3A_102 = tpu.memref_squeeze %dma_start3A_101 : memref<1x128xi32, #tpu.memory_space<vmem>> -> memref<128xi32, #tpu.memory_space<vmem>>
    %dma_start3A_103 = tpu.memref_slice %arg3[%dma_start3A_98, %mul3A_97] : memref<2x320000xi32, #tpu.memory_space<hbm>> -> memref<1x128xi32, #tpu.memory_space<hbm>>
    %dma_start3A_104 = tpu.memref_squeeze %dma_start3A_103 : memref<1x128xi32, #tpu.memory_space<hbm>> -> memref<128xi32, #tpu.memory_space<hbm>>
    %dma_start3A_105 = arith.constant 0 : i32
    %dma_start3A_106 = tpu.memref_slice %arg6[%dma_start3A_99, %dma_start3A_105] : memref<6x128xi32, #tpu.memory_space<vmem>> -> memref<1x128xi32, #tpu.memory_space<vmem>>
    %dma_start3A_107 = tpu.memref_squeeze %dma_start3A_106 : memref<1x128xi32, #tpu.memory_space<vmem>> -> memref<128xi32, #tpu.memory_space<vmem>>
    %dma_start3A_108 = tpu.memref_slice %arg3[%dma_start3A_98, %mul3A_97] : memref<2x320000xi32, #tpu.memory_space<hbm>> -> memref<1x128xi32, #tpu.memory_space<hbm>>
    %dma_start3A_109 = tpu.memref_squeeze %dma_start3A_108 : memref<1x128xi32, #tpu.memory_space<hbm>> -> memref<128xi32, #tpu.memory_space<hbm>>
    tpu.enqueue_dma source(%dma_start3A_109 : memref<128xi32, #tpu.memory_space<hbm>>) target(%dma_start3A_107 : memref<128xi32, #tpu.memory_space<vmem>>) target_semaphore(%arg15 : memref<!tpu.dma_semaphore, #tpu.memory_space<semaphore_mem>>)
    %mul3A_110 = arith.constant 128 : i32
    %mul3A_111 = arith.muli %add3A_95, %mul3A_110 : i32
    %dma_start3A_112 = arith.constant 1 : i32
    %dma_start3A_113 = arith.constant 3 : i32
    %dma_start3A_114 = arith.constant 0 : i32
    %dma_start3A_115 = tpu.memref_slice %arg7[%dma_start3A_113, %dma_start3A_114] : memref<6x128xi32, #tpu.memory_space<vmem>> -> memref<1x128xi32, #tpu.memory_space<vmem>>
    %dma_start3A_116 = tpu.memref_squeeze %dma_start3A_115 : memref<1x128xi32, #tpu.memory_space<vmem>> -> memref<128xi32, #tpu.memory_space<vmem>>
    %dma_start3A_117 = tpu.memref_slice %arg3[%dma_start3A_112, %mul3A_111] : memref<2x320000xi32, #tpu.memory_space<hbm>> -> memref<1x128xi32, #tpu.memory_space<hbm>>
    %dma_start3A_118 = tpu.memref_squeeze %dma_start3A_117 : memref<1x128xi32, #tpu.memory_space<hbm>> -> memref<128xi32, #tpu.memory_space<hbm>>
    %dma_start3A_119 = arith.constant 0 : i32
    %dma_start3A_120 = tpu.memref_slice %arg7[%dma_start3A_113, %dma_start3A_119] : memref<6x128xi32, #tpu.memory_space<vmem>> -> memref<1x128xi32, #tpu.memory_space<vmem>>
    %dma_start3A_121 = tpu.memref_squeeze %dma_start3A_120 : memref<1x128xi32, #tpu.memory_space<vmem>> -> memref<128xi32, #tpu.memory_space<vmem>>
    %dma_start3A_122 = tpu.memref_slice %arg3[%dma_start3A_112, %mul3A_111] : memref<2x320000xi32, #tpu.memory_space<hbm>> -> memref<1x128xi32, #tpu.memory_space<hbm>>
    %dma_start3A_123 = tpu.memref_squeeze %dma_start3A_122 : memref<1x128xi32, #tpu.memory_space<hbm>> -> memref<128xi32, #tpu.memory_space<hbm>>
    tpu.enqueue_dma source(%dma_start3A_123 : memref<128xi32, #tpu.memory_space<hbm>>) target(%dma_start3A_121 : memref<128xi32, #tpu.memory_space<vmem>>) target_semaphore(%arg15 : memref<!tpu.dma_semaphore, #tpu.memory_space<semaphore_mem>>)
    %dma_wait3A = arith.constant 0 : i32
    %dma_wait3A_124 = arith.constant 0 : i32
    %dma_wait3A_125 = arith.constant 0 : i32
    %dma_wait3A_126 = tpu.memref_slice %arg6[%dma_wait3A_124, %dma_wait3A_125] : memref<6x128xi32, #tpu.memory_space<vmem>> -> memref<1x128xi32, #tpu.memory_space<vmem>>
    %dma_wait3A_127 = tpu.memref_squeeze %dma_wait3A_126 : memref<1x128xi32, #tpu.memory_space<vmem>> -> memref<128xi32, #tpu.memory_space<vmem>>
    %dma_wait3A_128 = arith.constant 0 : i32
    %dma_wait3A_129 = tpu.memref_slice %arg3[%dma_wait3A, %dma_wait3A_128] : memref<2x320000xi32, #tpu.memory_space<hbm>> -> memref<1x128xi32, #tpu.memory_space<hbm>>
    %dma_wait3A_130 = tpu.memref_squeeze %dma_wait3A_129 : memref<1x128xi32, #tpu.memory_space<hbm>> -> memref<128xi32, #tpu.memory_space<hbm>>
    %dma_wait3A_131 = arith.constant 0 : i32
    %dma_wait3A_132 = tpu.memref_slice %arg6[%dma_wait3A_124, %dma_wait3A_131] : memref<6x128xi32, #tpu.memory_space<vmem>> -> memref<1x128xi32, #tpu.memory_space<vmem>>
    %dma_wait3A_133 = tpu.memref_squeeze %dma_wait3A_132 : memref<1x128xi32, #tpu.memory_space<vmem>> -> memref<128xi32, #tpu.memory_space<vmem>>
    %dma_wait3A_134 = arith.constant 0 : i32
    %dma_wait3A_135 = tpu.memref_slice %arg3[%dma_wait3A, %dma_wait3A_134] : memref<2x320000xi32, #tpu.memory_space<hbm>> -> memref<1x128xi32, #tpu.memory_space<hbm>>
    %dma_wait3A_136 = tpu.memref_squeeze %dma_wait3A_135 : memref<1x128xi32, #tpu.memory_space<hbm>> -> memref<128xi32, #tpu.memory_space<hbm>>
    tpu.wait_dma2 semaphore(%arg12 : memref<!tpu.dma_semaphore, #tpu.memory_space<semaphore_mem>>) src(%dma_wait3A_136 : memref<128xi32, #tpu.memory_space<hbm>>) dst(%dma_wait3A_133 : memref<128xi32, #tpu.memory_space<vmem>>)
    %dma_wait3A_137 = arith.constant 1 : i32
    %dma_wait3A_138 = arith.constant 0 : i32
    %dma_wait3A_139 = arith.constant 0 : i32
    %dma_wait3A_140 = tpu.memref_slice %arg7[%dma_wait3A_138, %dma_wait3A_139] : memref<6x128xi32, #tpu.memory_space<vmem>> -> memref<1x128xi32, #tpu.memory_space<vmem>>
    %dma_wait3A_141 = tpu.memref_squeeze %dma_wait3A_140 : memref<1x128xi32, #tpu.memory_space<vmem>> -> memref<128xi32, #tpu.memory_space<vmem>>
    %dma_wait3A_142 = arith.constant 0 : i32
    %dma_wait3A_143 = tpu.memref_slice %arg3[%dma_wait3A_137, %dma_wait3A_142] : memref<2x320000xi32, #tpu.memory_space<hbm>> -> memref<1x128xi32, #tpu.memory_space<hbm>>
    %dma_wait3A_144 = tpu.memref_squeeze %dma_wait3A_143 : memref<1x128xi32, #tpu.memory_space<hbm>> -> memref<128xi32, #tpu.memory_space<hbm>>
    %dma_wait3A_145 = arith.constant 0 : i32
    %dma_wait3A_146 = tpu.memref_slice %arg7[%dma_wait3A_138, %dma_wait3A_145] : memref<6x128xi32, #tpu.memory_space<vmem>> -> memref<1x128xi32, #tpu.memory_space<vmem>>
    %dma_wait3A_147 = tpu.memref_squeeze %dma_wait3A_146 : memref<1x128xi32, #tpu.memory_space<vmem>> -> memref<128xi32, #tpu.memory_space<vmem>>
    %dma_wait3A_148 = arith.constant 0 : i32
    %dma_wait3A_149 = tpu.memref_slice %arg3[%dma_wait3A_137, %dma_wait3A_148] : memref<2x320000xi32, #tpu.memory_space<hbm>> -> memref<1x128xi32, #tpu.memory_space<hbm>>
    %dma_wait3A_150 = tpu.memref_squeeze %dma_wait3A_149 : memref<1x128xi32, #tpu.memory_space<hbm>> -> memref<128xi32, #tpu.memory_space<hbm>>
    tpu.wait_dma2 semaphore(%arg12 : memref<!tpu.dma_semaphore, #tpu.memory_space<semaphore_mem>>) src(%dma_wait3A_150 : memref<128xi32, #tpu.memory_space<hbm>>) dst(%dma_wait3A_147 : memref<128xi32, #tpu.memory_space<vmem>>)
    %dma_start3A_151 = arith.constant 0 : i32
    %dma_start3A_152 = arith.constant 0 : i32
    %dma_start3A_153 = tpu.memref_slice %arg6[%dma_start3A_151, %dma_start3A_152] : memref<6x128xi32, #tpu.memory_space<vmem>> -> memref<1x128xi32, #tpu.memory_space<vmem>>
    %dma_start3A_154 = tpu.memref_squeeze %dma_start3A_153 : memref<1x128xi32, #tpu.memory_space<vmem>> -> memref<128xi32, #tpu.memory_space<vmem>>
    %dma_start3A_155 = arith.constant 0 : i32
    %dma_start3A_156 = arith.constant 0 : i32
    %dma_start3A_157 = tpu.memref_slice %arg2[%dma_start3A_155, %dma_start3A_156] : memref<10000x128xf32, #tpu.memory_space<hbm>> -> memref<10000x128xf32, #tpu.memory_space<hbm>>
    tpu.enqueue_indirect_dma source(%dma_start3A_157 : memref<10000x128xf32, #tpu.memory_space<hbm>>) target(%arg8 : memref<128x128xf32, #tpu.memory_space<vmem>>) offsets(%dma_start3A_154 : memref<128xi32, #tpu.memory_space<vmem>>) semaphore(%arg18 : memref<!tpu.dma_semaphore, #tpu.memory_space<semaphore_mem>>)
    %dma_wait3A_158 = arith.constant 0 : i32
    %dma_wait3A_159 = arith.constant 1 : i32
    %dma_wait3A_160 = arith.constant 0 : i32
    %dma_wait3A_161 = tpu.memref_slice %arg6[%dma_wait3A_159, %dma_wait3A_160] : memref<6x128xi32, #tpu.memory_space<vmem>> -> memref<1x128xi32, #tpu.memory_space<vmem>>
    %dma_wait3A_162 = tpu.memref_squeeze %dma_wait3A_161 : memref<1x128xi32, #tpu.memory_space<vmem>> -> memref<128xi32, #tpu.memory_space<vmem>>
    %dma_wait3A_163 = arith.constant 0 : i32
    %dma_wait3A_164 = tpu.memref_slice %arg3[%dma_wait3A_158, %dma_wait3A_163] : memref<2x320000xi32, #tpu.memory_space<hbm>> -> memref<1x128xi32, #tpu.memory_space<hbm>>
    %dma_wait3A_165 = tpu.memref_squeeze %dma_wait3A_164 : memref<1x128xi32, #tpu.memory_space<hbm>> -> memref<128xi32, #tpu.memory_space<hbm>>
    %dma_wait3A_166 = arith.constant 0 : i32
    %dma_wait3A_167 = tpu.memref_slice %arg6[%dma_wait3A_159, %dma_wait3A_166] : memref<6x128xi32, #tpu.memory_space<vmem>> -> memref<1x128xi32, #tpu.memory_space<vmem>>
    %dma_wait3A_168 = tpu.memref_squeeze %dma_wait3A_167 : memref<1x128xi32, #tpu.memory_space<vmem>> -> memref<128xi32, #tpu.memory_space<vmem>>
    %dma_wait3A_169 = arith.constant 0 : i32
    %dma_wait3A_170 = tpu.memref_slice %arg3[%dma_wait3A_158, %dma_wait3A_169] : memref<2x320000xi32, #tpu.memory_space<hbm>> -> memref<1x128xi32, #tpu.memory_space<hbm>>
    %dma_wait3A_171 = tpu.memref_squeeze %dma_wait3A_170 : memref<1x128xi32, #tpu.memory_space<hbm>> -> memref<128xi32, #tpu.memory_space<hbm>>
    tpu.wait_dma2 semaphore(%arg13 : memref<!tpu.dma_semaphore, #tpu.memory_space<semaphore_mem>>) src(%dma_wait3A_171 : memref<128xi32, #tpu.memory_space<hbm>>) dst(%dma_wait3A_168 : memref<128xi32, #tpu.memory_space<vmem>>)
    %dma_wait3A_172 = arith.constant 1 : i32
    %dma_wait3A_173 = arith.constant 1 : i32
    %dma_wait3A_174 = arith.constant 0 : i32
    %dma_wait3A_175 = tpu.memref_slice %arg7[%dma_wait3A_173, %dma_wait3A_174] : memref<6x128xi32, #tpu.memory_space<vmem>> -> memref<1x128xi32, #tpu.memory_space<vmem>>
    %dma_wait3A_176 = tpu.memref_squeeze %dma_wait3A_175 : memref<1x128xi32, #tpu.memory_space<vmem>> -> memref<128xi32, #tpu.memory_space<vmem>>
    %dma_wait3A_177 = arith.constant 0 : i32
    %dma_wait3A_178 = tpu.memref_slice %arg3[%dma_wait3A_172, %dma_wait3A_177] : memref<2x320000xi32, #tpu.memory_space<hbm>> -> memref<1x128xi32, #tpu.memory_space<hbm>>
    %dma_wait3A_179 = tpu.memref_squeeze %dma_wait3A_178 : memref<1x128xi32, #tpu.memory_space<hbm>> -> memref<128xi32, #tpu.memory_space<hbm>>
    %dma_wait3A_180 = arith.constant 0 : i32
    %dma_wait3A_181 = tpu.memref_slice %arg7[%dma_wait3A_173, %dma_wait3A_180] : memref<6x128xi32, #tpu.memory_space<vmem>> -> memref<1x128xi32, #tpu.memory_space<vmem>>
    %dma_wait3A_182 = tpu.memref_squeeze %dma_wait3A_181 : memref<1x128xi32, #tpu.memory_space<vmem>> -> memref<128xi32, #tpu.memory_space<vmem>>
    %dma_wait3A_183 = arith.constant 0 : i32
    %dma_wait3A_184 = tpu.memref_slice %arg3[%dma_wait3A_172, %dma_wait3A_183] : memref<2x320000xi32, #tpu.memory_space<hbm>> -> memref<1x128xi32, #tpu.memory_space<hbm>>
    %dma_wait3A_185 = tpu.memref_squeeze %dma_wait3A_184 : memref<1x128xi32, #tpu.memory_space<hbm>> -> memref<128xi32, #tpu.memory_space<hbm>>
    tpu.wait_dma2 semaphore(%arg13 : memref<!tpu.dma_semaphore, #tpu.memory_space<semaphore_mem>>) src(%dma_wait3A_185 : memref<128xi32, #tpu.memory_space<hbm>>) dst(%dma_wait3A_182 : memref<128xi32, #tpu.memory_space<vmem>>)
    %dma_start3A_186 = arith.constant 1 : i32
    %dma_start3A_187 = arith.constant 0 : i32
    %dma_start3A_188 = tpu.memref_slice %arg6[%dma_start3A_186, %dma_start3A_187] : memref<6x128xi32, #tpu.memory_space<vmem>> -> memref<1x128xi32, #tpu.memory_space<vmem>>
    %dma_start3A_189 = tpu.memref_squeeze %dma_start3A_188 : memref<1x128xi32, #tpu.memory_space<vmem>> -> memref<128xi32, #tpu.memory_space<vmem>>
    %dma_start3A_190 = arith.constant 0 : i32
    %dma_start3A_191 = arith.constant 0 : i32
    %dma_start3A_192 = tpu.memref_slice %arg2[%dma_start3A_190, %dma_start3A_191] : memref<10000x128xf32, #tpu.memory_space<hbm>> -> memref<10000x128xf32, #tpu.memory_space<hbm>>
    tpu.enqueue_indirect_dma source(%dma_start3A_192 : memref<10000x128xf32, #tpu.memory_space<hbm>>) target(%arg9 : memref<128x128xf32, #tpu.memory_space<vmem>>) offsets(%dma_start3A_189 : memref<128xi32, #tpu.memory_space<vmem>>) semaphore(%arg19 : memref<!tpu.dma_semaphore, #tpu.memory_space<semaphore_mem>>)
    %lt3A = arith.constant 15 : i32
    %lt3A_193 = arith.cmpi slt, %arg1, %lt3A : i32
    %convert_element_type3A = arith.extui %lt3A_193 : i1 to i32
    %cond3A = arith.constant 0 : i32
    %cond3A_194 = arith.cmpi ne, %convert_element_type3A, %cond3A : i32
    scf.if %cond3A_194 {
      "tpu.region"() ({
        %run_scoped3A = tpu.sem_alloc : memref<!tpu.dma_semaphore, #tpu.memory_space<semaphore_mem>>
        %dma_start3A_226 = arith.constant 0 : i32
        %dma_start3A_227 = tpu.memref_slice %arg11[%mul3A_4, %dma_start3A_226] : memref<10000x128xf32, #tpu.memory_space<vmem_shared>> -> memref<624x128xf32, #tpu.memory_space<vmem_shared>>
        %dma_start3A_228 = arith.constant 0 : i32
        %dma_start3A_229 = tpu.memref_slice %arg4[%mul3A_4, %dma_start3A_228] : memref<10000x128xf32, #tpu.memory_space<hbm>> -> memref<624x128xf32, #tpu.memory_space<hbm>>
        tpu.enqueue_dma source(%dma_start3A_229 : memref<624x128xf32, #tpu.memory_space<hbm>>) target(%dma_start3A_227 : memref<624x128xf32, #tpu.memory_space<vmem_shared>>) target_semaphore(%run_scoped3A : memref<!tpu.dma_semaphore, #tpu.memory_space<semaphore_mem>>)
        %dma_wait3A_230 = arith.constant 0 : i32
        %dma_wait3A_231 = tpu.memref_slice %arg11[%mul3A_4, %dma_wait3A_230] : memref<10000x128xf32, #tpu.memory_space<vmem_shared>> -> memref<624x128xf32, #tpu.memory_space<vmem_shared>>
        %dma_wait3A_232 = arith.constant 0 : i32
        %dma_wait3A_233 = tpu.memref_slice %arg4[%mul3A_4, %dma_wait3A_232] : memref<10000x128xf32, #tpu.memory_space<hbm>> -> memref<624x128xf32, #tpu.memory_space<hbm>>
        tpu.wait_dma2 semaphore(%run_scoped3A : memref<!tpu.dma_semaphore, #tpu.memory_space<semaphore_mem>>) src(%dma_wait3A_233 : memref<624x128xf32, #tpu.memory_space<hbm>>) dst(%dma_wait3A_231 : memref<624x128xf32, #tpu.memory_space<vmem_shared>>)
        tpu.yield
      }) : () -> ()
    } else {
    }
    %eq3A = arith.constant 15 : i32
    %eq3A_195 = arith.cmpi eq, %arg1, %eq3A : i32
    %convert_element_type3A_196 = arith.extui %eq3A_195 : i1 to i32
    %cond3A_197 = arith.constant 0 : i32
    %cond3A_198 = arith.cmpi ne, %convert_element_type3A_196, %cond3A_197 : i32
    scf.if %cond3A_198 {
      "tpu.region"() ({
        %run_scoped3A = tpu.sem_alloc : memref<!tpu.dma_semaphore, #tpu.memory_space<semaphore_mem>>
        %dma_start3A_226 = arith.constant 0 : i32
        %dma_start3A_227 = tpu.memref_slice %arg11[%mul3A_4, %dma_start3A_226] : memref<10000x128xf32, #tpu.memory_space<vmem_shared>> -> memref<640x128xf32, #tpu.memory_space<vmem_shared>>
        %dma_start3A_228 = arith.constant 0 : i32
        %dma_start3A_229 = tpu.memref_slice %arg4[%mul3A_4, %dma_start3A_228] : memref<10000x128xf32, #tpu.memory_space<hbm>> -> memref<640x128xf32, #tpu.memory_space<hbm>>
        tpu.enqueue_dma source(%dma_start3A_229 : memref<640x128xf32, #tpu.memory_space<hbm>>) target(%dma_start3A_227 : memref<640x128xf32, #tpu.memory_space<vmem_shared>>) target_semaphore(%run_scoped3A : memref<!tpu.dma_semaphore, #tpu.memory_space<semaphore_mem>>)
        %dma_wait3A_230 = arith.constant 0 : i32
        %dma_wait3A_231 = tpu.memref_slice %arg11[%mul3A_4, %dma_wait3A_230] : memref<10000x128xf32, #tpu.memory_space<vmem_shared>> -> memref<640x128xf32, #tpu.memory_space<vmem_shared>>
        %dma_wait3A_232 = arith.constant 0 : i32
        %dma_wait3A_233 = tpu.memref_slice %arg4[%mul3A_4, %dma_wait3A_232] : memref<10000x128xf32, #tpu.memory_space<hbm>> -> memref<640x128xf32, #tpu.memory_space<hbm>>
        tpu.wait_dma2 semaphore(%run_scoped3A : memref<!tpu.dma_semaphore, #tpu.memory_space<semaphore_mem>>) src(%dma_wait3A_233 : memref<640x128xf32, #tpu.memory_space<hbm>>) dst(%dma_wait3A_231 : memref<640x128xf32, #tpu.memory_space<vmem_shared>>)
        tpu.yield
      }) : () -> ()
    } else {
    }
    %barrier3A = arith.constant 0 : index
    tpu.barrier barrier_id(%barrier3A)
    %scan3A = arith.constant 0 : i32
    %scan3A_199 = arith.constant 0 : i32
    %scan3A_200 = arith.constant 13 : i32
    %scan3A_201 = arith.addi %scan3A_199, %scan3A_200 : i32
    %scan3A_202 = arith.constant 1 : i32
    scf.for %scan3A_226 = %scan3A_199 to %scan3A_201 step %scan3A_202  : i32 {
      %mul3A_227 = arith.constant 6 : i32
      %mul3A_228 = arith.muli %scan3A_226, %mul3A_227 : i32
      %add3A_229 = arith.constant 0 : i32
      %add3A_230 = arith.addi %mul3A_228, %add3A_229 : i32
      %dma_wait3A_231 = arith.constant 0 : i32
      %dma_wait3A_232 = arith.constant 0 : i32
      %dma_wait3A_233 = tpu.memref_slice %arg2[%dma_wait3A_231, %dma_wait3A_232] : memref<10000x128xf32, #tpu.memory_space<hbm>> -> memref<128x128xf32, #tpu.memory_space<hbm>>
      %dma_wait3A_234 = arith.constant 0 : i32
      %dma_wait3A_235 = arith.constant 0 : i32
      %dma_wait3A_236 = tpu.memref_slice %arg2[%dma_wait3A_234, %dma_wait3A_235] : memref<10000x128xf32, #tpu.memory_space<hbm>> -> memref<128x128xf32, #tpu.memory_space<hbm>>
      tpu.wait_dma2 semaphore(%arg18 : memref<!tpu.dma_semaphore, #tpu.memory_space<semaphore_mem>>) src(%dma_wait3A_236 : memref<128x128xf32, #tpu.memory_space<hbm>>) dst(%arg8 : memref<128x128xf32, #tpu.memory_space<vmem>>)
      %gt3A = arith.constant 0 : i32
      %gt3A_237 = arith.cmpi sgt, %add3A_230, %gt3A : i32
      %convert_element_type3A_238 = arith.extui %gt3A_237 : i1 to i32
      %cond3A_239 = arith.constant 0 : i32
      %cond3A_240 = arith.cmpi ne, %convert_element_type3A_238, %cond3A_239 : i32
      scf.if %cond3A_240 {
        %dma_wait3A_442 = arith.constant 0 : i32
        %dma_wait3A_443 = arith.constant 0 : i32
        %dma_wait3A_444 = tpu.memref_slice %arg11[%dma_wait3A_442, %dma_wait3A_443] : memref<10000x128xf32, #tpu.memory_space<vmem_shared>> -> memref<128x128xf32, #tpu.memory_space<vmem_shared>>
        %dma_wait3A_445 = arith.constant 0 : i32
        %dma_wait3A_446 = arith.constant 0 : i32
        %dma_wait3A_447 = tpu.memref_slice %arg11[%dma_wait3A_445, %dma_wait3A_446] : memref<10000x128xf32, #tpu.memory_space<vmem_shared>> -> memref<128x128xf32, #tpu.memory_space<vmem_shared>>
        tpu.wait_dma2 semaphore(%arg23 : memref<!tpu.dma_semaphore, #tpu.memory_space<semaphore_mem>>) src(%arg10 : memref<128x128xf32, #tpu.memory_space<vmem>>) dst(%dma_wait3A_447 : memref<128x128xf32, #tpu.memory_space<vmem_shared>>)
      } else {
      }
      %dma_start3A_241 = arith.constant 0 : i32
      %dma_start3A_242 = arith.constant 0 : i32
      %dma_start3A_243 = tpu.memref_slice %arg7[%dma_start3A_241, %dma_start3A_242] : memref<6x128xi32, #tpu.memory_space<vmem>> -> memref<1x128xi32, #tpu.memory_space<vmem>>
      %dma_start3A_244 = tpu.memref_squeeze %dma_start3A_243 : memref<1x128xi32, #tpu.memory_space<vmem>> -> memref<128xi32, #tpu.memory_space<vmem>>
      %dma_start3A_245 = arith.constant 0 : i32
      %dma_start3A_246 = arith.constant 0 : i32
      %dma_start3A_247 = tpu.memref_slice %arg11[%dma_start3A_245, %dma_start3A_246] : memref<10000x128xf32, #tpu.memory_space<vmem_shared>> -> memref<10000x128xf32, #tpu.memory_space<vmem_shared>>
      tpu.enqueue_indirect_dma source(%arg8 : memref<128x128xf32, #tpu.memory_space<vmem>>) target(%dma_start3A_247 : memref<10000x128xf32, #tpu.memory_space<vmem_shared>>) offsets(%dma_start3A_244 : memref<128xi32, #tpu.memory_space<vmem>>) semaphore(%arg21 : memref<!tpu.dma_semaphore, #tpu.memory_space<semaphore_mem>>) {add = true}
      %add3A_248 = arith.constant 4 : i32
      %add3A_249 = arith.addi %add3A_230, %add3A_248 : i32
      %lt3A_250 = arith.constant 78 : i32
      %lt3A_251 = arith.cmpi slt, %add3A_249, %lt3A_250 : i32
      %convert_element_type3A_252 = arith.extui %lt3A_251 : i1 to i32
      %cond3A_253 = arith.constant 0 : i32
      %cond3A_254 = arith.cmpi ne, %convert_element_type3A_252, %cond3A_253 : i32
      scf.if %cond3A_254 {
        %add3A_442 = arith.addi %mul3A_2, %add3A_230 : i32
        %add3A_443 = arith.constant 4 : i32
        %add3A_444 = arith.addi %add3A_442, %add3A_443 : i32
        %mul3A_445 = arith.constant 128 : i32
        %mul3A_446 = arith.muli %add3A_444, %mul3A_445 : i32
        %dma_start3A_447 = arith.constant 0 : i32
        %dma_start3A_448 = arith.constant 4 : i32
        %dma_start3A_449 = arith.constant 0 : i32
        %dma_start3A_450 = tpu.memref_slice %arg6[%dma_start3A_448, %dma_start3A_449] : memref<6x128xi32, #tpu.memory_space<vmem>> -> memref<1x128xi32, #tpu.memory_space<vmem>>
        %dma_start3A_451 = tpu.memref_squeeze %dma_start3A_450 : memref<1x128xi32, #tpu.memory_space<vmem>> -> memref<128xi32, #tpu.memory_space<vmem>>
        %dma_start3A_452 = tpu.memref_slice %arg3[%dma_start3A_447, %mul3A_446] : memref<2x320000xi32, #tpu.memory_space<hbm>> -> memref<1x128xi32, #tpu.memory_space<hbm>>
        %dma_start3A_453 = tpu.memref_squeeze %dma_start3A_452 : memref<1x128xi32, #tpu.memory_space<hbm>> -> memref<128xi32, #tpu.memory_space<hbm>>
        %dma_start3A_454 = arith.constant 0 : i32
        %dma_start3A_455 = tpu.memref_slice %arg6[%dma_start3A_448, %dma_start3A_454] : memref<6x128xi32, #tpu.memory_space<vmem>> -> memref<1x128xi32, #tpu.memory_space<vmem>>
        %dma_start3A_456 = tpu.memref_squeeze %dma_start3A_455 : memref<1x128xi32, #tpu.memory_space<vmem>> -> memref<128xi32, #tpu.memory_space<vmem>>
        %dma_start3A_457 = tpu.memref_slice %arg3[%dma_start3A_447, %mul3A_446] : memref<2x320000xi32, #tpu.memory_space<hbm>> -> memref<1x128xi32, #tpu.memory_space<hbm>>
        %dma_start3A_458 = tpu.memref_squeeze %dma_start3A_457 : memref<1x128xi32, #tpu.memory_space<hbm>> -> memref<128xi32, #tpu.memory_space<hbm>>
        tpu.enqueue_dma source(%dma_start3A_458 : memref<128xi32, #tpu.memory_space<hbm>>) target(%dma_start3A_456 : memref<128xi32, #tpu.memory_space<vmem>>) target_semaphore(%arg16 : memref<!tpu.dma_semaphore, #tpu.memory_space<semaphore_mem>>)
        %mul3A_459 = arith.constant 128 : i32
        %mul3A_460 = arith.muli %add3A_444, %mul3A_459 : i32
        %dma_start3A_461 = arith.constant 1 : i32
        %dma_start3A_462 = arith.constant 4 : i32
        %dma_start3A_463 = arith.constant 0 : i32
        %dma_start3A_464 = tpu.memref_slice %arg7[%dma_start3A_462, %dma_start3A_463] : memref<6x128xi32, #tpu.memory_space<vmem>> -> memref<1x128xi32, #tpu.memory_space<vmem>>
        %dma_start3A_465 = tpu.memref_squeeze %dma_start3A_464 : memref<1x128xi32, #tpu.memory_space<vmem>> -> memref<128xi32, #tpu.memory_space<vmem>>
        %dma_start3A_466 = tpu.memref_slice %arg3[%dma_start3A_461, %mul3A_460] : memref<2x320000xi32, #tpu.memory_space<hbm>> -> memref<1x128xi32, #tpu.memory_space<hbm>>
        %dma_start3A_467 = tpu.memref_squeeze %dma_start3A_466 : memref<1x128xi32, #tpu.memory_space<hbm>> -> memref<128xi32, #tpu.memory_space<hbm>>
        %dma_start3A_468 = arith.constant 0 : i32
        %dma_start3A_469 = tpu.memref_slice %arg7[%dma_start3A_462, %dma_start3A_468] : memref<6x128xi32, #tpu.memory_space<vmem>> -> memref<1x128xi32, #tpu.memory_space<vmem>>
        %dma_start3A_470 = tpu.memref_squeeze %dma_start3A_469 : memref<1x128xi32, #tpu.memory_space<vmem>> -> memref<128xi32, #tpu.memory_space<vmem>>
        %dma_start3A_471 = tpu.memref_slice %arg3[%dma_start3A_461, %mul3A_460] : memref<2x320000xi32, #tpu.memory_space<hbm>> -> memref<1x128xi32, #tpu.memory_space<hbm>>
        %dma_start3A_472 = tpu.memref_squeeze %dma_start3A_471 : memref<1x128xi32, #tpu.memory_space<hbm>> -> memref<128xi32, #tpu.memory_space<hbm>>
        tpu.enqueue_dma source(%dma_start3A_472 : memref<128xi32, #tpu.memory_space<hbm>>) target(%dma_start3A_470 : memref<128xi32, #tpu.memory_space<vmem>>) target_semaphore(%arg16 : memref<!tpu.dma_semaphore, #tpu.memory_space<semaphore_mem>>)
      } else {
      }
      %add3A_255 = arith.constant 2 : i32
      %add3A_256 = arith.addi %add3A_230, %add3A_255 : i32
      %lt3A_257 = arith.constant 78 : i32
      %lt3A_258 = arith.cmpi slt, %add3A_256, %lt3A_257 : i32
      %convert_element_type3A_259 = arith.extui %lt3A_258 : i1 to i32
      %cond3A_260 = arith.constant 0 : i32
      %cond3A_261 = arith.cmpi ne, %convert_element_type3A_259, %cond3A_260 : i32
      scf.if %cond3A_261 {
        %dma_wait3A_442 = arith.constant 0 : i32
        %dma_wait3A_443 = arith.constant 2 : i32
        %dma_wait3A_444 = arith.constant 0 : i32
        %dma_wait3A_445 = tpu.memref_slice %arg6[%dma_wait3A_443, %dma_wait3A_444] : memref<6x128xi32, #tpu.memory_space<vmem>> -> memref<1x128xi32, #tpu.memory_space<vmem>>
        %dma_wait3A_446 = tpu.memref_squeeze %dma_wait3A_445 : memref<1x128xi32, #tpu.memory_space<vmem>> -> memref<128xi32, #tpu.memory_space<vmem>>
        %dma_wait3A_447 = arith.constant 0 : i32
        %dma_wait3A_448 = tpu.memref_slice %arg3[%dma_wait3A_442, %dma_wait3A_447] : memref<2x320000xi32, #tpu.memory_space<hbm>> -> memref<1x128xi32, #tpu.memory_space<hbm>>
        %dma_wait3A_449 = tpu.memref_squeeze %dma_wait3A_448 : memref<1x128xi32, #tpu.memory_space<hbm>> -> memref<128xi32, #tpu.memory_space<hbm>>
        %dma_wait3A_450 = arith.constant 0 : i32
        %dma_wait3A_451 = tpu.memref_slice %arg6[%dma_wait3A_443, %dma_wait3A_450] : memref<6x128xi32, #tpu.memory_space<vmem>> -> memref<1x128xi32, #tpu.memory_space<vmem>>
        %dma_wait3A_452 = tpu.memref_squeeze %dma_wait3A_451 : memref<1x128xi32, #tpu.memory_space<vmem>> -> memref<128xi32, #tpu.memory_space<vmem>>
        %dma_wait3A_453 = arith.constant 0 : i32
        %dma_wait3A_454 = tpu.memref_slice %arg3[%dma_wait3A_442, %dma_wait3A_453] : memref<2x320000xi32, #tpu.memory_space<hbm>> -> memref<1x128xi32, #tpu.memory_space<hbm>>
        %dma_wait3A_455 = tpu.memref_squeeze %dma_wait3A_454 : memref<1x128xi32, #tpu.memory_space<hbm>> -> memref<128xi32, #tpu.memory_space<hbm>>
        tpu.wait_dma2 semaphore(%arg14 : memref<!tpu.dma_semaphore, #tpu.memory_space<semaphore_mem>>) src(%dma_wait3A_455 : memref<128xi32, #tpu.memory_space<hbm>>) dst(%dma_wait3A_452 : memref<128xi32, #tpu.memory_space<vmem>>)
        %dma_wait3A_456 = arith.constant 1 : i32
        %dma_wait3A_457 = arith.constant 2 : i32
        %dma_wait3A_458 = arith.constant 0 : i32
        %dma_wait3A_459 = tpu.memref_slice %arg7[%dma_wait3A_457, %dma_wait3A_458] : memref<6x128xi32, #tpu.memory_space<vmem>> -> memref<1x128xi32, #tpu.memory_space<vmem>>
        %dma_wait3A_460 = tpu.memref_squeeze %dma_wait3A_459 : memref<1x128xi32, #tpu.memory_space<vmem>> -> memref<128xi32, #tpu.memory_space<vmem>>
        %dma_wait3A_461 = arith.constant 0 : i32
        %dma_wait3A_462 = tpu.memref_slice %arg3[%dma_wait3A_456, %dma_wait3A_461] : memref<2x320000xi32, #tpu.memory_space<hbm>> -> memref<1x128xi32, #tpu.memory_space<hbm>>
        %dma_wait3A_463 = tpu.memref_squeeze %dma_wait3A_462 : memref<1x128xi32, #tpu.memory_space<hbm>> -> memref<128xi32, #tpu.memory_space<hbm>>
        %dma_wait3A_464 = arith.constant 0 : i32
        %dma_wait3A_465 = tpu.memref_slice %arg7[%dma_wait3A_457, %dma_wait3A_464] : memref<6x128xi32, #tpu.memory_space<vmem>> -> memref<1x128xi32, #tpu.memory_space<vmem>>
        %dma_wait3A_466 = tpu.memref_squeeze %dma_wait3A_465 : memref<1x128xi32, #tpu.memory_space<vmem>> -> memref<128xi32, #tpu.memory_space<vmem>>
        %dma_wait3A_467 = arith.constant 0 : i32
        %dma_wait3A_468 = tpu.memref_slice %arg3[%dma_wait3A_456, %dma_wait3A_467] : memref<2x320000xi32, #tpu.memory_space<hbm>> -> memref<1x128xi32, #tpu.memory_space<hbm>>
        %dma_wait3A_469 = tpu.memref_squeeze %dma_wait3A_468 : memref<1x128xi32, #tpu.memory_space<hbm>> -> memref<128xi32, #tpu.memory_space<hbm>>
        tpu.wait_dma2 semaphore(%arg14 : memref<!tpu.dma_semaphore, #tpu.memory_space<semaphore_mem>>) src(%dma_wait3A_469 : memref<128xi32, #tpu.memory_space<hbm>>) dst(%dma_wait3A_466 : memref<128xi32, #tpu.memory_space<vmem>>)
        %dma_start3A_470 = arith.constant 2 : i32
        %dma_start3A_471 = arith.constant 0 : i32
        %dma_start3A_472 = tpu.memref_slice %arg6[%dma_start3A_470, %dma_start3A_471] : memref<6x128xi32, #tpu.memory_space<vmem>> -> memref<1x128xi32, #tpu.memory_space<vmem>>
        %dma_start3A_473 = tpu.memref_squeeze %dma_start3A_472 : memref<1x128xi32, #tpu.memory_space<vmem>> -> memref<128xi32, #tpu.memory_space<vmem>>
        %dma_start3A_474 = arith.constant 0 : i32
        %dma_start3A_475 = arith.constant 0 : i32
        %dma_start3A_476 = tpu.memref_slice %arg2[%dma_start3A_474, %dma_start3A_475] : memref<10000x128xf32, #tpu.memory_space<hbm>> -> memref<10000x128xf32, #tpu.memory_space<hbm>>
        tpu.enqueue_indirect_dma source(%dma_start3A_476 : memref<10000x128xf32, #tpu.memory_space<hbm>>) target(%arg10 : memref<128x128xf32, #tpu.memory_space<vmem>>) offsets(%dma_start3A_473 : memref<128xi32, #tpu.memory_space<vmem>>) semaphore(%arg20 : memref<!tpu.dma_semaphore, #tpu.memory_space<semaphore_mem>>)
      } else {
      }
      %mul3A_262 = arith.constant 6 : i32
      %mul3A_263 = arith.muli %scan3A_226, %mul3A_262 : i32
      %add3A_264 = arith.constant 1 : i32
      %add3A_265 = arith.addi %mul3A_263, %add3A_264 : i32
      %dma_wait3A_266 = arith.constant 0 : i32
      %dma_wait3A_267 = arith.constant 0 : i32
      %dma_wait3A_268 = tpu.memref_slice %arg2[%dma_wait3A_266, %dma_wait3A_267] : memref<10000x128xf32, #tpu.memory_space<hbm>> -> memref<128x128xf32, #tpu.memory_space<hbm>>
      %dma_wait3A_269 = arith.constant 0 : i32
      %dma_wait3A_270 = arith.constant 0 : i32
      %dma_wait3A_271 = tpu.memref_slice %arg2[%dma_wait3A_269, %dma_wait3A_270] : memref<10000x128xf32, #tpu.memory_space<hbm>> -> memref<128x128xf32, #tpu.memory_space<hbm>>
      tpu.wait_dma2 semaphore(%arg19 : memref<!tpu.dma_semaphore, #tpu.memory_space<semaphore_mem>>) src(%dma_wait3A_271 : memref<128x128xf32, #tpu.memory_space<hbm>>) dst(%arg9 : memref<128x128xf32, #tpu.memory_space<vmem>>)
      %gt3A_272 = arith.constant 0 : i32
      %gt3A_273 = arith.cmpi sgt, %add3A_265, %gt3A_272 : i32
      %convert_element_type3A_274 = arith.extui %gt3A_273 : i1 to i32
      %cond3A_275 = arith.constant 0 : i32
      %cond3A_276 = arith.cmpi ne, %convert_element_type3A_274, %cond3A_275 : i32
      scf.if %cond3A_276 {
        %dma_wait3A_442 = arith.constant 0 : i32
        %dma_wait3A_443 = arith.constant 0 : i32
        %dma_wait3A_444 = tpu.memref_slice %arg11[%dma_wait3A_442, %dma_wait3A_443] : memref<10000x128xf32, #tpu.memory_space<vmem_shared>> -> memref<128x128xf32, #tpu.memory_space<vmem_shared>>
        %dma_wait3A_445 = arith.constant 0 : i32
        %dma_wait3A_446 = arith.constant 0 : i32
        %dma_wait3A_447 = tpu.memref_slice %arg11[%dma_wait3A_445, %dma_wait3A_446] : memref<10000x128xf32, #tpu.memory_space<vmem_shared>> -> memref<128x128xf32, #tpu.memory_space<vmem_shared>>
        tpu.wait_dma2 semaphore(%arg21 : memref<!tpu.dma_semaphore, #tpu.memory_space<semaphore_mem>>) src(%arg8 : memref<128x128xf32, #tpu.memory_space<vmem>>) dst(%dma_wait3A_447 : memref<128x128xf32, #tpu.memory_space<vmem_shared>>)
      } else {
      }
      %dma_start3A_277 = arith.constant 1 : i32
      %dma_start3A_278 = arith.constant 0 : i32
      %dma_start3A_279 = tpu.memref_slice %arg7[%dma_start3A_277, %dma_start3A_278] : memref<6x128xi32, #tpu.memory_space<vmem>> -> memref<1x128xi32, #tpu.memory_space<vmem>>
      %dma_start3A_280 = tpu.memref_squeeze %dma_start3A_279 : memref<1x128xi32, #tpu.memory_space<vmem>> -> memref<128xi32, #tpu.memory_space<vmem>>
      %dma_start3A_281 = arith.constant 0 : i32
      %dma_start3A_282 = arith.constant 0 : i32
      %dma_start3A_283 = tpu.memref_slice %arg11[%dma_start3A_281, %dma_start3A_282] : memref<10000x128xf32, #tpu.memory_space<vmem_shared>> -> memref<10000x128xf32, #tpu.memory_space<vmem_shared>>
      tpu.enqueue_indirect_dma source(%arg9 : memref<128x128xf32, #tpu.memory_space<vmem>>) target(%dma_start3A_283 : memref<10000x128xf32, #tpu.memory_space<vmem_shared>>) offsets(%dma_start3A_280 : memref<128xi32, #tpu.memory_space<vmem>>) semaphore(%arg22 : memref<!tpu.dma_semaphore, #tpu.memory_space<semaphore_mem>>) {add = true}
      %add3A_284 = arith.constant 4 : i32
      %add3A_285 = arith.addi %add3A_265, %add3A_284 : i32
      %lt3A_286 = arith.constant 78 : i32
      %lt3A_287 = arith.cmpi slt, %add3A_285, %lt3A_286 : i32
      %convert_element_type3A_288 = arith.extui %lt3A_287 : i1 to i32
      %cond3A_289 = arith.constant 0 : i32
      %cond3A_290 = arith.cmpi ne, %convert_element_type3A_288, %cond3A_289 : i32
      scf.if %cond3A_290 {
        %add3A_442 = arith.addi %mul3A_2, %add3A_265 : i32
        %add3A_443 = arith.constant 4 : i32
        %add3A_444 = arith.addi %add3A_442, %add3A_443 : i32
        %mul3A_445 = arith.constant 128 : i32
        %mul3A_446 = arith.muli %add3A_444, %mul3A_445 : i32
        %dma_start3A_447 = arith.constant 0 : i32
        %dma_start3A_448 = arith.constant 5 : i32
        %dma_start3A_449 = arith.constant 0 : i32
        %dma_start3A_450 = tpu.memref_slice %arg6[%dma_start3A_448, %dma_start3A_449] : memref<6x128xi32, #tpu.memory_space<vmem>> -> memref<1x128xi32, #tpu.memory_space<vmem>>
        %dma_start3A_451 = tpu.memref_squeeze %dma_start3A_450 : memref<1x128xi32, #tpu.memory_space<vmem>> -> memref<128xi32, #tpu.memory_space<vmem>>
        %dma_start3A_452 = tpu.memref_slice %arg3[%dma_start3A_447, %mul3A_446] : memref<2x320000xi32, #tpu.memory_space<hbm>> -> memref<1x128xi32, #tpu.memory_space<hbm>>
        %dma_start3A_453 = tpu.memref_squeeze %dma_start3A_452 : memref<1x128xi32, #tpu.memory_space<hbm>> -> memref<128xi32, #tpu.memory_space<hbm>>
        %dma_start3A_454 = arith.constant 0 : i32
        %dma_start3A_455 = tpu.memref_slice %arg6[%dma_start3A_448, %dma_start3A_454] : memref<6x128xi32, #tpu.memory_space<vmem>> -> memref<1x128xi32, #tpu.memory_space<vmem>>
        %dma_start3A_456 = tpu.memref_squeeze %dma_start3A_455 : memref<1x128xi32, #tpu.memory_space<vmem>> -> memref<128xi32, #tpu.memory_space<vmem>>
        %dma_start3A_457 = tpu.memref_slice %arg3[%dma_start3A_447, %mul3A_446] : memref<2x320000xi32, #tpu.memory_space<hbm>> -> memref<1x128xi32, #tpu.memory_space<hbm>>
        %dma_start3A_458 = tpu.memref_squeeze %dma_start3A_457 : memref<1x128xi32, #tpu.memory_space<hbm>> -> memref<128xi32, #tpu.memory_space<hbm>>
        tpu.enqueue_dma source(%dma_start3A_458 : memref<128xi32, #tpu.memory_space<hbm>>) target(%dma_start3A_456 : memref<128xi32, #tpu.memory_space<vmem>>) target_semaphore(%arg17 : memref<!tpu.dma_semaphore, #tpu.memory_space<semaphore_mem>>)
        %mul3A_459 = arith.constant 128 : i32
        %mul3A_460 = arith.muli %add3A_444, %mul3A_459 : i32
        %dma_start3A_461 = arith.constant 1 : i32
        %dma_start3A_462 = arith.constant 5 : i32
        %dma_start3A_463 = arith.constant 0 : i32
        %dma_start3A_464 = tpu.memref_slice %arg7[%dma_start3A_462, %dma_start3A_463] : memref<6x128xi32, #tpu.memory_space<vmem>> -> memref<1x128xi32, #tpu.memory_space<vmem>>
        %dma_start3A_465 = tpu.memref_squeeze %dma_start3A_464 : memref<1x128xi32, #tpu.memory_space<vmem>> -> memref<128xi32, #tpu.memory_space<vmem>>
        %dma_start3A_466 = tpu.memref_slice %arg3[%dma_start3A_461, %mul3A_460] : memref<2x320000xi32, #tpu.memory_space<hbm>> -> memref<1x128xi32, #tpu.memory_space<hbm>>
        %dma_start3A_467 = tpu.memref_squeeze %dma_start3A_466 : memref<1x128xi32, #tpu.memory_space<hbm>> -> memref<128xi32, #tpu.memory_space<hbm>>
        %dma_start3A_468 = arith.constant 0 : i32
        %dma_start3A_469 = tpu.memref_slice %arg7[%dma_start3A_462, %dma_start3A_468] : memref<6x128xi32, #tpu.memory_space<vmem>> -> memref<1x128xi32, #tpu.memory_space<vmem>>
        %dma_start3A_470 = tpu.memref_squeeze %dma_start3A_469 : memref<1x128xi32, #tpu.memory_space<vmem>> -> memref<128xi32, #tpu.memory_space<vmem>>
        %dma_start3A_471 = tpu.memref_slice %arg3[%dma_start3A_461, %mul3A_460] : memref<2x320000xi32, #tpu.memory_space<hbm>> -> memref<1x128xi32, #tpu.memory_space<hbm>>
        %dma_start3A_472 = tpu.memref_squeeze %dma_start3A_471 : memref<1x128xi32, #tpu.memory_space<hbm>> -> memref<128xi32, #tpu.memory_space<hbm>>
        tpu.enqueue_dma source(%dma_start3A_472 : memref<128xi32, #tpu.memory_space<hbm>>) target(%dma_start3A_470 : memref<128xi32, #tpu.memory_space<vmem>>) target_semaphore(%arg17 : memref<!tpu.dma_semaphore, #tpu.memory_space<semaphore_mem>>)
      } else {
      }
      %add3A_291 = arith.constant 2 : i32
      %add3A_292 = arith.addi %add3A_265, %add3A_291 : i32
      %lt3A_293 = arith.constant 78 : i32
      %lt3A_294 = arith.cmpi slt, %add3A_292, %lt3A_293 : i32
      %convert_element_type3A_295 = arith.extui %lt3A_294 : i1 to i32
      %cond3A_296 = arith.constant 0 : i32
      %cond3A_297 = arith.cmpi ne, %convert_element_type3A_295, %cond3A_296 : i32
      scf.if %cond3A_297 {
        %dma_wait3A_442 = arith.constant 0 : i32
        %dma_wait3A_443 = arith.constant 3 : i32
        %dma_wait3A_444 = arith.constant 0 : i32
        %dma_wait3A_445 = tpu.memref_slice %arg6[%dma_wait3A_443, %dma_wait3A_444] : memref<6x128xi32, #tpu.memory_space<vmem>> -> memref<1x128xi32, #tpu.memory_space<vmem>>
        %dma_wait3A_446 = tpu.memref_squeeze %dma_wait3A_445 : memref<1x128xi32, #tpu.memory_space<vmem>> -> memref<128xi32, #tpu.memory_space<vmem>>
        %dma_wait3A_447 = arith.constant 0 : i32
        %dma_wait3A_448 = tpu.memref_slice %arg3[%dma_wait3A_442, %dma_wait3A_447] : memref<2x320000xi32, #tpu.memory_space<hbm>> -> memref<1x128xi32, #tpu.memory_space<hbm>>
        %dma_wait3A_449 = tpu.memref_squeeze %dma_wait3A_448 : memref<1x128xi32, #tpu.memory_space<hbm>> -> memref<128xi32, #tpu.memory_space<hbm>>
        %dma_wait3A_450 = arith.constant 0 : i32
        %dma_wait3A_451 = tpu.memref_slice %arg6[%dma_wait3A_443, %dma_wait3A_450] : memref<6x128xi32, #tpu.memory_space<vmem>> -> memref<1x128xi32, #tpu.memory_space<vmem>>
        %dma_wait3A_452 = tpu.memref_squeeze %dma_wait3A_451 : memref<1x128xi32, #tpu.memory_space<vmem>> -> memref<128xi32, #tpu.memory_space<vmem>>
        %dma_wait3A_453 = arith.constant 0 : i32
        %dma_wait3A_454 = tpu.memref_slice %arg3[%dma_wait3A_442, %dma_wait3A_453] : memref<2x320000xi32, #tpu.memory_space<hbm>> -> memref<1x128xi32, #tpu.memory_space<hbm>>
        %dma_wait3A_455 = tpu.memref_squeeze %dma_wait3A_454 : memref<1x128xi32, #tpu.memory_space<hbm>> -> memref<128xi32, #tpu.memory_space<hbm>>
        tpu.wait_dma2 semaphore(%arg15 : memref<!tpu.dma_semaphore, #tpu.memory_space<semaphore_mem>>) src(%dma_wait3A_455 : memref<128xi32, #tpu.memory_space<hbm>>) dst(%dma_wait3A_452 : memref<128xi32, #tpu.memory_space<vmem>>)
        %dma_wait3A_456 = arith.constant 1 : i32
        %dma_wait3A_457 = arith.constant 3 : i32
        %dma_wait3A_458 = arith.constant 0 : i32
        %dma_wait3A_459 = tpu.memref_slice %arg7[%dma_wait3A_457, %dma_wait3A_458] : memref<6x128xi32, #tpu.memory_space<vmem>> -> memref<1x128xi32, #tpu.memory_space<vmem>>
        %dma_wait3A_460 = tpu.memref_squeeze %dma_wait3A_459 : memref<1x128xi32, #tpu.memory_space<vmem>> -> memref<128xi32, #tpu.memory_space<vmem>>
        %dma_wait3A_461 = arith.constant 0 : i32
        %dma_wait3A_462 = tpu.memref_slice %arg3[%dma_wait3A_456, %dma_wait3A_461] : memref<2x320000xi32, #tpu.memory_space<hbm>> -> memref<1x128xi32, #tpu.memory_space<hbm>>
        %dma_wait3A_463 = tpu.memref_squeeze %dma_wait3A_462 : memref<1x128xi32, #tpu.memory_space<hbm>> -> memref<128xi32, #tpu.memory_space<hbm>>
        %dma_wait3A_464 = arith.constant 0 : i32
        %dma_wait3A_465 = tpu.memref_slice %arg7[%dma_wait3A_457, %dma_wait3A_464] : memref<6x128xi32, #tpu.memory_space<vmem>> -> memref<1x128xi32, #tpu.memory_space<vmem>>
        %dma_wait3A_466 = tpu.memref_squeeze %dma_wait3A_465 : memref<1x128xi32, #tpu.memory_space<vmem>> -> memref<128xi32, #tpu.memory_space<vmem>>
        %dma_wait3A_467 = arith.constant 0 : i32
        %dma_wait3A_468 = tpu.memref_slice %arg3[%dma_wait3A_456, %dma_wait3A_467] : memref<2x320000xi32, #tpu.memory_space<hbm>> -> memref<1x128xi32, #tpu.memory_space<hbm>>
        %dma_wait3A_469 = tpu.memref_squeeze %dma_wait3A_468 : memref<1x128xi32, #tpu.memory_space<hbm>> -> memref<128xi32, #tpu.memory_space<hbm>>
        tpu.wait_dma2 semaphore(%arg15 : memref<!tpu.dma_semaphore, #tpu.memory_space<semaphore_mem>>) src(%dma_wait3A_469 : memref<128xi32, #tpu.memory_space<hbm>>) dst(%dma_wait3A_466 : memref<128xi32, #tpu.memory_space<vmem>>)
        %dma_start3A_470 = arith.constant 3 : i32
        %dma_start3A_471 = arith.constant 0 : i32
        %dma_start3A_472 = tpu.memref_slice %arg6[%dma_start3A_470, %dma_start3A_471] : memref<6x128xi32, #tpu.memory_space<vmem>> -> memref<1x128xi32, #tpu.memory_space<vmem>>
        %dma_start3A_473 = tpu.memref_squeeze %dma_start3A_472 : memref<1x128xi32, #tpu.memory_space<vmem>> -> memref<128xi32, #tpu.memory_space<vmem>>
        %dma_start3A_474 = arith.constant 0 : i32
        %dma_start3A_475 = arith.constant 0 : i32
        %dma_start3A_476 = tpu.memref_slice %arg2[%dma_start3A_474, %dma_start3A_475] : memref<10000x128xf32, #tpu.memory_space<hbm>> -> memref<10000x128xf32, #tpu.memory_space<hbm>>
        tpu.enqueue_indirect_dma source(%dma_start3A_476 : memref<10000x128xf32, #tpu.memory_space<hbm>>) target(%arg8 : memref<128x128xf32, #tpu.memory_space<vmem>>) offsets(%dma_start3A_473 : memref<128xi32, #tpu.memory_space<vmem>>) semaphore(%arg18 : memref<!tpu.dma_semaphore, #tpu.memory_space<semaphore_mem>>)
      } else {
      }
      %mul3A_298 = arith.constant 6 : i32
      %mul3A_299 = arith.muli %scan3A_226, %mul3A_298 : i32
      %add3A_300 = arith.constant 2 : i32
      %add3A_301 = arith.addi %mul3A_299, %add3A_300 : i32
      %dma_wait3A_302 = arith.constant 0 : i32
      %dma_wait3A_303 = arith.constant 0 : i32
      %dma_wait3A_304 = tpu.memref_slice %arg2[%dma_wait3A_302, %dma_wait3A_303] : memref<10000x128xf32, #tpu.memory_space<hbm>> -> memref<128x128xf32, #tpu.memory_space<hbm>>
      %dma_wait3A_305 = arith.constant 0 : i32
      %dma_wait3A_306 = arith.constant 0 : i32
      %dma_wait3A_307 = tpu.memref_slice %arg2[%dma_wait3A_305, %dma_wait3A_306] : memref<10000x128xf32, #tpu.memory_space<hbm>> -> memref<128x128xf32, #tpu.memory_space<hbm>>
      tpu.wait_dma2 semaphore(%arg20 : memref<!tpu.dma_semaphore, #tpu.memory_space<semaphore_mem>>) src(%dma_wait3A_307 : memref<128x128xf32, #tpu.memory_space<hbm>>) dst(%arg10 : memref<128x128xf32, #tpu.memory_space<vmem>>)
      %gt3A_308 = arith.constant 0 : i32
      %gt3A_309 = arith.cmpi sgt, %add3A_301, %gt3A_308 : i32
      %convert_element_type3A_310 = arith.extui %gt3A_309 : i1 to i32
      %cond3A_311 = arith.constant 0 : i32
      %cond3A_312 = arith.cmpi ne, %convert_element_type3A_310, %cond3A_311 : i32
      scf.if %cond3A_312 {
        %dma_wait3A_442 = arith.constant 0 : i32
        %dma_wait3A_443 = arith.constant 0 : i32
        %dma_wait3A_444 = tpu.memref_slice %arg11[%dma_wait3A_442, %dma_wait3A_443] : memref<10000x128xf32, #tpu.memory_space<vmem_shared>> -> memref<128x128xf32, #tpu.memory_space<vmem_shared>>
        %dma_wait3A_445 = arith.constant 0 : i32
        %dma_wait3A_446 = arith.constant 0 : i32
        %dma_wait3A_447 = tpu.memref_slice %arg11[%dma_wait3A_445, %dma_wait3A_446] : memref<10000x128xf32, #tpu.memory_space<vmem_shared>> -> memref<128x128xf32, #tpu.memory_space<vmem_shared>>
        tpu.wait_dma2 semaphore(%arg22 : memref<!tpu.dma_semaphore, #tpu.memory_space<semaphore_mem>>) src(%arg9 : memref<128x128xf32, #tpu.memory_space<vmem>>) dst(%dma_wait3A_447 : memref<128x128xf32, #tpu.memory_space<vmem_shared>>)
      } else {
      }
      %dma_start3A_313 = arith.constant 2 : i32
      %dma_start3A_314 = arith.constant 0 : i32
      %dma_start3A_315 = tpu.memref_slice %arg7[%dma_start3A_313, %dma_start3A_314] : memref<6x128xi32, #tpu.memory_space<vmem>> -> memref<1x128xi32, #tpu.memory_space<vmem>>
      %dma_start3A_316 = tpu.memref_squeeze %dma_start3A_315 : memref<1x128xi32, #tpu.memory_space<vmem>> -> memref<128xi32, #tpu.memory_space<vmem>>
      %dma_start3A_317 = arith.constant 0 : i32
      %dma_start3A_318 = arith.constant 0 : i32
      %dma_start3A_319 = tpu.memref_slice %arg11[%dma_start3A_317, %dma_start3A_318] : memref<10000x128xf32, #tpu.memory_space<vmem_shared>> -> memref<10000x128xf32, #tpu.memory_space<vmem_shared>>
      tpu.enqueue_indirect_dma source(%arg10 : memref<128x128xf32, #tpu.memory_space<vmem>>) target(%dma_start3A_319 : memref<10000x128xf32, #tpu.memory_space<vmem_shared>>) offsets(%dma_start3A_316 : memref<128xi32, #tpu.memory_space<vmem>>) semaphore(%arg23 : memref<!tpu.dma_semaphore, #tpu.memory_space<semaphore_mem>>) {add = true}
      %add3A_320 = arith.constant 4 : i32
      %add3A_321 = arith.addi %add3A_301, %add3A_320 : i32
      %lt3A_322 = arith.constant 78 : i32
      %lt3A_323 = arith.cmpi slt, %add3A_321, %lt3A_322 : i32
      %convert_element_type3A_324 = arith.extui %lt3A_323 : i1 to i32
      %cond3A_325 = arith.constant 0 : i32
      %cond3A_326 = arith.cmpi ne, %convert_element_type3A_324, %cond3A_325 : i32
      scf.if %cond3A_326 {
        %add3A_442 = arith.addi %mul3A_2, %add3A_301 : i32
        %add3A_443 = arith.constant 4 : i32
        %add3A_444 = arith.addi %add3A_442, %add3A_443 : i32
        %mul3A_445 = arith.constant 128 : i32
        %mul3A_446 = arith.muli %add3A_444, %mul3A_445 : i32
        %dma_start3A_447 = arith.constant 0 : i32
        %dma_start3A_448 = arith.constant 0 : i32
        %dma_start3A_449 = arith.constant 0 : i32
        %dma_start3A_450 = tpu.memref_slice %arg6[%dma_start3A_448, %dma_start3A_449] : memref<6x128xi32, #tpu.memory_space<vmem>> -> memref<1x128xi32, #tpu.memory_space<vmem>>
        %dma_start3A_451 = tpu.memref_squeeze %dma_start3A_450 : memref<1x128xi32, #tpu.memory_space<vmem>> -> memref<128xi32, #tpu.memory_space<vmem>>
        %dma_start3A_452 = tpu.memref_slice %arg3[%dma_start3A_447, %mul3A_446] : memref<2x320000xi32, #tpu.memory_space<hbm>> -> memref<1x128xi32, #tpu.memory_space<hbm>>
        %dma_start3A_453 = tpu.memref_squeeze %dma_start3A_452 : memref<1x128xi32, #tpu.memory_space<hbm>> -> memref<128xi32, #tpu.memory_space<hbm>>
        %dma_start3A_454 = arith.constant 0 : i32
        %dma_start3A_455 = tpu.memref_slice %arg6[%dma_start3A_448, %dma_start3A_454] : memref<6x128xi32, #tpu.memory_space<vmem>> -> memref<1x128xi32, #tpu.memory_space<vmem>>
        %dma_start3A_456 = tpu.memref_squeeze %dma_start3A_455 : memref<1x128xi32, #tpu.memory_space<vmem>> -> memref<128xi32, #tpu.memory_space<vmem>>
        %dma_start3A_457 = tpu.memref_slice %arg3[%dma_start3A_447, %mul3A_446] : memref<2x320000xi32, #tpu.memory_space<hbm>> -> memref<1x128xi32, #tpu.memory_space<hbm>>
        %dma_start3A_458 = tpu.memref_squeeze %dma_start3A_457 : memref<1x128xi32, #tpu.memory_space<hbm>> -> memref<128xi32, #tpu.memory_space<hbm>>
        tpu.enqueue_dma source(%dma_start3A_458 : memref<128xi32, #tpu.memory_space<hbm>>) target(%dma_start3A_456 : memref<128xi32, #tpu.memory_space<vmem>>) target_semaphore(%arg12 : memref<!tpu.dma_semaphore, #tpu.memory_space<semaphore_mem>>)
        %mul3A_459 = arith.constant 128 : i32
        %mul3A_460 = arith.muli %add3A_444, %mul3A_459 : i32
        %dma_start3A_461 = arith.constant 1 : i32
        %dma_start3A_462 = arith.constant 0 : i32
        %dma_start3A_463 = arith.constant 0 : i32
        %dma_start3A_464 = tpu.memref_slice %arg7[%dma_start3A_462, %dma_start3A_463] : memref<6x128xi32, #tpu.memory_space<vmem>> -> memref<1x128xi32, #tpu.memory_space<vmem>>
        %dma_start3A_465 = tpu.memref_squeeze %dma_start3A_464 : memref<1x128xi32, #tpu.memory_space<vmem>> -> memref<128xi32, #tpu.memory_space<vmem>>
        %dma_start3A_466 = tpu.memref_slice %arg3[%dma_start3A_461, %mul3A_460] : memref<2x320000xi32, #tpu.memory_space<hbm>> -> memref<1x128xi32, #tpu.memory_space<hbm>>
        %dma_start3A_467 = tpu.memref_squeeze %dma_start3A_466 : memref<1x128xi32, #tpu.memory_space<hbm>> -> memref<128xi32, #tpu.memory_space<hbm>>
        %dma_start3A_468 = arith.constant 0 : i32
        %dma_start3A_469 = tpu.memref_slice %arg7[%dma_start3A_462, %dma_start3A_468] : memref<6x128xi32, #tpu.memory_space<vmem>> -> memref<1x128xi32, #tpu.memory_space<vmem>>
        %dma_start3A_470 = tpu.memref_squeeze %dma_start3A_469 : memref<1x128xi32, #tpu.memory_space<vmem>> -> memref<128xi32, #tpu.memory_space<vmem>>
        %dma_start3A_471 = tpu.memref_slice %arg3[%dma_start3A_461, %mul3A_460] : memref<2x320000xi32, #tpu.memory_space<hbm>> -> memref<1x128xi32, #tpu.memory_space<hbm>>
        %dma_start3A_472 = tpu.memref_squeeze %dma_start3A_471 : memref<1x128xi32, #tpu.memory_space<hbm>> -> memref<128xi32, #tpu.memory_space<hbm>>
        tpu.enqueue_dma source(%dma_start3A_472 : memref<128xi32, #tpu.memory_space<hbm>>) target(%dma_start3A_470 : memref<128xi32, #tpu.memory_space<vmem>>) target_semaphore(%arg12 : memref<!tpu.dma_semaphore, #tpu.memory_space<semaphore_mem>>)
      } else {
      }
      %add3A_327 = arith.constant 2 : i32
      %add3A_328 = arith.addi %add3A_301, %add3A_327 : i32
      %lt3A_329 = arith.constant 78 : i32
      %lt3A_330 = arith.cmpi slt, %add3A_328, %lt3A_329 : i32
      %convert_element_type3A_331 = arith.extui %lt3A_330 : i1 to i32
      %cond3A_332 = arith.constant 0 : i32
      %cond3A_333 = arith.cmpi ne, %convert_element_type3A_331, %cond3A_332 : i32
      scf.if %cond3A_333 {
        %dma_wait3A_442 = arith.constant 0 : i32
        %dma_wait3A_443 = arith.constant 4 : i32
        %dma_wait3A_444 = arith.constant 0 : i32
        %dma_wait3A_445 = tpu.memref_slice %arg6[%dma_wait3A_443, %dma_wait3A_444] : memref<6x128xi32, #tpu.memory_space<vmem>> -> memref<1x128xi32, #tpu.memory_space<vmem>>
        %dma_wait3A_446 = tpu.memref_squeeze %dma_wait3A_445 : memref<1x128xi32, #tpu.memory_space<vmem>> -> memref<128xi32, #tpu.memory_space<vmem>>
        %dma_wait3A_447 = arith.constant 0 : i32
        %dma_wait3A_448 = tpu.memref_slice %arg3[%dma_wait3A_442, %dma_wait3A_447] : memref<2x320000xi32, #tpu.memory_space<hbm>> -> memref<1x128xi32, #tpu.memory_space<hbm>>
        %dma_wait3A_449 = tpu.memref_squeeze %dma_wait3A_448 : memref<1x128xi32, #tpu.memory_space<hbm>> -> memref<128xi32, #tpu.memory_space<hbm>>
        %dma_wait3A_450 = arith.constant 0 : i32
        %dma_wait3A_451 = tpu.memref_slice %arg6[%dma_wait3A_443, %dma_wait3A_450] : memref<6x128xi32, #tpu.memory_space<vmem>> -> memref<1x128xi32, #tpu.memory_space<vmem>>
        %dma_wait3A_452 = tpu.memref_squeeze %dma_wait3A_451 : memref<1x128xi32, #tpu.memory_space<vmem>> -> memref<128xi32, #tpu.memory_space<vmem>>
        %dma_wait3A_453 = arith.constant 0 : i32
        %dma_wait3A_454 = tpu.memref_slice %arg3[%dma_wait3A_442, %dma_wait3A_453] : memref<2x320000xi32, #tpu.memory_space<hbm>> -> memref<1x128xi32, #tpu.memory_space<hbm>>
        %dma_wait3A_455 = tpu.memref_squeeze %dma_wait3A_454 : memref<1x128xi32, #tpu.memory_space<hbm>> -> memref<128xi32, #tpu.memory_space<hbm>>
        tpu.wait_dma2 semaphore(%arg16 : memref<!tpu.dma_semaphore, #tpu.memory_space<semaphore_mem>>) src(%dma_wait3A_455 : memref<128xi32, #tpu.memory_space<hbm>>) dst(%dma_wait3A_452 : memref<128xi32, #tpu.memory_space<vmem>>)
        %dma_wait3A_456 = arith.constant 1 : i32
        %dma_wait3A_457 = arith.constant 4 : i32
        %dma_wait3A_458 = arith.constant 0 : i32
        %dma_wait3A_459 = tpu.memref_slice %arg7[%dma_wait3A_457, %dma_wait3A_458] : memref<6x128xi32, #tpu.memory_space<vmem>> -> memref<1x128xi32, #tpu.memory_space<vmem>>
        %dma_wait3A_460 = tpu.memref_squeeze %dma_wait3A_459 : memref<1x128xi32, #tpu.memory_space<vmem>> -> memref<128xi32, #tpu.memory_space<vmem>>
        %dma_wait3A_461 = arith.constant 0 : i32
        %dma_wait3A_462 = tpu.memref_slice %arg3[%dma_wait3A_456, %dma_wait3A_461] : memref<2x320000xi32, #tpu.memory_space<hbm>> -> memref<1x128xi32, #tpu.memory_space<hbm>>
        %dma_wait3A_463 = tpu.memref_squeeze %dma_wait3A_462 : memref<1x128xi32, #tpu.memory_space<hbm>> -> memref<128xi32, #tpu.memory_space<hbm>>
        %dma_wait3A_464 = arith.constant 0 : i32
        %dma_wait3A_465 = tpu.memref_slice %arg7[%dma_wait3A_457, %dma_wait3A_464] : memref<6x128xi32, #tpu.memory_space<vmem>> -> memref<1x128xi32, #tpu.memory_space<vmem>>
        %dma_wait3A_466 = tpu.memref_squeeze %dma_wait3A_465 : memref<1x128xi32, #tpu.memory_space<vmem>> -> memref<128xi32, #tpu.memory_space<vmem>>
        %dma_wait3A_467 = arith.constant 0 : i32
        %dma_wait3A_468 = tpu.memref_slice %arg3[%dma_wait3A_456, %dma_wait3A_467] : memref<2x320000xi32, #tpu.memory_space<hbm>> -> memref<1x128xi32, #tpu.memory_space<hbm>>
        %dma_wait3A_469 = tpu.memref_squeeze %dma_wait3A_468 : memref<1x128xi32, #tpu.memory_space<hbm>> -> memref<128xi32, #tpu.memory_space<hbm>>
        tpu.wait_dma2 semaphore(%arg16 : memref<!tpu.dma_semaphore, #tpu.memory_space<semaphore_mem>>) src(%dma_wait3A_469 : memref<128xi32, #tpu.memory_space<hbm>>) dst(%dma_wait3A_466 : memref<128xi32, #tpu.memory_space<vmem>>)
        %dma_start3A_470 = arith.constant 4 : i32
        %dma_start3A_471 = arith.constant 0 : i32
        %dma_start3A_472 = tpu.memref_slice %arg6[%dma_start3A_470, %dma_start3A_471] : memref<6x128xi32, #tpu.memory_space<vmem>> -> memref<1x128xi32, #tpu.memory_space<vmem>>
        %dma_start3A_473 = tpu.memref_squeeze %dma_start3A_472 : memref<1x128xi32, #tpu.memory_space<vmem>> -> memref<128xi32, #tpu.memory_space<vmem>>
        %dma_start3A_474 = arith.constant 0 : i32
        %dma_start3A_475 = arith.constant 0 : i32
        %dma_start3A_476 = tpu.memref_slice %arg2[%dma_start3A_474, %dma_start3A_475] : memref<10000x128xf32, #tpu.memory_space<hbm>> -> memref<10000x128xf32, #tpu.memory_space<hbm>>
        tpu.enqueue_indirect_dma source(%dma_start3A_476 : memref<10000x128xf32, #tpu.memory_space<hbm>>) target(%arg9 : memref<128x128xf32, #tpu.memory_space<vmem>>) offsets(%dma_start3A_473 : memref<128xi32, #tpu.memory_space<vmem>>) semaphore(%arg19 : memref<!tpu.dma_semaphore, #tpu.memory_space<semaphore_mem>>)
      } else {
      }
      %mul3A_334 = arith.constant 6 : i32
      %mul3A_335 = arith.muli %scan3A_226, %mul3A_334 : i32
      %add3A_336 = arith.constant 3 : i32
      %add3A_337 = arith.addi %mul3A_335, %add3A_336 : i32
      %dma_wait3A_338 = arith.constant 0 : i32
      %dma_wait3A_339 = arith.constant 0 : i32
      %dma_wait3A_340 = tpu.memref_slice %arg2[%dma_wait3A_338, %dma_wait3A_339] : memref<10000x128xf32, #tpu.memory_space<hbm>> -> memref<128x128xf32, #tpu.memory_space<hbm>>
      %dma_wait3A_341 = arith.constant 0 : i32
      %dma_wait3A_342 = arith.constant 0 : i32
      %dma_wait3A_343 = tpu.memref_slice %arg2[%dma_wait3A_341, %dma_wait3A_342] : memref<10000x128xf32, #tpu.memory_space<hbm>> -> memref<128x128xf32, #tpu.memory_space<hbm>>
      tpu.wait_dma2 semaphore(%arg18 : memref<!tpu.dma_semaphore, #tpu.memory_space<semaphore_mem>>) src(%dma_wait3A_343 : memref<128x128xf32, #tpu.memory_space<hbm>>) dst(%arg8 : memref<128x128xf32, #tpu.memory_space<vmem>>)
      %gt3A_344 = arith.constant 0 : i32
      %gt3A_345 = arith.cmpi sgt, %add3A_337, %gt3A_344 : i32
      %convert_element_type3A_346 = arith.extui %gt3A_345 : i1 to i32
      %cond3A_347 = arith.constant 0 : i32
      %cond3A_348 = arith.cmpi ne, %convert_element_type3A_346, %cond3A_347 : i32
      scf.if %cond3A_348 {
        %dma_wait3A_442 = arith.constant 0 : i32
        %dma_wait3A_443 = arith.constant 0 : i32
        %dma_wait3A_444 = tpu.memref_slice %arg11[%dma_wait3A_442, %dma_wait3A_443] : memref<10000x128xf32, #tpu.memory_space<vmem_shared>> -> memref<128x128xf32, #tpu.memory_space<vmem_shared>>
        %dma_wait3A_445 = arith.constant 0 : i32
        %dma_wait3A_446 = arith.constant 0 : i32
        %dma_wait3A_447 = tpu.memref_slice %arg11[%dma_wait3A_445, %dma_wait3A_446] : memref<10000x128xf32, #tpu.memory_space<vmem_shared>> -> memref<128x128xf32, #tpu.memory_space<vmem_shared>>
        tpu.wait_dma2 semaphore(%arg23 : memref<!tpu.dma_semaphore, #tpu.memory_space<semaphore_mem>>) src(%arg10 : memref<128x128xf32, #tpu.memory_space<vmem>>) dst(%dma_wait3A_447 : memref<128x128xf32, #tpu.memory_space<vmem_shared>>)
      } else {
      }
      %dma_start3A_349 = arith.constant 3 : i32
      %dma_start3A_350 = arith.constant 0 : i32
      %dma_start3A_351 = tpu.memref_slice %arg7[%dma_start3A_349, %dma_start3A_350] : memref<6x128xi32, #tpu.memory_space<vmem>> -> memref<1x128xi32, #tpu.memory_space<vmem>>
      %dma_start3A_352 = tpu.memref_squeeze %dma_start3A_351 : memref<1x128xi32, #tpu.memory_space<vmem>> -> memref<128xi32, #tpu.memory_space<vmem>>
      %dma_start3A_353 = arith.constant 0 : i32
      %dma_start3A_354 = arith.constant 0 : i32
      %dma_start3A_355 = tpu.memref_slice %arg11[%dma_start3A_353, %dma_start3A_354] : memref<10000x128xf32, #tpu.memory_space<vmem_shared>> -> memref<10000x128xf32, #tpu.memory_space<vmem_shared>>
      tpu.enqueue_indirect_dma source(%arg8 : memref<128x128xf32, #tpu.memory_space<vmem>>) target(%dma_start3A_355 : memref<10000x128xf32, #tpu.memory_space<vmem_shared>>) offsets(%dma_start3A_352 : memref<128xi32, #tpu.memory_space<vmem>>) semaphore(%arg21 : memref<!tpu.dma_semaphore, #tpu.memory_space<semaphore_mem>>) {add = true}
      %add3A_356 = arith.constant 4 : i32
      %add3A_357 = arith.addi %add3A_337, %add3A_356 : i32
      %lt3A_358 = arith.constant 78 : i32
      %lt3A_359 = arith.cmpi slt, %add3A_357, %lt3A_358 : i32
      %convert_element_type3A_360 = arith.extui %lt3A_359 : i1 to i32
      %cond3A_361 = arith.constant 0 : i32
      %cond3A_362 = arith.cmpi ne, %convert_element_type3A_360, %cond3A_361 : i32
      scf.if %cond3A_362 {
        %add3A_442 = arith.addi %mul3A_2, %add3A_337 : i32
        %add3A_443 = arith.constant 4 : i32
        %add3A_444 = arith.addi %add3A_442, %add3A_443 : i32
        %mul3A_445 = arith.constant 128 : i32
        %mul3A_446 = arith.muli %add3A_444, %mul3A_445 : i32
        %dma_start3A_447 = arith.constant 0 : i32
        %dma_start3A_448 = arith.constant 1 : i32
        %dma_start3A_449 = arith.constant 0 : i32
        %dma_start3A_450 = tpu.memref_slice %arg6[%dma_start3A_448, %dma_start3A_449] : memref<6x128xi32, #tpu.memory_space<vmem>> -> memref<1x128xi32, #tpu.memory_space<vmem>>
        %dma_start3A_451 = tpu.memref_squeeze %dma_start3A_450 : memref<1x128xi32, #tpu.memory_space<vmem>> -> memref<128xi32, #tpu.memory_space<vmem>>
        %dma_start3A_452 = tpu.memref_slice %arg3[%dma_start3A_447, %mul3A_446] : memref<2x320000xi32, #tpu.memory_space<hbm>> -> memref<1x128xi32, #tpu.memory_space<hbm>>
        %dma_start3A_453 = tpu.memref_squeeze %dma_start3A_452 : memref<1x128xi32, #tpu.memory_space<hbm>> -> memref<128xi32, #tpu.memory_space<hbm>>
        %dma_start3A_454 = arith.constant 0 : i32
        %dma_start3A_455 = tpu.memref_slice %arg6[%dma_start3A_448, %dma_start3A_454] : memref<6x128xi32, #tpu.memory_space<vmem>> -> memref<1x128xi32, #tpu.memory_space<vmem>>
        %dma_start3A_456 = tpu.memref_squeeze %dma_start3A_455 : memref<1x128xi32, #tpu.memory_space<vmem>> -> memref<128xi32, #tpu.memory_space<vmem>>
        %dma_start3A_457 = tpu.memref_slice %arg3[%dma_start3A_447, %mul3A_446] : memref<2x320000xi32, #tpu.memory_space<hbm>> -> memref<1x128xi32, #tpu.memory_space<hbm>>
        %dma_start3A_458 = tpu.memref_squeeze %dma_start3A_457 : memref<1x128xi32, #tpu.memory_space<hbm>> -> memref<128xi32, #tpu.memory_space<hbm>>
        tpu.enqueue_dma source(%dma_start3A_458 : memref<128xi32, #tpu.memory_space<hbm>>) target(%dma_start3A_456 : memref<128xi32, #tpu.memory_space<vmem>>) target_semaphore(%arg13 : memref<!tpu.dma_semaphore, #tpu.memory_space<semaphore_mem>>)
        %mul3A_459 = arith.constant 128 : i32
        %mul3A_460 = arith.muli %add3A_444, %mul3A_459 : i32
        %dma_start3A_461 = arith.constant 1 : i32
        %dma_start3A_462 = arith.constant 1 : i32
        %dma_start3A_463 = arith.constant 0 : i32
        %dma_start3A_464 = tpu.memref_slice %arg7[%dma_start3A_462, %dma_start3A_463] : memref<6x128xi32, #tpu.memory_space<vmem>> -> memref<1x128xi32, #tpu.memory_space<vmem>>
        %dma_start3A_465 = tpu.memref_squeeze %dma_start3A_464 : memref<1x128xi32, #tpu.memory_space<vmem>> -> memref<128xi32, #tpu.memory_space<vmem>>
        %dma_start3A_466 = tpu.memref_slice %arg3[%dma_start3A_461, %mul3A_460] : memref<2x320000xi32, #tpu.memory_space<hbm>> -> memref<1x128xi32, #tpu.memory_space<hbm>>
        %dma_start3A_467 = tpu.memref_squeeze %dma_start3A_466 : memref<1x128xi32, #tpu.memory_space<hbm>> -> memref<128xi32, #tpu.memory_space<hbm>>
        %dma_start3A_468 = arith.constant 0 : i32
        %dma_start3A_469 = tpu.memref_slice %arg7[%dma_start3A_462, %dma_start3A_468] : memref<6x128xi32, #tpu.memory_space<vmem>> -> memref<1x128xi32, #tpu.memory_space<vmem>>
        %dma_start3A_470 = tpu.memref_squeeze %dma_start3A_469 : memref<1x128xi32, #tpu.memory_space<vmem>> -> memref<128xi32, #tpu.memory_space<vmem>>
        %dma_start3A_471 = tpu.memref_slice %arg3[%dma_start3A_461, %mul3A_460] : memref<2x320000xi32, #tpu.memory_space<hbm>> -> memref<1x128xi32, #tpu.memory_space<hbm>>
        %dma_start3A_472 = tpu.memref_squeeze %dma_start3A_471 : memref<1x128xi32, #tpu.memory_space<hbm>> -> memref<128xi32, #tpu.memory_space<hbm>>
        tpu.enqueue_dma source(%dma_start3A_472 : memref<128xi32, #tpu.memory_space<hbm>>) target(%dma_start3A_470 : memref<128xi32, #tpu.memory_space<vmem>>) target_semaphore(%arg13 : memref<!tpu.dma_semaphore, #tpu.memory_space<semaphore_mem>>)
      } else {
      }
      %add3A_363 = arith.constant 2 : i32
      %add3A_364 = arith.addi %add3A_337, %add3A_363 : i32
      %lt3A_365 = arith.constant 78 : i32
      %lt3A_366 = arith.cmpi slt, %add3A_364, %lt3A_365 : i32
      %convert_element_type3A_367 = arith.extui %lt3A_366 : i1 to i32
      %cond3A_368 = arith.constant 0 : i32
      %cond3A_369 = arith.cmpi ne, %convert_element_type3A_367, %cond3A_368 : i32
      scf.if %cond3A_369 {
        %dma_wait3A_442 = arith.constant 0 : i32
        %dma_wait3A_443 = arith.constant 5 : i32
        %dma_wait3A_444 = arith.constant 0 : i32
        %dma_wait3A_445 = tpu.memref_slice %arg6[%dma_wait3A_443, %dma_wait3A_444] : memref<6x128xi32, #tpu.memory_space<vmem>> -> memref<1x128xi32, #tpu.memory_space<vmem>>
        %dma_wait3A_446 = tpu.memref_squeeze %dma_wait3A_445 : memref<1x128xi32, #tpu.memory_space<vmem>> -> memref<128xi32, #tpu.memory_space<vmem>>
        %dma_wait3A_447 = arith.constant 0 : i32
        %dma_wait3A_448 = tpu.memref_slice %arg3[%dma_wait3A_442, %dma_wait3A_447] : memref<2x320000xi32, #tpu.memory_space<hbm>> -> memref<1x128xi32, #tpu.memory_space<hbm>>
        %dma_wait3A_449 = tpu.memref_squeeze %dma_wait3A_448 : memref<1x128xi32, #tpu.memory_space<hbm>> -> memref<128xi32, #tpu.memory_space<hbm>>
        %dma_wait3A_450 = arith.constant 0 : i32
        %dma_wait3A_451 = tpu.memref_slice %arg6[%dma_wait3A_443, %dma_wait3A_450] : memref<6x128xi32, #tpu.memory_space<vmem>> -> memref<1x128xi32, #tpu.memory_space<vmem>>
        %dma_wait3A_452 = tpu.memref_squeeze %dma_wait3A_451 : memref<1x128xi32, #tpu.memory_space<vmem>> -> memref<128xi32, #tpu.memory_space<vmem>>
        %dma_wait3A_453 = arith.constant 0 : i32
        %dma_wait3A_454 = tpu.memref_slice %arg3[%dma_wait3A_442, %dma_wait3A_453] : memref<2x320000xi32, #tpu.memory_space<hbm>> -> memref<1x128xi32, #tpu.memory_space<hbm>>
        %dma_wait3A_455 = tpu.memref_squeeze %dma_wait3A_454 : memref<1x128xi32, #tpu.memory_space<hbm>> -> memref<128xi32, #tpu.memory_space<hbm>>
        tpu.wait_dma2 semaphore(%arg17 : memref<!tpu.dma_semaphore, #tpu.memory_space<semaphore_mem>>) src(%dma_wait3A_455 : memref<128xi32, #tpu.memory_space<hbm>>) dst(%dma_wait3A_452 : memref<128xi32, #tpu.memory_space<vmem>>)
        %dma_wait3A_456 = arith.constant 1 : i32
        %dma_wait3A_457 = arith.constant 5 : i32
        %dma_wait3A_458 = arith.constant 0 : i32
        %dma_wait3A_459 = tpu.memref_slice %arg7[%dma_wait3A_457, %dma_wait3A_458] : memref<6x128xi32, #tpu.memory_space<vmem>> -> memref<1x128xi32, #tpu.memory_space<vmem>>
        %dma_wait3A_460 = tpu.memref_squeeze %dma_wait3A_459 : memref<1x128xi32, #tpu.memory_space<vmem>> -> memref<128xi32, #tpu.memory_space<vmem>>
        %dma_wait3A_461 = arith.constant 0 : i32
        %dma_wait3A_462 = tpu.memref_slice %arg3[%dma_wait3A_456, %dma_wait3A_461] : memref<2x320000xi32, #tpu.memory_space<hbm>> -> memref<1x128xi32, #tpu.memory_space<hbm>>
        %dma_wait3A_463 = tpu.memref_squeeze %dma_wait3A_462 : memref<1x128xi32, #tpu.memory_space<hbm>> -> memref<128xi32, #tpu.memory_space<hbm>>
        %dma_wait3A_464 = arith.constant 0 : i32
        %dma_wait3A_465 = tpu.memref_slice %arg7[%dma_wait3A_457, %dma_wait3A_464] : memref<6x128xi32, #tpu.memory_space<vmem>> -> memref<1x128xi32, #tpu.memory_space<vmem>>
        %dma_wait3A_466 = tpu.memref_squeeze %dma_wait3A_465 : memref<1x128xi32, #tpu.memory_space<vmem>> -> memref<128xi32, #tpu.memory_space<vmem>>
        %dma_wait3A_467 = arith.constant 0 : i32
        %dma_wait3A_468 = tpu.memref_slice %arg3[%dma_wait3A_456, %dma_wait3A_467] : memref<2x320000xi32, #tpu.memory_space<hbm>> -> memref<1x128xi32, #tpu.memory_space<hbm>>
        %dma_wait3A_469 = tpu.memref_squeeze %dma_wait3A_468 : memref<1x128xi32, #tpu.memory_space<hbm>> -> memref<128xi32, #tpu.memory_space<hbm>>
        tpu.wait_dma2 semaphore(%arg17 : memref<!tpu.dma_semaphore, #tpu.memory_space<semaphore_mem>>) src(%dma_wait3A_469 : memref<128xi32, #tpu.memory_space<hbm>>) dst(%dma_wait3A_466 : memref<128xi32, #tpu.memory_space<vmem>>)
        %dma_start3A_470 = arith.constant 5 : i32
        %dma_start3A_471 = arith.constant 0 : i32
        %dma_start3A_472 = tpu.memref_slice %arg6[%dma_start3A_470, %dma_start3A_471] : memref<6x128xi32, #tpu.memory_space<vmem>> -> memref<1x128xi32, #tpu.memory_space<vmem>>
        %dma_start3A_473 = tpu.memref_squeeze %dma_start3A_472 : memref<1x128xi32, #tpu.memory_space<vmem>> -> memref<128xi32, #tpu.memory_space<vmem>>
        %dma_start3A_474 = arith.constant 0 : i32
        %dma_start3A_475 = arith.constant 0 : i32
        %dma_start3A_476 = tpu.memref_slice %arg2[%dma_start3A_474, %dma_start3A_475] : memref<10000x128xf32, #tpu.memory_space<hbm>> -> memref<10000x128xf32, #tpu.memory_space<hbm>>
        tpu.enqueue_indirect_dma source(%dma_start3A_476 : memref<10000x128xf32, #tpu.memory_space<hbm>>) target(%arg10 : memref<128x128xf32, #tpu.memory_space<vmem>>) offsets(%dma_start3A_473 : memref<128xi32, #tpu.memory_space<vmem>>) semaphore(%arg20 : memref<!tpu.dma_semaphore, #tpu.memory_space<semaphore_mem>>)
      } else {
      }
      %mul3A_370 = arith.constant 6 : i32
      %mul3A_371 = arith.muli %scan3A_226, %mul3A_370 : i32
      %add3A_372 = arith.constant 4 : i32
      %add3A_373 = arith.addi %mul3A_371, %add3A_372 : i32
      %dma_wait3A_374 = arith.constant 0 : i32
      %dma_wait3A_375 = arith.constant 0 : i32
      %dma_wait3A_376 = tpu.memref_slice %arg2[%dma_wait3A_374, %dma_wait3A_375] : memref<10000x128xf32, #tpu.memory_space<hbm>> -> memref<128x128xf32, #tpu.memory_space<hbm>>
      %dma_wait3A_377 = arith.constant 0 : i32
      %dma_wait3A_378 = arith.constant 0 : i32
      %dma_wait3A_379 = tpu.memref_slice %arg2[%dma_wait3A_377, %dma_wait3A_378] : memref<10000x128xf32, #tpu.memory_space<hbm>> -> memref<128x128xf32, #tpu.memory_space<hbm>>
      tpu.wait_dma2 semaphore(%arg19 : memref<!tpu.dma_semaphore, #tpu.memory_space<semaphore_mem>>) src(%dma_wait3A_379 : memref<128x128xf32, #tpu.memory_space<hbm>>) dst(%arg9 : memref<128x128xf32, #tpu.memory_space<vmem>>)
      %gt3A_380 = arith.constant 0 : i32
      %gt3A_381 = arith.cmpi sgt, %add3A_373, %gt3A_380 : i32
      %convert_element_type3A_382 = arith.extui %gt3A_381 : i1 to i32
      %cond3A_383 = arith.constant 0 : i32
      %cond3A_384 = arith.cmpi ne, %convert_element_type3A_382, %cond3A_383 : i32
      scf.if %cond3A_384 {
        %dma_wait3A_442 = arith.constant 0 : i32
        %dma_wait3A_443 = arith.constant 0 : i32
        %dma_wait3A_444 = tpu.memref_slice %arg11[%dma_wait3A_442, %dma_wait3A_443] : memref<10000x128xf32, #tpu.memory_space<vmem_shared>> -> memref<128x128xf32, #tpu.memory_space<vmem_shared>>
        %dma_wait3A_445 = arith.constant 0 : i32
        %dma_wait3A_446 = arith.constant 0 : i32
        %dma_wait3A_447 = tpu.memref_slice %arg11[%dma_wait3A_445, %dma_wait3A_446] : memref<10000x128xf32, #tpu.memory_space<vmem_shared>> -> memref<128x128xf32, #tpu.memory_space<vmem_shared>>
        tpu.wait_dma2 semaphore(%arg21 : memref<!tpu.dma_semaphore, #tpu.memory_space<semaphore_mem>>) src(%arg8 : memref<128x128xf32, #tpu.memory_space<vmem>>) dst(%dma_wait3A_447 : memref<128x128xf32, #tpu.memory_space<vmem_shared>>)
      } else {
      }
      %dma_start3A_385 = arith.constant 4 : i32
      %dma_start3A_386 = arith.constant 0 : i32
      %dma_start3A_387 = tpu.memref_slice %arg7[%dma_start3A_385, %dma_start3A_386] : memref<6x128xi32, #tpu.memory_space<vmem>> -> memref<1x128xi32, #tpu.memory_space<vmem>>
      %dma_start3A_388 = tpu.memref_squeeze %dma_start3A_387 : memref<1x128xi32, #tpu.memory_space<vmem>> -> memref<128xi32, #tpu.memory_space<vmem>>
      %dma_start3A_389 = arith.constant 0 : i32
      %dma_start3A_390 = arith.constant 0 : i32
      %dma_start3A_391 = tpu.memref_slice %arg11[%dma_start3A_389, %dma_start3A_390] : memref<10000x128xf32, #tpu.memory_space<vmem_shared>> -> memref<10000x128xf32, #tpu.memory_space<vmem_shared>>
      tpu.enqueue_indirect_dma source(%arg9 : memref<128x128xf32, #tpu.memory_space<vmem>>) target(%dma_start3A_391 : memref<10000x128xf32, #tpu.memory_space<vmem_shared>>) offsets(%dma_start3A_388 : memref<128xi32, #tpu.memory_space<vmem>>) semaphore(%arg22 : memref<!tpu.dma_semaphore, #tpu.memory_space<semaphore_mem>>) {add = true}
      %add3A_392 = arith.constant 4 : i32
      %add3A_393 = arith.addi %add3A_373, %add3A_392 : i32
      %lt3A_394 = arith.constant 78 : i32
      %lt3A_395 = arith.cmpi slt, %add3A_393, %lt3A_394 : i32
      %convert_element_type3A_396 = arith.extui %lt3A_395 : i1 to i32
      %cond3A_397 = arith.constant 0 : i32
      %cond3A_398 = arith.cmpi ne, %convert_element_type3A_396, %cond3A_397 : i32
      scf.if %cond3A_398 {
        %add3A_442 = arith.addi %mul3A_2, %add3A_373 : i32
        %add3A_443 = arith.constant 4 : i32
        %add3A_444 = arith.addi %add3A_442, %add3A_443 : i32
        %mul3A_445 = arith.constant 128 : i32
        %mul3A_446 = arith.muli %add3A_444, %mul3A_445 : i32
        %dma_start3A_447 = arith.constant 0 : i32
        %dma_start3A_448 = arith.constant 2 : i32
        %dma_start3A_449 = arith.constant 0 : i32
        %dma_start3A_450 = tpu.memref_slice %arg6[%dma_start3A_448, %dma_start3A_449] : memref<6x128xi32, #tpu.memory_space<vmem>> -> memref<1x128xi32, #tpu.memory_space<vmem>>
        %dma_start3A_451 = tpu.memref_squeeze %dma_start3A_450 : memref<1x128xi32, #tpu.memory_space<vmem>> -> memref<128xi32, #tpu.memory_space<vmem>>
        %dma_start3A_452 = tpu.memref_slice %arg3[%dma_start3A_447, %mul3A_446] : memref<2x320000xi32, #tpu.memory_space<hbm>> -> memref<1x128xi32, #tpu.memory_space<hbm>>
        %dma_start3A_453 = tpu.memref_squeeze %dma_start3A_452 : memref<1x128xi32, #tpu.memory_space<hbm>> -> memref<128xi32, #tpu.memory_space<hbm>>
        %dma_start3A_454 = arith.constant 0 : i32
        %dma_start3A_455 = tpu.memref_slice %arg6[%dma_start3A_448, %dma_start3A_454] : memref<6x128xi32, #tpu.memory_space<vmem>> -> memref<1x128xi32, #tpu.memory_space<vmem>>
        %dma_start3A_456 = tpu.memref_squeeze %dma_start3A_455 : memref<1x128xi32, #tpu.memory_space<vmem>> -> memref<128xi32, #tpu.memory_space<vmem>>
        %dma_start3A_457 = tpu.memref_slice %arg3[%dma_start3A_447, %mul3A_446] : memref<2x320000xi32, #tpu.memory_space<hbm>> -> memref<1x128xi32, #tpu.memory_space<hbm>>
        %dma_start3A_458 = tpu.memref_squeeze %dma_start3A_457 : memref<1x128xi32, #tpu.memory_space<hbm>> -> memref<128xi32, #tpu.memory_space<hbm>>
        tpu.enqueue_dma source(%dma_start3A_458 : memref<128xi32, #tpu.memory_space<hbm>>) target(%dma_start3A_456 : memref<128xi32, #tpu.memory_space<vmem>>) target_semaphore(%arg14 : memref<!tpu.dma_semaphore, #tpu.memory_space<semaphore_mem>>)
        %mul3A_459 = arith.constant 128 : i32
        %mul3A_460 = arith.muli %add3A_444, %mul3A_459 : i32
        %dma_start3A_461 = arith.constant 1 : i32
        %dma_start3A_462 = arith.constant 2 : i32
        %dma_start3A_463 = arith.constant 0 : i32
        %dma_start3A_464 = tpu.memref_slice %arg7[%dma_start3A_462, %dma_start3A_463] : memref<6x128xi32, #tpu.memory_space<vmem>> -> memref<1x128xi32, #tpu.memory_space<vmem>>
        %dma_start3A_465 = tpu.memref_squeeze %dma_start3A_464 : memref<1x128xi32, #tpu.memory_space<vmem>> -> memref<128xi32, #tpu.memory_space<vmem>>
        %dma_start3A_466 = tpu.memref_slice %arg3[%dma_start3A_461, %mul3A_460] : memref<2x320000xi32, #tpu.memory_space<hbm>> -> memref<1x128xi32, #tpu.memory_space<hbm>>
        %dma_start3A_467 = tpu.memref_squeeze %dma_start3A_466 : memref<1x128xi32, #tpu.memory_space<hbm>> -> memref<128xi32, #tpu.memory_space<hbm>>
        %dma_start3A_468 = arith.constant 0 : i32
        %dma_start3A_469 = tpu.memref_slice %arg7[%dma_start3A_462, %dma_start3A_468] : memref<6x128xi32, #tpu.memory_space<vmem>> -> memref<1x128xi32, #tpu.memory_space<vmem>>
        %dma_start3A_470 = tpu.memref_squeeze %dma_start3A_469 : memref<1x128xi32, #tpu.memory_space<vmem>> -> memref<128xi32, #tpu.memory_space<vmem>>
        %dma_start3A_471 = tpu.memref_slice %arg3[%dma_start3A_461, %mul3A_460] : memref<2x320000xi32, #tpu.memory_space<hbm>> -> memref<1x128xi32, #tpu.memory_space<hbm>>
        %dma_start3A_472 = tpu.memref_squeeze %dma_start3A_471 : memref<1x128xi32, #tpu.memory_space<hbm>> -> memref<128xi32, #tpu.memory_space<hbm>>
        tpu.enqueue_dma source(%dma_start3A_472 : memref<128xi32, #tpu.memory_space<hbm>>) target(%dma_start3A_470 : memref<128xi32, #tpu.memory_space<vmem>>) target_semaphore(%arg14 : memref<!tpu.dma_semaphore, #tpu.memory_space<semaphore_mem>>)
      } else {
      }
      %add3A_399 = arith.constant 2 : i32
      %add3A_400 = arith.addi %add3A_373, %add3A_399 : i32
      %lt3A_401 = arith.constant 78 : i32
      %lt3A_402 = arith.cmpi slt, %add3A_400, %lt3A_401 : i32
      %convert_element_type3A_403 = arith.extui %lt3A_402 : i1 to i32
      %cond3A_404 = arith.constant 0 : i32
      %cond3A_405 = arith.cmpi ne, %convert_element_type3A_403, %cond3A_404 : i32
      scf.if %cond3A_405 {
        %dma_wait3A_442 = arith.constant 0 : i32
        %dma_wait3A_443 = arith.constant 0 : i32
        %dma_wait3A_444 = arith.constant 0 : i32
        %dma_wait3A_445 = tpu.memref_slice %arg6[%dma_wait3A_443, %dma_wait3A_444] : memref<6x128xi32, #tpu.memory_space<vmem>> -> memref<1x128xi32, #tpu.memory_space<vmem>>
        %dma_wait3A_446 = tpu.memref_squeeze %dma_wait3A_445 : memref<1x128xi32, #tpu.memory_space<vmem>> -> memref<128xi32, #tpu.memory_space<vmem>>
        %dma_wait3A_447 = arith.constant 0 : i32
        %dma_wait3A_448 = tpu.memref_slice %arg3[%dma_wait3A_442, %dma_wait3A_447] : memref<2x320000xi32, #tpu.memory_space<hbm>> -> memref<1x128xi32, #tpu.memory_space<hbm>>
        %dma_wait3A_449 = tpu.memref_squeeze %dma_wait3A_448 : memref<1x128xi32, #tpu.memory_space<hbm>> -> memref<128xi32, #tpu.memory_space<hbm>>
        %dma_wait3A_450 = arith.constant 0 : i32
        %dma_wait3A_451 = tpu.memref_slice %arg6[%dma_wait3A_443, %dma_wait3A_450] : memref<6x128xi32, #tpu.memory_space<vmem>> -> memref<1x128xi32, #tpu.memory_space<vmem>>
        %dma_wait3A_452 = tpu.memref_squeeze %dma_wait3A_451 : memref<1x128xi32, #tpu.memory_space<vmem>> -> memref<128xi32, #tpu.memory_space<vmem>>
        %dma_wait3A_453 = arith.constant 0 : i32
        %dma_wait3A_454 = tpu.memref_slice %arg3[%dma_wait3A_442, %dma_wait3A_453] : memref<2x320000xi32, #tpu.memory_space<hbm>> -> memref<1x128xi32, #tpu.memory_space<hbm>>
        %dma_wait3A_455 = tpu.memref_squeeze %dma_wait3A_454 : memref<1x128xi32, #tpu.memory_space<hbm>> -> memref<128xi32, #tpu.memory_space<hbm>>
        tpu.wait_dma2 semaphore(%arg12 : memref<!tpu.dma_semaphore, #tpu.memory_space<semaphore_mem>>) src(%dma_wait3A_455 : memref<128xi32, #tpu.memory_space<hbm>>) dst(%dma_wait3A_452 : memref<128xi32, #tpu.memory_space<vmem>>)
        %dma_wait3A_456 = arith.constant 1 : i32
        %dma_wait3A_457 = arith.constant 0 : i32
        %dma_wait3A_458 = arith.constant 0 : i32
        %dma_wait3A_459 = tpu.memref_slice %arg7[%dma_wait3A_457, %dma_wait3A_458] : memref<6x128xi32, #tpu.memory_space<vmem>> -> memref<1x128xi32, #tpu.memory_space<vmem>>
        %dma_wait3A_460 = tpu.memref_squeeze %dma_wait3A_459 : memref<1x128xi32, #tpu.memory_space<vmem>> -> memref<128xi32, #tpu.memory_space<vmem>>
        %dma_wait3A_461 = arith.constant 0 : i32
        %dma_wait3A_462 = tpu.memref_slice %arg3[%dma_wait3A_456, %dma_wait3A_461] : memref<2x320000xi32, #tpu.memory_space<hbm>> -> memref<1x128xi32, #tpu.memory_space<hbm>>
        %dma_wait3A_463 = tpu.memref_squeeze %dma_wait3A_462 : memref<1x128xi32, #tpu.memory_space<hbm>> -> memref<128xi32, #tpu.memory_space<hbm>>
        %dma_wait3A_464 = arith.constant 0 : i32
        %dma_wait3A_465 = tpu.memref_slice %arg7[%dma_wait3A_457, %dma_wait3A_464] : memref<6x128xi32, #tpu.memory_space<vmem>> -> memref<1x128xi32, #tpu.memory_space<vmem>>
        %dma_wait3A_466 = tpu.memref_squeeze %dma_wait3A_465 : memref<1x128xi32, #tpu.memory_space<vmem>> -> memref<128xi32, #tpu.memory_space<vmem>>
        %dma_wait3A_467 = arith.constant 0 : i32
        %dma_wait3A_468 = tpu.memref_slice %arg3[%dma_wait3A_456, %dma_wait3A_467] : memref<2x320000xi32, #tpu.memory_space<hbm>> -> memref<1x128xi32, #tpu.memory_space<hbm>>
        %dma_wait3A_469 = tpu.memref_squeeze %dma_wait3A_468 : memref<1x128xi32, #tpu.memory_space<hbm>> -> memref<128xi32, #tpu.memory_space<hbm>>
        tpu.wait_dma2 semaphore(%arg12 : memref<!tpu.dma_semaphore, #tpu.memory_space<semaphore_mem>>) src(%dma_wait3A_469 : memref<128xi32, #tpu.memory_space<hbm>>) dst(%dma_wait3A_466 : memref<128xi32, #tpu.memory_space<vmem>>)
        %dma_start3A_470 = arith.constant 0 : i32
        %dma_start3A_471 = arith.constant 0 : i32
        %dma_start3A_472 = tpu.memref_slice %arg6[%dma_start3A_470, %dma_start3A_471] : memref<6x128xi32, #tpu.memory_space<vmem>> -> memref<1x128xi32, #tpu.memory_space<vmem>>
        %dma_start3A_473 = tpu.memref_squeeze %dma_start3A_472 : memref<1x128xi32, #tpu.memory_space<vmem>> -> memref<128xi32, #tpu.memory_space<vmem>>
        %dma_start3A_474 = arith.constant 0 : i32
        %dma_start3A_475 = arith.constant 0 : i32
        %dma_start3A_476 = tpu.memref_slice %arg2[%dma_start3A_474, %dma_start3A_475] : memref<10000x128xf32, #tpu.memory_space<hbm>> -> memref<10000x128xf32, #tpu.memory_space<hbm>>
        tpu.enqueue_indirect_dma source(%dma_start3A_476 : memref<10000x128xf32, #tpu.memory_space<hbm>>) target(%arg8 : memref<128x128xf32, #tpu.memory_space<vmem>>) offsets(%dma_start3A_473 : memref<128xi32, #tpu.memory_space<vmem>>) semaphore(%arg18 : memref<!tpu.dma_semaphore, #tpu.memory_space<semaphore_mem>>)
      } else {
      }
      %mul3A_406 = arith.constant 6 : i32
      %mul3A_407 = arith.muli %scan3A_226, %mul3A_406 : i32
      %add3A_408 = arith.constant 5 : i32
      %add3A_409 = arith.addi %mul3A_407, %add3A_408 : i32
      %dma_wait3A_410 = arith.constant 0 : i32
      %dma_wait3A_411 = arith.constant 0 : i32
      %dma_wait3A_412 = tpu.memref_slice %arg2[%dma_wait3A_410, %dma_wait3A_411] : memref<10000x128xf32, #tpu.memory_space<hbm>> -> memref<128x128xf32, #tpu.memory_space<hbm>>
      %dma_wait3A_413 = arith.constant 0 : i32
      %dma_wait3A_414 = arith.constant 0 : i32
      %dma_wait3A_415 = tpu.memref_slice %arg2[%dma_wait3A_413, %dma_wait3A_414] : memref<10000x128xf32, #tpu.memory_space<hbm>> -> memref<128x128xf32, #tpu.memory_space<hbm>>
      tpu.wait_dma2 semaphore(%arg20 : memref<!tpu.dma_semaphore, #tpu.memory_space<semaphore_mem>>) src(%dma_wait3A_415 : memref<128x128xf32, #tpu.memory_space<hbm>>) dst(%arg10 : memref<128x128xf32, #tpu.memory_space<vmem>>)
      %gt3A_416 = arith.constant 0 : i32
      %gt3A_417 = arith.cmpi sgt, %add3A_409, %gt3A_416 : i32
      %convert_element_type3A_418 = arith.extui %gt3A_417 : i1 to i32
      %cond3A_419 = arith.constant 0 : i32
      %cond3A_420 = arith.cmpi ne, %convert_element_type3A_418, %cond3A_419 : i32
      scf.if %cond3A_420 {
        %dma_wait3A_442 = arith.constant 0 : i32
        %dma_wait3A_443 = arith.constant 0 : i32
        %dma_wait3A_444 = tpu.memref_slice %arg11[%dma_wait3A_442, %dma_wait3A_443] : memref<10000x128xf32, #tpu.memory_space<vmem_shared>> -> memref<128x128xf32, #tpu.memory_space<vmem_shared>>
        %dma_wait3A_445 = arith.constant 0 : i32
        %dma_wait3A_446 = arith.constant 0 : i32
        %dma_wait3A_447 = tpu.memref_slice %arg11[%dma_wait3A_445, %dma_wait3A_446] : memref<10000x128xf32, #tpu.memory_space<vmem_shared>> -> memref<128x128xf32, #tpu.memory_space<vmem_shared>>
        tpu.wait_dma2 semaphore(%arg22 : memref<!tpu.dma_semaphore, #tpu.memory_space<semaphore_mem>>) src(%arg9 : memref<128x128xf32, #tpu.memory_space<vmem>>) dst(%dma_wait3A_447 : memref<128x128xf32, #tpu.memory_space<vmem_shared>>)
      } else {
      }
      %dma_start3A_421 = arith.constant 5 : i32
      %dma_start3A_422 = arith.constant 0 : i32
      %dma_start3A_423 = tpu.memref_slice %arg7[%dma_start3A_421, %dma_start3A_422] : memref<6x128xi32, #tpu.memory_space<vmem>> -> memref<1x128xi32, #tpu.memory_space<vmem>>
      %dma_start3A_424 = tpu.memref_squeeze %dma_start3A_423 : memref<1x128xi32, #tpu.memory_space<vmem>> -> memref<128xi32, #tpu.memory_space<vmem>>
      %dma_start3A_425 = arith.constant 0 : i32
      %dma_start3A_426 = arith.constant 0 : i32
      %dma_start3A_427 = tpu.memref_slice %arg11[%dma_start3A_425, %dma_start3A_426] : memref<10000x128xf32, #tpu.memory_space<vmem_shared>> -> memref<10000x128xf32, #tpu.memory_space<vmem_shared>>
      tpu.enqueue_indirect_dma source(%arg10 : memref<128x128xf32, #tpu.memory_space<vmem>>) target(%dma_start3A_427 : memref<10000x128xf32, #tpu.memory_space<vmem_shared>>) offsets(%dma_start3A_424 : memref<128xi32, #tpu.memory_space<vmem>>) semaphore(%arg23 : memref<!tpu.dma_semaphore, #tpu.memory_space<semaphore_mem>>) {add = true}
      %add3A_428 = arith.constant 4 : i32
      %add3A_429 = arith.addi %add3A_409, %add3A_428 : i32
      %lt3A_430 = arith.constant 78 : i32
      %lt3A_431 = arith.cmpi slt, %add3A_429, %lt3A_430 : i32
      %convert_element_type3A_432 = arith.extui %lt3A_431 : i1 to i32
      %cond3A_433 = arith.constant 0 : i32
      %cond3A_434 = arith.cmpi ne, %convert_element_type3A_432, %cond3A_433 : i32
      scf.if %cond3A_434 {
        %add3A_442 = arith.addi %mul3A_2, %add3A_409 : i32
        %add3A_443 = arith.constant 4 : i32
        %add3A_444 = arith.addi %add3A_442, %add3A_443 : i32
        %mul3A_445 = arith.constant 128 : i32
        %mul3A_446 = arith.muli %add3A_444, %mul3A_445 : i32
        %dma_start3A_447 = arith.constant 0 : i32
        %dma_start3A_448 = arith.constant 3 : i32
        %dma_start3A_449 = arith.constant 0 : i32
        %dma_start3A_450 = tpu.memref_slice %arg6[%dma_start3A_448, %dma_start3A_449] : memref<6x128xi32, #tpu.memory_space<vmem>> -> memref<1x128xi32, #tpu.memory_space<vmem>>
        %dma_start3A_451 = tpu.memref_squeeze %dma_start3A_450 : memref<1x128xi32, #tpu.memory_space<vmem>> -> memref<128xi32, #tpu.memory_space<vmem>>
        %dma_start3A_452 = tpu.memref_slice %arg3[%dma_start3A_447, %mul3A_446] : memref<2x320000xi32, #tpu.memory_space<hbm>> -> memref<1x128xi32, #tpu.memory_space<hbm>>
        %dma_start3A_453 = tpu.memref_squeeze %dma_start3A_452 : memref<1x128xi32, #tpu.memory_space<hbm>> -> memref<128xi32, #tpu.memory_space<hbm>>
        %dma_start3A_454 = arith.constant 0 : i32
        %dma_start3A_455 = tpu.memref_slice %arg6[%dma_start3A_448, %dma_start3A_454] : memref<6x128xi32, #tpu.memory_space<vmem>> -> memref<1x128xi32, #tpu.memory_space<vmem>>
        %dma_start3A_456 = tpu.memref_squeeze %dma_start3A_455 : memref<1x128xi32, #tpu.memory_space<vmem>> -> memref<128xi32, #tpu.memory_space<vmem>>
        %dma_start3A_457 = tpu.memref_slice %arg3[%dma_start3A_447, %mul3A_446] : memref<2x320000xi32, #tpu.memory_space<hbm>> -> memref<1x128xi32, #tpu.memory_space<hbm>>
        %dma_start3A_458 = tpu.memref_squeeze %dma_start3A_457 : memref<1x128xi32, #tpu.memory_space<hbm>> -> memref<128xi32, #tpu.memory_space<hbm>>
        tpu.enqueue_dma source(%dma_start3A_458 : memref<128xi32, #tpu.memory_space<hbm>>) target(%dma_start3A_456 : memref<128xi32, #tpu.memory_space<vmem>>) target_semaphore(%arg15 : memref<!tpu.dma_semaphore, #tpu.memory_space<semaphore_mem>>)
        %mul3A_459 = arith.constant 128 : i32
        %mul3A_460 = arith.muli %add3A_444, %mul3A_459 : i32
        %dma_start3A_461 = arith.constant 1 : i32
        %dma_start3A_462 = arith.constant 3 : i32
        %dma_start3A_463 = arith.constant 0 : i32
        %dma_start3A_464 = tpu.memref_slice %arg7[%dma_start3A_462, %dma_start3A_463] : memref<6x128xi32, #tpu.memory_space<vmem>> -> memref<1x128xi32, #tpu.memory_space<vmem>>
        %dma_start3A_465 = tpu.memref_squeeze %dma_start3A_464 : memref<1x128xi32, #tpu.memory_space<vmem>> -> memref<128xi32, #tpu.memory_space<vmem>>
        %dma_start3A_466 = tpu.memref_slice %arg3[%dma_start3A_461, %mul3A_460] : memref<2x320000xi32, #tpu.memory_space<hbm>> -> memref<1x128xi32, #tpu.memory_space<hbm>>
        %dma_start3A_467 = tpu.memref_squeeze %dma_start3A_466 : memref<1x128xi32, #tpu.memory_space<hbm>> -> memref<128xi32, #tpu.memory_space<hbm>>
        %dma_start3A_468 = arith.constant 0 : i32
        %dma_start3A_469 = tpu.memref_slice %arg7[%dma_start3A_462, %dma_start3A_468] : memref<6x128xi32, #tpu.memory_space<vmem>> -> memref<1x128xi32, #tpu.memory_space<vmem>>
        %dma_start3A_470 = tpu.memref_squeeze %dma_start3A_469 : memref<1x128xi32, #tpu.memory_space<vmem>> -> memref<128xi32, #tpu.memory_space<vmem>>
        %dma_start3A_471 = tpu.memref_slice %arg3[%dma_start3A_461, %mul3A_460] : memref<2x320000xi32, #tpu.memory_space<hbm>> -> memref<1x128xi32, #tpu.memory_space<hbm>>
        %dma_start3A_472 = tpu.memref_squeeze %dma_start3A_471 : memref<1x128xi32, #tpu.memory_space<hbm>> -> memref<128xi32, #tpu.memory_space<hbm>>
        tpu.enqueue_dma source(%dma_start3A_472 : memref<128xi32, #tpu.memory_space<hbm>>) target(%dma_start3A_470 : memref<128xi32, #tpu.memory_space<vmem>>) target_semaphore(%arg15 : memref<!tpu.dma_semaphore, #tpu.memory_space<semaphore_mem>>)
      } else {
      }
      %add3A_435 = arith.constant 2 : i32
      %add3A_436 = arith.addi %add3A_409, %add3A_435 : i32
      %lt3A_437 = arith.constant 78 : i32
      %lt3A_438 = arith.cmpi slt, %add3A_436, %lt3A_437 : i32
      %convert_element_type3A_439 = arith.extui %lt3A_438 : i1 to i32
      %cond3A_440 = arith.constant 0 : i32
      %cond3A_441 = arith.cmpi ne, %convert_element_type3A_439, %cond3A_440 : i32
      scf.if %cond3A_441 {
        %dma_wait3A_442 = arith.constant 0 : i32
        %dma_wait3A_443 = arith.constant 1 : i32
        %dma_wait3A_444 = arith.constant 0 : i32
        %dma_wait3A_445 = tpu.memref_slice %arg6[%dma_wait3A_443, %dma_wait3A_444] : memref<6x128xi32, #tpu.memory_space<vmem>> -> memref<1x128xi32, #tpu.memory_space<vmem>>
        %dma_wait3A_446 = tpu.memref_squeeze %dma_wait3A_445 : memref<1x128xi32, #tpu.memory_space<vmem>> -> memref<128xi32, #tpu.memory_space<vmem>>
        %dma_wait3A_447 = arith.constant 0 : i32
        %dma_wait3A_448 = tpu.memref_slice %arg3[%dma_wait3A_442, %dma_wait3A_447] : memref<2x320000xi32, #tpu.memory_space<hbm>> -> memref<1x128xi32, #tpu.memory_space<hbm>>
        %dma_wait3A_449 = tpu.memref_squeeze %dma_wait3A_448 : memref<1x128xi32, #tpu.memory_space<hbm>> -> memref<128xi32, #tpu.memory_space<hbm>>
        %dma_wait3A_450 = arith.constant 0 : i32
        %dma_wait3A_451 = tpu.memref_slice %arg6[%dma_wait3A_443, %dma_wait3A_450] : memref<6x128xi32, #tpu.memory_space<vmem>> -> memref<1x128xi32, #tpu.memory_space<vmem>>
        %dma_wait3A_452 = tpu.memref_squeeze %dma_wait3A_451 : memref<1x128xi32, #tpu.memory_space<vmem>> -> memref<128xi32, #tpu.memory_space<vmem>>
        %dma_wait3A_453 = arith.constant 0 : i32
        %dma_wait3A_454 = tpu.memref_slice %arg3[%dma_wait3A_442, %dma_wait3A_453] : memref<2x320000xi32, #tpu.memory_space<hbm>> -> memref<1x128xi32, #tpu.memory_space<hbm>>
        %dma_wait3A_455 = tpu.memref_squeeze %dma_wait3A_454 : memref<1x128xi32, #tpu.memory_space<hbm>> -> memref<128xi32, #tpu.memory_space<hbm>>
        tpu.wait_dma2 semaphore(%arg13 : memref<!tpu.dma_semaphore, #tpu.memory_space<semaphore_mem>>) src(%dma_wait3A_455 : memref<128xi32, #tpu.memory_space<hbm>>) dst(%dma_wait3A_452 : memref<128xi32, #tpu.memory_space<vmem>>)
        %dma_wait3A_456 = arith.constant 1 : i32
        %dma_wait3A_457 = arith.constant 1 : i32
        %dma_wait3A_458 = arith.constant 0 : i32
        %dma_wait3A_459 = tpu.memref_slice %arg7[%dma_wait3A_457, %dma_wait3A_458] : memref<6x128xi32, #tpu.memory_space<vmem>> -> memref<1x128xi32, #tpu.memory_space<vmem>>
        %dma_wait3A_460 = tpu.memref_squeeze %dma_wait3A_459 : memref<1x128xi32, #tpu.memory_space<vmem>> -> memref<128xi32, #tpu.memory_space<vmem>>
        %dma_wait3A_461 = arith.constant 0 : i32
        %dma_wait3A_462 = tpu.memref_slice %arg3[%dma_wait3A_456, %dma_wait3A_461] : memref<2x320000xi32, #tpu.memory_space<hbm>> -> memref<1x128xi32, #tpu.memory_space<hbm>>
        %dma_wait3A_463 = tpu.memref_squeeze %dma_wait3A_462 : memref<1x128xi32, #tpu.memory_space<hbm>> -> memref<128xi32, #tpu.memory_space<hbm>>
        %dma_wait3A_464 = arith.constant 0 : i32
        %dma_wait3A_465 = tpu.memref_slice %arg7[%dma_wait3A_457, %dma_wait3A_464] : memref<6x128xi32, #tpu.memory_space<vmem>> -> memref<1x128xi32, #tpu.memory_space<vmem>>
        %dma_wait3A_466 = tpu.memref_squeeze %dma_wait3A_465 : memref<1x128xi32, #tpu.memory_space<vmem>> -> memref<128xi32, #tpu.memory_space<vmem>>
        %dma_wait3A_467 = arith.constant 0 : i32
        %dma_wait3A_468 = tpu.memref_slice %arg3[%dma_wait3A_456, %dma_wait3A_467] : memref<2x320000xi32, #tpu.memory_space<hbm>> -> memref<1x128xi32, #tpu.memory_space<hbm>>
        %dma_wait3A_469 = tpu.memref_squeeze %dma_wait3A_468 : memref<1x128xi32, #tpu.memory_space<hbm>> -> memref<128xi32, #tpu.memory_space<hbm>>
        tpu.wait_dma2 semaphore(%arg13 : memref<!tpu.dma_semaphore, #tpu.memory_space<semaphore_mem>>) src(%dma_wait3A_469 : memref<128xi32, #tpu.memory_space<hbm>>) dst(%dma_wait3A_466 : memref<128xi32, #tpu.memory_space<vmem>>)
        %dma_start3A_470 = arith.constant 1 : i32
        %dma_start3A_471 = arith.constant 0 : i32
        %dma_start3A_472 = tpu.memref_slice %arg6[%dma_start3A_470, %dma_start3A_471] : memref<6x128xi32, #tpu.memory_space<vmem>> -> memref<1x128xi32, #tpu.memory_space<vmem>>
        %dma_start3A_473 = tpu.memref_squeeze %dma_start3A_472 : memref<1x128xi32, #tpu.memory_space<vmem>> -> memref<128xi32, #tpu.memory_space<vmem>>
        %dma_start3A_474 = arith.constant 0 : i32
        %dma_start3A_475 = arith.constant 0 : i32
        %dma_start3A_476 = tpu.memref_slice %arg2[%dma_start3A_474, %dma_start3A_475] : memref<10000x128xf32, #tpu.memory_space<hbm>> -> memref<10000x128xf32, #tpu.memory_space<hbm>>
        tpu.enqueue_indirect_dma source(%dma_start3A_476 : memref<10000x128xf32, #tpu.memory_space<hbm>>) target(%arg9 : memref<128x128xf32, #tpu.memory_space<vmem>>) offsets(%dma_start3A_473 : memref<128xi32, #tpu.memory_space<vmem>>) semaphore(%arg19 : memref<!tpu.dma_semaphore, #tpu.memory_space<semaphore_mem>>)
      } else {
      }
    }
    %scan3A_203 = arith.constant 13 : i32
    %dma_wait3A_204 = arith.constant 0 : i32
    %dma_wait3A_205 = arith.constant 0 : i32
    %dma_wait3A_206 = tpu.memref_slice %arg11[%dma_wait3A_204, %dma_wait3A_205] : memref<10000x128xf32, #tpu.memory_space<vmem_shared>> -> memref<128x128xf32, #tpu.memory_space<vmem_shared>>
    %dma_wait3A_207 = arith.constant 0 : i32
    %dma_wait3A_208 = arith.constant 0 : i32
    %dma_wait3A_209 = tpu.memref_slice %arg11[%dma_wait3A_207, %dma_wait3A_208] : memref<10000x128xf32, #tpu.memory_space<vmem_shared>> -> memref<128x128xf32, #tpu.memory_space<vmem_shared>>
    tpu.wait_dma2 semaphore(%arg23 : memref<!tpu.dma_semaphore, #tpu.memory_space<semaphore_mem>>) src(%arg10 : memref<128x128xf32, #tpu.memory_space<vmem>>) dst(%dma_wait3A_209 : memref<128x128xf32, #tpu.memory_space<vmem_shared>>)
    %lt3A_210 = arith.constant 4 : i32
    %lt3A_211 = arith.cmpi slt, %add3A, %lt3A_210 : i32
    %convert_element_type3A_212 = arith.extui %lt3A_211 : i1 to i32
    %cond3A_213 = arith.constant 0 : i32
    %cond3A_214 = arith.cmpi ne, %convert_element_type3A_212, %cond3A_213 : i32
    scf.if %cond3A_214 {
      %add3A_226 = arith.constant 2496 : i32
      %add3A_227 = arith.addi %add3A_226, %add3A : i32
      %mul3A_228 = arith.constant 128 : i32
      %mul3A_229 = arith.muli %add3A_227, %mul3A_228 : i32
      %dma_start3A_230 = arith.constant 0 : i32
      %dma_start3A_231 = arith.constant 0 : i32
      %dma_start3A_232 = arith.constant 0 : i32
      %dma_start3A_233 = tpu.memref_slice %arg6[%dma_start3A_231, %dma_start3A_232] : memref<6x128xi32, #tpu.memory_space<vmem>> -> memref<1x128xi32, #tpu.memory_space<vmem>>
      %dma_start3A_234 = tpu.memref_squeeze %dma_start3A_233 : memref<1x128xi32, #tpu.memory_space<vmem>> -> memref<128xi32, #tpu.memory_space<vmem>>
      %dma_start3A_235 = tpu.memref_slice %arg3[%dma_start3A_230, %mul3A_229] : memref<2x320000xi32, #tpu.memory_space<hbm>> -> memref<1x128xi32, #tpu.memory_space<hbm>>
      %dma_start3A_236 = tpu.memref_squeeze %dma_start3A_235 : memref<1x128xi32, #tpu.memory_space<hbm>> -> memref<128xi32, #tpu.memory_space<hbm>>
      %dma_start3A_237 = arith.constant 0 : i32
      %dma_start3A_238 = tpu.memref_slice %arg6[%dma_start3A_231, %dma_start3A_237] : memref<6x128xi32, #tpu.memory_space<vmem>> -> memref<1x128xi32, #tpu.memory_space<vmem>>
      %dma_start3A_239 = tpu.memref_squeeze %dma_start3A_238 : memref<1x128xi32, #tpu.memory_space<vmem>> -> memref<128xi32, #tpu.memory_space<vmem>>
      %dma_start3A_240 = tpu.memref_slice %arg3[%dma_start3A_230, %mul3A_229] : memref<2x320000xi32, #tpu.memory_space<hbm>> -> memref<1x128xi32, #tpu.memory_space<hbm>>
      %dma_start3A_241 = tpu.memref_squeeze %dma_start3A_240 : memref<1x128xi32, #tpu.memory_space<hbm>> -> memref<128xi32, #tpu.memory_space<hbm>>
      tpu.enqueue_dma source(%dma_start3A_241 : memref<128xi32, #tpu.memory_space<hbm>>) target(%dma_start3A_239 : memref<128xi32, #tpu.memory_space<vmem>>) target_semaphore(%arg12 : memref<!tpu.dma_semaphore, #tpu.memory_space<semaphore_mem>>)
      %mul3A_242 = arith.constant 128 : i32
      %mul3A_243 = arith.muli %add3A_227, %mul3A_242 : i32
      %dma_start3A_244 = arith.constant 1 : i32
      %dma_start3A_245 = arith.constant 0 : i32
      %dma_start3A_246 = arith.constant 0 : i32
      %dma_start3A_247 = tpu.memref_slice %arg7[%dma_start3A_245, %dma_start3A_246] : memref<6x128xi32, #tpu.memory_space<vmem>> -> memref<1x128xi32, #tpu.memory_space<vmem>>
      %dma_start3A_248 = tpu.memref_squeeze %dma_start3A_247 : memref<1x128xi32, #tpu.memory_space<vmem>> -> memref<128xi32, #tpu.memory_space<vmem>>
      %dma_start3A_249 = tpu.memref_slice %arg3[%dma_start3A_244, %mul3A_243] : memref<2x320000xi32, #tpu.memory_space<hbm>> -> memref<1x128xi32, #tpu.memory_space<hbm>>
      %dma_start3A_250 = tpu.memref_squeeze %dma_start3A_249 : memref<1x128xi32, #tpu.memory_space<hbm>> -> memref<128xi32, #tpu.memory_space<hbm>>
      %dma_start3A_251 = arith.constant 0 : i32
      %dma_start3A_252 = tpu.memref_slice %arg7[%dma_start3A_245, %dma_start3A_251] : memref<6x128xi32, #tpu.memory_space<vmem>> -> memref<1x128xi32, #tpu.memory_space<vmem>>
      %dma_start3A_253 = tpu.memref_squeeze %dma_start3A_252 : memref<1x128xi32, #tpu.memory_space<vmem>> -> memref<128xi32, #tpu.memory_space<vmem>>
      %dma_start3A_254 = tpu.memref_slice %arg3[%dma_start3A_244, %mul3A_243] : memref<2x320000xi32, #tpu.memory_space<hbm>> -> memref<1x128xi32, #tpu.memory_space<hbm>>
      %dma_start3A_255 = tpu.memref_squeeze %dma_start3A_254 : memref<1x128xi32, #tpu.memory_space<hbm>> -> memref<128xi32, #tpu.memory_space<hbm>>
      tpu.enqueue_dma source(%dma_start3A_255 : memref<128xi32, #tpu.memory_space<hbm>>) target(%dma_start3A_253 : memref<128xi32, #tpu.memory_space<vmem>>) target_semaphore(%arg12 : memref<!tpu.dma_semaphore, #tpu.memory_space<semaphore_mem>>)
      %dma_wait3A_256 = arith.constant 0 : i32
      %dma_wait3A_257 = arith.constant 0 : i32
      %dma_wait3A_258 = arith.constant 0 : i32
      %dma_wait3A_259 = tpu.memref_slice %arg6[%dma_wait3A_257, %dma_wait3A_258] : memref<6x128xi32, #tpu.memory_space<vmem>> -> memref<1x128xi32, #tpu.memory_space<vmem>>
      %dma_wait3A_260 = tpu.memref_squeeze %dma_wait3A_259 : memref<1x128xi32, #tpu.memory_space<vmem>> -> memref<128xi32, #tpu.memory_space<vmem>>
      %dma_wait3A_261 = arith.constant 0 : i32
      %dma_wait3A_262 = tpu.memref_slice %arg3[%dma_wait3A_256, %dma_wait3A_261] : memref<2x320000xi32, #tpu.memory_space<hbm>> -> memref<1x128xi32, #tpu.memory_space<hbm>>
      %dma_wait3A_263 = tpu.memref_squeeze %dma_wait3A_262 : memref<1x128xi32, #tpu.memory_space<hbm>> -> memref<128xi32, #tpu.memory_space<hbm>>
      %dma_wait3A_264 = arith.constant 0 : i32
      %dma_wait3A_265 = tpu.memref_slice %arg6[%dma_wait3A_257, %dma_wait3A_264] : memref<6x128xi32, #tpu.memory_space<vmem>> -> memref<1x128xi32, #tpu.memory_space<vmem>>
      %dma_wait3A_266 = tpu.memref_squeeze %dma_wait3A_265 : memref<1x128xi32, #tpu.memory_space<vmem>> -> memref<128xi32, #tpu.memory_space<vmem>>
      %dma_wait3A_267 = arith.constant 0 : i32
      %dma_wait3A_268 = tpu.memref_slice %arg3[%dma_wait3A_256, %dma_wait3A_267] : memref<2x320000xi32, #tpu.memory_space<hbm>> -> memref<1x128xi32, #tpu.memory_space<hbm>>
      %dma_wait3A_269 = tpu.memref_squeeze %dma_wait3A_268 : memref<1x128xi32, #tpu.memory_space<hbm>> -> memref<128xi32, #tpu.memory_space<hbm>>
      tpu.wait_dma2 semaphore(%arg12 : memref<!tpu.dma_semaphore, #tpu.memory_space<semaphore_mem>>) src(%dma_wait3A_269 : memref<128xi32, #tpu.memory_space<hbm>>) dst(%dma_wait3A_266 : memref<128xi32, #tpu.memory_space<vmem>>)
      %dma_wait3A_270 = arith.constant 1 : i32
      %dma_wait3A_271 = arith.constant 0 : i32
      %dma_wait3A_272 = arith.constant 0 : i32
      %dma_wait3A_273 = tpu.memref_slice %arg7[%dma_wait3A_271, %dma_wait3A_272] : memref<6x128xi32, #tpu.memory_space<vmem>> -> memref<1x128xi32, #tpu.memory_space<vmem>>
      %dma_wait3A_274 = tpu.memref_squeeze %dma_wait3A_273 : memref<1x128xi32, #tpu.memory_space<vmem>> -> memref<128xi32, #tpu.memory_space<vmem>>
      %dma_wait3A_275 = arith.constant 0 : i32
      %dma_wait3A_276 = tpu.memref_slice %arg3[%dma_wait3A_270, %dma_wait3A_275] : memref<2x320000xi32, #tpu.memory_space<hbm>> -> memref<1x128xi32, #tpu.memory_space<hbm>>
      %dma_wait3A_277 = tpu.memref_squeeze %dma_wait3A_276 : memref<1x128xi32, #tpu.memory_space<hbm>> -> memref<128xi32, #tpu.memory_space<hbm>>
      %dma_wait3A_278 = arith.constant 0 : i32
      %dma_wait3A_279 = tpu.memref_slice %arg7[%dma_wait3A_271, %dma_wait3A_278] : memref<6x128xi32, #tpu.memory_space<vmem>> -> memref<1x128xi32, #tpu.memory_space<vmem>>
      %dma_wait3A_280 = tpu.memref_squeeze %dma_wait3A_279 : memref<1x128xi32, #tpu.memory_space<vmem>> -> memref<128xi32, #tpu.memory_space<vmem>>
      %dma_wait3A_281 = arith.constant 0 : i32
      %dma_wait3A_282 = tpu.memref_slice %arg3[%dma_wait3A_270, %dma_wait3A_281] : memref<2x320000xi32, #tpu.memory_space<hbm>> -> memref<1x128xi32, #tpu.memory_space<hbm>>
      %dma_wait3A_283 = tpu.memref_squeeze %dma_wait3A_282 : memref<1x128xi32, #tpu.memory_space<hbm>> -> memref<128xi32, #tpu.memory_space<hbm>>
      tpu.wait_dma2 semaphore(%arg12 : memref<!tpu.dma_semaphore, #tpu.memory_space<semaphore_mem>>) src(%dma_wait3A_283 : memref<128xi32, #tpu.memory_space<hbm>>) dst(%dma_wait3A_280 : memref<128xi32, #tpu.memory_space<vmem>>)
      %dma_start3A_284 = arith.constant 0 : i32
      %dma_start3A_285 = arith.constant 0 : i32
      %dma_start3A_286 = tpu.memref_slice %arg6[%dma_start3A_284, %dma_start3A_285] : memref<6x128xi32, #tpu.memory_space<vmem>> -> memref<1x128xi32, #tpu.memory_space<vmem>>
      %dma_start3A_287 = tpu.memref_squeeze %dma_start3A_286 : memref<1x128xi32, #tpu.memory_space<vmem>> -> memref<128xi32, #tpu.memory_space<vmem>>
      %dma_start3A_288 = arith.constant 0 : i32
      %dma_start3A_289 = arith.constant 0 : i32
      %dma_start3A_290 = tpu.memref_slice %arg2[%dma_start3A_288, %dma_start3A_289] : memref<10000x128xf32, #tpu.memory_space<hbm>> -> memref<10000x128xf32, #tpu.memory_space<hbm>>
      tpu.enqueue_indirect_dma source(%dma_start3A_290 : memref<10000x128xf32, #tpu.memory_space<hbm>>) target(%arg8 : memref<128x128xf32, #tpu.memory_space<vmem>>) offsets(%dma_start3A_287 : memref<128xi32, #tpu.memory_space<vmem>>) semaphore(%arg18 : memref<!tpu.dma_semaphore, #tpu.memory_space<semaphore_mem>>)
      %dma_wait3A_291 = arith.constant 0 : i32
      %dma_wait3A_292 = arith.constant 0 : i32
      %dma_wait3A_293 = tpu.memref_slice %arg2[%dma_wait3A_291, %dma_wait3A_292] : memref<10000x128xf32, #tpu.memory_space<hbm>> -> memref<128x128xf32, #tpu.memory_space<hbm>>
      %dma_wait3A_294 = arith.constant 0 : i32
      %dma_wait3A_295 = arith.constant 0 : i32
      %dma_wait3A_296 = tpu.memref_slice %arg2[%dma_wait3A_294, %dma_wait3A_295] : memref<10000x128xf32, #tpu.memory_space<hbm>> -> memref<128x128xf32, #tpu.memory_space<hbm>>
      tpu.wait_dma2 semaphore(%arg18 : memref<!tpu.dma_semaphore, #tpu.memory_space<semaphore_mem>>) src(%dma_wait3A_296 : memref<128x128xf32, #tpu.memory_space<hbm>>) dst(%arg8 : memref<128x128xf32, #tpu.memory_space<vmem>>)
      %dma_start3A_297 = arith.constant 0 : i32
      %dma_start3A_298 = arith.constant 0 : i32
      %dma_start3A_299 = tpu.memref_slice %arg7[%dma_start3A_297, %dma_start3A_298] : memref<6x128xi32, #tpu.memory_space<vmem>> -> memref<1x128xi32, #tpu.memory_space<vmem>>
      %dma_start3A_300 = tpu.memref_squeeze %dma_start3A_299 : memref<1x128xi32, #tpu.memory_space<vmem>> -> memref<128xi32, #tpu.memory_space<vmem>>
      %dma_start3A_301 = arith.constant 0 : i32
      %dma_start3A_302 = arith.constant 0 : i32
      %dma_start3A_303 = tpu.memref_slice %arg11[%dma_start3A_301, %dma_start3A_302] : memref<10000x128xf32, #tpu.memory_space<vmem_shared>> -> memref<10000x128xf32, #tpu.memory_space<vmem_shared>>
      tpu.enqueue_indirect_dma source(%arg8 : memref<128x128xf32, #tpu.memory_space<vmem>>) target(%dma_start3A_303 : memref<10000x128xf32, #tpu.memory_space<vmem_shared>>) offsets(%dma_start3A_300 : memref<128xi32, #tpu.memory_space<vmem>>) semaphore(%arg21 : memref<!tpu.dma_semaphore, #tpu.memory_space<semaphore_mem>>) {add = true}
      %dma_wait3A_304 = arith.constant 0 : i32
      %dma_wait3A_305 = arith.constant 0 : i32
      %dma_wait3A_306 = tpu.memref_slice %arg11[%dma_wait3A_304, %dma_wait3A_305] : memref<10000x128xf32, #tpu.memory_space<vmem_shared>> -> memref<128x128xf32, #tpu.memory_space<vmem_shared>>
      %dma_wait3A_307 = arith.constant 0 : i32
      %dma_wait3A_308 = arith.constant 0 : i32
      %dma_wait3A_309 = tpu.memref_slice %arg11[%dma_wait3A_307, %dma_wait3A_308] : memref<10000x128xf32, #tpu.memory_space<vmem_shared>> -> memref<128x128xf32, #tpu.memory_space<vmem_shared>>
      tpu.wait_dma2 semaphore(%arg21 : memref<!tpu.dma_semaphore, #tpu.memory_space<semaphore_mem>>) src(%arg8 : memref<128x128xf32, #tpu.memory_space<vmem>>) dst(%dma_wait3A_309 : memref<128x128xf32, #tpu.memory_space<vmem_shared>>)
    } else {
    }
    %barrier3A_215 = arith.constant 0 : index
    tpu.barrier barrier_id(%barrier3A_215)
    %lt3A_216 = arith.constant 15 : i32
    %lt3A_217 = arith.cmpi slt, %arg1, %lt3A_216 : i32
    %convert_element_type3A_218 = arith.extui %lt3A_217 : i1 to i32
    %cond3A_219 = arith.constant 0 : i32
    %cond3A_220 = arith.cmpi ne, %convert_element_type3A_218, %cond3A_219 : i32
    scf.if %cond3A_220 {
      "tpu.region"() ({
        %run_scoped3A = tpu.sem_alloc : memref<!tpu.dma_semaphore, #tpu.memory_space<semaphore_mem>>
        %dma_start3A_226 = arith.constant 0 : i32
        %dma_start3A_227 = tpu.memref_slice %arg5[%arg0, %mul3A_4, %dma_start3A_226] : memref<2x10000x128xf32, #tpu.memory_space<hbm>> -> memref<1x624x128xf32, #tpu.memory_space<hbm>>
        %dma_start3A_228 = tpu.memref_squeeze %dma_start3A_227 : memref<1x624x128xf32, #tpu.memory_space<hbm>> -> memref<624x128xf32, #tpu.memory_space<hbm>>
        %dma_start3A_229 = arith.constant 0 : i32
        %dma_start3A_230 = tpu.memref_slice %arg11[%mul3A_4, %dma_start3A_229] : memref<10000x128xf32, #tpu.memory_space<vmem_shared>> -> memref<624x128xf32, #tpu.memory_space<vmem_shared>>
        tpu.enqueue_dma source(%dma_start3A_230 : memref<624x128xf32, #tpu.memory_space<vmem_shared>>) target(%dma_start3A_228 : memref<624x128xf32, #tpu.memory_space<hbm>>) target_semaphore(%run_scoped3A : memref<!tpu.dma_semaphore, #tpu.memory_space<semaphore_mem>>)
        %dma_wait3A_231 = arith.constant 0 : i32
        %dma_wait3A_232 = tpu.memref_slice %arg5[%arg0, %mul3A_4, %dma_wait3A_231] : memref<2x10000x128xf32, #tpu.memory_space<hbm>> -> memref<1x624x128xf32, #tpu.memory_space<hbm>>
        %dma_wait3A_233 = tpu.memref_squeeze %dma_wait3A_232 : memref<1x624x128xf32, #tpu.memory_space<hbm>> -> memref<624x128xf32, #tpu.memory_space<hbm>>
        %dma_wait3A_234 = arith.constant 0 : i32
        %dma_wait3A_235 = tpu.memref_slice %arg11[%mul3A_4, %dma_wait3A_234] : memref<10000x128xf32, #tpu.memory_space<vmem_shared>> -> memref<624x128xf32, #tpu.memory_space<vmem_shared>>
        tpu.wait_dma2 semaphore(%run_scoped3A : memref<!tpu.dma_semaphore, #tpu.memory_space<semaphore_mem>>) src(%dma_wait3A_235 : memref<624x128xf32, #tpu.memory_space<vmem_shared>>) dst(%dma_wait3A_233 : memref<624x128xf32, #tpu.memory_space<hbm>>)
        tpu.yield
      }) : () -> ()
    } else {
    }
    %eq3A_221 = arith.constant 15 : i32
    %eq3A_222 = arith.cmpi eq, %arg1, %eq3A_221 : i32
    %convert_element_type3A_223 = arith.extui %eq3A_222 : i1 to i32
    %cond3A_224 = arith.constant 0 : i32
    %cond3A_225 = arith.cmpi ne, %convert_element_type3A_223, %cond3A_224 : i32
    scf.if %cond3A_225 {
      "tpu.region"() ({
        %run_scoped3A = tpu.sem_alloc : memref<!tpu.dma_semaphore, #tpu.memory_space<semaphore_mem>>
        %dma_start3A_226 = arith.constant 0 : i32
        %dma_start3A_227 = tpu.memref_slice %arg5[%arg0, %mul3A_4, %dma_start3A_226] : memref<2x10000x128xf32, #tpu.memory_space<hbm>> -> memref<1x640x128xf32, #tpu.memory_space<hbm>>
        %dma_start3A_228 = tpu.memref_squeeze %dma_start3A_227 : memref<1x640x128xf32, #tpu.memory_space<hbm>> -> memref<640x128xf32, #tpu.memory_space<hbm>>
        %dma_start3A_229 = arith.constant 0 : i32
        %dma_start3A_230 = tpu.memref_slice %arg11[%mul3A_4, %dma_start3A_229] : memref<10000x128xf32, #tpu.memory_space<vmem_shared>> -> memref<640x128xf32, #tpu.memory_space<vmem_shared>>
        tpu.enqueue_dma source(%dma_start3A_230 : memref<640x128xf32, #tpu.memory_space<vmem_shared>>) target(%dma_start3A_228 : memref<640x128xf32, #tpu.memory_space<hbm>>) target_semaphore(%run_scoped3A : memref<!tpu.dma_semaphore, #tpu.memory_space<semaphore_mem>>)
        %dma_wait3A_231 = arith.constant 0 : i32
        %dma_wait3A_232 = tpu.memref_slice %arg5[%arg0, %mul3A_4, %dma_wait3A_231] : memref<2x10000x128xf32, #tpu.memory_space<hbm>> -> memref<1x640x128xf32, #tpu.memory_space<hbm>>
        %dma_wait3A_233 = tpu.memref_squeeze %dma_wait3A_232 : memref<1x640x128xf32, #tpu.memory_space<hbm>> -> memref<640x128xf32, #tpu.memory_space<hbm>>
        %dma_wait3A_234 = arith.constant 0 : i32
        %dma_wait3A_235 = tpu.memref_slice %arg11[%mul3A_4, %dma_wait3A_234] : memref<10000x128xf32, #tpu.memory_space<vmem_shared>> -> memref<640x128xf32, #tpu.memory_space<vmem_shared>>
        tpu.wait_dma2 semaphore(%run_scoped3A : memref<!tpu.dma_semaphore, #tpu.memory_space<semaphore_mem>>) src(%dma_wait3A_235 : memref<640x128xf32, #tpu.memory_space<vmem_shared>>) dst(%dma_wait3A_233 : memref<640x128xf32, #tpu.memory_space<hbm>>)
        tpu.yield
      }) : () -> ()
    } else {
    }
    return
  }
}

#map = affine_map<(d0, d1) -> (0, 0)>
#map1 = affine_map<(d0, d1) -> (0, 0, 0)>
module attributes {stable_mosaic.version = 14 : i64} {
  func.func @body(%arg0: i32, %arg1: i32, %arg2: memref<10000x48xf32, #tpu.memory_space<hbm>>, %arg3: memref<2x320000xi32, #tpu.memory_space<hbm>>, %arg4: memref<10000x48xf32, #tpu.memory_space<hbm>>, %arg5: memref<2x10000x48xf32, #tpu.memory_space<hbm>>, %arg6: memref<6x128xi32, #tpu.memory_space<vmem>>, %arg7: memref<6x128xi32, #tpu.memory_space<vmem>>, %arg8: memref<128x48xf32, #tpu.memory_space<vmem>>, %arg9: memref<128x48xf32, #tpu.memory_space<vmem>>, %arg10: memref<128x48xf32, #tpu.memory_space<vmem>>, %arg11: memref<10000x48xf32, #tpu.memory_space<vmem_shared>>, %arg12: memref<!tpu.dma_semaphore, #tpu.memory_space<semaphore_mem>>, %arg13: memref<!tpu.dma_semaphore, #tpu.memory_space<semaphore_mem>>, %arg14: memref<!tpu.dma_semaphore, #tpu.memory_space<semaphore_mem>>, %arg15: memref<!tpu.dma_semaphore, #tpu.memory_space<semaphore_mem>>, %arg16: memref<!tpu.dma_semaphore, #tpu.memory_space<semaphore_mem>>, %arg17: memref<!tpu.dma_semaphore, #tpu.memory_space<semaphore_mem>>, %arg18: memref<!tpu.dma_semaphore, #tpu.memory_space<semaphore_mem>>, %arg19: memref<!tpu.dma_semaphore, #tpu.memory_space<semaphore_mem>>, %arg20: memref<!tpu.dma_semaphore, #tpu.memory_space<semaphore_mem>>, %arg21: memref<!tpu.dma_semaphore, #tpu.memory_space<semaphore_mem>>, %arg22: memref<!tpu.dma_semaphore, #tpu.memory_space<semaphore_mem>>, %arg23: memref<!tpu.dma_semaphore, #tpu.memory_space<semaphore_mem>>) attributes {dimension_semantics = [#tpu.dimension_semantics<core_parallel>, #tpu.dimension_semantics<subcore_parallel>], iteration_bounds = array<i64: 2, 16>, scalar_prefetch = 0 : i64, scratch_operands = 18 : i64, tpu.core_type = #tpu.core_type<sc_vector_subcore>, window_params = [{transform_indices = #map}, {transform_indices = #map}, {transform_indices = #map}, {transform_indices = #map1}]} {
    %mul3A = arith.constant 2 : i32
    %mul3A_0 = arith.muli %arg1, %mul3A : i32
    %add3A = arith.addi %mul3A_0, %arg0 : i32
    %mul3A_1 = arith.constant 78 : i32
    %mul3A_2 = arith.muli %add3A, %mul3A_1 : i32
    %mul3A_3 = arith.constant 624 : i32
    %mul3A_4 = arith.muli %arg1, %mul3A_3 : i32
    %add3A_5 = arith.constant 0 : i32
    %add3A_6 = arith.addi %mul3A_2, %add3A_5 : i32
    %mul3A_7 = arith.constant 128 : i32
    %mul3A_8 = arith.muli %add3A_6, %mul3A_7 : i32
    %dma_start3A = arith.constant 0 : i32
    %dma_start3A_9 = arith.constant 0 : i32
    %dma_start3A_10 = arith.constant 0 : i32
    %dma_start3A_11 = tpu.memref_slice %arg6[%dma_start3A_9, %dma_start3A_10] : memref<6x128xi32, #tpu.memory_space<vmem>> -> memref<1x128xi32, #tpu.memory_space<vmem>>
    %dma_start3A_12 = tpu.memref_squeeze %dma_start3A_11 : memref<1x128xi32, #tpu.memory_space<vmem>> -> memref<128xi32, #tpu.memory_space<vmem>>
    %dma_start3A_13 = tpu.memref_slice %arg3[%dma_start3A, %mul3A_8] : memref<2x320000xi32, #tpu.memory_space<hbm>> -> memref<1x128xi32, #tpu.memory_space<hbm>>
    %dma_start3A_14 = tpu.memref_squeeze %dma_start3A_13 : memref<1x128xi32, #tpu.memory_space<hbm>> -> memref<128xi32, #tpu.memory_space<hbm>>
    %dma_start3A_15 = arith.constant 0 : i32
    %dma_start3A_16 = tpu.memref_slice %arg6[%dma_start3A_9, %dma_start3A_15] : memref<6x128xi32, #tpu.memory_space<vmem>> -> memref<1x128xi32, #tpu.memory_space<vmem>>
    %dma_start3A_17 = tpu.memref_squeeze %dma_start3A_16 : memref<1x128xi32, #tpu.memory_space<vmem>> -> memref<128xi32, #tpu.memory_space<vmem>>
    %dma_start3A_18 = tpu.memref_slice %arg3[%dma_start3A, %mul3A_8] : memref<2x320000xi32, #tpu.memory_space<hbm>> -> memref<1x128xi32, #tpu.memory_space<hbm>>
    %dma_start3A_19 = tpu.memref_squeeze %dma_start3A_18 : memref<1x128xi32, #tpu.memory_space<hbm>> -> memref<128xi32, #tpu.memory_space<hbm>>
    tpu.enqueue_dma source(%dma_start3A_19 : memref<128xi32, #tpu.memory_space<hbm>>) target(%dma_start3A_17 : memref<128xi32, #tpu.memory_space<vmem>>) target_semaphore(%arg12 : memref<!tpu.dma_semaphore, #tpu.memory_space<semaphore_mem>>)
    %mul3A_20 = arith.constant 128 : i32
    %mul3A_21 = arith.muli %add3A_6, %mul3A_20 : i32
    %dma_start3A_22 = arith.constant 1 : i32
    %dma_start3A_23 = arith.constant 0 : i32
    %dma_start3A_24 = arith.constant 0 : i32
    %dma_start3A_25 = tpu.memref_slice %arg7[%dma_start3A_23, %dma_start3A_24] : memref<6x128xi32, #tpu.memory_space<vmem>> -> memref<1x128xi32, #tpu.memory_space<vmem>>
    %dma_start3A_26 = tpu.memref_squeeze %dma_start3A_25 : memref<1x128xi32, #tpu.memory_space<vmem>> -> memref<128xi32, #tpu.memory_space<vmem>>
    %dma_start3A_27 = tpu.memref_slice %arg3[%dma_start3A_22, %mul3A_21] : memref<2x320000xi32, #tpu.memory_space<hbm>> -> memref<1x128xi32, #tpu.memory_space<hbm>>
    %dma_start3A_28 = tpu.memref_squeeze %dma_start3A_27 : memref<1x128xi32, #tpu.memory_space<hbm>> -> memref<128xi32, #tpu.memory_space<hbm>>
    %dma_start3A_29 = arith.constant 0 : i32
    %dma_start3A_30 = tpu.memref_slice %arg7[%dma_start3A_23, %dma_start3A_29] : memref<6x128xi32, #tpu.memory_space<vmem>> -> memref<1x128xi32, #tpu.memory_space<vmem>>
    %dma_start3A_31 = tpu.memref_squeeze %dma_start3A_30 : memref<1x128xi32, #tpu.memory_space<vmem>> -> memref<128xi32, #tpu.memory_space<vmem>>
    %dma_start3A_32 = tpu.memref_slice %arg3[%dma_start3A_22, %mul3A_21] : memref<2x320000xi32, #tpu.memory_space<hbm>> -> memref<1x128xi32, #tpu.memory_space<hbm>>
    %dma_start3A_33 = tpu.memref_squeeze %dma_start3A_32 : memref<1x128xi32, #tpu.memory_space<hbm>> -> memref<128xi32, #tpu.memory_space<hbm>>
    tpu.enqueue_dma source(%dma_start3A_33 : memref<128xi32, #tpu.memory_space<hbm>>) target(%dma_start3A_31 : memref<128xi32, #tpu.memory_space<vmem>>) target_semaphore(%arg12 : memref<!tpu.dma_semaphore, #tpu.memory_space<semaphore_mem>>)
    %add3A_34 = arith.constant 1 : i32
    %add3A_35 = arith.addi %mul3A_2, %add3A_34 : i32
    %mul3A_36 = arith.constant 128 : i32
    %mul3A_37 = arith.muli %add3A_35, %mul3A_36 : i32
    %dma_start3A_38 = arith.constant 0 : i32
    %dma_start3A_39 = arith.constant 1 : i32
    %dma_start3A_40 = arith.constant 0 : i32
    %dma_start3A_41 = tpu.memref_slice %arg6[%dma_start3A_39, %dma_start3A_40] : memref<6x128xi32, #tpu.memory_space<vmem>> -> memref<1x128xi32, #tpu.memory_space<vmem>>
    %dma_start3A_42 = tpu.memref_squeeze %dma_start3A_41 : memref<1x128xi32, #tpu.memory_space<vmem>> -> memref<128xi32, #tpu.memory_space<vmem>>
    %dma_start3A_43 = tpu.memref_slice %arg3[%dma_start3A_38, %mul3A_37] : memref<2x320000xi32, #tpu.memory_space<hbm>> -> memref<1x128xi32, #tpu.memory_space<hbm>>
    %dma_start3A_44 = tpu.memref_squeeze %dma_start3A_43 : memref<1x128xi32, #tpu.memory_space<hbm>> -> memref<128xi32, #tpu.memory_space<hbm>>
    %dma_start3A_45 = arith.constant 0 : i32
    %dma_start3A_46 = tpu.memref_slice %arg6[%dma_start3A_39, %dma_start3A_45] : memref<6x128xi32, #tpu.memory_space<vmem>> -> memref<1x128xi32, #tpu.memory_space<vmem>>
    %dma_start3A_47 = tpu.memref_squeeze %dma_start3A_46 : memref<1x128xi32, #tpu.memory_space<vmem>> -> memref<128xi32, #tpu.memory_space<vmem>>
    %dma_start3A_48 = tpu.memref_slice %arg3[%dma_start3A_38, %mul3A_37] : memref<2x320000xi32, #tpu.memory_space<hbm>> -> memref<1x128xi32, #tpu.memory_space<hbm>>
    %dma_start3A_49 = tpu.memref_squeeze %dma_start3A_48 : memref<1x128xi32, #tpu.memory_space<hbm>> -> memref<128xi32, #tpu.memory_space<hbm>>
    tpu.enqueue_dma source(%dma_start3A_49 : memref<128xi32, #tpu.memory_space<hbm>>) target(%dma_start3A_47 : memref<128xi32, #tpu.memory_space<vmem>>) target_semaphore(%arg13 : memref<!tpu.dma_semaphore, #tpu.memory_space<semaphore_mem>>)
    %mul3A_50 = arith.constant 128 : i32
    %mul3A_51 = arith.muli %add3A_35, %mul3A_50 : i32
    %dma_start3A_52 = arith.constant 1 : i32
    %dma_start3A_53 = arith.constant 1 : i32
    %dma_start3A_54 = arith.constant 0 : i32
    %dma_start3A_55 = tpu.memref_slice %arg7[%dma_start3A_53, %dma_start3A_54] : memref<6x128xi32, #tpu.memory_space<vmem>> -> memref<1x128xi32, #tpu.memory_space<vmem>>
    %dma_start3A_56 = tpu.memref_squeeze %dma_start3A_55 : memref<1x128xi32, #tpu.memory_space<vmem>> -> memref<128xi32, #tpu.memory_space<vmem>>
    %dma_start3A_57 = tpu.memref_slice %arg3[%dma_start3A_52, %mul3A_51] : memref<2x320000xi32, #tpu.memory_space<hbm>> -> memref<1x128xi32, #tpu.memory_space<hbm>>
    %dma_start3A_58 = tpu.memref_squeeze %dma_start3A_57 : memref<1x128xi32, #tpu.memory_space<hbm>> -> memref<128xi32, #tpu.memory_space<hbm>>
    %dma_start3A_59 = arith.constant 0 : i32
    %dma_start3A_60 = tpu.memref_slice %arg7[%dma_start3A_53, %dma_start3A_59] : memref<6x128xi32, #tpu.memory_space<vmem>> -> memref<1x128xi32, #tpu.memory_space<vmem>>
    %dma_start3A_61 = tpu.memref_squeeze %dma_start3A_60 : memref<1x128xi32, #tpu.memory_space<vmem>> -> memref<128xi32, #tpu.memory_space<vmem>>
    %dma_start3A_62 = tpu.memref_slice %arg3[%dma_start3A_52, %mul3A_51] : memref<2x320000xi32, #tpu.memory_space<hbm>> -> memref<1x128xi32, #tpu.memory_space<hbm>>
    %dma_start3A_63 = tpu.memref_squeeze %dma_start3A_62 : memref<1x128xi32, #tpu.memory_space<hbm>> -> memref<128xi32, #tpu.memory_space<hbm>>
    tpu.enqueue_dma source(%dma_start3A_63 : memref<128xi32, #tpu.memory_space<hbm>>) target(%dma_start3A_61 : memref<128xi32, #tpu.memory_space<vmem>>) target_semaphore(%arg13 : memref<!tpu.dma_semaphore, #tpu.memory_space<semaphore_mem>>)
    %add3A_64 = arith.constant 2 : i32
    %add3A_65 = arith.addi %mul3A_2, %add3A_64 : i32
    %mul3A_66 = arith.constant 128 : i32
    %mul3A_67 = arith.muli %add3A_65, %mul3A_66 : i32
    %dma_start3A_68 = arith.constant 0 : i32
    %dma_start3A_69 = arith.constant 2 : i32
    %dma_start3A_70 = arith.constant 0 : i32
    %dma_start3A_71 = tpu.memref_slice %arg6[%dma_start3A_69, %dma_start3A_70] : memref<6x128xi32, #tpu.memory_space<vmem>> -> memref<1x128xi32, #tpu.memory_space<vmem>>
    %dma_start3A_72 = tpu.memref_squeeze %dma_start3A_71 : memref<1x128xi32, #tpu.memory_space<vmem>> -> memref<128xi32, #tpu.memory_space<vmem>>
    %dma_start3A_73 = tpu.memref_slice %arg3[%dma_start3A_68, %mul3A_67] : memref<2x320000xi32, #tpu.memory_space<hbm>> -> memref<1x128xi32, #tpu.memory_space<hbm>>
    %dma_start3A_74 = tpu.memref_squeeze %dma_start3A_73 : memref<1x128xi32, #tpu.memory_space<hbm>> -> memref<128xi32, #tpu.memory_space<hbm>>
    %dma_start3A_75 = arith.constant 0 : i32
    %dma_start3A_76 = tpu.memref_slice %arg6[%dma_start3A_69, %dma_start3A_75] : memref<6x128xi32, #tpu.memory_space<vmem>> -> memref<1x128xi32, #tpu.memory_space<vmem>>
    %dma_start3A_77 = tpu.memref_squeeze %dma_start3A_76 : memref<1x128xi32, #tpu.memory_space<vmem>> -> memref<128xi32, #tpu.memory_space<vmem>>
    %dma_start3A_78 = tpu.memref_slice %arg3[%dma_start3A_68, %mul3A_67] : memref<2x320000xi32, #tpu.memory_space<hbm>> -> memref<1x128xi32, #tpu.memory_space<hbm>>
    %dma_start3A_79 = tpu.memref_squeeze %dma_start3A_78 : memref<1x128xi32, #tpu.memory_space<hbm>> -> memref<128xi32, #tpu.memory_space<hbm>>
    tpu.enqueue_dma source(%dma_start3A_79 : memref<128xi32, #tpu.memory_space<hbm>>) target(%dma_start3A_77 : memref<128xi32, #tpu.memory_space<vmem>>) target_semaphore(%arg14 : memref<!tpu.dma_semaphore, #tpu.memory_space<semaphore_mem>>)
    %mul3A_80 = arith.constant 128 : i32
    %mul3A_81 = arith.muli %add3A_65, %mul3A_80 : i32
    %dma_start3A_82 = arith.constant 1 : i32
    %dma_start3A_83 = arith.constant 2 : i32
    %dma_start3A_84 = arith.constant 0 : i32
    %dma_start3A_85 = tpu.memref_slice %arg7[%dma_start3A_83, %dma_start3A_84] : memref<6x128xi32, #tpu.memory_space<vmem>> -> memref<1x128xi32, #tpu.memory_space<vmem>>
    %dma_start3A_86 = tpu.memref_squeeze %dma_start3A_85 : memref<1x128xi32, #tpu.memory_space<vmem>> -> memref<128xi32, #tpu.memory_space<vmem>>
    %dma_start3A_87 = tpu.memref_slice %arg3[%dma_start3A_82, %mul3A_81] : memref<2x320000xi32, #tpu.memory_space<hbm>> -> memref<1x128xi32, #tpu.memory_space<hbm>>
    %dma_start3A_88 = tpu.memref_squeeze %dma_start3A_87 : memref<1x128xi32, #tpu.memory_space<hbm>> -> memref<128xi32, #tpu.memory_space<hbm>>
    %dma_start3A_89 = arith.constant 0 : i32
    %dma_start3A_90 = tpu.memref_slice %arg7[%dma_start3A_83, %dma_start3A_89] : memref<6x128xi32, #tpu.memory_space<vmem>> -> memref<1x128xi32, #tpu.memory_space<vmem>>
    %dma_start3A_91 = tpu.memref_squeeze %dma_start3A_90 : memref<1x128xi32, #tpu.memory_space<vmem>> -> memref<128xi32, #tpu.memory_space<vmem>>
    %dma_start3A_92 = tpu.memref_slice %arg3[%dma_start3A_82, %mul3A_81] : memref<2x320000xi32, #tpu.memory_space<hbm>> -> memref<1x128xi32, #tpu.memory_space<hbm>>
    %dma_start3A_93 = tpu.memref_squeeze %dma_start3A_92 : memref<1x128xi32, #tpu.memory_space<hbm>> -> memref<128xi32, #tpu.memory_space<hbm>>
    tpu.enqueue_dma source(%dma_start3A_93 : memref<128xi32, #tpu.memory_space<hbm>>) target(%dma_start3A_91 : memref<128xi32, #tpu.memory_space<vmem>>) target_semaphore(%arg14 : memref<!tpu.dma_semaphore, #tpu.memory_space<semaphore_mem>>)
    %add3A_94 = arith.constant 3 : i32
    %add3A_95 = arith.addi %mul3A_2, %add3A_94 : i32
    %mul3A_96 = arith.constant 128 : i32
    %mul3A_97 = arith.muli %add3A_95, %mul3A_96 : i32
    %dma_start3A_98 = arith.constant 0 : i32
    %dma_start3A_99 = arith.constant 3 : i32
    %dma_start3A_100 = arith.constant 0 : i32
    %dma_start3A_101 = tpu.memref_slice %arg6[%dma_start3A_99, %dma_start3A_100] : memref<6x128xi32, #tpu.memory_space<vmem>> -> memref<1x128xi32, #tpu.memory_space<vmem>>
    %dma_start3A_102 = tpu.memref_squeeze %dma_start3A_101 : memref<1x128xi32, #tpu.memory_space<vmem>> -> memref<128xi32, #tpu.memory_space<vmem>>
    %dma_start3A_103 = tpu.memref_slice %arg3[%dma_start3A_98, %mul3A_97] : memref<2x320000xi32, #tpu.memory_space<hbm>> -> memref<1x128xi32, #tpu.memory_space<hbm>>
    %dma_start3A_104 = tpu.memref_squeeze %dma_start3A_103 : memref<1x128xi32, #tpu.memory_space<hbm>> -> memref<128xi32, #tpu.memory_space<hbm>>
    %dma_start3A_105 = arith.constant 0 : i32
    %dma_start3A_106 = tpu.memref_slice %arg6[%dma_start3A_99, %dma_start3A_105] : memref<6x128xi32, #tpu.memory_space<vmem>> -> memref<1x128xi32, #tpu.memory_space<vmem>>
    %dma_start3A_107 = tpu.memref_squeeze %dma_start3A_106 : memref<1x128xi32, #tpu.memory_space<vmem>> -> memref<128xi32, #tpu.memory_space<vmem>>
    %dma_start3A_108 = tpu.memref_slice %arg3[%dma_start3A_98, %mul3A_97] : memref<2x320000xi32, #tpu.memory_space<hbm>> -> memref<1x128xi32, #tpu.memory_space<hbm>>
    %dma_start3A_109 = tpu.memref_squeeze %dma_start3A_108 : memref<1x128xi32, #tpu.memory_space<hbm>> -> memref<128xi32, #tpu.memory_space<hbm>>
    tpu.enqueue_dma source(%dma_start3A_109 : memref<128xi32, #tpu.memory_space<hbm>>) target(%dma_start3A_107 : memref<128xi32, #tpu.memory_space<vmem>>) target_semaphore(%arg15 : memref<!tpu.dma_semaphore, #tpu.memory_space<semaphore_mem>>)
    %mul3A_110 = arith.constant 128 : i32
    %mul3A_111 = arith.muli %add3A_95, %mul3A_110 : i32
    %dma_start3A_112 = arith.constant 1 : i32
    %dma_start3A_113 = arith.constant 3 : i32
    %dma_start3A_114 = arith.constant 0 : i32
    %dma_start3A_115 = tpu.memref_slice %arg7[%dma_start3A_113, %dma_start3A_114] : memref<6x128xi32, #tpu.memory_space<vmem>> -> memref<1x128xi32, #tpu.memory_space<vmem>>
    %dma_start3A_116 = tpu.memref_squeeze %dma_start3A_115 : memref<1x128xi32, #tpu.memory_space<vmem>> -> memref<128xi32, #tpu.memory_space<vmem>>
    %dma_start3A_117 = tpu.memref_slice %arg3[%dma_start3A_112, %mul3A_111] : memref<2x320000xi32, #tpu.memory_space<hbm>> -> memref<1x128xi32, #tpu.memory_space<hbm>>
    %dma_start3A_118 = tpu.memref_squeeze %dma_start3A_117 : memref<1x128xi32, #tpu.memory_space<hbm>> -> memref<128xi32, #tpu.memory_space<hbm>>
    %dma_start3A_119 = arith.constant 0 : i32
    %dma_start3A_120 = tpu.memref_slice %arg7[%dma_start3A_113, %dma_start3A_119] : memref<6x128xi32, #tpu.memory_space<vmem>> -> memref<1x128xi32, #tpu.memory_space<vmem>>
    %dma_start3A_121 = tpu.memref_squeeze %dma_start3A_120 : memref<1x128xi32, #tpu.memory_space<vmem>> -> memref<128xi32, #tpu.memory_space<vmem>>
    %dma_start3A_122 = tpu.memref_slice %arg3[%dma_start3A_112, %mul3A_111] : memref<2x320000xi32, #tpu.memory_space<hbm>> -> memref<1x128xi32, #tpu.memory_space<hbm>>
    %dma_start3A_123 = tpu.memref_squeeze %dma_start3A_122 : memref<1x128xi32, #tpu.memory_space<hbm>> -> memref<128xi32, #tpu.memory_space<hbm>>
    tpu.enqueue_dma source(%dma_start3A_123 : memref<128xi32, #tpu.memory_space<hbm>>) target(%dma_start3A_121 : memref<128xi32, #tpu.memory_space<vmem>>) target_semaphore(%arg15 : memref<!tpu.dma_semaphore, #tpu.memory_space<semaphore_mem>>)
    %dma_wait3A = arith.constant 0 : i32
    %dma_wait3A_124 = arith.constant 0 : i32
    %dma_wait3A_125 = arith.constant 0 : i32
    %dma_wait3A_126 = tpu.memref_slice %arg6[%dma_wait3A_124, %dma_wait3A_125] : memref<6x128xi32, #tpu.memory_space<vmem>> -> memref<1x128xi32, #tpu.memory_space<vmem>>
    %dma_wait3A_127 = tpu.memref_squeeze %dma_wait3A_126 : memref<1x128xi32, #tpu.memory_space<vmem>> -> memref<128xi32, #tpu.memory_space<vmem>>
    %dma_wait3A_128 = arith.constant 0 : i32
    %dma_wait3A_129 = tpu.memref_slice %arg3[%dma_wait3A, %dma_wait3A_128] : memref<2x320000xi32, #tpu.memory_space<hbm>> -> memref<1x128xi32, #tpu.memory_space<hbm>>
    %dma_wait3A_130 = tpu.memref_squeeze %dma_wait3A_129 : memref<1x128xi32, #tpu.memory_space<hbm>> -> memref<128xi32, #tpu.memory_space<hbm>>
    %dma_wait3A_131 = arith.constant 0 : i32
    %dma_wait3A_132 = tpu.memref_slice %arg6[%dma_wait3A_124, %dma_wait3A_131] : memref<6x128xi32, #tpu.memory_space<vmem>> -> memref<1x128xi32, #tpu.memory_space<vmem>>
    %dma_wait3A_133 = tpu.memref_squeeze %dma_wait3A_132 : memref<1x128xi32, #tpu.memory_space<vmem>> -> memref<128xi32, #tpu.memory_space<vmem>>
    %dma_wait3A_134 = arith.constant 0 : i32
    %dma_wait3A_135 = tpu.memref_slice %arg3[%dma_wait3A, %dma_wait3A_134] : memref<2x320000xi32, #tpu.memory_space<hbm>> -> memref<1x128xi32, #tpu.memory_space<hbm>>
    %dma_wait3A_136 = tpu.memref_squeeze %dma_wait3A_135 : memref<1x128xi32, #tpu.memory_space<hbm>> -> memref<128xi32, #tpu.memory_space<hbm>>
    tpu.wait_dma2 semaphore(%arg12 : memref<!tpu.dma_semaphore, #tpu.memory_space<semaphore_mem>>) src(%dma_wait3A_136 : memref<128xi32, #tpu.memory_space<hbm>>) dst(%dma_wait3A_133 : memref<128xi32, #tpu.memory_space<vmem>>)
    %dma_wait3A_137 = arith.constant 1 : i32
    %dma_wait3A_138 = arith.constant 0 : i32
    %dma_wait3A_139 = arith.constant 0 : i32
    %dma_wait3A_140 = tpu.memref_slice %arg7[%dma_wait3A_138, %dma_wait3A_139] : memref<6x128xi32, #tpu.memory_space<vmem>> -> memref<1x128xi32, #tpu.memory_space<vmem>>
    %dma_wait3A_141 = tpu.memref_squeeze %dma_wait3A_140 : memref<1x128xi32, #tpu.memory_space<vmem>> -> memref<128xi32, #tpu.memory_space<vmem>>
    %dma_wait3A_142 = arith.constant 0 : i32
    %dma_wait3A_143 = tpu.memref_slice %arg3[%dma_wait3A_137, %dma_wait3A_142] : memref<2x320000xi32, #tpu.memory_space<hbm>> -> memref<1x128xi32, #tpu.memory_space<hbm>>
    %dma_wait3A_144 = tpu.memref_squeeze %dma_wait3A_143 : memref<1x128xi32, #tpu.memory_space<hbm>> -> memref<128xi32, #tpu.memory_space<hbm>>
    %dma_wait3A_145 = arith.constant 0 : i32
    %dma_wait3A_146 = tpu.memref_slice %arg7[%dma_wait3A_138, %dma_wait3A_145] : memref<6x128xi32, #tpu.memory_space<vmem>> -> memref<1x128xi32, #tpu.memory_space<vmem>>
    %dma_wait3A_147 = tpu.memref_squeeze %dma_wait3A_146 : memref<1x128xi32, #tpu.memory_space<vmem>> -> memref<128xi32, #tpu.memory_space<vmem>>
    %dma_wait3A_148 = arith.constant 0 : i32
    %dma_wait3A_149 = tpu.memref_slice %arg3[%dma_wait3A_137, %dma_wait3A_148] : memref<2x320000xi32, #tpu.memory_space<hbm>> -> memref<1x128xi32, #tpu.memory_space<hbm>>
    %dma_wait3A_150 = tpu.memref_squeeze %dma_wait3A_149 : memref<1x128xi32, #tpu.memory_space<hbm>> -> memref<128xi32, #tpu.memory_space<hbm>>
    tpu.wait_dma2 semaphore(%arg12 : memref<!tpu.dma_semaphore, #tpu.memory_space<semaphore_mem>>) src(%dma_wait3A_150 : memref<128xi32, #tpu.memory_space<hbm>>) dst(%dma_wait3A_147 : memref<128xi32, #tpu.memory_space<vmem>>)
    %dma_start3A_151 = arith.constant 0 : i32
    %dma_start3A_152 = arith.constant 0 : i32
    %dma_start3A_153 = tpu.memref_slice %arg6[%dma_start3A_151, %dma_start3A_152] : memref<6x128xi32, #tpu.memory_space<vmem>> -> memref<1x128xi32, #tpu.memory_space<vmem>>
    %dma_start3A_154 = tpu.memref_squeeze %dma_start3A_153 : memref<1x128xi32, #tpu.memory_space<vmem>> -> memref<128xi32, #tpu.memory_space<vmem>>
    %dma_start3A_155 = arith.constant 0 : i32
    %dma_start3A_156 = arith.constant 0 : i32
    %dma_start3A_157 = tpu.memref_slice %arg2[%dma_start3A_155, %dma_start3A_156] : memref<10000x48xf32, #tpu.memory_space<hbm>> -> memref<10000x48xf32, #tpu.memory_space<hbm>>
    tpu.enqueue_indirect_dma source(%dma_start3A_157 : memref<10000x48xf32, #tpu.memory_space<hbm>>) target(%arg8 : memref<128x48xf32, #tpu.memory_space<vmem>>) offsets(%dma_start3A_154 : memref<128xi32, #tpu.memory_space<vmem>>) semaphore(%arg18 : memref<!tpu.dma_semaphore, #tpu.memory_space<semaphore_mem>>)
    %dma_wait3A_158 = arith.constant 0 : i32
    %dma_wait3A_159 = arith.constant 1 : i32
    %dma_wait3A_160 = arith.constant 0 : i32
    %dma_wait3A_161 = tpu.memref_slice %arg6[%dma_wait3A_159, %dma_wait3A_160] : memref<6x128xi32, #tpu.memory_space<vmem>> -> memref<1x128xi32, #tpu.memory_space<vmem>>
    %dma_wait3A_162 = tpu.memref_squeeze %dma_wait3A_161 : memref<1x128xi32, #tpu.memory_space<vmem>> -> memref<128xi32, #tpu.memory_space<vmem>>
    %dma_wait3A_163 = arith.constant 0 : i32
    %dma_wait3A_164 = tpu.memref_slice %arg3[%dma_wait3A_158, %dma_wait3A_163] : memref<2x320000xi32, #tpu.memory_space<hbm>> -> memref<1x128xi32, #tpu.memory_space<hbm>>
    %dma_wait3A_165 = tpu.memref_squeeze %dma_wait3A_164 : memref<1x128xi32, #tpu.memory_space<hbm>> -> memref<128xi32, #tpu.memory_space<hbm>>
    %dma_wait3A_166 = arith.constant 0 : i32
    %dma_wait3A_167 = tpu.memref_slice %arg6[%dma_wait3A_159, %dma_wait3A_166] : memref<6x128xi32, #tpu.memory_space<vmem>> -> memref<1x128xi32, #tpu.memory_space<vmem>>
    %dma_wait3A_168 = tpu.memref_squeeze %dma_wait3A_167 : memref<1x128xi32, #tpu.memory_space<vmem>> -> memref<128xi32, #tpu.memory_space<vmem>>
    %dma_wait3A_169 = arith.constant 0 : i32
    %dma_wait3A_170 = tpu.memref_slice %arg3[%dma_wait3A_158, %dma_wait3A_169] : memref<2x320000xi32, #tpu.memory_space<hbm>> -> memref<1x128xi32, #tpu.memory_space<hbm>>
    %dma_wait3A_171 = tpu.memref_squeeze %dma_wait3A_170 : memref<1x128xi32, #tpu.memory_space<hbm>> -> memref<128xi32, #tpu.memory_space<hbm>>
    tpu.wait_dma2 semaphore(%arg13 : memref<!tpu.dma_semaphore, #tpu.memory_space<semaphore_mem>>) src(%dma_wait3A_171 : memref<128xi32, #tpu.memory_space<hbm>>) dst(%dma_wait3A_168 : memref<128xi32, #tpu.memory_space<vmem>>)
    %dma_wait3A_172 = arith.constant 1 : i32
    %dma_wait3A_173 = arith.constant 1 : i32
    %dma_wait3A_174 = arith.constant 0 : i32
    %dma_wait3A_175 = tpu.memref_slice %arg7[%dma_wait3A_173, %dma_wait3A_174] : memref<6x128xi32, #tpu.memory_space<vmem>> -> memref<1x128xi32, #tpu.memory_space<vmem>>
    %dma_wait3A_176 = tpu.memref_squeeze %dma_wait3A_175 : memref<1x128xi32, #tpu.memory_space<vmem>> -> memref<128xi32, #tpu.memory_space<vmem>>
    %dma_wait3A_177 = arith.constant 0 : i32
    %dma_wait3A_178 = tpu.memref_slice %arg3[%dma_wait3A_172, %dma_wait3A_177] : memref<2x320000xi32, #tpu.memory_space<hbm>> -> memref<1x128xi32, #tpu.memory_space<hbm>>
    %dma_wait3A_179 = tpu.memref_squeeze %dma_wait3A_178 : memref<1x128xi32, #tpu.memory_space<hbm>> -> memref<128xi32, #tpu.memory_space<hbm>>
    %dma_wait3A_180 = arith.constant 0 : i32
    %dma_wait3A_181 = tpu.memref_slice %arg7[%dma_wait3A_173, %dma_wait3A_180] : memref<6x128xi32, #tpu.memory_space<vmem>> -> memref<1x128xi32, #tpu.memory_space<vmem>>
    %dma_wait3A_182 = tpu.memref_squeeze %dma_wait3A_181 : memref<1x128xi32, #tpu.memory_space<vmem>> -> memref<128xi32, #tpu.memory_space<vmem>>
    %dma_wait3A_183 = arith.constant 0 : i32
    %dma_wait3A_184 = tpu.memref_slice %arg3[%dma_wait3A_172, %dma_wait3A_183] : memref<2x320000xi32, #tpu.memory_space<hbm>> -> memref<1x128xi32, #tpu.memory_space<hbm>>
    %dma_wait3A_185 = tpu.memref_squeeze %dma_wait3A_184 : memref<1x128xi32, #tpu.memory_space<hbm>> -> memref<128xi32, #tpu.memory_space<hbm>>
    tpu.wait_dma2 semaphore(%arg13 : memref<!tpu.dma_semaphore, #tpu.memory_space<semaphore_mem>>) src(%dma_wait3A_185 : memref<128xi32, #tpu.memory_space<hbm>>) dst(%dma_wait3A_182 : memref<128xi32, #tpu.memory_space<vmem>>)
    %dma_start3A_186 = arith.constant 1 : i32
    %dma_start3A_187 = arith.constant 0 : i32
    %dma_start3A_188 = tpu.memref_slice %arg6[%dma_start3A_186, %dma_start3A_187] : memref<6x128xi32, #tpu.memory_space<vmem>> -> memref<1x128xi32, #tpu.memory_space<vmem>>
    %dma_start3A_189 = tpu.memref_squeeze %dma_start3A_188 : memref<1x128xi32, #tpu.memory_space<vmem>> -> memref<128xi32, #tpu.memory_space<vmem>>
    %dma_start3A_190 = arith.constant 0 : i32
    %dma_start3A_191 = arith.constant 0 : i32
    %dma_start3A_192 = tpu.memref_slice %arg2[%dma_start3A_190, %dma_start3A_191] : memref<10000x48xf32, #tpu.memory_space<hbm>> -> memref<10000x48xf32, #tpu.memory_space<hbm>>
    tpu.enqueue_indirect_dma source(%dma_start3A_192 : memref<10000x48xf32, #tpu.memory_space<hbm>>) target(%arg9 : memref<128x48xf32, #tpu.memory_space<vmem>>) offsets(%dma_start3A_189 : memref<128xi32, #tpu.memory_space<vmem>>) semaphore(%arg19 : memref<!tpu.dma_semaphore, #tpu.memory_space<semaphore_mem>>)
    %lt3A = arith.constant 15 : i32
    %lt3A_193 = arith.cmpi slt, %arg1, %lt3A : i32
    %convert_element_type3A = arith.extui %lt3A_193 : i1 to i32
    %cond3A = arith.constant 0 : i32
    %cond3A_194 = arith.cmpi ne, %convert_element_type3A, %cond3A : i32
    scf.if %cond3A_194 {
      "tpu.region"() ({
        %run_scoped3A = tpu.sem_alloc : memref<!tpu.dma_semaphore, #tpu.memory_space<semaphore_mem>>
        %dma_start3A_226 = arith.constant 0 : i32
        %dma_start3A_227 = tpu.memref_slice %arg11[%mul3A_4, %dma_start3A_226] : memref<10000x48xf32, #tpu.memory_space<vmem_shared>> -> memref<624x48xf32, #tpu.memory_space<vmem_shared>>
        %dma_start3A_228 = arith.constant 0 : i32
        %dma_start3A_229 = tpu.memref_slice %arg4[%mul3A_4, %dma_start3A_228] : memref<10000x48xf32, #tpu.memory_space<hbm>> -> memref<624x48xf32, #tpu.memory_space<hbm>>
        tpu.enqueue_dma source(%dma_start3A_229 : memref<624x48xf32, #tpu.memory_space<hbm>>) target(%dma_start3A_227 : memref<624x48xf32, #tpu.memory_space<vmem_shared>>) target_semaphore(%run_scoped3A : memref<!tpu.dma_semaphore, #tpu.memory_space<semaphore_mem>>)
        %dma_wait3A_230 = arith.constant 0 : i32
        %dma_wait3A_231 = tpu.memref_slice %arg11[%mul3A_4, %dma_wait3A_230] : memref<10000x48xf32, #tpu.memory_space<vmem_shared>> -> memref<624x48xf32, #tpu.memory_space<vmem_shared>>
        %dma_wait3A_232 = arith.constant 0 : i32
        %dma_wait3A_233 = tpu.memref_slice %arg4[%mul3A_4, %dma_wait3A_232] : memref<10000x48xf32, #tpu.memory_space<hbm>> -> memref<624x48xf32, #tpu.memory_space<hbm>>
        tpu.wait_dma2 semaphore(%run_scoped3A : memref<!tpu.dma_semaphore, #tpu.memory_space<semaphore_mem>>) src(%dma_wait3A_233 : memref<624x48xf32, #tpu.memory_space<hbm>>) dst(%dma_wait3A_231 : memref<624x48xf32, #tpu.memory_space<vmem_shared>>)
        tpu.yield
      }) : () -> ()
    } else {
    }
    %eq3A = arith.constant 15 : i32
    %eq3A_195 = arith.cmpi eq, %arg1, %eq3A : i32
    %convert_element_type3A_196 = arith.extui %eq3A_195 : i1 to i32
    %cond3A_197 = arith.constant 0 : i32
    %cond3A_198 = arith.cmpi ne, %convert_element_type3A_196, %cond3A_197 : i32
    scf.if %cond3A_198 {
      "tpu.region"() ({
        %run_scoped3A = tpu.sem_alloc : memref<!tpu.dma_semaphore, #tpu.memory_space<semaphore_mem>>
        %dma_start3A_226 = arith.constant 0 : i32
        %dma_start3A_227 = tpu.memref_slice %arg11[%mul3A_4, %dma_start3A_226] : memref<10000x48xf32, #tpu.memory_space<vmem_shared>> -> memref<640x48xf32, #tpu.memory_space<vmem_shared>>
        %dma_start3A_228 = arith.constant 0 : i32
        %dma_start3A_229 = tpu.memref_slice %arg4[%mul3A_4, %dma_start3A_228] : memref<10000x48xf32, #tpu.memory_space<hbm>> -> memref<640x48xf32, #tpu.memory_space<hbm>>
        tpu.enqueue_dma source(%dma_start3A_229 : memref<640x48xf32, #tpu.memory_space<hbm>>) target(%dma_start3A_227 : memref<640x48xf32, #tpu.memory_space<vmem_shared>>) target_semaphore(%run_scoped3A : memref<!tpu.dma_semaphore, #tpu.memory_space<semaphore_mem>>)
        %dma_wait3A_230 = arith.constant 0 : i32
        %dma_wait3A_231 = tpu.memref_slice %arg11[%mul3A_4, %dma_wait3A_230] : memref<10000x48xf32, #tpu.memory_space<vmem_shared>> -> memref<640x48xf32, #tpu.memory_space<vmem_shared>>
        %dma_wait3A_232 = arith.constant 0 : i32
        %dma_wait3A_233 = tpu.memref_slice %arg4[%mul3A_4, %dma_wait3A_232] : memref<10000x48xf32, #tpu.memory_space<hbm>> -> memref<640x48xf32, #tpu.memory_space<hbm>>
        tpu.wait_dma2 semaphore(%run_scoped3A : memref<!tpu.dma_semaphore, #tpu.memory_space<semaphore_mem>>) src(%dma_wait3A_233 : memref<640x48xf32, #tpu.memory_space<hbm>>) dst(%dma_wait3A_231 : memref<640x48xf32, #tpu.memory_space<vmem_shared>>)
        tpu.yield
      }) : () -> ()
    } else {
    }
    %barrier3A = arith.constant 0 : index
    tpu.barrier barrier_id(%barrier3A)
    %scan3A = arith.constant 0 : i32
    %scan3A_199 = arith.constant 0 : i32
    %scan3A_200 = arith.constant 13 : i32
    %scan3A_201 = arith.addi %scan3A_199, %scan3A_200 : i32
    %scan3A_202 = arith.constant 1 : i32
    scf.for %scan3A_226 = %scan3A_199 to %scan3A_201 step %scan3A_202  : i32 {
      %mul3A_227 = arith.constant 6 : i32
      %mul3A_228 = arith.muli %scan3A_226, %mul3A_227 : i32
      %add3A_229 = arith.constant 0 : i32
      %add3A_230 = arith.addi %mul3A_228, %add3A_229 : i32
      %dma_wait3A_231 = arith.constant 0 : i32
      %dma_wait3A_232 = arith.constant 0 : i32
      %dma_wait3A_233 = tpu.memref_slice %arg2[%dma_wait3A_231, %dma_wait3A_232] : memref<10000x48xf32, #tpu.memory_space<hbm>> -> memref<128x48xf32, #tpu.memory_space<hbm>>
      %dma_wait3A_234 = arith.constant 0 : i32
      %dma_wait3A_235 = arith.constant 0 : i32
      %dma_wait3A_236 = tpu.memref_slice %arg2[%dma_wait3A_234, %dma_wait3A_235] : memref<10000x48xf32, #tpu.memory_space<hbm>> -> memref<128x48xf32, #tpu.memory_space<hbm>>
      tpu.wait_dma2 semaphore(%arg18 : memref<!tpu.dma_semaphore, #tpu.memory_space<semaphore_mem>>) src(%dma_wait3A_236 : memref<128x48xf32, #tpu.memory_space<hbm>>) dst(%arg8 : memref<128x48xf32, #tpu.memory_space<vmem>>)
      %gt3A = arith.constant 0 : i32
      %gt3A_237 = arith.cmpi sgt, %add3A_230, %gt3A : i32
      %convert_element_type3A_238 = arith.extui %gt3A_237 : i1 to i32
      %cond3A_239 = arith.constant 0 : i32
      %cond3A_240 = arith.cmpi ne, %convert_element_type3A_238, %cond3A_239 : i32
      scf.if %cond3A_240 {
        %dma_wait3A_442 = arith.constant 0 : i32
        %dma_wait3A_443 = arith.constant 0 : i32
        %dma_wait3A_444 = tpu.memref_slice %arg11[%dma_wait3A_442, %dma_wait3A_443] : memref<10000x48xf32, #tpu.memory_space<vmem_shared>> -> memref<128x48xf32, #tpu.memory_space<vmem_shared>>
        %dma_wait3A_445 = arith.constant 0 : i32
        %dma_wait3A_446 = arith.constant 0 : i32
        %dma_wait3A_447 = tpu.memref_slice %arg11[%dma_wait3A_445, %dma_wait3A_446] : memref<10000x48xf32, #tpu.memory_space<vmem_shared>> -> memref<128x48xf32, #tpu.memory_space<vmem_shared>>
        tpu.wait_dma2 semaphore(%arg23 : memref<!tpu.dma_semaphore, #tpu.memory_space<semaphore_mem>>) src(%arg10 : memref<128x48xf32, #tpu.memory_space<vmem>>) dst(%dma_wait3A_447 : memref<128x48xf32, #tpu.memory_space<vmem_shared>>)
      } else {
      }
      %dma_start3A_241 = arith.constant 0 : i32
      %dma_start3A_242 = arith.constant 0 : i32
      %dma_start3A_243 = tpu.memref_slice %arg7[%dma_start3A_241, %dma_start3A_242] : memref<6x128xi32, #tpu.memory_space<vmem>> -> memref<1x128xi32, #tpu.memory_space<vmem>>
      %dma_start3A_244 = tpu.memref_squeeze %dma_start3A_243 : memref<1x128xi32, #tpu.memory_space<vmem>> -> memref<128xi32, #tpu.memory_space<vmem>>
      %dma_start3A_245 = arith.constant 0 : i32
      %dma_start3A_246 = arith.constant 0 : i32
      %dma_start3A_247 = tpu.memref_slice %arg11[%dma_start3A_245, %dma_start3A_246] : memref<10000x48xf32, #tpu.memory_space<vmem_shared>> -> memref<10000x48xf32, #tpu.memory_space<vmem_shared>>
      tpu.enqueue_indirect_dma source(%arg8 : memref<128x48xf32, #tpu.memory_space<vmem>>) target(%dma_start3A_247 : memref<10000x48xf32, #tpu.memory_space<vmem_shared>>) offsets(%dma_start3A_244 : memref<128xi32, #tpu.memory_space<vmem>>) semaphore(%arg21 : memref<!tpu.dma_semaphore, #tpu.memory_space<semaphore_mem>>) {add = true}
      %add3A_248 = arith.constant 4 : i32
      %add3A_249 = arith.addi %add3A_230, %add3A_248 : i32
      %lt3A_250 = arith.constant 78 : i32
      %lt3A_251 = arith.cmpi slt, %add3A_249, %lt3A_250 : i32
      %convert_element_type3A_252 = arith.extui %lt3A_251 : i1 to i32
      %cond3A_253 = arith.constant 0 : i32
      %cond3A_254 = arith.cmpi ne, %convert_element_type3A_252, %cond3A_253 : i32
      scf.if %cond3A_254 {
        %add3A_442 = arith.addi %mul3A_2, %add3A_230 : i32
        %add3A_443 = arith.constant 4 : i32
        %add3A_444 = arith.addi %add3A_442, %add3A_443 : i32
        %mul3A_445 = arith.constant 128 : i32
        %mul3A_446 = arith.muli %add3A_444, %mul3A_445 : i32
        %dma_start3A_447 = arith.constant 0 : i32
        %dma_start3A_448 = arith.constant 4 : i32
        %dma_start3A_449 = arith.constant 0 : i32
        %dma_start3A_450 = tpu.memref_slice %arg6[%dma_start3A_448, %dma_start3A_449] : memref<6x128xi32, #tpu.memory_space<vmem>> -> memref<1x128xi32, #tpu.memory_space<vmem>>
        %dma_start3A_451 = tpu.memref_squeeze %dma_start3A_450 : memref<1x128xi32, #tpu.memory_space<vmem>> -> memref<128xi32, #tpu.memory_space<vmem>>
        %dma_start3A_452 = tpu.memref_slice %arg3[%dma_start3A_447, %mul3A_446] : memref<2x320000xi32, #tpu.memory_space<hbm>> -> memref<1x128xi32, #tpu.memory_space<hbm>>
        %dma_start3A_453 = tpu.memref_squeeze %dma_start3A_452 : memref<1x128xi32, #tpu.memory_space<hbm>> -> memref<128xi32, #tpu.memory_space<hbm>>
        %dma_start3A_454 = arith.constant 0 : i32
        %dma_start3A_455 = tpu.memref_slice %arg6[%dma_start3A_448, %dma_start3A_454] : memref<6x128xi32, #tpu.memory_space<vmem>> -> memref<1x128xi32, #tpu.memory_space<vmem>>
        %dma_start3A_456 = tpu.memref_squeeze %dma_start3A_455 : memref<1x128xi32, #tpu.memory_space<vmem>> -> memref<128xi32, #tpu.memory_space<vmem>>
        %dma_start3A_457 = tpu.memref_slice %arg3[%dma_start3A_447, %mul3A_446] : memref<2x320000xi32, #tpu.memory_space<hbm>> -> memref<1x128xi32, #tpu.memory_space<hbm>>
        %dma_start3A_458 = tpu.memref_squeeze %dma_start3A_457 : memref<1x128xi32, #tpu.memory_space<hbm>> -> memref<128xi32, #tpu.memory_space<hbm>>
        tpu.enqueue_dma source(%dma_start3A_458 : memref<128xi32, #tpu.memory_space<hbm>>) target(%dma_start3A_456 : memref<128xi32, #tpu.memory_space<vmem>>) target_semaphore(%arg16 : memref<!tpu.dma_semaphore, #tpu.memory_space<semaphore_mem>>)
        %mul3A_459 = arith.constant 128 : i32
        %mul3A_460 = arith.muli %add3A_444, %mul3A_459 : i32
        %dma_start3A_461 = arith.constant 1 : i32
        %dma_start3A_462 = arith.constant 4 : i32
        %dma_start3A_463 = arith.constant 0 : i32
        %dma_start3A_464 = tpu.memref_slice %arg7[%dma_start3A_462, %dma_start3A_463] : memref<6x128xi32, #tpu.memory_space<vmem>> -> memref<1x128xi32, #tpu.memory_space<vmem>>
        %dma_start3A_465 = tpu.memref_squeeze %dma_start3A_464 : memref<1x128xi32, #tpu.memory_space<vmem>> -> memref<128xi32, #tpu.memory_space<vmem>>
        %dma_start3A_466 = tpu.memref_slice %arg3[%dma_start3A_461, %mul3A_460] : memref<2x320000xi32, #tpu.memory_space<hbm>> -> memref<1x128xi32, #tpu.memory_space<hbm>>
        %dma_start3A_467 = tpu.memref_squeeze %dma_start3A_466 : memref<1x128xi32, #tpu.memory_space<hbm>> -> memref<128xi32, #tpu.memory_space<hbm>>
        %dma_start3A_468 = arith.constant 0 : i32
        %dma_start3A_469 = tpu.memref_slice %arg7[%dma_start3A_462, %dma_start3A_468] : memref<6x128xi32, #tpu.memory_space<vmem>> -> memref<1x128xi32, #tpu.memory_space<vmem>>
        %dma_start3A_470 = tpu.memref_squeeze %dma_start3A_469 : memref<1x128xi32, #tpu.memory_space<vmem>> -> memref<128xi32, #tpu.memory_space<vmem>>
        %dma_start3A_471 = tpu.memref_slice %arg3[%dma_start3A_461, %mul3A_460] : memref<2x320000xi32, #tpu.memory_space<hbm>> -> memref<1x128xi32, #tpu.memory_space<hbm>>
        %dma_start3A_472 = tpu.memref_squeeze %dma_start3A_471 : memref<1x128xi32, #tpu.memory_space<hbm>> -> memref<128xi32, #tpu.memory_space<hbm>>
        tpu.enqueue_dma source(%dma_start3A_472 : memref<128xi32, #tpu.memory_space<hbm>>) target(%dma_start3A_470 : memref<128xi32, #tpu.memory_space<vmem>>) target_semaphore(%arg16 : memref<!tpu.dma_semaphore, #tpu.memory_space<semaphore_mem>>)
      } else {
      }
      %add3A_255 = arith.constant 2 : i32
      %add3A_256 = arith.addi %add3A_230, %add3A_255 : i32
      %lt3A_257 = arith.constant 78 : i32
      %lt3A_258 = arith.cmpi slt, %add3A_256, %lt3A_257 : i32
      %convert_element_type3A_259 = arith.extui %lt3A_258 : i1 to i32
      %cond3A_260 = arith.constant 0 : i32
      %cond3A_261 = arith.cmpi ne, %convert_element_type3A_259, %cond3A_260 : i32
      scf.if %cond3A_261 {
        %dma_wait3A_442 = arith.constant 0 : i32
        %dma_wait3A_443 = arith.constant 2 : i32
        %dma_wait3A_444 = arith.constant 0 : i32
        %dma_wait3A_445 = tpu.memref_slice %arg6[%dma_wait3A_443, %dma_wait3A_444] : memref<6x128xi32, #tpu.memory_space<vmem>> -> memref<1x128xi32, #tpu.memory_space<vmem>>
        %dma_wait3A_446 = tpu.memref_squeeze %dma_wait3A_445 : memref<1x128xi32, #tpu.memory_space<vmem>> -> memref<128xi32, #tpu.memory_space<vmem>>
        %dma_wait3A_447 = arith.constant 0 : i32
        %dma_wait3A_448 = tpu.memref_slice %arg3[%dma_wait3A_442, %dma_wait3A_447] : memref<2x320000xi32, #tpu.memory_space<hbm>> -> memref<1x128xi32, #tpu.memory_space<hbm>>
        %dma_wait3A_449 = tpu.memref_squeeze %dma_wait3A_448 : memref<1x128xi32, #tpu.memory_space<hbm>> -> memref<128xi32, #tpu.memory_space<hbm>>
        %dma_wait3A_450 = arith.constant 0 : i32
        %dma_wait3A_451 = tpu.memref_slice %arg6[%dma_wait3A_443, %dma_wait3A_450] : memref<6x128xi32, #tpu.memory_space<vmem>> -> memref<1x128xi32, #tpu.memory_space<vmem>>
        %dma_wait3A_452 = tpu.memref_squeeze %dma_wait3A_451 : memref<1x128xi32, #tpu.memory_space<vmem>> -> memref<128xi32, #tpu.memory_space<vmem>>
        %dma_wait3A_453 = arith.constant 0 : i32
        %dma_wait3A_454 = tpu.memref_slice %arg3[%dma_wait3A_442, %dma_wait3A_453] : memref<2x320000xi32, #tpu.memory_space<hbm>> -> memref<1x128xi32, #tpu.memory_space<hbm>>
        %dma_wait3A_455 = tpu.memref_squeeze %dma_wait3A_454 : memref<1x128xi32, #tpu.memory_space<hbm>> -> memref<128xi32, #tpu.memory_space<hbm>>
        tpu.wait_dma2 semaphore(%arg14 : memref<!tpu.dma_semaphore, #tpu.memory_space<semaphore_mem>>) src(%dma_wait3A_455 : memref<128xi32, #tpu.memory_space<hbm>>) dst(%dma_wait3A_452 : memref<128xi32, #tpu.memory_space<vmem>>)
        %dma_wait3A_456 = arith.constant 1 : i32
        %dma_wait3A_457 = arith.constant 2 : i32
        %dma_wait3A_458 = arith.constant 0 : i32
        %dma_wait3A_459 = tpu.memref_slice %arg7[%dma_wait3A_457, %dma_wait3A_458] : memref<6x128xi32, #tpu.memory_space<vmem>> -> memref<1x128xi32, #tpu.memory_space<vmem>>
        %dma_wait3A_460 = tpu.memref_squeeze %dma_wait3A_459 : memref<1x128xi32, #tpu.memory_space<vmem>> -> memref<128xi32, #tpu.memory_space<vmem>>
        %dma_wait3A_461 = arith.constant 0 : i32
        %dma_wait3A_462 = tpu.memref_slice %arg3[%dma_wait3A_456, %dma_wait3A_461] : memref<2x320000xi32, #tpu.memory_space<hbm>> -> memref<1x128xi32, #tpu.memory_space<hbm>>
        %dma_wait3A_463 = tpu.memref_squeeze %dma_wait3A_462 : memref<1x128xi32, #tpu.memory_space<hbm>> -> memref<128xi32, #tpu.memory_space<hbm>>
        %dma_wait3A_464 = arith.constant 0 : i32
        %dma_wait3A_465 = tpu.memref_slice %arg7[%dma_wait3A_457, %dma_wait3A_464] : memref<6x128xi32, #tpu.memory_space<vmem>> -> memref<1x128xi32, #tpu.memory_space<vmem>>
        %dma_wait3A_466 = tpu.memref_squeeze %dma_wait3A_465 : memref<1x128xi32, #tpu.memory_space<vmem>> -> memref<128xi32, #tpu.memory_space<vmem>>
        %dma_wait3A_467 = arith.constant 0 : i32
        %dma_wait3A_468 = tpu.memref_slice %arg3[%dma_wait3A_456, %dma_wait3A_467] : memref<2x320000xi32, #tpu.memory_space<hbm>> -> memref<1x128xi32, #tpu.memory_space<hbm>>
        %dma_wait3A_469 = tpu.memref_squeeze %dma_wait3A_468 : memref<1x128xi32, #tpu.memory_space<hbm>> -> memref<128xi32, #tpu.memory_space<hbm>>
        tpu.wait_dma2 semaphore(%arg14 : memref<!tpu.dma_semaphore, #tpu.memory_space<semaphore_mem>>) src(%dma_wait3A_469 : memref<128xi32, #tpu.memory_space<hbm>>) dst(%dma_wait3A_466 : memref<128xi32, #tpu.memory_space<vmem>>)
        %dma_start3A_470 = arith.constant 2 : i32
        %dma_start3A_471 = arith.constant 0 : i32
        %dma_start3A_472 = tpu.memref_slice %arg6[%dma_start3A_470, %dma_start3A_471] : memref<6x128xi32, #tpu.memory_space<vmem>> -> memref<1x128xi32, #tpu.memory_space<vmem>>
        %dma_start3A_473 = tpu.memref_squeeze %dma_start3A_472 : memref<1x128xi32, #tpu.memory_space<vmem>> -> memref<128xi32, #tpu.memory_space<vmem>>
        %dma_start3A_474 = arith.constant 0 : i32
        %dma_start3A_475 = arith.constant 0 : i32
        %dma_start3A_476 = tpu.memref_slice %arg2[%dma_start3A_474, %dma_start3A_475] : memref<10000x48xf32, #tpu.memory_space<hbm>> -> memref<10000x48xf32, #tpu.memory_space<hbm>>
        tpu.enqueue_indirect_dma source(%dma_start3A_476 : memref<10000x48xf32, #tpu.memory_space<hbm>>) target(%arg10 : memref<128x48xf32, #tpu.memory_space<vmem>>) offsets(%dma_start3A_473 : memref<128xi32, #tpu.memory_space<vmem>>) semaphore(%arg20 : memref<!tpu.dma_semaphore, #tpu.memory_space<semaphore_mem>>)
      } else {
      }
      %mul3A_262 = arith.constant 6 : i32
      %mul3A_263 = arith.muli %scan3A_226, %mul3A_262 : i32
      %add3A_264 = arith.constant 1 : i32
      %add3A_265 = arith.addi %mul3A_263, %add3A_264 : i32
      %dma_wait3A_266 = arith.constant 0 : i32
      %dma_wait3A_267 = arith.constant 0 : i32
      %dma_wait3A_268 = tpu.memref_slice %arg2[%dma_wait3A_266, %dma_wait3A_267] : memref<10000x48xf32, #tpu.memory_space<hbm>> -> memref<128x48xf32, #tpu.memory_space<hbm>>
      %dma_wait3A_269 = arith.constant 0 : i32
      %dma_wait3A_270 = arith.constant 0 : i32
      %dma_wait3A_271 = tpu.memref_slice %arg2[%dma_wait3A_269, %dma_wait3A_270] : memref<10000x48xf32, #tpu.memory_space<hbm>> -> memref<128x48xf32, #tpu.memory_space<hbm>>
      tpu.wait_dma2 semaphore(%arg19 : memref<!tpu.dma_semaphore, #tpu.memory_space<semaphore_mem>>) src(%dma_wait3A_271 : memref<128x48xf32, #tpu.memory_space<hbm>>) dst(%arg9 : memref<128x48xf32, #tpu.memory_space<vmem>>)
      %gt3A_272 = arith.constant 0 : i32
      %gt3A_273 = arith.cmpi sgt, %add3A_265, %gt3A_272 : i32
      %convert_element_type3A_274 = arith.extui %gt3A_273 : i1 to i32
      %cond3A_275 = arith.constant 0 : i32
      %cond3A_276 = arith.cmpi ne, %convert_element_type3A_274, %cond3A_275 : i32
      scf.if %cond3A_276 {
        %dma_wait3A_442 = arith.constant 0 : i32
        %dma_wait3A_443 = arith.constant 0 : i32
        %dma_wait3A_444 = tpu.memref_slice %arg11[%dma_wait3A_442, %dma_wait3A_443] : memref<10000x48xf32, #tpu.memory_space<vmem_shared>> -> memref<128x48xf32, #tpu.memory_space<vmem_shared>>
        %dma_wait3A_445 = arith.constant 0 : i32
        %dma_wait3A_446 = arith.constant 0 : i32
        %dma_wait3A_447 = tpu.memref_slice %arg11[%dma_wait3A_445, %dma_wait3A_446] : memref<10000x48xf32, #tpu.memory_space<vmem_shared>> -> memref<128x48xf32, #tpu.memory_space<vmem_shared>>
        tpu.wait_dma2 semaphore(%arg21 : memref<!tpu.dma_semaphore, #tpu.memory_space<semaphore_mem>>) src(%arg8 : memref<128x48xf32, #tpu.memory_space<vmem>>) dst(%dma_wait3A_447 : memref<128x48xf32, #tpu.memory_space<vmem_shared>>)
      } else {
      }
      %dma_start3A_277 = arith.constant 1 : i32
      %dma_start3A_278 = arith.constant 0 : i32
      %dma_start3A_279 = tpu.memref_slice %arg7[%dma_start3A_277, %dma_start3A_278] : memref<6x128xi32, #tpu.memory_space<vmem>> -> memref<1x128xi32, #tpu.memory_space<vmem>>
      %dma_start3A_280 = tpu.memref_squeeze %dma_start3A_279 : memref<1x128xi32, #tpu.memory_space<vmem>> -> memref<128xi32, #tpu.memory_space<vmem>>
      %dma_start3A_281 = arith.constant 0 : i32
      %dma_start3A_282 = arith.constant 0 : i32
      %dma_start3A_283 = tpu.memref_slice %arg11[%dma_start3A_281, %dma_start3A_282] : memref<10000x48xf32, #tpu.memory_space<vmem_shared>> -> memref<10000x48xf32, #tpu.memory_space<vmem_shared>>
      tpu.enqueue_indirect_dma source(%arg9 : memref<128x48xf32, #tpu.memory_space<vmem>>) target(%dma_start3A_283 : memref<10000x48xf32, #tpu.memory_space<vmem_shared>>) offsets(%dma_start3A_280 : memref<128xi32, #tpu.memory_space<vmem>>) semaphore(%arg22 : memref<!tpu.dma_semaphore, #tpu.memory_space<semaphore_mem>>) {add = true}
      %add3A_284 = arith.constant 4 : i32
      %add3A_285 = arith.addi %add3A_265, %add3A_284 : i32
      %lt3A_286 = arith.constant 78 : i32
      %lt3A_287 = arith.cmpi slt, %add3A_285, %lt3A_286 : i32
      %convert_element_type3A_288 = arith.extui %lt3A_287 : i1 to i32
      %cond3A_289 = arith.constant 0 : i32
      %cond3A_290 = arith.cmpi ne, %convert_element_type3A_288, %cond3A_289 : i32
      scf.if %cond3A_290 {
        %add3A_442 = arith.addi %mul3A_2, %add3A_265 : i32
        %add3A_443 = arith.constant 4 : i32
        %add3A_444 = arith.addi %add3A_442, %add3A_443 : i32
        %mul3A_445 = arith.constant 128 : i32
        %mul3A_446 = arith.muli %add3A_444, %mul3A_445 : i32
        %dma_start3A_447 = arith.constant 0 : i32
        %dma_start3A_448 = arith.constant 5 : i32
        %dma_start3A_449 = arith.constant 0 : i32
        %dma_start3A_450 = tpu.memref_slice %arg6[%dma_start3A_448, %dma_start3A_449] : memref<6x128xi32, #tpu.memory_space<vmem>> -> memref<1x128xi32, #tpu.memory_space<vmem>>
        %dma_start3A_451 = tpu.memref_squeeze %dma_start3A_450 : memref<1x128xi32, #tpu.memory_space<vmem>> -> memref<128xi32, #tpu.memory_space<vmem>>
        %dma_start3A_452 = tpu.memref_slice %arg3[%dma_start3A_447, %mul3A_446] : memref<2x320000xi32, #tpu.memory_space<hbm>> -> memref<1x128xi32, #tpu.memory_space<hbm>>
        %dma_start3A_453 = tpu.memref_squeeze %dma_start3A_452 : memref<1x128xi32, #tpu.memory_space<hbm>> -> memref<128xi32, #tpu.memory_space<hbm>>
        %dma_start3A_454 = arith.constant 0 : i32
        %dma_start3A_455 = tpu.memref_slice %arg6[%dma_start3A_448, %dma_start3A_454] : memref<6x128xi32, #tpu.memory_space<vmem>> -> memref<1x128xi32, #tpu.memory_space<vmem>>
        %dma_start3A_456 = tpu.memref_squeeze %dma_start3A_455 : memref<1x128xi32, #tpu.memory_space<vmem>> -> memref<128xi32, #tpu.memory_space<vmem>>
        %dma_start3A_457 = tpu.memref_slice %arg3[%dma_start3A_447, %mul3A_446] : memref<2x320000xi32, #tpu.memory_space<hbm>> -> memref<1x128xi32, #tpu.memory_space<hbm>>
        %dma_start3A_458 = tpu.memref_squeeze %dma_start3A_457 : memref<1x128xi32, #tpu.memory_space<hbm>> -> memref<128xi32, #tpu.memory_space<hbm>>
        tpu.enqueue_dma source(%dma_start3A_458 : memref<128xi32, #tpu.memory_space<hbm>>) target(%dma_start3A_456 : memref<128xi32, #tpu.memory_space<vmem>>) target_semaphore(%arg17 : memref<!tpu.dma_semaphore, #tpu.memory_space<semaphore_mem>>)
        %mul3A_459 = arith.constant 128 : i32
        %mul3A_460 = arith.muli %add3A_444, %mul3A_459 : i32
        %dma_start3A_461 = arith.constant 1 : i32
        %dma_start3A_462 = arith.constant 5 : i32
        %dma_start3A_463 = arith.constant 0 : i32
        %dma_start3A_464 = tpu.memref_slice %arg7[%dma_start3A_462, %dma_start3A_463] : memref<6x128xi32, #tpu.memory_space<vmem>> -> memref<1x128xi32, #tpu.memory_space<vmem>>
        %dma_start3A_465 = tpu.memref_squeeze %dma_start3A_464 : memref<1x128xi32, #tpu.memory_space<vmem>> -> memref<128xi32, #tpu.memory_space<vmem>>
        %dma_start3A_466 = tpu.memref_slice %arg3[%dma_start3A_461, %mul3A_460] : memref<2x320000xi32, #tpu.memory_space<hbm>> -> memref<1x128xi32, #tpu.memory_space<hbm>>
        %dma_start3A_467 = tpu.memref_squeeze %dma_start3A_466 : memref<1x128xi32, #tpu.memory_space<hbm>> -> memref<128xi32, #tpu.memory_space<hbm>>
        %dma_start3A_468 = arith.constant 0 : i32
        %dma_start3A_469 = tpu.memref_slice %arg7[%dma_start3A_462, %dma_start3A_468] : memref<6x128xi32, #tpu.memory_space<vmem>> -> memref<1x128xi32, #tpu.memory_space<vmem>>
        %dma_start3A_470 = tpu.memref_squeeze %dma_start3A_469 : memref<1x128xi32, #tpu.memory_space<vmem>> -> memref<128xi32, #tpu.memory_space<vmem>>
        %dma_start3A_471 = tpu.memref_slice %arg3[%dma_start3A_461, %mul3A_460] : memref<2x320000xi32, #tpu.memory_space<hbm>> -> memref<1x128xi32, #tpu.memory_space<hbm>>
        %dma_start3A_472 = tpu.memref_squeeze %dma_start3A_471 : memref<1x128xi32, #tpu.memory_space<hbm>> -> memref<128xi32, #tpu.memory_space<hbm>>
        tpu.enqueue_dma source(%dma_start3A_472 : memref<128xi32, #tpu.memory_space<hbm>>) target(%dma_start3A_470 : memref<128xi32, #tpu.memory_space<vmem>>) target_semaphore(%arg17 : memref<!tpu.dma_semaphore, #tpu.memory_space<semaphore_mem>>)
      } else {
      }
      %add3A_291 = arith.constant 2 : i32
      %add3A_292 = arith.addi %add3A_265, %add3A_291 : i32
      %lt3A_293 = arith.constant 78 : i32
      %lt3A_294 = arith.cmpi slt, %add3A_292, %lt3A_293 : i32
      %convert_element_type3A_295 = arith.extui %lt3A_294 : i1 to i32
      %cond3A_296 = arith.constant 0 : i32
      %cond3A_297 = arith.cmpi ne, %convert_element_type3A_295, %cond3A_296 : i32
      scf.if %cond3A_297 {
        %dma_wait3A_442 = arith.constant 0 : i32
        %dma_wait3A_443 = arith.constant 3 : i32
        %dma_wait3A_444 = arith.constant 0 : i32
        %dma_wait3A_445 = tpu.memref_slice %arg6[%dma_wait3A_443, %dma_wait3A_444] : memref<6x128xi32, #tpu.memory_space<vmem>> -> memref<1x128xi32, #tpu.memory_space<vmem>>
        %dma_wait3A_446 = tpu.memref_squeeze %dma_wait3A_445 : memref<1x128xi32, #tpu.memory_space<vmem>> -> memref<128xi32, #tpu.memory_space<vmem>>
        %dma_wait3A_447 = arith.constant 0 : i32
        %dma_wait3A_448 = tpu.memref_slice %arg3[%dma_wait3A_442, %dma_wait3A_447] : memref<2x320000xi32, #tpu.memory_space<hbm>> -> memref<1x128xi32, #tpu.memory_space<hbm>>
        %dma_wait3A_449 = tpu.memref_squeeze %dma_wait3A_448 : memref<1x128xi32, #tpu.memory_space<hbm>> -> memref<128xi32, #tpu.memory_space<hbm>>
        %dma_wait3A_450 = arith.constant 0 : i32
        %dma_wait3A_451 = tpu.memref_slice %arg6[%dma_wait3A_443, %dma_wait3A_450] : memref<6x128xi32, #tpu.memory_space<vmem>> -> memref<1x128xi32, #tpu.memory_space<vmem>>
        %dma_wait3A_452 = tpu.memref_squeeze %dma_wait3A_451 : memref<1x128xi32, #tpu.memory_space<vmem>> -> memref<128xi32, #tpu.memory_space<vmem>>
        %dma_wait3A_453 = arith.constant 0 : i32
        %dma_wait3A_454 = tpu.memref_slice %arg3[%dma_wait3A_442, %dma_wait3A_453] : memref<2x320000xi32, #tpu.memory_space<hbm>> -> memref<1x128xi32, #tpu.memory_space<hbm>>
        %dma_wait3A_455 = tpu.memref_squeeze %dma_wait3A_454 : memref<1x128xi32, #tpu.memory_space<hbm>> -> memref<128xi32, #tpu.memory_space<hbm>>
        tpu.wait_dma2 semaphore(%arg15 : memref<!tpu.dma_semaphore, #tpu.memory_space<semaphore_mem>>) src(%dma_wait3A_455 : memref<128xi32, #tpu.memory_space<hbm>>) dst(%dma_wait3A_452 : memref<128xi32, #tpu.memory_space<vmem>>)
        %dma_wait3A_456 = arith.constant 1 : i32
        %dma_wait3A_457 = arith.constant 3 : i32
        %dma_wait3A_458 = arith.constant 0 : i32
        %dma_wait3A_459 = tpu.memref_slice %arg7[%dma_wait3A_457, %dma_wait3A_458] : memref<6x128xi32, #tpu.memory_space<vmem>> -> memref<1x128xi32, #tpu.memory_space<vmem>>
        %dma_wait3A_460 = tpu.memref_squeeze %dma_wait3A_459 : memref<1x128xi32, #tpu.memory_space<vmem>> -> memref<128xi32, #tpu.memory_space<vmem>>
        %dma_wait3A_461 = arith.constant 0 : i32
        %dma_wait3A_462 = tpu.memref_slice %arg3[%dma_wait3A_456, %dma_wait3A_461] : memref<2x320000xi32, #tpu.memory_space<hbm>> -> memref<1x128xi32, #tpu.memory_space<hbm>>
        %dma_wait3A_463 = tpu.memref_squeeze %dma_wait3A_462 : memref<1x128xi32, #tpu.memory_space<hbm>> -> memref<128xi32, #tpu.memory_space<hbm>>
        %dma_wait3A_464 = arith.constant 0 : i32
        %dma_wait3A_465 = tpu.memref_slice %arg7[%dma_wait3A_457, %dma_wait3A_464] : memref<6x128xi32, #tpu.memory_space<vmem>> -> memref<1x128xi32, #tpu.memory_space<vmem>>
        %dma_wait3A_466 = tpu.memref_squeeze %dma_wait3A_465 : memref<1x128xi32, #tpu.memory_space<vmem>> -> memref<128xi32, #tpu.memory_space<vmem>>
        %dma_wait3A_467 = arith.constant 0 : i32
        %dma_wait3A_468 = tpu.memref_slice %arg3[%dma_wait3A_456, %dma_wait3A_467] : memref<2x320000xi32, #tpu.memory_space<hbm>> -> memref<1x128xi32, #tpu.memory_space<hbm>>
        %dma_wait3A_469 = tpu.memref_squeeze %dma_wait3A_468 : memref<1x128xi32, #tpu.memory_space<hbm>> -> memref<128xi32, #tpu.memory_space<hbm>>
        tpu.wait_dma2 semaphore(%arg15 : memref<!tpu.dma_semaphore, #tpu.memory_space<semaphore_mem>>) src(%dma_wait3A_469 : memref<128xi32, #tpu.memory_space<hbm>>) dst(%dma_wait3A_466 : memref<128xi32, #tpu.memory_space<vmem>>)
        %dma_start3A_470 = arith.constant 3 : i32
        %dma_start3A_471 = arith.constant 0 : i32
        %dma_start3A_472 = tpu.memref_slice %arg6[%dma_start3A_470, %dma_start3A_471] : memref<6x128xi32, #tpu.memory_space<vmem>> -> memref<1x128xi32, #tpu.memory_space<vmem>>
        %dma_start3A_473 = tpu.memref_squeeze %dma_start3A_472 : memref<1x128xi32, #tpu.memory_space<vmem>> -> memref<128xi32, #tpu.memory_space<vmem>>
        %dma_start3A_474 = arith.constant 0 : i32
        %dma_start3A_475 = arith.constant 0 : i32
        %dma_start3A_476 = tpu.memref_slice %arg2[%dma_start3A_474, %dma_start3A_475] : memref<10000x48xf32, #tpu.memory_space<hbm>> -> memref<10000x48xf32, #tpu.memory_space<hbm>>
        tpu.enqueue_indirect_dma source(%dma_start3A_476 : memref<10000x48xf32, #tpu.memory_space<hbm>>) target(%arg8 : memref<128x48xf32, #tpu.memory_space<vmem>>) offsets(%dma_start3A_473 : memref<128xi32, #tpu.memory_space<vmem>>) semaphore(%arg18 : memref<!tpu.dma_semaphore, #tpu.memory_space<semaphore_mem>>)
      } else {
      }
      %mul3A_298 = arith.constant 6 : i32
      %mul3A_299 = arith.muli %scan3A_226, %mul3A_298 : i32
      %add3A_300 = arith.constant 2 : i32
      %add3A_301 = arith.addi %mul3A_299, %add3A_300 : i32
      %dma_wait3A_302 = arith.constant 0 : i32
      %dma_wait3A_303 = arith.constant 0 : i32
      %dma_wait3A_304 = tpu.memref_slice %arg2[%dma_wait3A_302, %dma_wait3A_303] : memref<10000x48xf32, #tpu.memory_space<hbm>> -> memref<128x48xf32, #tpu.memory_space<hbm>>
      %dma_wait3A_305 = arith.constant 0 : i32
      %dma_wait3A_306 = arith.constant 0 : i32
      %dma_wait3A_307 = tpu.memref_slice %arg2[%dma_wait3A_305, %dma_wait3A_306] : memref<10000x48xf32, #tpu.memory_space<hbm>> -> memref<128x48xf32, #tpu.memory_space<hbm>>
      tpu.wait_dma2 semaphore(%arg20 : memref<!tpu.dma_semaphore, #tpu.memory_space<semaphore_mem>>) src(%dma_wait3A_307 : memref<128x48xf32, #tpu.memory_space<hbm>>) dst(%arg10 : memref<128x48xf32, #tpu.memory_space<vmem>>)
      %gt3A_308 = arith.constant 0 : i32
      %gt3A_309 = arith.cmpi sgt, %add3A_301, %gt3A_308 : i32
      %convert_element_type3A_310 = arith.extui %gt3A_309 : i1 to i32
      %cond3A_311 = arith.constant 0 : i32
      %cond3A_312 = arith.cmpi ne, %convert_element_type3A_310, %cond3A_311 : i32
      scf.if %cond3A_312 {
        %dma_wait3A_442 = arith.constant 0 : i32
        %dma_wait3A_443 = arith.constant 0 : i32
        %dma_wait3A_444 = tpu.memref_slice %arg11[%dma_wait3A_442, %dma_wait3A_443] : memref<10000x48xf32, #tpu.memory_space<vmem_shared>> -> memref<128x48xf32, #tpu.memory_space<vmem_shared>>
        %dma_wait3A_445 = arith.constant 0 : i32
        %dma_wait3A_446 = arith.constant 0 : i32
        %dma_wait3A_447 = tpu.memref_slice %arg11[%dma_wait3A_445, %dma_wait3A_446] : memref<10000x48xf32, #tpu.memory_space<vmem_shared>> -> memref<128x48xf32, #tpu.memory_space<vmem_shared>>
        tpu.wait_dma2 semaphore(%arg22 : memref<!tpu.dma_semaphore, #tpu.memory_space<semaphore_mem>>) src(%arg9 : memref<128x48xf32, #tpu.memory_space<vmem>>) dst(%dma_wait3A_447 : memref<128x48xf32, #tpu.memory_space<vmem_shared>>)
      } else {
      }
      %dma_start3A_313 = arith.constant 2 : i32
      %dma_start3A_314 = arith.constant 0 : i32
      %dma_start3A_315 = tpu.memref_slice %arg7[%dma_start3A_313, %dma_start3A_314] : memref<6x128xi32, #tpu.memory_space<vmem>> -> memref<1x128xi32, #tpu.memory_space<vmem>>
      %dma_start3A_316 = tpu.memref_squeeze %dma_start3A_315 : memref<1x128xi32, #tpu.memory_space<vmem>> -> memref<128xi32, #tpu.memory_space<vmem>>
      %dma_start3A_317 = arith.constant 0 : i32
      %dma_start3A_318 = arith.constant 0 : i32
      %dma_start3A_319 = tpu.memref_slice %arg11[%dma_start3A_317, %dma_start3A_318] : memref<10000x48xf32, #tpu.memory_space<vmem_shared>> -> memref<10000x48xf32, #tpu.memory_space<vmem_shared>>
      tpu.enqueue_indirect_dma source(%arg10 : memref<128x48xf32, #tpu.memory_space<vmem>>) target(%dma_start3A_319 : memref<10000x48xf32, #tpu.memory_space<vmem_shared>>) offsets(%dma_start3A_316 : memref<128xi32, #tpu.memory_space<vmem>>) semaphore(%arg23 : memref<!tpu.dma_semaphore, #tpu.memory_space<semaphore_mem>>) {add = true}
      %add3A_320 = arith.constant 4 : i32
      %add3A_321 = arith.addi %add3A_301, %add3A_320 : i32
      %lt3A_322 = arith.constant 78 : i32
      %lt3A_323 = arith.cmpi slt, %add3A_321, %lt3A_322 : i32
      %convert_element_type3A_324 = arith.extui %lt3A_323 : i1 to i32
      %cond3A_325 = arith.constant 0 : i32
      %cond3A_326 = arith.cmpi ne, %convert_element_type3A_324, %cond3A_325 : i32
      scf.if %cond3A_326 {
        %add3A_442 = arith.addi %mul3A_2, %add3A_301 : i32
        %add3A_443 = arith.constant 4 : i32
        %add3A_444 = arith.addi %add3A_442, %add3A_443 : i32
        %mul3A_445 = arith.constant 128 : i32
        %mul3A_446 = arith.muli %add3A_444, %mul3A_445 : i32
        %dma_start3A_447 = arith.constant 0 : i32
        %dma_start3A_448 = arith.constant 0 : i32
        %dma_start3A_449 = arith.constant 0 : i32
        %dma_start3A_450 = tpu.memref_slice %arg6[%dma_start3A_448, %dma_start3A_449] : memref<6x128xi32, #tpu.memory_space<vmem>> -> memref<1x128xi32, #tpu.memory_space<vmem>>
        %dma_start3A_451 = tpu.memref_squeeze %dma_start3A_450 : memref<1x128xi32, #tpu.memory_space<vmem>> -> memref<128xi32, #tpu.memory_space<vmem>>
        %dma_start3A_452 = tpu.memref_slice %arg3[%dma_start3A_447, %mul3A_446] : memref<2x320000xi32, #tpu.memory_space<hbm>> -> memref<1x128xi32, #tpu.memory_space<hbm>>
        %dma_start3A_453 = tpu.memref_squeeze %dma_start3A_452 : memref<1x128xi32, #tpu.memory_space<hbm>> -> memref<128xi32, #tpu.memory_space<hbm>>
        %dma_start3A_454 = arith.constant 0 : i32
        %dma_start3A_455 = tpu.memref_slice %arg6[%dma_start3A_448, %dma_start3A_454] : memref<6x128xi32, #tpu.memory_space<vmem>> -> memref<1x128xi32, #tpu.memory_space<vmem>>
        %dma_start3A_456 = tpu.memref_squeeze %dma_start3A_455 : memref<1x128xi32, #tpu.memory_space<vmem>> -> memref<128xi32, #tpu.memory_space<vmem>>
        %dma_start3A_457 = tpu.memref_slice %arg3[%dma_start3A_447, %mul3A_446] : memref<2x320000xi32, #tpu.memory_space<hbm>> -> memref<1x128xi32, #tpu.memory_space<hbm>>
        %dma_start3A_458 = tpu.memref_squeeze %dma_start3A_457 : memref<1x128xi32, #tpu.memory_space<hbm>> -> memref<128xi32, #tpu.memory_space<hbm>>
        tpu.enqueue_dma source(%dma_start3A_458 : memref<128xi32, #tpu.memory_space<hbm>>) target(%dma_start3A_456 : memref<128xi32, #tpu.memory_space<vmem>>) target_semaphore(%arg12 : memref<!tpu.dma_semaphore, #tpu.memory_space<semaphore_mem>>)
        %mul3A_459 = arith.constant 128 : i32
        %mul3A_460 = arith.muli %add3A_444, %mul3A_459 : i32
        %dma_start3A_461 = arith.constant 1 : i32
        %dma_start3A_462 = arith.constant 0 : i32
        %dma_start3A_463 = arith.constant 0 : i32
        %dma_start3A_464 = tpu.memref_slice %arg7[%dma_start3A_462, %dma_start3A_463] : memref<6x128xi32, #tpu.memory_space<vmem>> -> memref<1x128xi32, #tpu.memory_space<vmem>>
        %dma_start3A_465 = tpu.memref_squeeze %dma_start3A_464 : memref<1x128xi32, #tpu.memory_space<vmem>> -> memref<128xi32, #tpu.memory_space<vmem>>
        %dma_start3A_466 = tpu.memref_slice %arg3[%dma_start3A_461, %mul3A_460] : memref<2x320000xi32, #tpu.memory_space<hbm>> -> memref<1x128xi32, #tpu.memory_space<hbm>>
        %dma_start3A_467 = tpu.memref_squeeze %dma_start3A_466 : memref<1x128xi32, #tpu.memory_space<hbm>> -> memref<128xi32, #tpu.memory_space<hbm>>
        %dma_start3A_468 = arith.constant 0 : i32
        %dma_start3A_469 = tpu.memref_slice %arg7[%dma_start3A_462, %dma_start3A_468] : memref<6x128xi32, #tpu.memory_space<vmem>> -> memref<1x128xi32, #tpu.memory_space<vmem>>
        %dma_start3A_470 = tpu.memref_squeeze %dma_start3A_469 : memref<1x128xi32, #tpu.memory_space<vmem>> -> memref<128xi32, #tpu.memory_space<vmem>>
        %dma_start3A_471 = tpu.memref_slice %arg3[%dma_start3A_461, %mul3A_460] : memref<2x320000xi32, #tpu.memory_space<hbm>> -> memref<1x128xi32, #tpu.memory_space<hbm>>
        %dma_start3A_472 = tpu.memref_squeeze %dma_start3A_471 : memref<1x128xi32, #tpu.memory_space<hbm>> -> memref<128xi32, #tpu.memory_space<hbm>>
        tpu.enqueue_dma source(%dma_start3A_472 : memref<128xi32, #tpu.memory_space<hbm>>) target(%dma_start3A_470 : memref<128xi32, #tpu.memory_space<vmem>>) target_semaphore(%arg12 : memref<!tpu.dma_semaphore, #tpu.memory_space<semaphore_mem>>)
      } else {
      }
      %add3A_327 = arith.constant 2 : i32
      %add3A_328 = arith.addi %add3A_301, %add3A_327 : i32
      %lt3A_329 = arith.constant 78 : i32
      %lt3A_330 = arith.cmpi slt, %add3A_328, %lt3A_329 : i32
      %convert_element_type3A_331 = arith.extui %lt3A_330 : i1 to i32
      %cond3A_332 = arith.constant 0 : i32
      %cond3A_333 = arith.cmpi ne, %convert_element_type3A_331, %cond3A_332 : i32
      scf.if %cond3A_333 {
        %dma_wait3A_442 = arith.constant 0 : i32
        %dma_wait3A_443 = arith.constant 4 : i32
        %dma_wait3A_444 = arith.constant 0 : i32
        %dma_wait3A_445 = tpu.memref_slice %arg6[%dma_wait3A_443, %dma_wait3A_444] : memref<6x128xi32, #tpu.memory_space<vmem>> -> memref<1x128xi32, #tpu.memory_space<vmem>>
        %dma_wait3A_446 = tpu.memref_squeeze %dma_wait3A_445 : memref<1x128xi32, #tpu.memory_space<vmem>> -> memref<128xi32, #tpu.memory_space<vmem>>
        %dma_wait3A_447 = arith.constant 0 : i32
        %dma_wait3A_448 = tpu.memref_slice %arg3[%dma_wait3A_442, %dma_wait3A_447] : memref<2x320000xi32, #tpu.memory_space<hbm>> -> memref<1x128xi32, #tpu.memory_space<hbm>>
        %dma_wait3A_449 = tpu.memref_squeeze %dma_wait3A_448 : memref<1x128xi32, #tpu.memory_space<hbm>> -> memref<128xi32, #tpu.memory_space<hbm>>
        %dma_wait3A_450 = arith.constant 0 : i32
        %dma_wait3A_451 = tpu.memref_slice %arg6[%dma_wait3A_443, %dma_wait3A_450] : memref<6x128xi32, #tpu.memory_space<vmem>> -> memref<1x128xi32, #tpu.memory_space<vmem>>
        %dma_wait3A_452 = tpu.memref_squeeze %dma_wait3A_451 : memref<1x128xi32, #tpu.memory_space<vmem>> -> memref<128xi32, #tpu.memory_space<vmem>>
        %dma_wait3A_453 = arith.constant 0 : i32
        %dma_wait3A_454 = tpu.memref_slice %arg3[%dma_wait3A_442, %dma_wait3A_453] : memref<2x320000xi32, #tpu.memory_space<hbm>> -> memref<1x128xi32, #tpu.memory_space<hbm>>
        %dma_wait3A_455 = tpu.memref_squeeze %dma_wait3A_454 : memref<1x128xi32, #tpu.memory_space<hbm>> -> memref<128xi32, #tpu.memory_space<hbm>>
        tpu.wait_dma2 semaphore(%arg16 : memref<!tpu.dma_semaphore, #tpu.memory_space<semaphore_mem>>) src(%dma_wait3A_455 : memref<128xi32, #tpu.memory_space<hbm>>) dst(%dma_wait3A_452 : memref<128xi32, #tpu.memory_space<vmem>>)
        %dma_wait3A_456 = arith.constant 1 : i32
        %dma_wait3A_457 = arith.constant 4 : i32
        %dma_wait3A_458 = arith.constant 0 : i32
        %dma_wait3A_459 = tpu.memref_slice %arg7[%dma_wait3A_457, %dma_wait3A_458] : memref<6x128xi32, #tpu.memory_space<vmem>> -> memref<1x128xi32, #tpu.memory_space<vmem>>
        %dma_wait3A_460 = tpu.memref_squeeze %dma_wait3A_459 : memref<1x128xi32, #tpu.memory_space<vmem>> -> memref<128xi32, #tpu.memory_space<vmem>>
        %dma_wait3A_461 = arith.constant 0 : i32
        %dma_wait3A_462 = tpu.memref_slice %arg3[%dma_wait3A_456, %dma_wait3A_461] : memref<2x320000xi32, #tpu.memory_space<hbm>> -> memref<1x128xi32, #tpu.memory_space<hbm>>
        %dma_wait3A_463 = tpu.memref_squeeze %dma_wait3A_462 : memref<1x128xi32, #tpu.memory_space<hbm>> -> memref<128xi32, #tpu.memory_space<hbm>>
        %dma_wait3A_464 = arith.constant 0 : i32
        %dma_wait3A_465 = tpu.memref_slice %arg7[%dma_wait3A_457, %dma_wait3A_464] : memref<6x128xi32, #tpu.memory_space<vmem>> -> memref<1x128xi32, #tpu.memory_space<vmem>>
        %dma_wait3A_466 = tpu.memref_squeeze %dma_wait3A_465 : memref<1x128xi32, #tpu.memory_space<vmem>> -> memref<128xi32, #tpu.memory_space<vmem>>
        %dma_wait3A_467 = arith.constant 0 : i32
        %dma_wait3A_468 = tpu.memref_slice %arg3[%dma_wait3A_456, %dma_wait3A_467] : memref<2x320000xi32, #tpu.memory_space<hbm>> -> memref<1x128xi32, #tpu.memory_space<hbm>>
        %dma_wait3A_469 = tpu.memref_squeeze %dma_wait3A_468 : memref<1x128xi32, #tpu.memory_space<hbm>> -> memref<128xi32, #tpu.memory_space<hbm>>
        tpu.wait_dma2 semaphore(%arg16 : memref<!tpu.dma_semaphore, #tpu.memory_space<semaphore_mem>>) src(%dma_wait3A_469 : memref<128xi32, #tpu.memory_space<hbm>>) dst(%dma_wait3A_466 : memref<128xi32, #tpu.memory_space<vmem>>)
        %dma_start3A_470 = arith.constant 4 : i32
        %dma_start3A_471 = arith.constant 0 : i32
        %dma_start3A_472 = tpu.memref_slice %arg6[%dma_start3A_470, %dma_start3A_471] : memref<6x128xi32, #tpu.memory_space<vmem>> -> memref<1x128xi32, #tpu.memory_space<vmem>>
        %dma_start3A_473 = tpu.memref_squeeze %dma_start3A_472 : memref<1x128xi32, #tpu.memory_space<vmem>> -> memref<128xi32, #tpu.memory_space<vmem>>
        %dma_start3A_474 = arith.constant 0 : i32
        %dma_start3A_475 = arith.constant 0 : i32
        %dma_start3A_476 = tpu.memref_slice %arg2[%dma_start3A_474, %dma_start3A_475] : memref<10000x48xf32, #tpu.memory_space<hbm>> -> memref<10000x48xf32, #tpu.memory_space<hbm>>
        tpu.enqueue_indirect_dma source(%dma_start3A_476 : memref<10000x48xf32, #tpu.memory_space<hbm>>) target(%arg9 : memref<128x48xf32, #tpu.memory_space<vmem>>) offsets(%dma_start3A_473 : memref<128xi32, #tpu.memory_space<vmem>>) semaphore(%arg19 : memref<!tpu.dma_semaphore, #tpu.memory_space<semaphore_mem>>)
      } else {
      }
      %mul3A_334 = arith.constant 6 : i32
      %mul3A_335 = arith.muli %scan3A_226, %mul3A_334 : i32
      %add3A_336 = arith.constant 3 : i32
      %add3A_337 = arith.addi %mul3A_335, %add3A_336 : i32
      %dma_wait3A_338 = arith.constant 0 : i32
      %dma_wait3A_339 = arith.constant 0 : i32
      %dma_wait3A_340 = tpu.memref_slice %arg2[%dma_wait3A_338, %dma_wait3A_339] : memref<10000x48xf32, #tpu.memory_space<hbm>> -> memref<128x48xf32, #tpu.memory_space<hbm>>
      %dma_wait3A_341 = arith.constant 0 : i32
      %dma_wait3A_342 = arith.constant 0 : i32
      %dma_wait3A_343 = tpu.memref_slice %arg2[%dma_wait3A_341, %dma_wait3A_342] : memref<10000x48xf32, #tpu.memory_space<hbm>> -> memref<128x48xf32, #tpu.memory_space<hbm>>
      tpu.wait_dma2 semaphore(%arg18 : memref<!tpu.dma_semaphore, #tpu.memory_space<semaphore_mem>>) src(%dma_wait3A_343 : memref<128x48xf32, #tpu.memory_space<hbm>>) dst(%arg8 : memref<128x48xf32, #tpu.memory_space<vmem>>)
      %gt3A_344 = arith.constant 0 : i32
      %gt3A_345 = arith.cmpi sgt, %add3A_337, %gt3A_344 : i32
      %convert_element_type3A_346 = arith.extui %gt3A_345 : i1 to i32
      %cond3A_347 = arith.constant 0 : i32
      %cond3A_348 = arith.cmpi ne, %convert_element_type3A_346, %cond3A_347 : i32
      scf.if %cond3A_348 {
        %dma_wait3A_442 = arith.constant 0 : i32
        %dma_wait3A_443 = arith.constant 0 : i32
        %dma_wait3A_444 = tpu.memref_slice %arg11[%dma_wait3A_442, %dma_wait3A_443] : memref<10000x48xf32, #tpu.memory_space<vmem_shared>> -> memref<128x48xf32, #tpu.memory_space<vmem_shared>>
        %dma_wait3A_445 = arith.constant 0 : i32
        %dma_wait3A_446 = arith.constant 0 : i32
        %dma_wait3A_447 = tpu.memref_slice %arg11[%dma_wait3A_445, %dma_wait3A_446] : memref<10000x48xf32, #tpu.memory_space<vmem_shared>> -> memref<128x48xf32, #tpu.memory_space<vmem_shared>>
        tpu.wait_dma2 semaphore(%arg23 : memref<!tpu.dma_semaphore, #tpu.memory_space<semaphore_mem>>) src(%arg10 : memref<128x48xf32, #tpu.memory_space<vmem>>) dst(%dma_wait3A_447 : memref<128x48xf32, #tpu.memory_space<vmem_shared>>)
      } else {
      }
      %dma_start3A_349 = arith.constant 3 : i32
      %dma_start3A_350 = arith.constant 0 : i32
      %dma_start3A_351 = tpu.memref_slice %arg7[%dma_start3A_349, %dma_start3A_350] : memref<6x128xi32, #tpu.memory_space<vmem>> -> memref<1x128xi32, #tpu.memory_space<vmem>>
      %dma_start3A_352 = tpu.memref_squeeze %dma_start3A_351 : memref<1x128xi32, #tpu.memory_space<vmem>> -> memref<128xi32, #tpu.memory_space<vmem>>
      %dma_start3A_353 = arith.constant 0 : i32
      %dma_start3A_354 = arith.constant 0 : i32
      %dma_start3A_355 = tpu.memref_slice %arg11[%dma_start3A_353, %dma_start3A_354] : memref<10000x48xf32, #tpu.memory_space<vmem_shared>> -> memref<10000x48xf32, #tpu.memory_space<vmem_shared>>
      tpu.enqueue_indirect_dma source(%arg8 : memref<128x48xf32, #tpu.memory_space<vmem>>) target(%dma_start3A_355 : memref<10000x48xf32, #tpu.memory_space<vmem_shared>>) offsets(%dma_start3A_352 : memref<128xi32, #tpu.memory_space<vmem>>) semaphore(%arg21 : memref<!tpu.dma_semaphore, #tpu.memory_space<semaphore_mem>>) {add = true}
      %add3A_356 = arith.constant 4 : i32
      %add3A_357 = arith.addi %add3A_337, %add3A_356 : i32
      %lt3A_358 = arith.constant 78 : i32
      %lt3A_359 = arith.cmpi slt, %add3A_357, %lt3A_358 : i32
      %convert_element_type3A_360 = arith.extui %lt3A_359 : i1 to i32
      %cond3A_361 = arith.constant 0 : i32
      %cond3A_362 = arith.cmpi ne, %convert_element_type3A_360, %cond3A_361 : i32
      scf.if %cond3A_362 {
        %add3A_442 = arith.addi %mul3A_2, %add3A_337 : i32
        %add3A_443 = arith.constant 4 : i32
        %add3A_444 = arith.addi %add3A_442, %add3A_443 : i32
        %mul3A_445 = arith.constant 128 : i32
        %mul3A_446 = arith.muli %add3A_444, %mul3A_445 : i32
        %dma_start3A_447 = arith.constant 0 : i32
        %dma_start3A_448 = arith.constant 1 : i32
        %dma_start3A_449 = arith.constant 0 : i32
        %dma_start3A_450 = tpu.memref_slice %arg6[%dma_start3A_448, %dma_start3A_449] : memref<6x128xi32, #tpu.memory_space<vmem>> -> memref<1x128xi32, #tpu.memory_space<vmem>>
        %dma_start3A_451 = tpu.memref_squeeze %dma_start3A_450 : memref<1x128xi32, #tpu.memory_space<vmem>> -> memref<128xi32, #tpu.memory_space<vmem>>
        %dma_start3A_452 = tpu.memref_slice %arg3[%dma_start3A_447, %mul3A_446] : memref<2x320000xi32, #tpu.memory_space<hbm>> -> memref<1x128xi32, #tpu.memory_space<hbm>>
        %dma_start3A_453 = tpu.memref_squeeze %dma_start3A_452 : memref<1x128xi32, #tpu.memory_space<hbm>> -> memref<128xi32, #tpu.memory_space<hbm>>
        %dma_start3A_454 = arith.constant 0 : i32
        %dma_start3A_455 = tpu.memref_slice %arg6[%dma_start3A_448, %dma_start3A_454] : memref<6x128xi32, #tpu.memory_space<vmem>> -> memref<1x128xi32, #tpu.memory_space<vmem>>
        %dma_start3A_456 = tpu.memref_squeeze %dma_start3A_455 : memref<1x128xi32, #tpu.memory_space<vmem>> -> memref<128xi32, #tpu.memory_space<vmem>>
        %dma_start3A_457 = tpu.memref_slice %arg3[%dma_start3A_447, %mul3A_446] : memref<2x320000xi32, #tpu.memory_space<hbm>> -> memref<1x128xi32, #tpu.memory_space<hbm>>
        %dma_start3A_458 = tpu.memref_squeeze %dma_start3A_457 : memref<1x128xi32, #tpu.memory_space<hbm>> -> memref<128xi32, #tpu.memory_space<hbm>>
        tpu.enqueue_dma source(%dma_start3A_458 : memref<128xi32, #tpu.memory_space<hbm>>) target(%dma_start3A_456 : memref<128xi32, #tpu.memory_space<vmem>>) target_semaphore(%arg13 : memref<!tpu.dma_semaphore, #tpu.memory_space<semaphore_mem>>)
        %mul3A_459 = arith.constant 128 : i32
        %mul3A_460 = arith.muli %add3A_444, %mul3A_459 : i32
        %dma_start3A_461 = arith.constant 1 : i32
        %dma_start3A_462 = arith.constant 1 : i32
        %dma_start3A_463 = arith.constant 0 : i32
        %dma_start3A_464 = tpu.memref_slice %arg7[%dma_start3A_462, %dma_start3A_463] : memref<6x128xi32, #tpu.memory_space<vmem>> -> memref<1x128xi32, #tpu.memory_space<vmem>>
        %dma_start3A_465 = tpu.memref_squeeze %dma_start3A_464 : memref<1x128xi32, #tpu.memory_space<vmem>> -> memref<128xi32, #tpu.memory_space<vmem>>
        %dma_start3A_466 = tpu.memref_slice %arg3[%dma_start3A_461, %mul3A_460] : memref<2x320000xi32, #tpu.memory_space<hbm>> -> memref<1x128xi32, #tpu.memory_space<hbm>>
        %dma_start3A_467 = tpu.memref_squeeze %dma_start3A_466 : memref<1x128xi32, #tpu.memory_space<hbm>> -> memref<128xi32, #tpu.memory_space<hbm>>
        %dma_start3A_468 = arith.constant 0 : i32
        %dma_start3A_469 = tpu.memref_slice %arg7[%dma_start3A_462, %dma_start3A_468] : memref<6x128xi32, #tpu.memory_space<vmem>> -> memref<1x128xi32, #tpu.memory_space<vmem>>
        %dma_start3A_470 = tpu.memref_squeeze %dma_start3A_469 : memref<1x128xi32, #tpu.memory_space<vmem>> -> memref<128xi32, #tpu.memory_space<vmem>>
        %dma_start3A_471 = tpu.memref_slice %arg3[%dma_start3A_461, %mul3A_460] : memref<2x320000xi32, #tpu.memory_space<hbm>> -> memref<1x128xi32, #tpu.memory_space<hbm>>
        %dma_start3A_472 = tpu.memref_squeeze %dma_start3A_471 : memref<1x128xi32, #tpu.memory_space<hbm>> -> memref<128xi32, #tpu.memory_space<hbm>>
        tpu.enqueue_dma source(%dma_start3A_472 : memref<128xi32, #tpu.memory_space<hbm>>) target(%dma_start3A_470 : memref<128xi32, #tpu.memory_space<vmem>>) target_semaphore(%arg13 : memref<!tpu.dma_semaphore, #tpu.memory_space<semaphore_mem>>)
      } else {
      }
      %add3A_363 = arith.constant 2 : i32
      %add3A_364 = arith.addi %add3A_337, %add3A_363 : i32
      %lt3A_365 = arith.constant 78 : i32
      %lt3A_366 = arith.cmpi slt, %add3A_364, %lt3A_365 : i32
      %convert_element_type3A_367 = arith.extui %lt3A_366 : i1 to i32
      %cond3A_368 = arith.constant 0 : i32
      %cond3A_369 = arith.cmpi ne, %convert_element_type3A_367, %cond3A_368 : i32
      scf.if %cond3A_369 {
        %dma_wait3A_442 = arith.constant 0 : i32
        %dma_wait3A_443 = arith.constant 5 : i32
        %dma_wait3A_444 = arith.constant 0 : i32
        %dma_wait3A_445 = tpu.memref_slice %arg6[%dma_wait3A_443, %dma_wait3A_444] : memref<6x128xi32, #tpu.memory_space<vmem>> -> memref<1x128xi32, #tpu.memory_space<vmem>>
        %dma_wait3A_446 = tpu.memref_squeeze %dma_wait3A_445 : memref<1x128xi32, #tpu.memory_space<vmem>> -> memref<128xi32, #tpu.memory_space<vmem>>
        %dma_wait3A_447 = arith.constant 0 : i32
        %dma_wait3A_448 = tpu.memref_slice %arg3[%dma_wait3A_442, %dma_wait3A_447] : memref<2x320000xi32, #tpu.memory_space<hbm>> -> memref<1x128xi32, #tpu.memory_space<hbm>>
        %dma_wait3A_449 = tpu.memref_squeeze %dma_wait3A_448 : memref<1x128xi32, #tpu.memory_space<hbm>> -> memref<128xi32, #tpu.memory_space<hbm>>
        %dma_wait3A_450 = arith.constant 0 : i32
        %dma_wait3A_451 = tpu.memref_slice %arg6[%dma_wait3A_443, %dma_wait3A_450] : memref<6x128xi32, #tpu.memory_space<vmem>> -> memref<1x128xi32, #tpu.memory_space<vmem>>
        %dma_wait3A_452 = tpu.memref_squeeze %dma_wait3A_451 : memref<1x128xi32, #tpu.memory_space<vmem>> -> memref<128xi32, #tpu.memory_space<vmem>>
        %dma_wait3A_453 = arith.constant 0 : i32
        %dma_wait3A_454 = tpu.memref_slice %arg3[%dma_wait3A_442, %dma_wait3A_453] : memref<2x320000xi32, #tpu.memory_space<hbm>> -> memref<1x128xi32, #tpu.memory_space<hbm>>
        %dma_wait3A_455 = tpu.memref_squeeze %dma_wait3A_454 : memref<1x128xi32, #tpu.memory_space<hbm>> -> memref<128xi32, #tpu.memory_space<hbm>>
        tpu.wait_dma2 semaphore(%arg17 : memref<!tpu.dma_semaphore, #tpu.memory_space<semaphore_mem>>) src(%dma_wait3A_455 : memref<128xi32, #tpu.memory_space<hbm>>) dst(%dma_wait3A_452 : memref<128xi32, #tpu.memory_space<vmem>>)
        %dma_wait3A_456 = arith.constant 1 : i32
        %dma_wait3A_457 = arith.constant 5 : i32
        %dma_wait3A_458 = arith.constant 0 : i32
        %dma_wait3A_459 = tpu.memref_slice %arg7[%dma_wait3A_457, %dma_wait3A_458] : memref<6x128xi32, #tpu.memory_space<vmem>> -> memref<1x128xi32, #tpu.memory_space<vmem>>
        %dma_wait3A_460 = tpu.memref_squeeze %dma_wait3A_459 : memref<1x128xi32, #tpu.memory_space<vmem>> -> memref<128xi32, #tpu.memory_space<vmem>>
        %dma_wait3A_461 = arith.constant 0 : i32
        %dma_wait3A_462 = tpu.memref_slice %arg3[%dma_wait3A_456, %dma_wait3A_461] : memref<2x320000xi32, #tpu.memory_space<hbm>> -> memref<1x128xi32, #tpu.memory_space<hbm>>
        %dma_wait3A_463 = tpu.memref_squeeze %dma_wait3A_462 : memref<1x128xi32, #tpu.memory_space<hbm>> -> memref<128xi32, #tpu.memory_space<hbm>>
        %dma_wait3A_464 = arith.constant 0 : i32
        %dma_wait3A_465 = tpu.memref_slice %arg7[%dma_wait3A_457, %dma_wait3A_464] : memref<6x128xi32, #tpu.memory_space<vmem>> -> memref<1x128xi32, #tpu.memory_space<vmem>>
        %dma_wait3A_466 = tpu.memref_squeeze %dma_wait3A_465 : memref<1x128xi32, #tpu.memory_space<vmem>> -> memref<128xi32, #tpu.memory_space<vmem>>
        %dma_wait3A_467 = arith.constant 0 : i32
        %dma_wait3A_468 = tpu.memref_slice %arg3[%dma_wait3A_456, %dma_wait3A_467] : memref<2x320000xi32, #tpu.memory_space<hbm>> -> memref<1x128xi32, #tpu.memory_space<hbm>>
        %dma_wait3A_469 = tpu.memref_squeeze %dma_wait3A_468 : memref<1x128xi32, #tpu.memory_space<hbm>> -> memref<128xi32, #tpu.memory_space<hbm>>
        tpu.wait_dma2 semaphore(%arg17 : memref<!tpu.dma_semaphore, #tpu.memory_space<semaphore_mem>>) src(%dma_wait3A_469 : memref<128xi32, #tpu.memory_space<hbm>>) dst(%dma_wait3A_466 : memref<128xi32, #tpu.memory_space<vmem>>)
        %dma_start3A_470 = arith.constant 5 : i32
        %dma_start3A_471 = arith.constant 0 : i32
        %dma_start3A_472 = tpu.memref_slice %arg6[%dma_start3A_470, %dma_start3A_471] : memref<6x128xi32, #tpu.memory_space<vmem>> -> memref<1x128xi32, #tpu.memory_space<vmem>>
        %dma_start3A_473 = tpu.memref_squeeze %dma_start3A_472 : memref<1x128xi32, #tpu.memory_space<vmem>> -> memref<128xi32, #tpu.memory_space<vmem>>
        %dma_start3A_474 = arith.constant 0 : i32
        %dma_start3A_475 = arith.constant 0 : i32
        %dma_start3A_476 = tpu.memref_slice %arg2[%dma_start3A_474, %dma_start3A_475] : memref<10000x48xf32, #tpu.memory_space<hbm>> -> memref<10000x48xf32, #tpu.memory_space<hbm>>
        tpu.enqueue_indirect_dma source(%dma_start3A_476 : memref<10000x48xf32, #tpu.memory_space<hbm>>) target(%arg10 : memref<128x48xf32, #tpu.memory_space<vmem>>) offsets(%dma_start3A_473 : memref<128xi32, #tpu.memory_space<vmem>>) semaphore(%arg20 : memref<!tpu.dma_semaphore, #tpu.memory_space<semaphore_mem>>)
      } else {
      }
      %mul3A_370 = arith.constant 6 : i32
      %mul3A_371 = arith.muli %scan3A_226, %mul3A_370 : i32
      %add3A_372 = arith.constant 4 : i32
      %add3A_373 = arith.addi %mul3A_371, %add3A_372 : i32
      %dma_wait3A_374 = arith.constant 0 : i32
      %dma_wait3A_375 = arith.constant 0 : i32
      %dma_wait3A_376 = tpu.memref_slice %arg2[%dma_wait3A_374, %dma_wait3A_375] : memref<10000x48xf32, #tpu.memory_space<hbm>> -> memref<128x48xf32, #tpu.memory_space<hbm>>
      %dma_wait3A_377 = arith.constant 0 : i32
      %dma_wait3A_378 = arith.constant 0 : i32
      %dma_wait3A_379 = tpu.memref_slice %arg2[%dma_wait3A_377, %dma_wait3A_378] : memref<10000x48xf32, #tpu.memory_space<hbm>> -> memref<128x48xf32, #tpu.memory_space<hbm>>
      tpu.wait_dma2 semaphore(%arg19 : memref<!tpu.dma_semaphore, #tpu.memory_space<semaphore_mem>>) src(%dma_wait3A_379 : memref<128x48xf32, #tpu.memory_space<hbm>>) dst(%arg9 : memref<128x48xf32, #tpu.memory_space<vmem>>)
      %gt3A_380 = arith.constant 0 : i32
      %gt3A_381 = arith.cmpi sgt, %add3A_373, %gt3A_380 : i32
      %convert_element_type3A_382 = arith.extui %gt3A_381 : i1 to i32
      %cond3A_383 = arith.constant 0 : i32
      %cond3A_384 = arith.cmpi ne, %convert_element_type3A_382, %cond3A_383 : i32
      scf.if %cond3A_384 {
        %dma_wait3A_442 = arith.constant 0 : i32
        %dma_wait3A_443 = arith.constant 0 : i32
        %dma_wait3A_444 = tpu.memref_slice %arg11[%dma_wait3A_442, %dma_wait3A_443] : memref<10000x48xf32, #tpu.memory_space<vmem_shared>> -> memref<128x48xf32, #tpu.memory_space<vmem_shared>>
        %dma_wait3A_445 = arith.constant 0 : i32
        %dma_wait3A_446 = arith.constant 0 : i32
        %dma_wait3A_447 = tpu.memref_slice %arg11[%dma_wait3A_445, %dma_wait3A_446] : memref<10000x48xf32, #tpu.memory_space<vmem_shared>> -> memref<128x48xf32, #tpu.memory_space<vmem_shared>>
        tpu.wait_dma2 semaphore(%arg21 : memref<!tpu.dma_semaphore, #tpu.memory_space<semaphore_mem>>) src(%arg8 : memref<128x48xf32, #tpu.memory_space<vmem>>) dst(%dma_wait3A_447 : memref<128x48xf32, #tpu.memory_space<vmem_shared>>)
      } else {
      }
      %dma_start3A_385 = arith.constant 4 : i32
      %dma_start3A_386 = arith.constant 0 : i32
      %dma_start3A_387 = tpu.memref_slice %arg7[%dma_start3A_385, %dma_start3A_386] : memref<6x128xi32, #tpu.memory_space<vmem>> -> memref<1x128xi32, #tpu.memory_space<vmem>>
      %dma_start3A_388 = tpu.memref_squeeze %dma_start3A_387 : memref<1x128xi32, #tpu.memory_space<vmem>> -> memref<128xi32, #tpu.memory_space<vmem>>
      %dma_start3A_389 = arith.constant 0 : i32
      %dma_start3A_390 = arith.constant 0 : i32
      %dma_start3A_391 = tpu.memref_slice %arg11[%dma_start3A_389, %dma_start3A_390] : memref<10000x48xf32, #tpu.memory_space<vmem_shared>> -> memref<10000x48xf32, #tpu.memory_space<vmem_shared>>
      tpu.enqueue_indirect_dma source(%arg9 : memref<128x48xf32, #tpu.memory_space<vmem>>) target(%dma_start3A_391 : memref<10000x48xf32, #tpu.memory_space<vmem_shared>>) offsets(%dma_start3A_388 : memref<128xi32, #tpu.memory_space<vmem>>) semaphore(%arg22 : memref<!tpu.dma_semaphore, #tpu.memory_space<semaphore_mem>>) {add = true}
      %add3A_392 = arith.constant 4 : i32
      %add3A_393 = arith.addi %add3A_373, %add3A_392 : i32
      %lt3A_394 = arith.constant 78 : i32
      %lt3A_395 = arith.cmpi slt, %add3A_393, %lt3A_394 : i32
      %convert_element_type3A_396 = arith.extui %lt3A_395 : i1 to i32
      %cond3A_397 = arith.constant 0 : i32
      %cond3A_398 = arith.cmpi ne, %convert_element_type3A_396, %cond3A_397 : i32
      scf.if %cond3A_398 {
        %add3A_442 = arith.addi %mul3A_2, %add3A_373 : i32
        %add3A_443 = arith.constant 4 : i32
        %add3A_444 = arith.addi %add3A_442, %add3A_443 : i32
        %mul3A_445 = arith.constant 128 : i32
        %mul3A_446 = arith.muli %add3A_444, %mul3A_445 : i32
        %dma_start3A_447 = arith.constant 0 : i32
        %dma_start3A_448 = arith.constant 2 : i32
        %dma_start3A_449 = arith.constant 0 : i32
        %dma_start3A_450 = tpu.memref_slice %arg6[%dma_start3A_448, %dma_start3A_449] : memref<6x128xi32, #tpu.memory_space<vmem>> -> memref<1x128xi32, #tpu.memory_space<vmem>>
        %dma_start3A_451 = tpu.memref_squeeze %dma_start3A_450 : memref<1x128xi32, #tpu.memory_space<vmem>> -> memref<128xi32, #tpu.memory_space<vmem>>
        %dma_start3A_452 = tpu.memref_slice %arg3[%dma_start3A_447, %mul3A_446] : memref<2x320000xi32, #tpu.memory_space<hbm>> -> memref<1x128xi32, #tpu.memory_space<hbm>>
        %dma_start3A_453 = tpu.memref_squeeze %dma_start3A_452 : memref<1x128xi32, #tpu.memory_space<hbm>> -> memref<128xi32, #tpu.memory_space<hbm>>
        %dma_start3A_454 = arith.constant 0 : i32
        %dma_start3A_455 = tpu.memref_slice %arg6[%dma_start3A_448, %dma_start3A_454] : memref<6x128xi32, #tpu.memory_space<vmem>> -> memref<1x128xi32, #tpu.memory_space<vmem>>
        %dma_start3A_456 = tpu.memref_squeeze %dma_start3A_455 : memref<1x128xi32, #tpu.memory_space<vmem>> -> memref<128xi32, #tpu.memory_space<vmem>>
        %dma_start3A_457 = tpu.memref_slice %arg3[%dma_start3A_447, %mul3A_446] : memref<2x320000xi32, #tpu.memory_space<hbm>> -> memref<1x128xi32, #tpu.memory_space<hbm>>
        %dma_start3A_458 = tpu.memref_squeeze %dma_start3A_457 : memref<1x128xi32, #tpu.memory_space<hbm>> -> memref<128xi32, #tpu.memory_space<hbm>>
        tpu.enqueue_dma source(%dma_start3A_458 : memref<128xi32, #tpu.memory_space<hbm>>) target(%dma_start3A_456 : memref<128xi32, #tpu.memory_space<vmem>>) target_semaphore(%arg14 : memref<!tpu.dma_semaphore, #tpu.memory_space<semaphore_mem>>)
        %mul3A_459 = arith.constant 128 : i32
        %mul3A_460 = arith.muli %add3A_444, %mul3A_459 : i32
        %dma_start3A_461 = arith.constant 1 : i32
        %dma_start3A_462 = arith.constant 2 : i32
        %dma_start3A_463 = arith.constant 0 : i32
        %dma_start3A_464 = tpu.memref_slice %arg7[%dma_start3A_462, %dma_start3A_463] : memref<6x128xi32, #tpu.memory_space<vmem>> -> memref<1x128xi32, #tpu.memory_space<vmem>>
        %dma_start3A_465 = tpu.memref_squeeze %dma_start3A_464 : memref<1x128xi32, #tpu.memory_space<vmem>> -> memref<128xi32, #tpu.memory_space<vmem>>
        %dma_start3A_466 = tpu.memref_slice %arg3[%dma_start3A_461, %mul3A_460] : memref<2x320000xi32, #tpu.memory_space<hbm>> -> memref<1x128xi32, #tpu.memory_space<hbm>>
        %dma_start3A_467 = tpu.memref_squeeze %dma_start3A_466 : memref<1x128xi32, #tpu.memory_space<hbm>> -> memref<128xi32, #tpu.memory_space<hbm>>
        %dma_start3A_468 = arith.constant 0 : i32
        %dma_start3A_469 = tpu.memref_slice %arg7[%dma_start3A_462, %dma_start3A_468] : memref<6x128xi32, #tpu.memory_space<vmem>> -> memref<1x128xi32, #tpu.memory_space<vmem>>
        %dma_start3A_470 = tpu.memref_squeeze %dma_start3A_469 : memref<1x128xi32, #tpu.memory_space<vmem>> -> memref<128xi32, #tpu.memory_space<vmem>>
        %dma_start3A_471 = tpu.memref_slice %arg3[%dma_start3A_461, %mul3A_460] : memref<2x320000xi32, #tpu.memory_space<hbm>> -> memref<1x128xi32, #tpu.memory_space<hbm>>
        %dma_start3A_472 = tpu.memref_squeeze %dma_start3A_471 : memref<1x128xi32, #tpu.memory_space<hbm>> -> memref<128xi32, #tpu.memory_space<hbm>>
        tpu.enqueue_dma source(%dma_start3A_472 : memref<128xi32, #tpu.memory_space<hbm>>) target(%dma_start3A_470 : memref<128xi32, #tpu.memory_space<vmem>>) target_semaphore(%arg14 : memref<!tpu.dma_semaphore, #tpu.memory_space<semaphore_mem>>)
      } else {
      }
      %add3A_399 = arith.constant 2 : i32
      %add3A_400 = arith.addi %add3A_373, %add3A_399 : i32
      %lt3A_401 = arith.constant 78 : i32
      %lt3A_402 = arith.cmpi slt, %add3A_400, %lt3A_401 : i32
      %convert_element_type3A_403 = arith.extui %lt3A_402 : i1 to i32
      %cond3A_404 = arith.constant 0 : i32
      %cond3A_405 = arith.cmpi ne, %convert_element_type3A_403, %cond3A_404 : i32
      scf.if %cond3A_405 {
        %dma_wait3A_442 = arith.constant 0 : i32
        %dma_wait3A_443 = arith.constant 0 : i32
        %dma_wait3A_444 = arith.constant 0 : i32
        %dma_wait3A_445 = tpu.memref_slice %arg6[%dma_wait3A_443, %dma_wait3A_444] : memref<6x128xi32, #tpu.memory_space<vmem>> -> memref<1x128xi32, #tpu.memory_space<vmem>>
        %dma_wait3A_446 = tpu.memref_squeeze %dma_wait3A_445 : memref<1x128xi32, #tpu.memory_space<vmem>> -> memref<128xi32, #tpu.memory_space<vmem>>
        %dma_wait3A_447 = arith.constant 0 : i32
        %dma_wait3A_448 = tpu.memref_slice %arg3[%dma_wait3A_442, %dma_wait3A_447] : memref<2x320000xi32, #tpu.memory_space<hbm>> -> memref<1x128xi32, #tpu.memory_space<hbm>>
        %dma_wait3A_449 = tpu.memref_squeeze %dma_wait3A_448 : memref<1x128xi32, #tpu.memory_space<hbm>> -> memref<128xi32, #tpu.memory_space<hbm>>
        %dma_wait3A_450 = arith.constant 0 : i32
        %dma_wait3A_451 = tpu.memref_slice %arg6[%dma_wait3A_443, %dma_wait3A_450] : memref<6x128xi32, #tpu.memory_space<vmem>> -> memref<1x128xi32, #tpu.memory_space<vmem>>
        %dma_wait3A_452 = tpu.memref_squeeze %dma_wait3A_451 : memref<1x128xi32, #tpu.memory_space<vmem>> -> memref<128xi32, #tpu.memory_space<vmem>>
        %dma_wait3A_453 = arith.constant 0 : i32
        %dma_wait3A_454 = tpu.memref_slice %arg3[%dma_wait3A_442, %dma_wait3A_453] : memref<2x320000xi32, #tpu.memory_space<hbm>> -> memref<1x128xi32, #tpu.memory_space<hbm>>
        %dma_wait3A_455 = tpu.memref_squeeze %dma_wait3A_454 : memref<1x128xi32, #tpu.memory_space<hbm>> -> memref<128xi32, #tpu.memory_space<hbm>>
        tpu.wait_dma2 semaphore(%arg12 : memref<!tpu.dma_semaphore, #tpu.memory_space<semaphore_mem>>) src(%dma_wait3A_455 : memref<128xi32, #tpu.memory_space<hbm>>) dst(%dma_wait3A_452 : memref<128xi32, #tpu.memory_space<vmem>>)
        %dma_wait3A_456 = arith.constant 1 : i32
        %dma_wait3A_457 = arith.constant 0 : i32
        %dma_wait3A_458 = arith.constant 0 : i32
        %dma_wait3A_459 = tpu.memref_slice %arg7[%dma_wait3A_457, %dma_wait3A_458] : memref<6x128xi32, #tpu.memory_space<vmem>> -> memref<1x128xi32, #tpu.memory_space<vmem>>
        %dma_wait3A_460 = tpu.memref_squeeze %dma_wait3A_459 : memref<1x128xi32, #tpu.memory_space<vmem>> -> memref<128xi32, #tpu.memory_space<vmem>>
        %dma_wait3A_461 = arith.constant 0 : i32
        %dma_wait3A_462 = tpu.memref_slice %arg3[%dma_wait3A_456, %dma_wait3A_461] : memref<2x320000xi32, #tpu.memory_space<hbm>> -> memref<1x128xi32, #tpu.memory_space<hbm>>
        %dma_wait3A_463 = tpu.memref_squeeze %dma_wait3A_462 : memref<1x128xi32, #tpu.memory_space<hbm>> -> memref<128xi32, #tpu.memory_space<hbm>>
        %dma_wait3A_464 = arith.constant 0 : i32
        %dma_wait3A_465 = tpu.memref_slice %arg7[%dma_wait3A_457, %dma_wait3A_464] : memref<6x128xi32, #tpu.memory_space<vmem>> -> memref<1x128xi32, #tpu.memory_space<vmem>>
        %dma_wait3A_466 = tpu.memref_squeeze %dma_wait3A_465 : memref<1x128xi32, #tpu.memory_space<vmem>> -> memref<128xi32, #tpu.memory_space<vmem>>
        %dma_wait3A_467 = arith.constant 0 : i32
        %dma_wait3A_468 = tpu.memref_slice %arg3[%dma_wait3A_456, %dma_wait3A_467] : memref<2x320000xi32, #tpu.memory_space<hbm>> -> memref<1x128xi32, #tpu.memory_space<hbm>>
        %dma_wait3A_469 = tpu.memref_squeeze %dma_wait3A_468 : memref<1x128xi32, #tpu.memory_space<hbm>> -> memref<128xi32, #tpu.memory_space<hbm>>
        tpu.wait_dma2 semaphore(%arg12 : memref<!tpu.dma_semaphore, #tpu.memory_space<semaphore_mem>>) src(%dma_wait3A_469 : memref<128xi32, #tpu.memory_space<hbm>>) dst(%dma_wait3A_466 : memref<128xi32, #tpu.memory_space<vmem>>)
        %dma_start3A_470 = arith.constant 0 : i32
        %dma_start3A_471 = arith.constant 0 : i32
        %dma_start3A_472 = tpu.memref_slice %arg6[%dma_start3A_470, %dma_start3A_471] : memref<6x128xi32, #tpu.memory_space<vmem>> -> memref<1x128xi32, #tpu.memory_space<vmem>>
        %dma_start3A_473 = tpu.memref_squeeze %dma_start3A_472 : memref<1x128xi32, #tpu.memory_space<vmem>> -> memref<128xi32, #tpu.memory_space<vmem>>
        %dma_start3A_474 = arith.constant 0 : i32
        %dma_start3A_475 = arith.constant 0 : i32
        %dma_start3A_476 = tpu.memref_slice %arg2[%dma_start3A_474, %dma_start3A_475] : memref<10000x48xf32, #tpu.memory_space<hbm>> -> memref<10000x48xf32, #tpu.memory_space<hbm>>
        tpu.enqueue_indirect_dma source(%dma_start3A_476 : memref<10000x48xf32, #tpu.memory_space<hbm>>) target(%arg8 : memref<128x48xf32, #tpu.memory_space<vmem>>) offsets(%dma_start3A_473 : memref<128xi32, #tpu.memory_space<vmem>>) semaphore(%arg18 : memref<!tpu.dma_semaphore, #tpu.memory_space<semaphore_mem>>)
      } else {
      }
      %mul3A_406 = arith.constant 6 : i32
      %mul3A_407 = arith.muli %scan3A_226, %mul3A_406 : i32
      %add3A_408 = arith.constant 5 : i32
      %add3A_409 = arith.addi %mul3A_407, %add3A_408 : i32
      %dma_wait3A_410 = arith.constant 0 : i32
      %dma_wait3A_411 = arith.constant 0 : i32
      %dma_wait3A_412 = tpu.memref_slice %arg2[%dma_wait3A_410, %dma_wait3A_411] : memref<10000x48xf32, #tpu.memory_space<hbm>> -> memref<128x48xf32, #tpu.memory_space<hbm>>
      %dma_wait3A_413 = arith.constant 0 : i32
      %dma_wait3A_414 = arith.constant 0 : i32
      %dma_wait3A_415 = tpu.memref_slice %arg2[%dma_wait3A_413, %dma_wait3A_414] : memref<10000x48xf32, #tpu.memory_space<hbm>> -> memref<128x48xf32, #tpu.memory_space<hbm>>
      tpu.wait_dma2 semaphore(%arg20 : memref<!tpu.dma_semaphore, #tpu.memory_space<semaphore_mem>>) src(%dma_wait3A_415 : memref<128x48xf32, #tpu.memory_space<hbm>>) dst(%arg10 : memref<128x48xf32, #tpu.memory_space<vmem>>)
      %gt3A_416 = arith.constant 0 : i32
      %gt3A_417 = arith.cmpi sgt, %add3A_409, %gt3A_416 : i32
      %convert_element_type3A_418 = arith.extui %gt3A_417 : i1 to i32
      %cond3A_419 = arith.constant 0 : i32
      %cond3A_420 = arith.cmpi ne, %convert_element_type3A_418, %cond3A_419 : i32
      scf.if %cond3A_420 {
        %dma_wait3A_442 = arith.constant 0 : i32
        %dma_wait3A_443 = arith.constant 0 : i32
        %dma_wait3A_444 = tpu.memref_slice %arg11[%dma_wait3A_442, %dma_wait3A_443] : memref<10000x48xf32, #tpu.memory_space<vmem_shared>> -> memref<128x48xf32, #tpu.memory_space<vmem_shared>>
        %dma_wait3A_445 = arith.constant 0 : i32
        %dma_wait3A_446 = arith.constant 0 : i32
        %dma_wait3A_447 = tpu.memref_slice %arg11[%dma_wait3A_445, %dma_wait3A_446] : memref<10000x48xf32, #tpu.memory_space<vmem_shared>> -> memref<128x48xf32, #tpu.memory_space<vmem_shared>>
        tpu.wait_dma2 semaphore(%arg22 : memref<!tpu.dma_semaphore, #tpu.memory_space<semaphore_mem>>) src(%arg9 : memref<128x48xf32, #tpu.memory_space<vmem>>) dst(%dma_wait3A_447 : memref<128x48xf32, #tpu.memory_space<vmem_shared>>)
      } else {
      }
      %dma_start3A_421 = arith.constant 5 : i32
      %dma_start3A_422 = arith.constant 0 : i32
      %dma_start3A_423 = tpu.memref_slice %arg7[%dma_start3A_421, %dma_start3A_422] : memref<6x128xi32, #tpu.memory_space<vmem>> -> memref<1x128xi32, #tpu.memory_space<vmem>>
      %dma_start3A_424 = tpu.memref_squeeze %dma_start3A_423 : memref<1x128xi32, #tpu.memory_space<vmem>> -> memref<128xi32, #tpu.memory_space<vmem>>
      %dma_start3A_425 = arith.constant 0 : i32
      %dma_start3A_426 = arith.constant 0 : i32
      %dma_start3A_427 = tpu.memref_slice %arg11[%dma_start3A_425, %dma_start3A_426] : memref<10000x48xf32, #tpu.memory_space<vmem_shared>> -> memref<10000x48xf32, #tpu.memory_space<vmem_shared>>
      tpu.enqueue_indirect_dma source(%arg10 : memref<128x48xf32, #tpu.memory_space<vmem>>) target(%dma_start3A_427 : memref<10000x48xf32, #tpu.memory_space<vmem_shared>>) offsets(%dma_start3A_424 : memref<128xi32, #tpu.memory_space<vmem>>) semaphore(%arg23 : memref<!tpu.dma_semaphore, #tpu.memory_space<semaphore_mem>>) {add = true}
      %add3A_428 = arith.constant 4 : i32
      %add3A_429 = arith.addi %add3A_409, %add3A_428 : i32
      %lt3A_430 = arith.constant 78 : i32
      %lt3A_431 = arith.cmpi slt, %add3A_429, %lt3A_430 : i32
      %convert_element_type3A_432 = arith.extui %lt3A_431 : i1 to i32
      %cond3A_433 = arith.constant 0 : i32
      %cond3A_434 = arith.cmpi ne, %convert_element_type3A_432, %cond3A_433 : i32
      scf.if %cond3A_434 {
        %add3A_442 = arith.addi %mul3A_2, %add3A_409 : i32
        %add3A_443 = arith.constant 4 : i32
        %add3A_444 = arith.addi %add3A_442, %add3A_443 : i32
        %mul3A_445 = arith.constant 128 : i32
        %mul3A_446 = arith.muli %add3A_444, %mul3A_445 : i32
        %dma_start3A_447 = arith.constant 0 : i32
        %dma_start3A_448 = arith.constant 3 : i32
        %dma_start3A_449 = arith.constant 0 : i32
        %dma_start3A_450 = tpu.memref_slice %arg6[%dma_start3A_448, %dma_start3A_449] : memref<6x128xi32, #tpu.memory_space<vmem>> -> memref<1x128xi32, #tpu.memory_space<vmem>>
        %dma_start3A_451 = tpu.memref_squeeze %dma_start3A_450 : memref<1x128xi32, #tpu.memory_space<vmem>> -> memref<128xi32, #tpu.memory_space<vmem>>
        %dma_start3A_452 = tpu.memref_slice %arg3[%dma_start3A_447, %mul3A_446] : memref<2x320000xi32, #tpu.memory_space<hbm>> -> memref<1x128xi32, #tpu.memory_space<hbm>>
        %dma_start3A_453 = tpu.memref_squeeze %dma_start3A_452 : memref<1x128xi32, #tpu.memory_space<hbm>> -> memref<128xi32, #tpu.memory_space<hbm>>
        %dma_start3A_454 = arith.constant 0 : i32
        %dma_start3A_455 = tpu.memref_slice %arg6[%dma_start3A_448, %dma_start3A_454] : memref<6x128xi32, #tpu.memory_space<vmem>> -> memref<1x128xi32, #tpu.memory_space<vmem>>
        %dma_start3A_456 = tpu.memref_squeeze %dma_start3A_455 : memref<1x128xi32, #tpu.memory_space<vmem>> -> memref<128xi32, #tpu.memory_space<vmem>>
        %dma_start3A_457 = tpu.memref_slice %arg3[%dma_start3A_447, %mul3A_446] : memref<2x320000xi32, #tpu.memory_space<hbm>> -> memref<1x128xi32, #tpu.memory_space<hbm>>
        %dma_start3A_458 = tpu.memref_squeeze %dma_start3A_457 : memref<1x128xi32, #tpu.memory_space<hbm>> -> memref<128xi32, #tpu.memory_space<hbm>>
        tpu.enqueue_dma source(%dma_start3A_458 : memref<128xi32, #tpu.memory_space<hbm>>) target(%dma_start3A_456 : memref<128xi32, #tpu.memory_space<vmem>>) target_semaphore(%arg15 : memref<!tpu.dma_semaphore, #tpu.memory_space<semaphore_mem>>)
        %mul3A_459 = arith.constant 128 : i32
        %mul3A_460 = arith.muli %add3A_444, %mul3A_459 : i32
        %dma_start3A_461 = arith.constant 1 : i32
        %dma_start3A_462 = arith.constant 3 : i32
        %dma_start3A_463 = arith.constant 0 : i32
        %dma_start3A_464 = tpu.memref_slice %arg7[%dma_start3A_462, %dma_start3A_463] : memref<6x128xi32, #tpu.memory_space<vmem>> -> memref<1x128xi32, #tpu.memory_space<vmem>>
        %dma_start3A_465 = tpu.memref_squeeze %dma_start3A_464 : memref<1x128xi32, #tpu.memory_space<vmem>> -> memref<128xi32, #tpu.memory_space<vmem>>
        %dma_start3A_466 = tpu.memref_slice %arg3[%dma_start3A_461, %mul3A_460] : memref<2x320000xi32, #tpu.memory_space<hbm>> -> memref<1x128xi32, #tpu.memory_space<hbm>>
        %dma_start3A_467 = tpu.memref_squeeze %dma_start3A_466 : memref<1x128xi32, #tpu.memory_space<hbm>> -> memref<128xi32, #tpu.memory_space<hbm>>
        %dma_start3A_468 = arith.constant 0 : i32
        %dma_start3A_469 = tpu.memref_slice %arg7[%dma_start3A_462, %dma_start3A_468] : memref<6x128xi32, #tpu.memory_space<vmem>> -> memref<1x128xi32, #tpu.memory_space<vmem>>
        %dma_start3A_470 = tpu.memref_squeeze %dma_start3A_469 : memref<1x128xi32, #tpu.memory_space<vmem>> -> memref<128xi32, #tpu.memory_space<vmem>>
        %dma_start3A_471 = tpu.memref_slice %arg3[%dma_start3A_461, %mul3A_460] : memref<2x320000xi32, #tpu.memory_space<hbm>> -> memref<1x128xi32, #tpu.memory_space<hbm>>
        %dma_start3A_472 = tpu.memref_squeeze %dma_start3A_471 : memref<1x128xi32, #tpu.memory_space<hbm>> -> memref<128xi32, #tpu.memory_space<hbm>>
        tpu.enqueue_dma source(%dma_start3A_472 : memref<128xi32, #tpu.memory_space<hbm>>) target(%dma_start3A_470 : memref<128xi32, #tpu.memory_space<vmem>>) target_semaphore(%arg15 : memref<!tpu.dma_semaphore, #tpu.memory_space<semaphore_mem>>)
      } else {
      }
      %add3A_435 = arith.constant 2 : i32
      %add3A_436 = arith.addi %add3A_409, %add3A_435 : i32
      %lt3A_437 = arith.constant 78 : i32
      %lt3A_438 = arith.cmpi slt, %add3A_436, %lt3A_437 : i32
      %convert_element_type3A_439 = arith.extui %lt3A_438 : i1 to i32
      %cond3A_440 = arith.constant 0 : i32
      %cond3A_441 = arith.cmpi ne, %convert_element_type3A_439, %cond3A_440 : i32
      scf.if %cond3A_441 {
        %dma_wait3A_442 = arith.constant 0 : i32
        %dma_wait3A_443 = arith.constant 1 : i32
        %dma_wait3A_444 = arith.constant 0 : i32
        %dma_wait3A_445 = tpu.memref_slice %arg6[%dma_wait3A_443, %dma_wait3A_444] : memref<6x128xi32, #tpu.memory_space<vmem>> -> memref<1x128xi32, #tpu.memory_space<vmem>>
        %dma_wait3A_446 = tpu.memref_squeeze %dma_wait3A_445 : memref<1x128xi32, #tpu.memory_space<vmem>> -> memref<128xi32, #tpu.memory_space<vmem>>
        %dma_wait3A_447 = arith.constant 0 : i32
        %dma_wait3A_448 = tpu.memref_slice %arg3[%dma_wait3A_442, %dma_wait3A_447] : memref<2x320000xi32, #tpu.memory_space<hbm>> -> memref<1x128xi32, #tpu.memory_space<hbm>>
        %dma_wait3A_449 = tpu.memref_squeeze %dma_wait3A_448 : memref<1x128xi32, #tpu.memory_space<hbm>> -> memref<128xi32, #tpu.memory_space<hbm>>
        %dma_wait3A_450 = arith.constant 0 : i32
        %dma_wait3A_451 = tpu.memref_slice %arg6[%dma_wait3A_443, %dma_wait3A_450] : memref<6x128xi32, #tpu.memory_space<vmem>> -> memref<1x128xi32, #tpu.memory_space<vmem>>
        %dma_wait3A_452 = tpu.memref_squeeze %dma_wait3A_451 : memref<1x128xi32, #tpu.memory_space<vmem>> -> memref<128xi32, #tpu.memory_space<vmem>>
        %dma_wait3A_453 = arith.constant 0 : i32
        %dma_wait3A_454 = tpu.memref_slice %arg3[%dma_wait3A_442, %dma_wait3A_453] : memref<2x320000xi32, #tpu.memory_space<hbm>> -> memref<1x128xi32, #tpu.memory_space<hbm>>
        %dma_wait3A_455 = tpu.memref_squeeze %dma_wait3A_454 : memref<1x128xi32, #tpu.memory_space<hbm>> -> memref<128xi32, #tpu.memory_space<hbm>>
        tpu.wait_dma2 semaphore(%arg13 : memref<!tpu.dma_semaphore, #tpu.memory_space<semaphore_mem>>) src(%dma_wait3A_455 : memref<128xi32, #tpu.memory_space<hbm>>) dst(%dma_wait3A_452 : memref<128xi32, #tpu.memory_space<vmem>>)
        %dma_wait3A_456 = arith.constant 1 : i32
        %dma_wait3A_457 = arith.constant 1 : i32
        %dma_wait3A_458 = arith.constant 0 : i32
        %dma_wait3A_459 = tpu.memref_slice %arg7[%dma_wait3A_457, %dma_wait3A_458] : memref<6x128xi32, #tpu.memory_space<vmem>> -> memref<1x128xi32, #tpu.memory_space<vmem>>
        %dma_wait3A_460 = tpu.memref_squeeze %dma_wait3A_459 : memref<1x128xi32, #tpu.memory_space<vmem>> -> memref<128xi32, #tpu.memory_space<vmem>>
        %dma_wait3A_461 = arith.constant 0 : i32
        %dma_wait3A_462 = tpu.memref_slice %arg3[%dma_wait3A_456, %dma_wait3A_461] : memref<2x320000xi32, #tpu.memory_space<hbm>> -> memref<1x128xi32, #tpu.memory_space<hbm>>
        %dma_wait3A_463 = tpu.memref_squeeze %dma_wait3A_462 : memref<1x128xi32, #tpu.memory_space<hbm>> -> memref<128xi32, #tpu.memory_space<hbm>>
        %dma_wait3A_464 = arith.constant 0 : i32
        %dma_wait3A_465 = tpu.memref_slice %arg7[%dma_wait3A_457, %dma_wait3A_464] : memref<6x128xi32, #tpu.memory_space<vmem>> -> memref<1x128xi32, #tpu.memory_space<vmem>>
        %dma_wait3A_466 = tpu.memref_squeeze %dma_wait3A_465 : memref<1x128xi32, #tpu.memory_space<vmem>> -> memref<128xi32, #tpu.memory_space<vmem>>
        %dma_wait3A_467 = arith.constant 0 : i32
        %dma_wait3A_468 = tpu.memref_slice %arg3[%dma_wait3A_456, %dma_wait3A_467] : memref<2x320000xi32, #tpu.memory_space<hbm>> -> memref<1x128xi32, #tpu.memory_space<hbm>>
        %dma_wait3A_469 = tpu.memref_squeeze %dma_wait3A_468 : memref<1x128xi32, #tpu.memory_space<hbm>> -> memref<128xi32, #tpu.memory_space<hbm>>
        tpu.wait_dma2 semaphore(%arg13 : memref<!tpu.dma_semaphore, #tpu.memory_space<semaphore_mem>>) src(%dma_wait3A_469 : memref<128xi32, #tpu.memory_space<hbm>>) dst(%dma_wait3A_466 : memref<128xi32, #tpu.memory_space<vmem>>)
        %dma_start3A_470 = arith.constant 1 : i32
        %dma_start3A_471 = arith.constant 0 : i32
        %dma_start3A_472 = tpu.memref_slice %arg6[%dma_start3A_470, %dma_start3A_471] : memref<6x128xi32, #tpu.memory_space<vmem>> -> memref<1x128xi32, #tpu.memory_space<vmem>>
        %dma_start3A_473 = tpu.memref_squeeze %dma_start3A_472 : memref<1x128xi32, #tpu.memory_space<vmem>> -> memref<128xi32, #tpu.memory_space<vmem>>
        %dma_start3A_474 = arith.constant 0 : i32
        %dma_start3A_475 = arith.constant 0 : i32
        %dma_start3A_476 = tpu.memref_slice %arg2[%dma_start3A_474, %dma_start3A_475] : memref<10000x48xf32, #tpu.memory_space<hbm>> -> memref<10000x48xf32, #tpu.memory_space<hbm>>
        tpu.enqueue_indirect_dma source(%dma_start3A_476 : memref<10000x48xf32, #tpu.memory_space<hbm>>) target(%arg9 : memref<128x48xf32, #tpu.memory_space<vmem>>) offsets(%dma_start3A_473 : memref<128xi32, #tpu.memory_space<vmem>>) semaphore(%arg19 : memref<!tpu.dma_semaphore, #tpu.memory_space<semaphore_mem>>)
      } else {
      }
    }
    %scan3A_203 = arith.constant 13 : i32
    %dma_wait3A_204 = arith.constant 0 : i32
    %dma_wait3A_205 = arith.constant 0 : i32
    %dma_wait3A_206 = tpu.memref_slice %arg11[%dma_wait3A_204, %dma_wait3A_205] : memref<10000x48xf32, #tpu.memory_space<vmem_shared>> -> memref<128x48xf32, #tpu.memory_space<vmem_shared>>
    %dma_wait3A_207 = arith.constant 0 : i32
    %dma_wait3A_208 = arith.constant 0 : i32
    %dma_wait3A_209 = tpu.memref_slice %arg11[%dma_wait3A_207, %dma_wait3A_208] : memref<10000x48xf32, #tpu.memory_space<vmem_shared>> -> memref<128x48xf32, #tpu.memory_space<vmem_shared>>
    tpu.wait_dma2 semaphore(%arg23 : memref<!tpu.dma_semaphore, #tpu.memory_space<semaphore_mem>>) src(%arg10 : memref<128x48xf32, #tpu.memory_space<vmem>>) dst(%dma_wait3A_209 : memref<128x48xf32, #tpu.memory_space<vmem_shared>>)
    %lt3A_210 = arith.constant 4 : i32
    %lt3A_211 = arith.cmpi slt, %add3A, %lt3A_210 : i32
    %convert_element_type3A_212 = arith.extui %lt3A_211 : i1 to i32
    %cond3A_213 = arith.constant 0 : i32
    %cond3A_214 = arith.cmpi ne, %convert_element_type3A_212, %cond3A_213 : i32
    scf.if %cond3A_214 {
      %add3A_226 = arith.constant 2496 : i32
      %add3A_227 = arith.addi %add3A_226, %add3A : i32
      %mul3A_228 = arith.constant 128 : i32
      %mul3A_229 = arith.muli %add3A_227, %mul3A_228 : i32
      %dma_start3A_230 = arith.constant 0 : i32
      %dma_start3A_231 = arith.constant 0 : i32
      %dma_start3A_232 = arith.constant 0 : i32
      %dma_start3A_233 = tpu.memref_slice %arg6[%dma_start3A_231, %dma_start3A_232] : memref<6x128xi32, #tpu.memory_space<vmem>> -> memref<1x128xi32, #tpu.memory_space<vmem>>
      %dma_start3A_234 = tpu.memref_squeeze %dma_start3A_233 : memref<1x128xi32, #tpu.memory_space<vmem>> -> memref<128xi32, #tpu.memory_space<vmem>>
      %dma_start3A_235 = tpu.memref_slice %arg3[%dma_start3A_230, %mul3A_229] : memref<2x320000xi32, #tpu.memory_space<hbm>> -> memref<1x128xi32, #tpu.memory_space<hbm>>
      %dma_start3A_236 = tpu.memref_squeeze %dma_start3A_235 : memref<1x128xi32, #tpu.memory_space<hbm>> -> memref<128xi32, #tpu.memory_space<hbm>>
      %dma_start3A_237 = arith.constant 0 : i32
      %dma_start3A_238 = tpu.memref_slice %arg6[%dma_start3A_231, %dma_start3A_237] : memref<6x128xi32, #tpu.memory_space<vmem>> -> memref<1x128xi32, #tpu.memory_space<vmem>>
      %dma_start3A_239 = tpu.memref_squeeze %dma_start3A_238 : memref<1x128xi32, #tpu.memory_space<vmem>> -> memref<128xi32, #tpu.memory_space<vmem>>
      %dma_start3A_240 = tpu.memref_slice %arg3[%dma_start3A_230, %mul3A_229] : memref<2x320000xi32, #tpu.memory_space<hbm>> -> memref<1x128xi32, #tpu.memory_space<hbm>>
      %dma_start3A_241 = tpu.memref_squeeze %dma_start3A_240 : memref<1x128xi32, #tpu.memory_space<hbm>> -> memref<128xi32, #tpu.memory_space<hbm>>
      tpu.enqueue_dma source(%dma_start3A_241 : memref<128xi32, #tpu.memory_space<hbm>>) target(%dma_start3A_239 : memref<128xi32, #tpu.memory_space<vmem>>) target_semaphore(%arg12 : memref<!tpu.dma_semaphore, #tpu.memory_space<semaphore_mem>>)
      %mul3A_242 = arith.constant 128 : i32
      %mul3A_243 = arith.muli %add3A_227, %mul3A_242 : i32
      %dma_start3A_244 = arith.constant 1 : i32
      %dma_start3A_245 = arith.constant 0 : i32
      %dma_start3A_246 = arith.constant 0 : i32
      %dma_start3A_247 = tpu.memref_slice %arg7[%dma_start3A_245, %dma_start3A_246] : memref<6x128xi32, #tpu.memory_space<vmem>> -> memref<1x128xi32, #tpu.memory_space<vmem>>
      %dma_start3A_248 = tpu.memref_squeeze %dma_start3A_247 : memref<1x128xi32, #tpu.memory_space<vmem>> -> memref<128xi32, #tpu.memory_space<vmem>>
      %dma_start3A_249 = tpu.memref_slice %arg3[%dma_start3A_244, %mul3A_243] : memref<2x320000xi32, #tpu.memory_space<hbm>> -> memref<1x128xi32, #tpu.memory_space<hbm>>
      %dma_start3A_250 = tpu.memref_squeeze %dma_start3A_249 : memref<1x128xi32, #tpu.memory_space<hbm>> -> memref<128xi32, #tpu.memory_space<hbm>>
      %dma_start3A_251 = arith.constant 0 : i32
      %dma_start3A_252 = tpu.memref_slice %arg7[%dma_start3A_245, %dma_start3A_251] : memref<6x128xi32, #tpu.memory_space<vmem>> -> memref<1x128xi32, #tpu.memory_space<vmem>>
      %dma_start3A_253 = tpu.memref_squeeze %dma_start3A_252 : memref<1x128xi32, #tpu.memory_space<vmem>> -> memref<128xi32, #tpu.memory_space<vmem>>
      %dma_start3A_254 = tpu.memref_slice %arg3[%dma_start3A_244, %mul3A_243] : memref<2x320000xi32, #tpu.memory_space<hbm>> -> memref<1x128xi32, #tpu.memory_space<hbm>>
      %dma_start3A_255 = tpu.memref_squeeze %dma_start3A_254 : memref<1x128xi32, #tpu.memory_space<hbm>> -> memref<128xi32, #tpu.memory_space<hbm>>
      tpu.enqueue_dma source(%dma_start3A_255 : memref<128xi32, #tpu.memory_space<hbm>>) target(%dma_start3A_253 : memref<128xi32, #tpu.memory_space<vmem>>) target_semaphore(%arg12 : memref<!tpu.dma_semaphore, #tpu.memory_space<semaphore_mem>>)
      %dma_wait3A_256 = arith.constant 0 : i32
      %dma_wait3A_257 = arith.constant 0 : i32
      %dma_wait3A_258 = arith.constant 0 : i32
      %dma_wait3A_259 = tpu.memref_slice %arg6[%dma_wait3A_257, %dma_wait3A_258] : memref<6x128xi32, #tpu.memory_space<vmem>> -> memref<1x128xi32, #tpu.memory_space<vmem>>
      %dma_wait3A_260 = tpu.memref_squeeze %dma_wait3A_259 : memref<1x128xi32, #tpu.memory_space<vmem>> -> memref<128xi32, #tpu.memory_space<vmem>>
      %dma_wait3A_261 = arith.constant 0 : i32
      %dma_wait3A_262 = tpu.memref_slice %arg3[%dma_wait3A_256, %dma_wait3A_261] : memref<2x320000xi32, #tpu.memory_space<hbm>> -> memref<1x128xi32, #tpu.memory_space<hbm>>
      %dma_wait3A_263 = tpu.memref_squeeze %dma_wait3A_262 : memref<1x128xi32, #tpu.memory_space<hbm>> -> memref<128xi32, #tpu.memory_space<hbm>>
      %dma_wait3A_264 = arith.constant 0 : i32
      %dma_wait3A_265 = tpu.memref_slice %arg6[%dma_wait3A_257, %dma_wait3A_264] : memref<6x128xi32, #tpu.memory_space<vmem>> -> memref<1x128xi32, #tpu.memory_space<vmem>>
      %dma_wait3A_266 = tpu.memref_squeeze %dma_wait3A_265 : memref<1x128xi32, #tpu.memory_space<vmem>> -> memref<128xi32, #tpu.memory_space<vmem>>
      %dma_wait3A_267 = arith.constant 0 : i32
      %dma_wait3A_268 = tpu.memref_slice %arg3[%dma_wait3A_256, %dma_wait3A_267] : memref<2x320000xi32, #tpu.memory_space<hbm>> -> memref<1x128xi32, #tpu.memory_space<hbm>>
      %dma_wait3A_269 = tpu.memref_squeeze %dma_wait3A_268 : memref<1x128xi32, #tpu.memory_space<hbm>> -> memref<128xi32, #tpu.memory_space<hbm>>
      tpu.wait_dma2 semaphore(%arg12 : memref<!tpu.dma_semaphore, #tpu.memory_space<semaphore_mem>>) src(%dma_wait3A_269 : memref<128xi32, #tpu.memory_space<hbm>>) dst(%dma_wait3A_266 : memref<128xi32, #tpu.memory_space<vmem>>)
      %dma_wait3A_270 = arith.constant 1 : i32
      %dma_wait3A_271 = arith.constant 0 : i32
      %dma_wait3A_272 = arith.constant 0 : i32
      %dma_wait3A_273 = tpu.memref_slice %arg7[%dma_wait3A_271, %dma_wait3A_272] : memref<6x128xi32, #tpu.memory_space<vmem>> -> memref<1x128xi32, #tpu.memory_space<vmem>>
      %dma_wait3A_274 = tpu.memref_squeeze %dma_wait3A_273 : memref<1x128xi32, #tpu.memory_space<vmem>> -> memref<128xi32, #tpu.memory_space<vmem>>
      %dma_wait3A_275 = arith.constant 0 : i32
      %dma_wait3A_276 = tpu.memref_slice %arg3[%dma_wait3A_270, %dma_wait3A_275] : memref<2x320000xi32, #tpu.memory_space<hbm>> -> memref<1x128xi32, #tpu.memory_space<hbm>>
      %dma_wait3A_277 = tpu.memref_squeeze %dma_wait3A_276 : memref<1x128xi32, #tpu.memory_space<hbm>> -> memref<128xi32, #tpu.memory_space<hbm>>
      %dma_wait3A_278 = arith.constant 0 : i32
      %dma_wait3A_279 = tpu.memref_slice %arg7[%dma_wait3A_271, %dma_wait3A_278] : memref<6x128xi32, #tpu.memory_space<vmem>> -> memref<1x128xi32, #tpu.memory_space<vmem>>
      %dma_wait3A_280 = tpu.memref_squeeze %dma_wait3A_279 : memref<1x128xi32, #tpu.memory_space<vmem>> -> memref<128xi32, #tpu.memory_space<vmem>>
      %dma_wait3A_281 = arith.constant 0 : i32
      %dma_wait3A_282 = tpu.memref_slice %arg3[%dma_wait3A_270, %dma_wait3A_281] : memref<2x320000xi32, #tpu.memory_space<hbm>> -> memref<1x128xi32, #tpu.memory_space<hbm>>
      %dma_wait3A_283 = tpu.memref_squeeze %dma_wait3A_282 : memref<1x128xi32, #tpu.memory_space<hbm>> -> memref<128xi32, #tpu.memory_space<hbm>>
      tpu.wait_dma2 semaphore(%arg12 : memref<!tpu.dma_semaphore, #tpu.memory_space<semaphore_mem>>) src(%dma_wait3A_283 : memref<128xi32, #tpu.memory_space<hbm>>) dst(%dma_wait3A_280 : memref<128xi32, #tpu.memory_space<vmem>>)
      %dma_start3A_284 = arith.constant 0 : i32
      %dma_start3A_285 = arith.constant 0 : i32
      %dma_start3A_286 = tpu.memref_slice %arg6[%dma_start3A_284, %dma_start3A_285] : memref<6x128xi32, #tpu.memory_space<vmem>> -> memref<1x128xi32, #tpu.memory_space<vmem>>
      %dma_start3A_287 = tpu.memref_squeeze %dma_start3A_286 : memref<1x128xi32, #tpu.memory_space<vmem>> -> memref<128xi32, #tpu.memory_space<vmem>>
      %dma_start3A_288 = arith.constant 0 : i32
      %dma_start3A_289 = arith.constant 0 : i32
      %dma_start3A_290 = tpu.memref_slice %arg2[%dma_start3A_288, %dma_start3A_289] : memref<10000x48xf32, #tpu.memory_space<hbm>> -> memref<10000x48xf32, #tpu.memory_space<hbm>>
      tpu.enqueue_indirect_dma source(%dma_start3A_290 : memref<10000x48xf32, #tpu.memory_space<hbm>>) target(%arg8 : memref<128x48xf32, #tpu.memory_space<vmem>>) offsets(%dma_start3A_287 : memref<128xi32, #tpu.memory_space<vmem>>) semaphore(%arg18 : memref<!tpu.dma_semaphore, #tpu.memory_space<semaphore_mem>>)
      %dma_wait3A_291 = arith.constant 0 : i32
      %dma_wait3A_292 = arith.constant 0 : i32
      %dma_wait3A_293 = tpu.memref_slice %arg2[%dma_wait3A_291, %dma_wait3A_292] : memref<10000x48xf32, #tpu.memory_space<hbm>> -> memref<128x48xf32, #tpu.memory_space<hbm>>
      %dma_wait3A_294 = arith.constant 0 : i32
      %dma_wait3A_295 = arith.constant 0 : i32
      %dma_wait3A_296 = tpu.memref_slice %arg2[%dma_wait3A_294, %dma_wait3A_295] : memref<10000x48xf32, #tpu.memory_space<hbm>> -> memref<128x48xf32, #tpu.memory_space<hbm>>
      tpu.wait_dma2 semaphore(%arg18 : memref<!tpu.dma_semaphore, #tpu.memory_space<semaphore_mem>>) src(%dma_wait3A_296 : memref<128x48xf32, #tpu.memory_space<hbm>>) dst(%arg8 : memref<128x48xf32, #tpu.memory_space<vmem>>)
      %dma_start3A_297 = arith.constant 0 : i32
      %dma_start3A_298 = arith.constant 0 : i32
      %dma_start3A_299 = tpu.memref_slice %arg7[%dma_start3A_297, %dma_start3A_298] : memref<6x128xi32, #tpu.memory_space<vmem>> -> memref<1x128xi32, #tpu.memory_space<vmem>>
      %dma_start3A_300 = tpu.memref_squeeze %dma_start3A_299 : memref<1x128xi32, #tpu.memory_space<vmem>> -> memref<128xi32, #tpu.memory_space<vmem>>
      %dma_start3A_301 = arith.constant 0 : i32
      %dma_start3A_302 = arith.constant 0 : i32
      %dma_start3A_303 = tpu.memref_slice %arg11[%dma_start3A_301, %dma_start3A_302] : memref<10000x48xf32, #tpu.memory_space<vmem_shared>> -> memref<10000x48xf32, #tpu.memory_space<vmem_shared>>
      tpu.enqueue_indirect_dma source(%arg8 : memref<128x48xf32, #tpu.memory_space<vmem>>) target(%dma_start3A_303 : memref<10000x48xf32, #tpu.memory_space<vmem_shared>>) offsets(%dma_start3A_300 : memref<128xi32, #tpu.memory_space<vmem>>) semaphore(%arg21 : memref<!tpu.dma_semaphore, #tpu.memory_space<semaphore_mem>>) {add = true}
      %dma_wait3A_304 = arith.constant 0 : i32
      %dma_wait3A_305 = arith.constant 0 : i32
      %dma_wait3A_306 = tpu.memref_slice %arg11[%dma_wait3A_304, %dma_wait3A_305] : memref<10000x48xf32, #tpu.memory_space<vmem_shared>> -> memref<128x48xf32, #tpu.memory_space<vmem_shared>>
      %dma_wait3A_307 = arith.constant 0 : i32
      %dma_wait3A_308 = arith.constant 0 : i32
      %dma_wait3A_309 = tpu.memref_slice %arg11[%dma_wait3A_307, %dma_wait3A_308] : memref<10000x48xf32, #tpu.memory_space<vmem_shared>> -> memref<128x48xf32, #tpu.memory_space<vmem_shared>>
      tpu.wait_dma2 semaphore(%arg21 : memref<!tpu.dma_semaphore, #tpu.memory_space<semaphore_mem>>) src(%arg8 : memref<128x48xf32, #tpu.memory_space<vmem>>) dst(%dma_wait3A_309 : memref<128x48xf32, #tpu.memory_space<vmem_shared>>)
    } else {
    }
    %barrier3A_215 = arith.constant 0 : index
    tpu.barrier barrier_id(%barrier3A_215)
    %lt3A_216 = arith.constant 15 : i32
    %lt3A_217 = arith.cmpi slt, %arg1, %lt3A_216 : i32
    %convert_element_type3A_218 = arith.extui %lt3A_217 : i1 to i32
    %cond3A_219 = arith.constant 0 : i32
    %cond3A_220 = arith.cmpi ne, %convert_element_type3A_218, %cond3A_219 : i32
    scf.if %cond3A_220 {
      "tpu.region"() ({
        %run_scoped3A = tpu.sem_alloc : memref<!tpu.dma_semaphore, #tpu.memory_space<semaphore_mem>>
        %dma_start3A_226 = arith.constant 0 : i32
        %dma_start3A_227 = tpu.memref_slice %arg5[%arg0, %mul3A_4, %dma_start3A_226] : memref<2x10000x48xf32, #tpu.memory_space<hbm>> -> memref<1x624x48xf32, #tpu.memory_space<hbm>>
        %dma_start3A_228 = tpu.memref_squeeze %dma_start3A_227 : memref<1x624x48xf32, #tpu.memory_space<hbm>> -> memref<624x48xf32, #tpu.memory_space<hbm>>
        %dma_start3A_229 = arith.constant 0 : i32
        %dma_start3A_230 = tpu.memref_slice %arg11[%mul3A_4, %dma_start3A_229] : memref<10000x48xf32, #tpu.memory_space<vmem_shared>> -> memref<624x48xf32, #tpu.memory_space<vmem_shared>>
        tpu.enqueue_dma source(%dma_start3A_230 : memref<624x48xf32, #tpu.memory_space<vmem_shared>>) target(%dma_start3A_228 : memref<624x48xf32, #tpu.memory_space<hbm>>) target_semaphore(%run_scoped3A : memref<!tpu.dma_semaphore, #tpu.memory_space<semaphore_mem>>)
        %dma_wait3A_231 = arith.constant 0 : i32
        %dma_wait3A_232 = tpu.memref_slice %arg5[%arg0, %mul3A_4, %dma_wait3A_231] : memref<2x10000x48xf32, #tpu.memory_space<hbm>> -> memref<1x624x48xf32, #tpu.memory_space<hbm>>
        %dma_wait3A_233 = tpu.memref_squeeze %dma_wait3A_232 : memref<1x624x48xf32, #tpu.memory_space<hbm>> -> memref<624x48xf32, #tpu.memory_space<hbm>>
        %dma_wait3A_234 = arith.constant 0 : i32
        %dma_wait3A_235 = tpu.memref_slice %arg11[%mul3A_4, %dma_wait3A_234] : memref<10000x48xf32, #tpu.memory_space<vmem_shared>> -> memref<624x48xf32, #tpu.memory_space<vmem_shared>>
        tpu.wait_dma2 semaphore(%run_scoped3A : memref<!tpu.dma_semaphore, #tpu.memory_space<semaphore_mem>>) src(%dma_wait3A_235 : memref<624x48xf32, #tpu.memory_space<vmem_shared>>) dst(%dma_wait3A_233 : memref<624x48xf32, #tpu.memory_space<hbm>>)
        tpu.yield
      }) : () -> ()
    } else {
    }
    %eq3A_221 = arith.constant 15 : i32
    %eq3A_222 = arith.cmpi eq, %arg1, %eq3A_221 : i32
    %convert_element_type3A_223 = arith.extui %eq3A_222 : i1 to i32
    %cond3A_224 = arith.constant 0 : i32
    %cond3A_225 = arith.cmpi ne, %convert_element_type3A_223, %cond3A_224 : i32
    scf.if %cond3A_225 {
      "tpu.region"() ({
        %run_scoped3A = tpu.sem_alloc : memref<!tpu.dma_semaphore, #tpu.memory_space<semaphore_mem>>
        %dma_start3A_226 = arith.constant 0 : i32
        %dma_start3A_227 = tpu.memref_slice %arg5[%arg0, %mul3A_4, %dma_start3A_226] : memref<2x10000x48xf32, #tpu.memory_space<hbm>> -> memref<1x640x48xf32, #tpu.memory_space<hbm>>
        %dma_start3A_228 = tpu.memref_squeeze %dma_start3A_227 : memref<1x640x48xf32, #tpu.memory_space<hbm>> -> memref<640x48xf32, #tpu.memory_space<hbm>>
        %dma_start3A_229 = arith.constant 0 : i32
        %dma_start3A_230 = tpu.memref_slice %arg11[%mul3A_4, %dma_start3A_229] : memref<10000x48xf32, #tpu.memory_space<vmem_shared>> -> memref<640x48xf32, #tpu.memory_space<vmem_shared>>
        tpu.enqueue_dma source(%dma_start3A_230 : memref<640x48xf32, #tpu.memory_space<vmem_shared>>) target(%dma_start3A_228 : memref<640x48xf32, #tpu.memory_space<hbm>>) target_semaphore(%run_scoped3A : memref<!tpu.dma_semaphore, #tpu.memory_space<semaphore_mem>>)
        %dma_wait3A_231 = arith.constant 0 : i32
        %dma_wait3A_232 = tpu.memref_slice %arg5[%arg0, %mul3A_4, %dma_wait3A_231] : memref<2x10000x48xf32, #tpu.memory_space<hbm>> -> memref<1x640x48xf32, #tpu.memory_space<hbm>>
        %dma_wait3A_233 = tpu.memref_squeeze %dma_wait3A_232 : memref<1x640x48xf32, #tpu.memory_space<hbm>> -> memref<640x48xf32, #tpu.memory_space<hbm>>
        %dma_wait3A_234 = arith.constant 0 : i32
        %dma_wait3A_235 = tpu.memref_slice %arg11[%mul3A_4, %dma_wait3A_234] : memref<10000x48xf32, #tpu.memory_space<vmem_shared>> -> memref<640x48xf32, #tpu.memory_space<vmem_shared>>
        tpu.wait_dma2 semaphore(%run_scoped3A : memref<!tpu.dma_semaphore, #tpu.memory_space<semaphore_mem>>) src(%dma_wait3A_235 : memref<640x48xf32, #tpu.memory_space<vmem_shared>>) dst(%dma_wait3A_233 : memref<640x48xf32, #tpu.memory_space<hbm>>)
        tpu.yield
      }) : () -> ()
    } else {
    }
    return
  }
}

module attributes {stable_mosaic.version = 14 : i64} {
  func.func @_mm_body(%arg0: i32, %arg1: memref<1000x128xf32, #tpu.memory_space<vmem>>, %arg2: memref<128x128xf32, #tpu.memory_space<vmem>>, %arg3: memref<1000x128xf32, #tpu.memory_space<vmem>>) attributes {dimension_semantics = [#tpu.dimension_semantics<arbitrary>], iteration_bounds = array<i64: 10>, scalar_prefetch = 0 : i64, scratch_operands = 0 : i64, tpu.core_type = #tpu.core_type<tc>, window_params = [{transform_indices = @transform_0, window_bounds = array<i64: 1000, 128>}, {pipeline_mode = #tpu.pipeline_mode<synchronous>, transform_indices = @transform_1, window_bounds = array<i64: 128, 128>}, {transform_indices = @transform_2, window_bounds = array<i64: 1000, 128>}]} {
    %get3A = arith.constant 0 : index
    %get3A_0 = arith.constant 0 : index
    %get3A_1 = vector.load %arg1[%get3A, %get3A_0] : memref<1000x128xf32, #tpu.memory_space<vmem>>, vector<1000x128xf32>
    %get3A_2 = arith.constant 0 : index
    %get3A_3 = arith.constant 0 : index
    %get3A_4 = vector.load %arg2[%get3A_2, %get3A_3] : memref<128x128xf32, #tpu.memory_space<vmem>>, vector<128x128xf32>
    %dot_general3A = arith.constant dense<0.000000e+00> : vector<1000x128xf32>
    %dot_general3A_5 = tpu.matmul %get3A_1, %get3A_4, %dot_general3A {dimension_numbers = #tpu.dot_dimension_numbers<[1], [0], [0], [1], [0, 0, 1, 1], [], []>, transpose_lhs_hint = false} : vector<1000x128xf32>, vector<128x128xf32>, vector<1000x128xf32> -> vector<1000x128xf32>
    %swap3A = arith.constant 0 : index
    %swap3A_6 = arith.constant 0 : index
    %swap3A_7 = vector.load %arg3[%swap3A, %swap3A_6] : memref<1000x128xf32, #tpu.memory_space<vmem>>, vector<1000x128xf32>
    tpu.vector_store %arg3[%swap3A, %swap3A_6], %dot_general3A_5 {strides = array<i32>} : memref<1000x128xf32, #tpu.memory_space<vmem>>, vector<1000x128xf32>,
    return
  }
  func.func @transform_0(%arg0: i32) -> (i32, i32) {
    %c0_i32 = arith.constant 0 : i32
    %c0_i32_0 = arith.constant 0 : i32
    return %arg0, %c0_i32 : i32, i32
  }
  func.func @transform_1(%arg0: i32) -> (i32, i32) {
    %c0_i32 = arith.constant 0 : i32
    %c0_i32_0 = arith.constant 0 : i32
    %c0_i32_1 = arith.constant 0 : i32
    return %c0_i32, %c0_i32_0 : i32, i32
  }
  func.func @transform_2(%arg0: i32) -> (i32, i32) {
    %c0_i32 = arith.constant 0 : i32
    %c0_i32_0 = arith.constant 0 : i32
    return %arg0, %c0_i32 : i32, i32
  }
}

module attributes {stable_mosaic.version = 14 : i64} {
  func.func @_cmb_mm_body(%arg0: i32, %arg1: memref<2x1000x128xf32, #tpu.memory_space<vmem>>, %arg2: memref<1x128xf32, #tpu.memory_space<vmem>>, %arg3: memref<128x128xf32, #tpu.memory_space<vmem>>, %arg4: memref<1000x128xf32, #tpu.memory_space<vmem>>) attributes {dimension_semantics = [#tpu.dimension_semantics<arbitrary>], iteration_bounds = array<i64: 10>, scalar_prefetch = 0 : i64, scratch_operands = 0 : i64, tpu.core_type = #tpu.core_type<tc>, window_params = [{transform_indices = @transform_0, window_bounds = array<i64: 2, 1000, 128>}, {pipeline_mode = #tpu.pipeline_mode<synchronous>, transform_indices = @transform_1, window_bounds = array<i64: 1, 128>}, {pipeline_mode = #tpu.pipeline_mode<synchronous>, transform_indices = @transform_2, window_bounds = array<i64: 128, 128>}, {transform_indices = @transform_3, window_bounds = array<i64: 1000, 128>}]} {
    %get3A = arith.constant 0 : index
    %get3A_0 = arith.constant 0 : index
    %get3A_1 = arith.constant 0 : index
    %get3A_2 = vector.load %arg1[%get3A, %get3A_0, %get3A_1] : memref<2x1000x128xf32, #tpu.memory_space<vmem>>, vector<1x1000x128xf32>
    %get3A_3 = vector.shape_cast %get3A_2 : vector<1x1000x128xf32> to vector<1000x128xf32>
    %get3A_4 = arith.constant 1 : index
    %get3A_5 = arith.constant 0 : index
    %get3A_6 = arith.constant 0 : index
    %get3A_7 = vector.load %arg1[%get3A_4, %get3A_5, %get3A_6] : memref<2x1000x128xf32, #tpu.memory_space<vmem>>, vector<1x1000x128xf32>
    %get3A_8 = vector.shape_cast %get3A_7 : vector<1x1000x128xf32> to vector<1000x128xf32>
    %add3A = arith.addf %get3A_3, %get3A_8 : vector<1000x128xf32>
    %get3A_9 = arith.constant 0 : index
    %get3A_10 = arith.constant 0 : index
    %get3A_11 = vector.load %arg2[%get3A_9, %get3A_10] : memref<1x128xf32, #tpu.memory_space<vmem>>, vector<1x128xf32>
    %add3A_12 = vector.broadcast %get3A_11 : vector<1x128xf32> to vector<1000x128xf32>
    %add3A_13 = arith.addf %add3A, %add3A_12 : vector<1000x128xf32>
    %max3A = arith.constant 0.000000e+00 : f32
    %max3A_14 = vector.broadcast %max3A : f32 to vector<1000x128xf32>
    %max3A_15 = arith.maximumf %add3A_13, %max3A_14 : vector<1000x128xf32>
    %get3A_16 = arith.constant 0 : index
    %get3A_17 = arith.constant 0 : index
    %get3A_18 = vector.load %arg3[%get3A_16, %get3A_17] : memref<128x128xf32, #tpu.memory_space<vmem>>, vector<128x128xf32>
    %dot_general3A = arith.constant dense<0.000000e+00> : vector<1000x128xf32>
    %dot_general3A_19 = tpu.matmul %max3A_15, %get3A_18, %dot_general3A {dimension_numbers = #tpu.dot_dimension_numbers<[1], [0], [0], [1], [0, 0, 1, 1], [], []>, transpose_lhs_hint = false} : vector<1000x128xf32>, vector<128x128xf32>, vector<1000x128xf32> -> vector<1000x128xf32>
    %swap3A = arith.constant 0 : index
    %swap3A_20 = arith.constant 0 : index
    %swap3A_21 = vector.load %arg4[%swap3A, %swap3A_20] : memref<1000x128xf32, #tpu.memory_space<vmem>>, vector<1000x128xf32>
    tpu.vector_store %arg4[%swap3A, %swap3A_20], %dot_general3A_19 {strides = array<i32>} : memref<1000x128xf32, #tpu.memory_space<vmem>>, vector<1000x128xf32>,
    return
  }
  func.func @transform_0(%arg0: i32) -> (i32, i32, i32) {
    %c0_i32 = arith.constant 0 : i32
    %c0_i32_0 = arith.constant 0 : i32
    %c0_i32_1 = arith.constant 0 : i32
    return %c0_i32, %arg0, %c0_i32_0 : i32, i32, i32
  }
  func.func @transform_1(%arg0: i32) -> (i32, i32) {
    %c0_i32 = arith.constant 0 : i32
    %c0_i32_0 = arith.constant 0 : i32
    %c0_i32_1 = arith.constant 0 : i32
    return %c0_i32, %c0_i32_0 : i32, i32
  }
  func.func @transform_2(%arg0: i32) -> (i32, i32) {
    %c0_i32 = arith.constant 0 : i32
    %c0_i32_0 = arith.constant 0 : i32
    %c0_i32_1 = arith.constant 0 : i32
    return %c0_i32, %c0_i32_0 : i32, i32
  }
  func.func @transform_3(%arg0: i32) -> (i32, i32) {
    %c0_i32 = arith.constant 0 : i32
    %c0_i32_0 = arith.constant 0 : i32
    return %arg0, %c0_i32 : i32, i32
  }
}

module attributes {stable_mosaic.version = 14 : i64} {
  func.func @_cmb_mm_body(%arg0: i32, %arg1: memref<2x1000x128xf32, #tpu.memory_space<vmem>>, %arg2: memref<1x128xf32, #tpu.memory_space<vmem>>, %arg3: memref<128x48xf32, #tpu.memory_space<vmem>>, %arg4: memref<1000x48xf32, #tpu.memory_space<vmem>>) attributes {dimension_semantics = [#tpu.dimension_semantics<arbitrary>], iteration_bounds = array<i64: 10>, scalar_prefetch = 0 : i64, scratch_operands = 0 : i64, tpu.core_type = #tpu.core_type<tc>, window_params = [{transform_indices = @transform_0, window_bounds = array<i64: 2, 1000, 128>}, {pipeline_mode = #tpu.pipeline_mode<synchronous>, transform_indices = @transform_1, window_bounds = array<i64: 1, 128>}, {pipeline_mode = #tpu.pipeline_mode<synchronous>, transform_indices = @transform_2, window_bounds = array<i64: 128, 48>}, {transform_indices = @transform_3, window_bounds = array<i64: 1000, 48>}]} {
    %get3A = arith.constant 0 : index
    %get3A_0 = arith.constant 0 : index
    %get3A_1 = arith.constant 0 : index
    %get3A_2 = vector.load %arg1[%get3A, %get3A_0, %get3A_1] : memref<2x1000x128xf32, #tpu.memory_space<vmem>>, vector<1x1000x128xf32>
    %get3A_3 = vector.shape_cast %get3A_2 : vector<1x1000x128xf32> to vector<1000x128xf32>
    %get3A_4 = arith.constant 1 : index
    %get3A_5 = arith.constant 0 : index
    %get3A_6 = arith.constant 0 : index
    %get3A_7 = vector.load %arg1[%get3A_4, %get3A_5, %get3A_6] : memref<2x1000x128xf32, #tpu.memory_space<vmem>>, vector<1x1000x128xf32>
    %get3A_8 = vector.shape_cast %get3A_7 : vector<1x1000x128xf32> to vector<1000x128xf32>
    %add3A = arith.addf %get3A_3, %get3A_8 : vector<1000x128xf32>
    %get3A_9 = arith.constant 0 : index
    %get3A_10 = arith.constant 0 : index
    %get3A_11 = vector.load %arg2[%get3A_9, %get3A_10] : memref<1x128xf32, #tpu.memory_space<vmem>>, vector<1x128xf32>
    %add3A_12 = vector.broadcast %get3A_11 : vector<1x128xf32> to vector<1000x128xf32>
    %add3A_13 = arith.addf %add3A, %add3A_12 : vector<1000x128xf32>
    %max3A = arith.constant 0.000000e+00 : f32
    %max3A_14 = vector.broadcast %max3A : f32 to vector<1000x128xf32>
    %max3A_15 = arith.maximumf %add3A_13, %max3A_14 : vector<1000x128xf32>
    %get3A_16 = arith.constant 0 : index
    %get3A_17 = arith.constant 0 : index
    %get3A_18 = vector.load %arg3[%get3A_16, %get3A_17] : memref<128x48xf32, #tpu.memory_space<vmem>>, vector<128x48xf32>
    %dot_general3A = arith.constant dense<0.000000e+00> : vector<1000x48xf32>
    %dot_general3A_19 = tpu.matmul %max3A_15, %get3A_18, %dot_general3A {dimension_numbers = #tpu.dot_dimension_numbers<[1], [0], [0], [1], [0, 0, 1, 1], [], []>, transpose_lhs_hint = false} : vector<1000x128xf32>, vector<128x48xf32>, vector<1000x48xf32> -> vector<1000x48xf32>
    %swap3A = arith.constant 0 : index
    %swap3A_20 = arith.constant 0 : index
    %swap3A_21 = vector.load %arg4[%swap3A, %swap3A_20] : memref<1000x48xf32, #tpu.memory_space<vmem>>, vector<1000x48xf32>
    tpu.vector_store %arg4[%swap3A, %swap3A_20], %dot_general3A_19 {strides = array<i32>} : memref<1000x48xf32, #tpu.memory_space<vmem>>, vector<1000x48xf32>,
    return
  }
  func.func @transform_0(%arg0: i32) -> (i32, i32, i32) {
    %c0_i32 = arith.constant 0 : i32
    %c0_i32_0 = arith.constant 0 : i32
    %c0_i32_1 = arith.constant 0 : i32
    return %c0_i32, %arg0, %c0_i32_0 : i32, i32, i32
  }
  func.func @transform_1(%arg0: i32) -> (i32, i32) {
    %c0_i32 = arith.constant 0 : i32
    %c0_i32_0 = arith.constant 0 : i32
    %c0_i32_1 = arith.constant 0 : i32
    return %c0_i32, %c0_i32_0 : i32, i32
  }
  func.func @transform_2(%arg0: i32) -> (i32, i32) {
    %c0_i32 = arith.constant 0 : i32
    %c0_i32_0 = arith.constant 0 : i32
    %c0_i32_1 = arith.constant 0 : i32
    return %c0_i32, %c0_i32_0 : i32, i32
  }
  func.func @transform_3(%arg0: i32) -> (i32, i32) {
    %c0_i32 = arith.constant 0 : i32
    %c0_i32_0 = arith.constant 0 : i32
    return %arg0, %c0_i32 : i32, i32
  }
}

module attributes {stable_mosaic.version = 14 : i64} {
  func.func @_fin_body(%arg0: i32, %arg1: memref<2x1000x48xf32, #tpu.memory_space<vmem>>, %arg2: memref<1x40xf32, #tpu.memory_space<vmem>>, %arg3: memref<1000x40xf32, #tpu.memory_space<vmem>>) attributes {dimension_semantics = [#tpu.dimension_semantics<arbitrary>], iteration_bounds = array<i64: 10>, scalar_prefetch = 0 : i64, scratch_operands = 0 : i64, tpu.core_type = #tpu.core_type<tc>, window_params = [{transform_indices = @transform_0, window_bounds = array<i64: 2, 1000, 48>}, {pipeline_mode = #tpu.pipeline_mode<synchronous>, transform_indices = @transform_1, window_bounds = array<i64: 1, 40>}, {transform_indices = @transform_2, window_bounds = array<i64: 1000, 40>}]} {
    %get3A = arith.constant 0 : index
    %get3A_0 = arith.constant 0 : index
    %get3A_1 = arith.constant 0 : index
    %get3A_2 = vector.load %arg1[%get3A, %get3A_0, %get3A_1] : memref<2x1000x48xf32, #tpu.memory_space<vmem>>, vector<1x1000x48xf32>
    %get3A_3 = vector.shape_cast %get3A_2 : vector<1x1000x48xf32> to vector<1000x48xf32>
    %get3A_4 = arith.constant 1 : index
    %get3A_5 = arith.constant 0 : index
    %get3A_6 = arith.constant 0 : index
    %get3A_7 = vector.load %arg1[%get3A_4, %get3A_5, %get3A_6] : memref<2x1000x48xf32, #tpu.memory_space<vmem>>, vector<1x1000x48xf32>
    %get3A_8 = vector.shape_cast %get3A_7 : vector<1x1000x48xf32> to vector<1000x48xf32>
    %add3A = arith.addf %get3A_3, %get3A_8 : vector<1000x48xf32>
    %slice3A = vector.extract_strided_slice %add3A {offsets = [0, 0], sizes = [1000, 40], strides = [1, 1]} : vector<1000x48xf32> to vector<1000x40xf32>
    %get3A_9 = arith.constant 0 : index
    %get3A_10 = arith.constant 0 : index
    %get3A_11 = vector.load %arg2[%get3A_9, %get3A_10] : memref<1x40xf32, #tpu.memory_space<vmem>>, vector<1x40xf32>
    %add3A_12 = vector.broadcast %get3A_11 : vector<1x40xf32> to vector<1000x40xf32>
    %add3A_13 = arith.addf %slice3A, %add3A_12 : vector<1000x40xf32>
    %swap3A = arith.constant 0 : index
    %swap3A_14 = arith.constant 0 : index
    %swap3A_15 = vector.load %arg3[%swap3A, %swap3A_14] : memref<1000x40xf32, #tpu.memory_space<vmem>>, vector<1000x40xf32>
    tpu.vector_store %arg3[%swap3A, %swap3A_14], %add3A_13 {strides = array<i32>} : memref<1000x40xf32, #tpu.memory_space<vmem>>, vector<1000x40xf32>,
    return
  }
  func.func @transform_0(%arg0: i32) -> (i32, i32, i32) {
    %c0_i32 = arith.constant 0 : i32
    %c0_i32_0 = arith.constant 0 : i32
    %c0_i32_1 = arith.constant 0 : i32
    return %c0_i32, %arg0, %c0_i32_0 : i32, i32, i32
  }
  func.func @transform_1(%arg0: i32) -> (i32, i32) {
    %c0_i32 = arith.constant 0 : i32
    %c0_i32_0 = arith.constant 0 : i32
    %c0_i32_1 = arith.constant 0 : i32
    return %c0_i32, %c0_i32_0 : i32, i32
  }
  func.func @transform_2(%arg0: i32) -> (i32, i32) {
    %c0_i32 = arith.constant 0 : i32
    %c0_i32_0 = arith.constant 0 : i32
    return %arg0, %c0_i32 : i32, i32
  }
}

</mosaic_0001>

<sc_bundles>
// kernel: kernel.12.cloned.1.call-start
scs
__scs_entry_jumppad:
0x0: {  	(pc) =	sbr.rel $0x88, $3  }
0x1: {  	(tag) =	ssettag $0x0;
	lr =	simm.s32 $0x1  }
0x2: {  	[smem:$0x3F99] =	sst lr;
	_ =	strace $0xD0000000  }
0x3: {  	_ = 	snop  }
0x4: {  	_ = 	snop  }
0x5: {  	_ = 	snop  }
0x6: {  	_ = 	snop  }
0x7: {  	_ = 	snop  }
__scs_overlays_trampoline_lowered:
0x8: {  	[smem:$0x3FA8] =	sst s0  }
0x9: {  	[smem:$0x3FA9] =	sst s1  }
0xa: {  	[smem:$0x3FAA] =	sst s2  }
0xb: {  	[smem:$0x3FAB] =	sst s3  }
0xc: {  	[smem:$0x3FAC] =	sst s4  }
0xd: {  	[smem:$0x3FAD] =	sst s5  }
0xe: {  	[smem:$0x3FAE] =	sst s6  }
0xf: {  	[smem:$0x3FAF] =	sst s7  }
0x10: {  	[smem:$0x3FB0] =	sst s8  }
0x11: {  	[smem:$0x3FB1] =	sst s9;
	s0 =	simm.s32 @!p0 $0x0  }
0x12: {  	s1 =	sld [smem:$0x3F97];
	s0 =	simm.s32 @p0 $0x1  }
0x13: {  	[smem:$0x3FB2] =	sst s0;
	s0 =	simm.s32 @!p1 $0x0  }
0x14: {  	s2 =	sld [smem:$0x3F96];
	s0 =	simm.s32 @p1 $0x1  }
0x15: {  	[smem:$0x3FB3] =	sst s0;
	s0 =	simm.s32 @!p2 $0x0  }
0x16: {  	s3 =	sld [smem:$0x3FDB];
	s0 =	simm.s32 @p2 $0x1  }
0x17: {  	s4 =	simm.s32 $0x1BF5;
	[smem:$0x3FB5] =	sst s0  }
0x18: {  	s0 =	sld [smem:$0x3F98];
	_ =	swait.ge [sflag:s4], $0x0  }
0x19: {  	s7 =	sld [smem:$0x3F99]  }
0x1a: {  	s8 =	sadd.s32 $0xFFFFE003, lr  }
0x1b: {  	s9 =	sadd.s32 $0xFFFFFEF7, lr;
	s5 =	simm.s32 $0xFFFFFFFF;
	p2 =	slt.u32 s8, $0xFFFFF086  }
0x1c: {  	p1 =	slt.u32 s9, $0xF7A;
	s5 =	simm.s32 @!p2 $0x0  }
0x1d: {  	s5 =	simm.s32 @p1 $0x1;
	p0 =	seq.s32 s7, s2  }
0x1e: {  	s7 =	smul.u32 @!p0 $0xF7A, s2;
	p2 =	seq.s32 @!p0 s5, $0x0  }
0x1f: {  	s9 =	smul.u32 $0xF7A, s1;
	s8 =	simm.s32 @!p0 $0x1BF5;
	p2 =	por !p2, p0  }
0x20: {  	[sflag:s8] =	ssyncset.s32 @!p0 $0xFFFFF086;
	s6 =	sadd.s32 @!p0 s3, s7;
	s7 =	simm.s32 @!p0 $0x108  }
0x21: {  	s3 =	sadd.s32 s3, s9;
	s6 =	sadd.s32 @!p0 $0x88, s6;
	s7 =	simm.s32 @p2 $0x1082  }
0x22: {  	[simem:s7], [sflag:s8] =	dma.local @!p0 [hbm:s6], $0xF7A  }
0x23: {  	s9 =	sor.u32 $0xD0000000, s2;
	s6 =	simm.s32 $0x108;
	_ =	swait.ge @!p0 [sflag:s8], $0x0  }
0x24: {  	s3 =	sadd.s32 $0x88, s3;
	s6 =	simm.s32 @!p1 $0x1082;
	[sflag:s4] =	ssyncset.s32 $0xFFFFF086  }
0x25: {  	[simem:s6], [sflag:s4] =	dma.local [hbm:s3], $0xF7A  }
0x26: {  	[smem:$0x3F99] =	sst s1;
	(tag) =	ssettag s2;
	_ =	strace s9  }
0x27: {  	s1 =	sld [smem:$0x3FA9]  }
0x28: {  	s2 =	sld [smem:$0x3FAA]  }
0x29: {  	s4 =	sld [smem:$0x3FAC]  }
0x2a: {  	p0 =	seq.s32 s5, $0x0;
	s5 =	sld [smem:$0x3FAD]  }
0x2b: {  	s6 =	sld [smem:$0x3FAE]  }
0x2c: {  	s7 =	sld [smem:$0x3FAF]  }
0x2d: {  	s3 =	simm.s32 $0x108;
	s8 =	sld [smem:$0x3FB0]  }
0x2e: {  	s3 =	simm.s32 @!p0 $0x1082;
	s9 =	sld [smem:$0x3FB1]  }
0x2f: {  	lr =	sadd.s32 s0, s3;
	s0 =	sld [smem:$0x3FA8]  }
0x30: {  	s3 =	sld [smem:$0x3FAB]  }
0x31: {  	[smem:$0x3FB4] =	sst s10  }
0x32: {  	s10 =	sld [smem:$0x3FB2];
	_ =	sdelay $0x3  }
0x33: {  	p0 =	seq.s32 s10, $0x1;
	s10 =	sld [smem:$0x3FB4];
	_ =	sdelay $0x3  }
0x34: {  	[smem:$0x3FB4] =	sst s10  }
0x35: {  	s10 =	sld [smem:$0x3FB3];
	_ =	sdelay $0x3  }
0x36: {  	p1 =	seq.s32 s10, $0x1;
	s10 =	sld [smem:$0x3FB4];
	_ =	sdelay $0x3  }
0x37: {  	[smem:$0x3FB4] =	sst s10  }
0x38: {  	s10 =	sld [smem:$0x3FB5]  }
0x39: {  	_ = 	snop;
	(pc) =	sbr.ind lr, $3  }
0x3a: {  	_ = 	snop  }
0x3b: {  	_ = 	snop  }
0x3c: {  	p2 =	seq.s32 s10, $0x1;
	s10 =	sld [smem:$0x3FB4]  }
0x3d: {  	_ =	shalt  }
0x3e: {  	_ =	shalt  }
0x3f: {  	_ =	shalt  }
0x40: {  	_ =	shalt  }
0x41: {  	_ =	shalt  }
0x42: {  	_ =	shalt  }
0x43: {  	_ =	shalt  }
0x44: {  	_ =	shalt  }
0x45: {  	_ =	shalt  }
0x46: {  	_ =	shalt  }
0x47: {  	_ =	shalt  }
0x48: {  	_ =	shalt  }
0x49: {  	_ =	shalt  }
0x4a: {  	_ =	shalt  }
0x4b: {  	_ =	shalt  }
0x4c: {  	_ =	shalt  }
0x4d: {  	_ =	shalt  }
0x4e: {  	_ =	shalt  }
0x4f: {  	_ =	shalt  }
0x50: {  	_ =	shalt  }
0x51: {  	_ =	shalt  }
0x52: {  	_ =	shalt  }
0x53: {  	_ =	shalt  }
0x54: {  	_ =	shalt  }
0x55: {  	_ =	shalt  }
0x56: {  	_ =	shalt  }
0x57: {  	_ =	shalt  }
0x58: {  	_ =	shalt  }
0x59: {  	_ =	shalt  }
0x5a: {  	_ =	shalt  }
0x5b: {  	_ =	shalt  }
0x5c: {  	_ =	shalt  }
0x5d: {  	_ =	shalt  }
0x5e: {  	_ =	shalt  }
0x5f: {  	_ =	shalt  }
0x60: {  	_ =	shalt  }
0x61: {  	_ =	shalt  }
0x62: {  	_ =	shalt  }
0x63: {  	_ =	shalt  }
0x64: {  	_ =	shalt  }
0x65: {  	_ =	shalt  }
0x66: {  	_ =	shalt  }
0x67: {  	_ =	shalt  }
0x68: {  	_ =	shalt  }
0x69: {  	_ =	shalt  }
0x6a: {  	_ =	shalt  }
0x6b: {  	_ =	shalt  }
0x6c: {  	_ =	shalt  }
0x6d: {  	_ =	shalt  }
0x6e: {  	_ =	shalt  }
0x6f: {  	_ =	shalt  }
0x70: {  	_ =	shalt  }
0x71: {  	_ =	shalt  }
0x72: {  	_ =	shalt  }
0x73: {  	_ =	shalt  }
0x74: {  	_ =	shalt  }
0x75: {  	_ =	shalt  }
0x76: {  	_ =	shalt  }
0x77: {  	_ =	shalt  }
0x78: {  	_ =	shalt  }
0x79: {  	_ =	shalt  }
0x7a: {  	_ =	shalt  }
0x7b: {  	_ =	shalt  }
0x7c: {  	_ =	shalt  }
0x7d: {  	_ =	shalt  }
0x7e: {  	_ =	shalt  }
0x7f: {  	_ =	shalt  }
0x80: {  	_ =	shalt  }
0x81: {  	_ =	shalt  }
0x82: {  	_ =	shalt  }
0x83: {  	_ =	shalt  }
0x84: {  	_ =	shalt  }
0x85: {  	_ =	shalt  }
0x86: {  	_ =	shalt  }
0x87: {  	_ =	shalt  }
.Lfunc_end0:
.L_simem_size_0:
called_computation.1_lowered:
.L_overlay_start_0:
0x88: {  	s2 =	sld [smem:$0x3FD9]  }
0x89: {  	s3 =	sld [smem:$0x3FFE];
	_ =	sdelay $0x1  }
0x8a: {  	s1 =	srdreg.scid  }
0x8b: {  	s0 =	sand.u32 $0x1, s1  }
0x8c: {  	s16 =	sshll.u32 s0, $0xA;
	s2 =	sadd.s32 s3, s2  }
0x8d: {  	s2 =	sadd.s32 s2, s16  }
0x8e: {  	[smem:$0x3FC0] =	sst s2  }
0x8f: {  	_ = 	snop  }
0x90: {  	(tm) =	ssettm $0x1  }
0x91: {  	s17 =	sld [smem:$0x3FFB];
	_ =	sdelay $0x3  }
0x92: {  	_ =	strace s17  }
0x93: {  	s2 =	sld [smem:$0x3FFC];
	_ =	sdelay $0x3  }
0x94: {  	_ =	strace s2  }
0x95: {  	s2 =	sld [smem:$0x3FFD];
	_ =	sdelay $0x3  }
0x96: {  	_ =	strace s2  }
0x97: {  	_ =	strace $0x8FFFFFFF  }
0x98: {  	s18 =	sld [smem:$0x3FDB];
	_ =	sdelay $0x1  }
0x99: {  	s19 =	simm.s32 $_scs_section_size  }
0x9a: {  	s4 =	simm.s32 $_size__tile_overlayer_lowered;
	s5 =	simm.s32 $_tile_overlayer_lowered  }
0x9b: {  	s22 =	simm.s32 $0x1BFF;
	s21 =	sshll.u32 s5, $0x1;
	s2 =	sadd.s32 s19, s18  }
0x9c: {  	s6 =	simm.s32 $0x0;
	s20 =	sshll.u32 s4, $0x1;
	s4 =	sadd.s32 s21, s2  }
0x9d: {  	[timem:s6], [sflag:s22] =	dma.local [hbm:s4], s20  }
0x9e: {  	_ =	swait.ge [sflag:s22], s20  }
0x9f: {  	s3 =	ssub.s32 $0x0, s20;
	[sflag:s22] =	ssyncset.done $0x0  }
0xa0: {  	[sflag:s22] =	ssyncadd.s32 s3;
	_ =	sdelay $0x1  }
0xa1: {  	s23 =	simm.s32 $0x1B8B  }
0xa2: {  	_ =	swait.ge [sflag:s23], $0x1  }
0xa3: {  	[sflag:s23] =	ssyncset.done $0x0  }
0xa4: {  	s25 =	simm.s32 $0x1B8E;
	s24 =	sld [smem:$0x3FFE];
	[sflag:s23] =	ssyncadd.s32 $0xFFFFFFFF  }
0xa5: {  	s26 =	simm.s32 $execute0_lowered;
	[smem:$0x3FD2] =	sst s25  }
0xa6: {  	s4 =	sshll.u32 s26, $0x1;
	_ =	strace $0x80000049;
	[dreg:$0x1] =	wrdreg $0xFFFFFFFF  }
0xa7: {  	s28 =	simm.s32 $_size_execute0_lowered;
	s2 =	sadd.s32 s2, s4;
	[dreg:$0x0] =	wrdreg $0x0  }
0xa8: {  	s4 =	sshll.u32 s28, $0x1;
	[dreg:$0x2] =	wrdreg s2  }
0xa9: {  	[dreg:$0x3] =	wrdreg s4  }
0xaa: {  	[dreg:$0x4] =	wrdreg $0xC0  }
0xab: {  	_ =	task [dreg:s6], $0x5FFFF  }
0xac: {  	[dreg:$0x1] =	wrdreg $0xFFFFFFFF  }
0xad: {  	[dreg:$0x0] =	wrdreg $0x60  }
0xae: {  	[dreg:$0x2] =	wrdreg s24  }
0xaf: {  	[dreg:$0x3] =	wrdreg $0xC6000  }
0xb0: {  	[dreg:$0x4] =	wrdreg $0x9  }
0xb1: {  	_ =	task.clear_ibuf [dreg:s6], $0x5FFFF;
	_ =	strace $0x90000049  }
0xb2: {  	s29 =	simm.s32 $0x9;
	_ =	strace $0x8000004B  }
0xb3: {  	_ =	swait.ge [sflag:s29], $0x1  }
0xb4: {  	[sflag:s29] =	ssyncadd.s32 $0xFFFFFFFF  }
0xb5: {  	_ =	strace $0x9000004B  }
0xb6: {  	_ =	sfence  }
0xb7: {  	s30 =	sld [smem:$0x0];
	_ =	sdelay $0x2  }
0xb8: {  	s31 =	sshll.u32 s1, $0xD;
	s1 =	sshrl.u32 s1, $0x2  }
0xb9: {  	s3 =	sand.u32 $0x4000, s31;
	s1 =	sadd.s32 s1, s30  }
0xba: {  	s0 =	sor.u32 s3, s0;
	s1 =	sshll.u32 s1, $0x11  }
0xbb: {  	s0 =	sor.u32 s1, s0  }
0xbc: {  	s0 =	sadd.s32 $0x8F2B, s0  }
0xbd: {  	[sflag:s0] =	ssyncadd.remote.s32 $0x1  }
0xbe: {  	_ =	sfence.sel $0xFFFF  }
0xbf: {  	[dreg:$0x0] =	wrdreg $0xFFFFFFFF;
	(pc) =	sbr.abs _section_cstart, $3  }
0xc0: {  	[dreg:$0x1] =	wrdreg $0xFFFFFFFF  }
0xc1: {  	_ =	task.clear_ibuf [dreg:s6], $0x2FFFF;
	_ =	strace $0x9FFFFFFF  }
0xc2: {  	(tm) =	ssettm $0x7FFFFFFF  }
0xc3: {  	_ =	shalt  }
tec
execute0_lowered:
.L_overlay_start_1:
0x0: {  	(tag) =	ssettag $0x1  }
0x1: {  	s0 =	rddreg [dreg:$0x0]  }
0x2: {  	s2 =	rddreg [dreg:$0x1];
	s3 =	simm.s32 $0x0;
	s12 =	stileid.u32  }
0x3: {  	s1 =	srdreg.scid;
	s28 =	simm.s32 $0x180;
	s29 =	simm.s32 $0x1  }
0x4: {  	s30 =	simm.s32 $0x600;
	s31 =	simm.s32 $0x2;
	[smem:$0x7FF] =	sst s3  }
0x5: {  	s5 =	smul.u32 $0x13800, s12;
	s1 =	sand.u32 $0x1, s1;
	s4 =	sshll.u32 s12, $0x1  }
0x6: {  	s13 =	sadd.s32 $0x2200, s0;
	s10 =	sadd.s32 $0x64000, s0;
	s26 =	smul.u32 $0x4E00, s12  }
0x7: {  	p0 =	seq.s32 s12, $0xF;
	p1 =	sgt.u32 s12, $0x1;
	s12 =	simm.s32 $0x3  }
0x8: {  	_ =	strace $0x8000004A;
	s6 =	sor.u32 s1, s4;
	s24 =	smul.u32 $0x138800, s1  }
0x9: {  	s4 =	sadd.s32 $0x15C00, s0;
	s9 =	ssub.s32 $0x2, s1;
	s1 =	smul.u32 $0x2700, s1  }
0xa: {  	[dreg:$0x3] =	wrdreg s13;
	s7 =	sshrl.u32 s5, $0x3;
	s8 =	smul.u32 $0x2700, s6  }
0xb: {  	s11 =	sshrl.u32 s9, $0x1;
	s14 =	sadd.s32 s5, s2;
	s6 =	sshll.u32 s6, $0x4  }
0xc: {  	s7 =	sadd.s32 s7, s0;
	s9 =	ssub.s32 s9, s11;
	[dreg:$0x5] =	wrdreg s14  }
0xd: {  	s0 =	sadd.s32 $0x61700, s0;
	s25 =	sshrl.u32 s24, $0x3;
	s6 =	sadd.s32 s6, s13  }
0xe: {  	s15 =	sadd.s32 s5, s24;
	s1 =	sadd.s32 s1, s26;
	s8 =	sshrl.u32 s8, $0x3  }
0xf: {  	s7 =	sadd.s32 $0x3CE00, s7;
	[dreg:$0x7] =	wrdreg s0;
	s0 =	sadd.s32 s10, s25  }
0x10: {  	s14 =	sadd.s32 $0x9C00, s6;
	s16 =	sadd.s32 $0x13840, s6;
	s17 =	sadd.s32 $0x4E680, s1  }
0x11: {  	s18 =	sadd.s32 $0x480, s1;
	s19 =	smax.u32 s9, $0x1;
	[dreg:$0x6] =	wrdreg s7  }
0x12: {  	s21 =	sadd.s32 $0x4E600, s1;
	s22 =	sadd.s32 $0x400, s1;
	[dreg:$0x9] =	wrdreg s14  }
0x13: {  	s23 =	sadd.s32 $0x4E580, s1;
	s6 =	sadd.s32 $0x4E500, s1;
	[dreg:$0xa] =	wrdreg s16  }
0x14: {  	s11 =	sadd.s32 s13, s8;
	s0 =	sadd.s32 $0x24900, s0;
	[dreg:$0xc] =	wrdreg s19  }
0x15: {  	s5 =	sshrl.u32 s18, $0x3;
	s24 =	sshrl.u32 s22, $0x3;
	s25 =	sshrl.u32 s23, $0x3  }
0x16: {  	s7 =	sadd.s32 $0x4E480, s1;
	s8 =	sshrl.u32 s6, $0x3;
	[dreg:$0x8] =	wrdreg s0  }
0x17: {  	s16 =	sadd.s32 $0x4E400, s1;
	s20 =	sadd.s32 s5, s13;
	[dreg:$0x4] =	wrdreg s11  }
0x18: {  	s6 =	simm.s32 $0x4600;
	s26 =	sadd.s32 s25, s13;
	[dreg:$0xe] =	wrdreg s20  }
0x19: {  	s0 =	sshrl.u32 s15, $0x3;
	s19 =	sadd.s32 $0x9C40, s11;
	[dreg:$0x11] =	wrdreg s26  }
0x1a: {  	s5 =	sadd.s32 $0x380, s1;
	s22 =	sadd.s32 $0x20, s11;
	[dreg:$0x19] =	wrdreg s19  }
0x1b: {  	s9 =	sshrl.u32 s7, $0x3;
	s23 =	sadd.s32 $0x9C60, s11;
	[dreg:$0x1c] =	wrdreg s22  }
0x1c: {  	s15 =	sadd.s32 $0x280, s1;
	s25 =	sadd.s32 $0x9C70, s11;
	[dreg:$0x1d] =	wrdreg s23  }
0x1d: {  	s7 =	simm.s32 $0x8600;
	s0 =	sadd.s32 s10, s0;
	[dreg:$0x1f] =	wrdreg s25  }
0x1e: {  	s10 =	sadd.s32 $0x300, s1;
	s14 =	sadd.s32 s9, s13;
	[dreg:$0xb] =	wrdreg s0  }
0x1f: {  	s1 =	sadd.s32 $0x200, s1;
	s20 =	sadd.s32 $0x10, s11;
	[dreg:$0x14] =	wrdreg s10  }
0x20: {  	s26 =	sadd.s32 $0x124800, s2;
	s22 =	simm.s32 $0x400;
	[dreg:$0x15] =	wrdreg s14  }
0x21: {  	s19 =	simm.s32 $0x5;
	s0 =	sshrl.u32 s17, $0x3;
	[dreg:$0x1a] =	wrdreg s20  }
0x22: {  	s1 =	sshrl.u32 s1, $0x3;
	[smem:$0x7FD] =	sst s26;
	s26 =	simm.s32 $0x100  }
0x23: {  	s10 =	simm.s32 $0x480;
	s20 =	simm.s32 $0xC;
	s0 =	sadd.s32 s0, s13  }
0x24: {  	s14 =	simm.s32 $0x280;
	s18 =	sadd.s32 s1, s13;
	[dreg:$0xd] =	wrdreg s0  }
0x25: {  	s0 =	sshrl.u32 s21, $0x3;
	[dreg:$0x18] =	wrdreg s18;
	s21 =	sadd.s32 $0x9C50, s11  }
0x26: {  	s1 =	simm.s32 $0x80;
	s0 =	sadd.s32 s0, s13;
	[dreg:$0x1b] =	wrdreg s21  }
0x27: {  	s18 =	simm.s32 $0xB;
	s21 =	simm.s32 $0x6;
	[dreg:$0xf] =	wrdreg s0  }
0x28: {  	s0 =	sadd.s32 s24, s13;
	s24 =	sadd.s32 $0x30, s11;
	s11 =	simm.s32 $0x480  }
0x29: {  	[dreg:$0x10] =	wrdreg s0;
	s0 =	sshrl.u32 s5, $0x3;
	s5 =	sshrl.u32 s16, $0x3  }
0x2a: {  	[dreg:$0x1e] =	wrdreg s24;
	s16 =	simm.s32 $0x4;
	s0 =	sadd.s32 s0, s13  }
.Ltmp0:
0x2b: {  	s17 =	sadd.s32 s5, s13;
	[dreg:$0x12] =	wrdreg s0;
	(pc) =	sbr.rel .LBB2_1-.Ltmp0, $4  }
0x2c: {  	s5 =	simm.s32 $0x0;
	s0 =	sadd.s32 s8, s13;
	[dreg:$0x17] =	wrdreg s17  }
0x2d: {  	s8 =	simm.s32 $0x8;
	[dreg:$0x13] =	wrdreg s0;
	s0 =	sshrl.u32 s15, $0x3  }
0x2e: {  	s17 =	simm.s32 $0x9;
	s15 =	simm.s32 $0x500;
	s0 =	sadd.s32 s0, s13  }
0x2f: {  	s13 =	simm.s32 $0xA;
	[dreg:$0x16] =	wrdreg s0;
	s0 =	simm.s32 $0x7  }
.LBB2_8:
0x30: {  	s9 =	sld [smem:$0x7FD];
	_ =	sdelay $0x1  }
0x31: {  	s23 =	rddreg [dreg:$0x8]  }
0x32: {  	s5 =	simm.s32 $0x1FCD;
	s25 =	simm.s32 $0xD;
	s9 =	sshrl.u32 s9, $0x3  }
0x33: {  	[hbm:s23], [sflag:s5] =	dma.local [spmem:s9], $0x2800  }
0x34: {  	_ =	swait.ge [sflag:s25], $0x2800  }
0x35: {  	[sflag:s25] =	ssyncset.done $0x0  }
0x36: {  	s5 =	sld [smem:$0x7FC];
	[sflag:s25] =	ssyncadd.s32 $0xFFFFD800  }
.LBB2_9:
0x37: {  	_ =	sdelay $0x1  }
0x38: {  	s9 =	rddreg [dreg:$0xc];
	s5 =	sadd.s32 $0x1, s5  }
0x39: {  	p2 =	sne.s32 s5, s9  }
.Ltmp1:
0x3a: {  	_ = 	snop;
	(pc) =	sbr.rel @!p2 .LBB2_10-.Ltmp1, $1  }
0x3b: {  	_ =	sdelay $0x3  }
.LBB2_1:
0x3c: {  	[smem:$0x7FC] =	sst s5  }
0x3d: {  	s9 =	rddreg [dreg:$0x4]  }
0x3e: {  	[tilespmem:s3], [sflag:$0x1] =	stream.linear.gather [hbm4b:s9+s3], $0x80, $0x38;
	[tilespmem:$0x1FE80] =	vst v63  }
0x3f: {  	s5 =	rddreg [dreg:$0x19];
	s23 =	simm.s32 $0x300  }
0x40: {  	[tilespmem:s23], [sflag:$0x1] =	stream.linear.gather [hbm4b:s5+s3], $0x80, $0x38;
	[tilespmem:$0x1FE80] =	vst v63  }
0x41: {  	s24 =	rddreg [dreg:$0x1a]  }
0x42: {  	[tilespmem:s1], [sflag:$0x2] =	stream.linear.gather [hbm4b:s24+s3], $0x80, $0x38;
	[tilespmem:$0x1FE80] =	vst v63  }
0x43: {  	s25 =	rddreg [dreg:$0x1b];
	s23 =	simm.s32 $0x380  }
0x44: {  	[tilespmem:s23], [sflag:$0x2] =	stream.linear.gather [hbm4b:s25+s3], $0x80, $0x38;
	[tilespmem:$0x1FE80] =	vst v63  }
0x45: {  	s5 =	rddreg [dreg:$0x1c]  }
0x46: {  	[tilespmem:s26], [sflag:$0x3] =	stream.linear.gather [hbm4b:s5+s3], $0x80, $0x38;
	[tilespmem:$0x1FE80] =	vst v63  }
0x47: {  	s23 =	rddreg [dreg:$0x1d]  }
0x48: {  	[tilespmem:s22], [sflag:$0x3] =	stream.linear.gather [hbm4b:s23+s3], $0x80, $0x38;
	[tilespmem:$0x1FE80] =	vst v63  }
0x49: {  	s24 =	rddreg [dreg:$0x1e]  }
0x4a: {  	[tilespmem:s28], [sflag:$0x4] =	stream.linear.gather [hbm4b:s24+s3], $0x80, $0x38;
	[tilespmem:$0x1FE80] =	vst v63  }
0x4b: {  	s25 =	rddreg [dreg:$0x1f]  }
0x4c: {  	[tilespmem:s10], [sflag:$0x4] =	stream.linear.gather [hbm4b:s25+s3], $0x80, $0x38;
	[tilespmem:$0x1FE80] =	vst v63  }
0x4d: {  	_ =	swait.ge [sflag:s29], $0x80  }
0x4e: {  	[sflag:s29] =	ssyncset.done $0x0  }
0x4f: {  	[sflag:s29] =	ssyncadd.s32 $0xFFFFFF80  }
0x50: {  	_ =	swait.ge [sflag:s29], $0x80  }
0x51: {  	[sflag:s29] =	ssyncset.done $0x0  }
0x52: {  	[sflag:s29] =	ssyncadd.s32 $0xFFFFFF80  }
0x53: {  	[tilespmem:s30], [sflag:$0x7] =	stream.indirect.gather [hbm4b:s4+s1], $0x80, s3, s1, $0xb8;
	[tilespmem:$0x1FE80] =	vst v63  }
0x54: {  	_ =	swait.ge [sflag:s31], $0x80  }
0x55: {  	[sflag:s31] =	ssyncset.done $0x0  }
0x56: {  	[sflag:s31] =	ssyncadd.s32 $0xFFFFFF80  }
0x57: {  	_ =	swait.ge [sflag:s31], $0x80  }
0x58: {  	[sflag:s31] =	ssyncset.done $0x0;
	s9 =	sld [smem:$0x7FD]  }
0x59: {  	[sflag:s31] =	ssyncadd.s32 $0xFFFFFF80  }
0x5a: {  	[tilespmem:s6], [sflag:$0x8] =	stream.indirect.gather [hbm4b:s4+s1], $0x80, s1, s1, $0xb8;
	[tilespmem:$0x1FE80] =	vst v63  }
0x5b: {  	s24 =	simm.s32 @p0 $0x1FCD;
	s23 =	sshrl.u32 @p0 s9, $0x3;
	s9 =	rddreg [dreg:$0x7]  }
0x5c: {  	[spmem:s23], [sflag:s24] =	dma.local @p0 [hbm:s9], $0x2800  }
0x5d: {  	s23 =	simm.s32 @p0 $0xD  }
0x5e: {  	_ =	swait.ge @p0 [sflag:s23], $0x2800  }
0x5f: {  	s9 =	stileid.u32;
	[sflag:s23] =	ssyncset.done @p0 $0x0  }
0x60: {  	s24 =	sshll.u32 @!p0 s9, $0x6;
	s9 =	rddreg [dreg:$0x5];
	[sflag:s23] =	ssyncadd.s32 @p0 $0xFFFFD800  }
0x61: {  	s23 =	sor.u32 @!p0 $0x1C0D, s24;
	s24 =	sshrl.u32 @!p0 s9, $0x3;
	s9 =	rddreg [dreg:$0x6]  }
0x62: {  	[spmem:s24], [sflag:s23] =	dma.local @!p0 [hbm:s9], $0x2700  }
0x63: {  	s23 =	simm.s32 @!p0 $0xD  }
0x64: {  	_ =	swait.ge @!p0 [sflag:s23], $0x2700  }
0x65: {  	[sflag:s23] =	ssyncset.done @!p0 $0x0  }
0x66: {  	[sflag:s23] =	ssyncadd.s32 @!p0 $0xFFFFD900  }
0x67: {  	[bflag:$0x0] =	sbarrier.arrive $0xFFFF  }
0x68: {  	s24 =	simm.s32 $0x0;
	s23 =	rddreg [dreg:$0x14]  }
.LBB2_2:
0x69: {  	_ =	swait.ge [sflag:s0], $0x4000  }
0x6a: {  	p2 =	seq.s32 s24, $0x0;
	[sflag:s0] =	ssyncset.done $0x0  }
0x6b: {  	s25 =	simm.s32 @!p2 $0xC;
	[sflag:s0] =	ssyncadd.s32 $0xFFFFC000  }
0x6c: {  	_ =	swait.ge @!p2 [sflag:s25], $0x4000  }
0x6d: {  	[sflag:s25] =	ssyncset.done @!p2 $0x0  }
0x6e: {  	s5 =	simm.s32 $0x300;
	s9 =	rddreg [dreg:$0x18];
	[sflag:s25] =	ssyncadd.s32 @!p2 $0xFFFFC000  }
0x6f: {  	[spmem:s2] =	stream.indirect.scatter.add.f32 [tilespmem:s30], [sflag:$0xA], $0x80, s5, s1, $0xb8;
	[tilespmem:$0x1FE80] =	vst v63  }
0x70: {  	s10 =	sadd.s32 s24, s9;
	s25 =	rddreg [dreg:$0x17];
	s5 =	simm.s32 $0x200  }
0x71: {  	[tilespmem:s5], [sflag:$0x5] =	stream.linear.gather [hbm4b:s10+s3], $0x80, $0x38;
	[tilespmem:$0x1FE80] =	vst v63  }
0x72: {  	s10 =	sadd.s32 s24, s25  }
0x73: {  	[tilespmem:s15], [sflag:$0x5] =	stream.linear.gather [hbm4b:s10+s3], $0x80, $0x38;
	[tilespmem:$0x1FE80] =	vst v63  }
0x74: {  	_ =	swait.ge [sflag:s12], $0x80  }
0x75: {  	[sflag:s12] =	ssyncset.done $0x0  }
0x76: {  	[sflag:s12] =	ssyncadd.s32 $0xFFFFFF80  }
0x77: {  	_ =	swait.ge [sflag:s12], $0x80  }
0x78: {  	[sflag:s12] =	ssyncset.done $0x0  }
0x79: {  	[sflag:s12] =	ssyncadd.s32 $0xFFFFFF80  }
0x7a: {  	[tilespmem:s7], [sflag:$0x9] =	stream.indirect.gather [hbm4b:s4+s1], $0x80, s26, s1, $0xb8;
	[tilespmem:$0x1FE80] =	vst v63  }
0x7b: {  	_ =	swait.ge [sflag:s8], $0x4000  }
0x7c: {  	[sflag:s8] =	ssyncset.done $0x0  }
0x7d: {  	[sflag:s8] =	ssyncadd.s32 $0xFFFFC000  }
0x7e: {  	_ =	swait.ge [sflag:s13], $0x4000  }
0x7f: {  	[sflag:s13] =	ssyncset.done $0x0  }
0x80: {  	s25 =	simm.s32 $0x380;
	s26 =	rddreg [dreg:$0x16];
	[sflag:s13] =	ssyncadd.s32 $0xFFFFC000  }
0x81: {  	[spmem:s2] =	stream.indirect.scatter.add.f32 [tilespmem:s6], [sflag:$0xB], $0x80, s25, s1, $0xb8;
	[tilespmem:$0x1FE80] =	vst v63  }
0x82: {  	s10 =	sadd.s32 s24, s26;
	s26 =	rddreg [dreg:$0x15]  }
0x83: {  	[tilespmem:s14], [sflag:$0x6] =	stream.linear.gather [hbm4b:s10+s3], $0x80, $0x38;
	[tilespmem:$0x1FE80] =	vst v63  }
0x84: {  	s10 =	sadd.s32 s24, s26;
	s26 =	simm.s32 $0x580  }
0x85: {  	[tilespmem:s26], [sflag:$0x6] =	stream.linear.gather [hbm4b:s10+s3], $0x80, $0x38;
	[tilespmem:$0x1FE80] =	vst v63  }
0x86: {  	_ =	swait.ge [sflag:s16], $0x80  }
0x87: {  	[sflag:s16] =	ssyncset.done $0x0  }
0x88: {  	[sflag:s16] =	ssyncadd.s32 $0xFFFFFF80  }
0x89: {  	_ =	swait.ge [sflag:s16], $0x80  }
0x8a: {  	[sflag:s16] =	ssyncset.done $0x0  }
0x8b: {  	[sflag:s16] =	ssyncadd.s32 $0xFFFFFF80  }
0x8c: {  	[tilespmem:s30], [sflag:$0x7] =	stream.indirect.gather [hbm4b:s4+s1], $0x80, s28, s1, $0xb8;
	[tilespmem:$0x1FE80] =	vst v63  }
0x8d: {  	_ =	swait.ge [sflag:s17], $0x4000  }
0x8e: {  	[sflag:s17] =	ssyncset.done $0x0  }
0x8f: {  	[sflag:s17] =	ssyncadd.s32 $0xFFFFC000  }
0x90: {  	_ =	swait.ge [sflag:s18], $0x4000  }
0x91: {  	p2 =	seq.s32 s24, $0x480;
	[sflag:s18] =	ssyncset.done $0x0  }
0x92: {  	s25 =	sshrl.u32 @!p2 s23, $0x3;
	s9 =	rddreg [dreg:$0x3];
	[sflag:s18] =	ssyncadd.s32 $0xFFFFC000  }
0x93: {  	[spmem:s2] =	stream.indirect.scatter.add.f32 [tilespmem:s7], [sflag:$0xC], $0x80, s22, s1, $0xb8;
	[tilespmem:$0x1FE80] =	vst v63  }
0x94: {  	s26 =	simm.s32 @!p2 $0x0;
	s25 =	sadd.s32 @!p2 s9, s25;
	s9 =	rddreg [dreg:$0x13]  }
0x95: {  	[tilespmem:s26], [sflag:$0x1] =	stream.linear.gather @!p2 [hbm4b:s25+s26], $0x80, $0x38;
	[tilespmem:$0x1FE80] =	vst v63  }
0x96: {  	s25 =	sadd.s32 @!p2 s24, s9;
	s9 =	simm.s32 @!p2 $0x300  }
0x97: {  	[tilespmem:s9], [sflag:$0x1] =	stream.linear.gather @!p2 [hbm4b:s25+s26], $0x80, $0x38;
	[tilespmem:$0x1FE80] =	vst v63  }
0x98: {  	_ =	swait.ge [sflag:s19], $0x80  }
0x99: {  	[sflag:s19] =	ssyncset.done $0x0  }
0x9a: {  	[sflag:s19] =	ssyncadd.s32 $0xFFFFFF80  }
0x9b: {  	_ =	swait.ge [sflag:s19], $0x80  }
0x9c: {  	[sflag:s19] =	ssyncset.done $0x0  }
0x9d: {  	[sflag:s19] =	ssyncadd.s32 $0xFFFFFF80  }
0x9e: {  	[tilespmem:s6], [sflag:$0x8] =	stream.indirect.gather [hbm4b:s4+s1], $0x80, s5, s1, $0xb8;
	[tilespmem:$0x1FE80] =	vst v63  }
0x9f: {  	_ =	swait.ge [sflag:s0], $0x4000  }
0xa0: {  	[sflag:s0] =	ssyncset.done $0x0  }
0xa1: {  	[sflag:s0] =	ssyncadd.s32 $0xFFFFC000  }
0xa2: {  	_ =	swait.ge [sflag:s20], $0x4000  }
0xa3: {  	[sflag:s20] =	ssyncset.done $0x0  }
0xa4: {  	s9 =	rddreg [dreg:$0x12];
	[sflag:s20] =	ssyncadd.s32 $0xFFFFC000  }
0xa5: {  	[spmem:s2] =	stream.indirect.scatter.add.f32 [tilespmem:s30], [sflag:$0xA], $0x80, s11, s1, $0xb8;
	[tilespmem:$0x1FE80] =	vst v63  }
0xa6: {  	s25 =	simm.s32 @!p2 $0x80;
	s9 =	sadd.s32 @!p2 s24, s9  }
0xa7: {  	[tilespmem:s25], [sflag:$0x2] =	stream.linear.gather @!p2 [hbm4b:s9+s26], $0x80, $0x38;
	[tilespmem:$0x1FE80] =	vst v63  }
0xa8: {  	s9 =	rddreg [dreg:$0x11]  }
0xa9: {  	s25 =	simm.s32 @!p2 $0x380;
	s9 =	sadd.s32 @!p2 s24, s9  }
0xaa: {  	[tilespmem:s25], [sflag:$0x2] =	stream.linear.gather @!p2 [hbm4b:s9+s26], $0x80, $0x38;
	[tilespmem:$0x1FE80] =	vst v63  }
0xab: {  	_ =	swait.ge [sflag:s21], $0x80  }
0xac: {  	[sflag:s21] =	ssyncset.done $0x0  }
0xad: {  	[sflag:s21] =	ssyncadd.s32 $0xFFFFFF80  }
0xae: {  	_ =	swait.ge [sflag:s21], $0x80  }
0xaf: {  	[sflag:s21] =	ssyncset.done $0x0  }
0xb0: {  	[sflag:s21] =	ssyncadd.s32 $0xFFFFFF80  }
0xb1: {  	[tilespmem:s7], [sflag:$0x9] =	stream.indirect.gather [hbm4b:s4+s1], $0x80, s14, s1, $0xb8;
	[tilespmem:$0x1FE80] =	vst v63  }
0xb2: {  	_ =	swait.ge [sflag:s8], $0x4000  }
0xb3: {  	[sflag:s8] =	ssyncset.done $0x0  }
.Ltmp2:
0xb4: {  	[sflag:s8] =	ssyncadd.s32 $0xFFFFC000;
	(pc) =	sbr.rel @p2 .LBB2_4-.Ltmp2, $4  }
0xb5: {  	_ =	swait.ge [sflag:s13], $0x4000  }
0xb6: {  	s10 =	simm.s32 $0x180;
	[sflag:s13] =	ssyncset.done $0x0  }
0xb7: {  	s28 =	simm.s32 $0x400;
	s22 =	simm.s32 $0x100;
	[sflag:s13] =	ssyncadd.s32 $0xFFFFC000  }
0xb8: {  	[spmem:s2] =	stream.indirect.scatter.add.f32 [tilespmem:s6], [sflag:$0xB], $0x80, s15, s1, $0xb8;
	[tilespmem:$0x1FE80] =	vst v63  }
0xb9: {  	s9 =	rddreg [dreg:$0x10]  }
0xba: {  	s9 =	sadd.s32 s24, s9  }
0xbb: {  	[tilespmem:s22], [sflag:$0x3] =	stream.linear.gather [hbm4b:s9+s3], $0x80, $0x38;
	[tilespmem:$0x1FE80] =	vst v63  }
0xbc: {  	s22 =	rddreg [dreg:$0xf]  }
0xbd: {  	s9 =	sadd.s32 s24, s22  }
0xbe: {  	[tilespmem:s28], [sflag:$0x3] =	stream.linear.gather [hbm4b:s9+s3], $0x80, $0x38;
	[tilespmem:$0x1FE80] =	vst v63  }
0xbf: {  	_ =	swait.ge [sflag:s29], $0x80  }
0xc0: {  	[sflag:s29] =	ssyncset.done $0x0  }
0xc1: {  	[sflag:s29] =	ssyncadd.s32 $0xFFFFFF80  }
0xc2: {  	_ =	swait.ge [sflag:s29], $0x80  }
0xc3: {  	[sflag:s29] =	ssyncset.done $0x0  }
0xc4: {  	[sflag:s29] =	ssyncadd.s32 $0xFFFFFF80  }
0xc5: {  	[tilespmem:s30], [sflag:$0x7] =	stream.indirect.gather [hbm4b:s4+s1], $0x80, s3, s1, $0xb8;
	[tilespmem:$0x1FE80] =	vst v63  }
0xc6: {  	_ =	swait.ge [sflag:s17], $0x4000  }
0xc7: {  	[sflag:s17] =	ssyncset.done $0x0  }
0xc8: {  	[sflag:s17] =	ssyncadd.s32 $0xFFFFC000  }
0xc9: {  	_ =	swait.ge [sflag:s18], $0x4000  }
0xca: {  	[sflag:s18] =	ssyncset.done $0x0  }
0xcb: {  	s5 =	simm.s32 $0x580;
	s25 =	rddreg [dreg:$0xe];
	[sflag:s18] =	ssyncadd.s32 $0xFFFFC000  }
0xcc: {  	[spmem:s2] =	stream.indirect.scatter.add.f32 [tilespmem:s7], [sflag:$0xC], $0x80, s5, s1, $0xb8;
	[tilespmem:$0x1FE80] =	vst v63  }
0xcd: {  	s26 =	rddreg [dreg:$0xd];
	s9 =	sadd.s32 s24, s25  }
0xce: {  	[tilespmem:s10], [sflag:$0x4] =	stream.linear.gather [hbm4b:s9+s3], $0x80, $0x38;
	[tilespmem:$0x1FE80] =	vst v63  }
0xcf: {  	s9 =	sadd.s32 s24, s26  }
0xd0: {  	[tilespmem:s11], [sflag:$0x4] =	stream.linear.gather [hbm4b:s9+s3], $0x80, $0x38;
	[tilespmem:$0x1FE80] =	vst v63  }
0xd1: {  	_ =	swait.ge [sflag:s31], $0x80  }
0xd2: {  	[sflag:s31] =	ssyncset.done $0x0  }
.Ltmp3:
0xd3: {  	[sflag:s31] =	ssyncadd.s32 $0xFFFFFF80;
	(pc) =	sbr.rel .LBB2_2-.Ltmp3, $4  }
0xd4: {  	s23 =	sadd.s32 $0x300, s23;
	_ =	swait.ge [sflag:s31], $0x80  }
0xd5: {  	s22 =	simm.s32 $0x400;
	s28 =	simm.s32 $0x180;
	[sflag:s31] =	ssyncset.done $0x0  }
0xd6: {  	s24 =	sadd.s32 $0x60, s24;
	s26 =	simm.s32 $0x100;
	[sflag:s31] =	ssyncadd.s32 $0xFFFFFF80  }
0xd7: {  	[tilespmem:s6], [sflag:$0x8] =	stream.indirect.gather [hbm4b:s4+s1], $0x80, s1, s1, $0xb8;
	[tilespmem:$0x1FE80] =	vst v63  }
.LBB2_4:
0xd8: {  	_ =	swait.ge [sflag:s17], $0x4000  }
0xd9: {  	[sflag:s17] =	ssyncset.done $0x0  }
0xda: {  	[sflag:s17] =	ssyncadd.s32 $0xFFFFC000  }
0xdb: {  	_ =	swait.ge [sflag:s18], $0x4000  }
0xdc: {  	[sflag:s18] =	ssyncset.done $0x0  }
.Ltmp4:
0xdd: {  	s5 =	simm.s32 $0x580;
	[sflag:s18] =	ssyncadd.s32 $0xFFFFC000;
	(pc) =	sbr.rel @p1 .LBB2_6-.Ltmp4, $4  }
0xde: {  	[spmem:s2] =	stream.indirect.scatter.add.f32 [tilespmem:s7], [sflag:$0xC], $0x80, s5, s1, $0xb8;
	[tilespmem:$0x1FE80] =	vst v63  }
0xdf: {  	_ =	swait.ge [sflag:s20], $0x4000  }
0xe0: {  	[sflag:s20] =	ssyncset.done $0x0  }
0xe1: {  	[sflag:s20] =	ssyncadd.s32 $0xFFFFC000  }
0xe2: {  	s9 =	rddreg [dreg:$0x9]  }
0xe3: {  	[tilespmem:s3], [sflag:$0x1] =	stream.linear.gather [hbm4b:s9+s3], $0x80, $0x38;
	[tilespmem:$0x1FE80] =	vst v63  }
0xe4: {  	s26 =	rddreg [dreg:$0xa];
	s23 =	simm.s32 $0x300  }
0xe5: {  	[tilespmem:s23], [sflag:$0x1] =	stream.linear.gather [hbm4b:s26+s3], $0x80, $0x38;
	[tilespmem:$0x1FE80] =	vst v63  }
0xe6: {  	_ =	swait.ge [sflag:s29], $0x80  }
0xe7: {  	[sflag:s29] =	ssyncset.done $0x0  }
0xe8: {  	[sflag:s29] =	ssyncadd.s32 $0xFFFFFF80  }
0xe9: {  	_ =	swait.ge [sflag:s29], $0x80  }
0xea: {  	[sflag:s29] =	ssyncset.done $0x0  }
0xeb: {  	[sflag:s29] =	ssyncadd.s32 $0xFFFFFF80  }
0xec: {  	[tilespmem:s30], [sflag:$0x7] =	stream.indirect.gather [hbm4b:s4+s1], $0x80, s3, s1, $0xb8;
	[tilespmem:$0x1FE80] =	vst v63  }
0xed: {  	_ =	swait.ge [sflag:s0], $0x4000  }
0xee: {  	[sflag:s0] =	ssyncset.done $0x0  }
0xef: {  	[sflag:s0] =	ssyncadd.s32 $0xFFFFC000  }
0xf0: {  	[spmem:s2] =	stream.indirect.scatter.add.f32 [tilespmem:s30], [sflag:$0xA], $0x80, s23, s1, $0xb8;
	[tilespmem:$0x1FE80] =	vst v63  }
.Ltmp5:
0xf1: {  	_ =	swait.ge [sflag:s13], $0x4000;
	(pc) =	sbr.rel .LBB2_7-.Ltmp5, $4  }
0xf2: {  	[sflag:s13] =	ssyncset.done $0x0  }
0xf3: {  	[sflag:s13] =	ssyncadd.s32 $0xFFFFC000  }
0xf4: {  	s22 =	simm.s32 $0x400;
	[bflag:$0x0] =	sbarrier.arrive $0xFFFF  }
0xf5: {  	s28 =	simm.s32 $0x180;
	s10 =	simm.s32 $0x480;
	s26 =	simm.s32 $0x100  }
.LBB2_6:
.Ltmp6:
0xf6: {  	(pc) =	sbr.rel @p0 .LBB2_8-.Ltmp6, $3  }
0xf7: {  	_ =	sdelay $0x1  }
0xf8: {  	[bflag:$0x0] =	sbarrier.arrive $0xFFFF;
	s26 =	simm.s32 $0x100  }
0xf9: {  	s22 =	simm.s32 $0x400;
	s28 =	simm.s32 $0x180;
	s10 =	simm.s32 $0x480  }
.LBB2_7:
0xfa: {  	s9 =	stileid.u32;
	s23 =	rddreg [dreg:$0x5]  }
0xfb: {  	s24 =	rddreg [dreg:$0xb];
	s5 =	simm.s32 $0xD;
	s9 =	sshll.u32 s9, $0x6  }
.Ltmp7:
0xfc: {  	s23 =	sshrl.u32 s23, $0x3;
	s9 =	sor.u32 $0x1C0D, s9;
	(pc) =	sbr.rel .LBB2_9-.Ltmp7, $4  }
0xfd: {  	[hbm:s24], [sflag:s9] =	dma.local [spmem:s23], $0x2700  }
0xfe: {  	_ =	swait.ge [sflag:s5], $0x2700  }
0xff: {  	[sflag:s5] =	ssyncset.done $0x0  }
0x100: {  	[sflag:s5] =	ssyncadd.s32 $0xFFFFD900;
	s5 =	sld [smem:$0x7FC]  }
.LBB2_10:
0x101: {  	_ =	sfence.sel $0x180000  }
0x102: {  	[bflag:$0x0] =	sbarrier.arrive $0xFFFF  }
0x103: {  	_ =	strace $0x9000004A  }
0x104: {  	s0 =	stileid.u32;
	[bflag:$0x2] =	sbarrier.arrive $0xFFFF  }
0x105: {  	p0 =	sne.s32 s0, $0x0;
	s0 =	rddreg [dreg:$0x2]  }
0x106: {  	s0 =	sadd.s32 @!p0 $0x100000, s0  }
0x107: {  	[sflag:s0] =	ssyncadd.tile.s32 @!p0 $0x1;
	_ =	shalt  }
.Lfunc_end2:
_tile_overlayer_lowered:
.L_overlay_start_2:
0x108: {  	(tag) =	ssettag $0x2  }
0x109: {  	s0 =	rddreg [dreg:$0x0];
	s2 =	stileid.u32  }
0x10a: {  	s1 =	rddreg [dreg:$0x1];
	p0 =	sne.s32 s2, $0x0  }
0x10b: {  	s3 =	rddreg [dreg:$0x2];
	[bflag:$0x3] =	sbarrier.arrive $0xFFFF;
	s2 =	simm.s32 @!p0 $0x1C0D  }
0x10c: {  	[timem:s3], [sflag:s2] =	dma.local @!p0 [hbm:s0], s1  }
0x10d: {  	s0 =	simm.s32 @!p0 $0xD  }
0x10e: {  	_ =	swait.ge @!p0 [sflag:s0], s1  }
0x10f: {  	s1 =	ssub.s32 @!p0 $0x0, s1;
	[sflag:s0] =	ssyncset.done @!p0 $0x0  }
0x110: {  	[sflag:s0] =	ssyncadd.s32 @!p0 s1  }
0x111: {  	[bflag:$0x3] =	sbarrier.arrive $0xFFFF  }
0x112: {  	_ =	shalt  }

// kernel: kernel.15.cloned.1.call-start
scs
__scs_entry_jumppad:
0x0: {  	(pc) =	sbr.rel $0x88, $3  }
0x1: {  	(tag) =	ssettag $0x0;
	lr =	simm.s32 $0x1  }
0x2: {  	[smem:$0x3F99] =	sst lr;
	_ =	strace $0xD0000000  }
0x3: {  	_ = 	snop  }
0x4: {  	_ = 	snop  }
0x5: {  	_ = 	snop  }
0x6: {  	_ = 	snop  }
0x7: {  	_ = 	snop  }
__scs_overlays_trampoline_lowered:
0x8: {  	[smem:$0x3FA8] =	sst s0  }
0x9: {  	[smem:$0x3FA9] =	sst s1  }
0xa: {  	[smem:$0x3FAA] =	sst s2  }
0xb: {  	[smem:$0x3FAB] =	sst s3  }
0xc: {  	[smem:$0x3FAC] =	sst s4  }
0xd: {  	[smem:$0x3FAD] =	sst s5  }
0xe: {  	[smem:$0x3FAE] =	sst s6  }
0xf: {  	[smem:$0x3FAF] =	sst s7  }
0x10: {  	[smem:$0x3FB0] =	sst s8  }
0x11: {  	[smem:$0x3FB1] =	sst s9;
	s0 =	simm.s32 @!p0 $0x0  }
0x12: {  	s1 =	sld [smem:$0x3F97];
	s0 =	simm.s32 @p0 $0x1  }
0x13: {  	[smem:$0x3FB2] =	sst s0;
	s0 =	simm.s32 @!p1 $0x0  }
0x14: {  	s2 =	sld [smem:$0x3F96];
	s0 =	simm.s32 @p1 $0x1  }
0x15: {  	[smem:$0x3FB3] =	sst s0;
	s0 =	simm.s32 @!p2 $0x0  }
0x16: {  	s3 =	sld [smem:$0x3FDB];
	s0 =	simm.s32 @p2 $0x1  }
0x17: {  	s4 =	simm.s32 $0x1BF5;
	[smem:$0x3FB5] =	sst s0  }
0x18: {  	s0 =	sld [smem:$0x3F98];
	_ =	swait.ge [sflag:s4], $0x0  }
0x19: {  	s7 =	sld [smem:$0x3F99]  }
0x1a: {  	s8 =	sadd.s32 $0xFFFFE003, lr  }
0x1b: {  	s9 =	sadd.s32 $0xFFFFFEF7, lr;
	s5 =	simm.s32 $0xFFFFFFFF;
	p2 =	slt.u32 s8, $0xFFFFF086  }
0x1c: {  	p1 =	slt.u32 s9, $0xF7A;
	s5 =	simm.s32 @!p2 $0x0  }
0x1d: {  	s5 =	simm.s32 @p1 $0x1;
	p0 =	seq.s32 s7, s2  }
0x1e: {  	s7 =	smul.u32 @!p0 $0xF7A, s2;
	p2 =	seq.s32 @!p0 s5, $0x0  }
0x1f: {  	s9 =	smul.u32 $0xF7A, s1;
	s8 =	simm.s32 @!p0 $0x1BF5;
	p2 =	por !p2, p0  }
0x20: {  	[sflag:s8] =	ssyncset.s32 @!p0 $0xFFFFF086;
	s6 =	sadd.s32 @!p0 s3, s7;
	s7 =	simm.s32 @!p0 $0x108  }
0x21: {  	s3 =	sadd.s32 s3, s9;
	s6 =	sadd.s32 @!p0 $0x88, s6;
	s7 =	simm.s32 @p2 $0x1082  }
0x22: {  	[simem:s7], [sflag:s8] =	dma.local @!p0 [hbm:s6], $0xF7A  }
0x23: {  	s9 =	sor.u32 $0xD0000000, s2;
	s6 =	simm.s32 $0x108;
	_ =	swait.ge @!p0 [sflag:s8], $0x0  }
0x24: {  	s3 =	sadd.s32 $0x88, s3;
	s6 =	simm.s32 @!p1 $0x1082;
	[sflag:s4] =	ssyncset.s32 $0xFFFFF086  }
0x25: {  	[simem:s6], [sflag:s4] =	dma.local [hbm:s3], $0xF7A  }
0x26: {  	[smem:$0x3F99] =	sst s1;
	(tag) =	ssettag s2;
	_ =	strace s9  }
0x27: {  	s1 =	sld [smem:$0x3FA9]  }
0x28: {  	s2 =	sld [smem:$0x3FAA]  }
0x29: {  	s4 =	sld [smem:$0x3FAC]  }
0x2a: {  	p0 =	seq.s32 s5, $0x0;
	s5 =	sld [smem:$0x3FAD]  }
0x2b: {  	s6 =	sld [smem:$0x3FAE]  }
0x2c: {  	s7 =	sld [smem:$0x3FAF]  }
0x2d: {  	s3 =	simm.s32 $0x108;
	s8 =	sld [smem:$0x3FB0]  }
0x2e: {  	s3 =	simm.s32 @!p0 $0x1082;
	s9 =	sld [smem:$0x3FB1]  }
0x2f: {  	lr =	sadd.s32 s0, s3;
	s0 =	sld [smem:$0x3FA8]  }
0x30: {  	s3 =	sld [smem:$0x3FAB]  }
0x31: {  	[smem:$0x3FB4] =	sst s10  }
0x32: {  	s10 =	sld [smem:$0x3FB2];
	_ =	sdelay $0x3  }
0x33: {  	p0 =	seq.s32 s10, $0x1;
	s10 =	sld [smem:$0x3FB4];
	_ =	sdelay $0x3  }
0x34: {  	[smem:$0x3FB4] =	sst s10  }
0x35: {  	s10 =	sld [smem:$0x3FB3];
	_ =	sdelay $0x3  }
0x36: {  	p1 =	seq.s32 s10, $0x1;
	s10 =	sld [smem:$0x3FB4];
	_ =	sdelay $0x3  }
0x37: {  	[smem:$0x3FB4] =	sst s10  }
0x38: {  	s10 =	sld [smem:$0x3FB5]  }
0x39: {  	_ = 	snop;
	(pc) =	sbr.ind lr, $3  }
0x3a: {  	_ = 	snop  }
0x3b: {  	_ = 	snop  }
0x3c: {  	p2 =	seq.s32 s10, $0x1;
	s10 =	sld [smem:$0x3FB4]  }
0x3d: {  	_ =	shalt  }
0x3e: {  	_ =	shalt  }
0x3f: {  	_ =	shalt  }
0x40: {  	_ =	shalt  }
0x41: {  	_ =	shalt  }
0x42: {  	_ =	shalt  }
0x43: {  	_ =	shalt  }
0x44: {  	_ =	shalt  }
0x45: {  	_ =	shalt  }
0x46: {  	_ =	shalt  }
0x47: {  	_ =	shalt  }
0x48: {  	_ =	shalt  }
0x49: {  	_ =	shalt  }
0x4a: {  	_ =	shalt  }
0x4b: {  	_ =	shalt  }
0x4c: {  	_ =	shalt  }
0x4d: {  	_ =	shalt  }
0x4e: {  	_ =	shalt  }
0x4f: {  	_ =	shalt  }
0x50: {  	_ =	shalt  }
0x51: {  	_ =	shalt  }
0x52: {  	_ =	shalt  }
0x53: {  	_ =	shalt  }
0x54: {  	_ =	shalt  }
0x55: {  	_ =	shalt  }
0x56: {  	_ =	shalt  }
0x57: {  	_ =	shalt  }
0x58: {  	_ =	shalt  }
0x59: {  	_ =	shalt  }
0x5a: {  	_ =	shalt  }
0x5b: {  	_ =	shalt  }
0x5c: {  	_ =	shalt  }
0x5d: {  	_ =	shalt  }
0x5e: {  	_ =	shalt  }
0x5f: {  	_ =	shalt  }
0x60: {  	_ =	shalt  }
0x61: {  	_ =	shalt  }
0x62: {  	_ =	shalt  }
0x63: {  	_ =	shalt  }
0x64: {  	_ =	shalt  }
0x65: {  	_ =	shalt  }
0x66: {  	_ =	shalt  }
0x67: {  	_ =	shalt  }
0x68: {  	_ =	shalt  }
0x69: {  	_ =	shalt  }
0x6a: {  	_ =	shalt  }
0x6b: {  	_ =	shalt  }
0x6c: {  	_ =	shalt  }
0x6d: {  	_ =	shalt  }
0x6e: {  	_ =	shalt  }
0x6f: {  	_ =	shalt  }
0x70: {  	_ =	shalt  }
0x71: {  	_ =	shalt  }
0x72: {  	_ =	shalt  }
0x73: {  	_ =	shalt  }
0x74: {  	_ =	shalt  }
0x75: {  	_ =	shalt  }
0x76: {  	_ =	shalt  }
0x77: {  	_ =	shalt  }
0x78: {  	_ =	shalt  }
0x79: {  	_ =	shalt  }
0x7a: {  	_ =	shalt  }
0x7b: {  	_ =	shalt  }
0x7c: {  	_ =	shalt  }
0x7d: {  	_ =	shalt  }
0x7e: {  	_ =	shalt  }
0x7f: {  	_ =	shalt  }
0x80: {  	_ =	shalt  }
0x81: {  	_ =	shalt  }
0x82: {  	_ =	shalt  }
0x83: {  	_ =	shalt  }
0x84: {  	_ =	shalt  }
0x85: {  	_ =	shalt  }
0x86: {  	_ =	shalt  }
0x87: {  	_ =	shalt  }
.Lfunc_end0:
.L_simem_size_0:
called_computation.2_lowered:
.L_overlay_start_0:
0x88: {  	s2 =	sld [smem:$0x3FD9]  }
0x89: {  	s3 =	sld [smem:$0x3FFE];
	_ =	sdelay $0x1  }
0x8a: {  	s1 =	srdreg.scid  }
0x8b: {  	s0 =	sand.u32 $0x1, s1  }
0x8c: {  	s16 =	sshll.u32 s0, $0xA;
	s2 =	sadd.s32 s3, s2  }
0x8d: {  	s2 =	sadd.s32 s2, s16  }
0x8e: {  	[smem:$0x3FC0] =	sst s2  }
0x8f: {  	_ = 	snop  }
0x90: {  	(tm) =	ssettm $0x1  }
0x91: {  	s17 =	sld [smem:$0x3FFB];
	_ =	sdelay $0x3  }
0x92: {  	_ =	strace s17  }
0x93: {  	s2 =	sld [smem:$0x3FFC];
	_ =	sdelay $0x3  }
0x94: {  	_ =	strace s2  }
0x95: {  	s2 =	sld [smem:$0x3FFD];
	_ =	sdelay $0x3  }
0x96: {  	_ =	strace s2  }
0x97: {  	_ =	strace $0x8FFFFFFF  }
0x98: {  	s18 =	sld [smem:$0x3FDB];
	_ =	sdelay $0x1  }
0x99: {  	s19 =	simm.s32 $_scs_section_size  }
0x9a: {  	s4 =	simm.s32 $_size__tile_overlayer_lowered;
	s5 =	simm.s32 $_tile_overlayer_lowered  }
0x9b: {  	s22 =	simm.s32 $0x1BFF;
	s21 =	sshll.u32 s5, $0x1;
	s2 =	sadd.s32 s19, s18  }
0x9c: {  	s6 =	simm.s32 $0x0;
	s20 =	sshll.u32 s4, $0x1;
	s4 =	sadd.s32 s21, s2  }
0x9d: {  	[timem:s6], [sflag:s22] =	dma.local [hbm:s4], s20  }
0x9e: {  	_ =	swait.ge [sflag:s22], s20  }
0x9f: {  	s3 =	ssub.s32 $0x0, s20;
	[sflag:s22] =	ssyncset.done $0x0  }
0xa0: {  	[sflag:s22] =	ssyncadd.s32 s3;
	_ =	sdelay $0x1  }
0xa1: {  	s23 =	simm.s32 $0x1B8B  }
0xa2: {  	_ =	swait.ge [sflag:s23], $0x1  }
0xa3: {  	[sflag:s23] =	ssyncset.done $0x0  }
0xa4: {  	s25 =	simm.s32 $0x1B8E;
	s24 =	sld [smem:$0x3FFE];
	[sflag:s23] =	ssyncadd.s32 $0xFFFFFFFF  }
0xa5: {  	s26 =	simm.s32 $execute0_lowered;
	[smem:$0x3FD2] =	sst s25  }
0xa6: {  	s4 =	sshll.u32 s26, $0x1;
	_ =	strace $0x8000004C;
	[dreg:$0x1] =	wrdreg $0xFFFFFFFF  }
0xa7: {  	s28 =	simm.s32 $_size_execute0_lowered;
	s2 =	sadd.s32 s2, s4;
	[dreg:$0x0] =	wrdreg $0x0  }
0xa8: {  	s4 =	sshll.u32 s28, $0x1;
	[dreg:$0x2] =	wrdreg s2  }
0xa9: {  	[dreg:$0x3] =	wrdreg s4  }
0xaa: {  	[dreg:$0x4] =	wrdreg $0xC0  }
0xab: {  	_ =	task [dreg:s6], $0x5FFFF  }
0xac: {  	[dreg:$0x1] =	wrdreg $0xFFFFFFFF  }
0xad: {  	[dreg:$0x0] =	wrdreg $0x60  }
0xae: {  	[dreg:$0x2] =	wrdreg s24  }
0xaf: {  	[dreg:$0x3] =	wrdreg $0x4E000  }
0xb0: {  	[dreg:$0x4] =	wrdreg $0x9  }
0xb1: {  	_ =	task.clear_ibuf [dreg:s6], $0x5FFFF;
	_ =	strace $0x9000004C  }
0xb2: {  	s29 =	simm.s32 $0x9;
	_ =	strace $0x8000004E  }
0xb3: {  	_ =	swait.ge [sflag:s29], $0x1  }
0xb4: {  	[sflag:s29] =	ssyncadd.s32 $0xFFFFFFFF  }
0xb5: {  	_ =	strace $0x9000004E  }
0xb6: {  	_ =	sfence  }
0xb7: {  	s30 =	sld [smem:$0x0];
	_ =	sdelay $0x2  }
0xb8: {  	s31 =	sshll.u32 s1, $0xD;
	s1 =	sshrl.u32 s1, $0x2  }
0xb9: {  	s3 =	sand.u32 $0x4000, s31;
	s1 =	sadd.s32 s1, s30  }
0xba: {  	s0 =	sor.u32 s3, s0;
	s1 =	sshll.u32 s1, $0x11  }
0xbb: {  	s0 =	sor.u32 s1, s0  }
0xbc: {  	s0 =	sadd.s32 $0x8F2B, s0  }
0xbd: {  	[sflag:s0] =	ssyncadd.remote.s32 $0x1  }
0xbe: {  	_ =	sfence.sel $0xFFFF  }
0xbf: {  	[dreg:$0x0] =	wrdreg $0xFFFFFFFF;
	(pc) =	sbr.abs _section_cstart, $3  }
0xc0: {  	[dreg:$0x1] =	wrdreg $0xFFFFFFFF  }
0xc1: {  	_ =	task.clear_ibuf [dreg:s6], $0x2FFFF;
	_ =	strace $0x9FFFFFFF  }
0xc2: {  	(tm) =	ssettm $0x7FFFFFFF  }
0xc3: {  	_ =	shalt  }
tec
execute0_lowered:
.L_overlay_start_1:
0x0: {  	(tag) =	ssettag $0x1  }
0x1: {  	s0 =	rddreg [dreg:$0x0]  }
0x2: {  	s2 =	rddreg [dreg:$0x1];
	s3 =	simm.s32 $0x0;
	s12 =	stileid.u32  }
0x3: {  	s1 =	srdreg.scid;
	s28 =	simm.s32 $0x180;
	s29 =	simm.s32 $0x1  }
0x4: {  	s30 =	simm.s32 $0x600;
	s31 =	simm.s32 $0x2;
	[smem:$0x7FF] =	sst s3  }
0x5: {  	s5 =	smul.u32 $0x7500, s12;
	s1 =	sand.u32 $0x1, s1;
	s4 =	sshll.u32 s12, $0x1  }
0x6: {  	s13 =	sadd.s32 $0x2200, s0;
	s10 =	sadd.s32 $0x33400, s0;
	s26 =	smul.u32 $0x4E00, s12  }
0x7: {  	p0 =	seq.s32 s12, $0xF;
	p1 =	sgt.u32 s12, $0x1;
	s12 =	simm.s32 $0x3  }
0x8: {  	_ =	strace $0x8000004D;
	s6 =	sor.u32 s1, s4;
	s24 =	smul.u32 $0x75300, s1  }
0x9: {  	s4 =	sadd.s32 $0x15C00, s0;
	s9 =	ssub.s32 $0x2, s1;
	s1 =	smul.u32 $0x2700, s1  }
0xa: {  	[dreg:$0x3] =	wrdreg s13;
	s7 =	sshrl.u32 s5, $0x3;
	s8 =	smul.u32 $0x2700, s6  }
0xb: {  	s11 =	sshrl.u32 s9, $0x1;
	s14 =	sadd.s32 s5, s2;
	s6 =	sshll.u32 s6, $0x4  }
0xc: {  	s7 =	sadd.s32 s7, s0;
	s9 =	ssub.s32 s9, s11;
	[dreg:$0x5] =	wrdreg s14  }
0xd: {  	s0 =	sadd.s32 $0x32360, s0;
	s25 =	sshrl.u32 s24, $0x3;
	s6 =	sadd.s32 s6, s13  }
0xe: {  	s15 =	sadd.s32 s5, s24;
	s1 =	sadd.s32 s1, s26;
	s8 =	sshrl.u32 s8, $0x3  }
0xf: {  	s7 =	sadd.s32 $0x24800, s7;
	[dreg:$0x7] =	wrdreg s0;
	s0 =	sadd.s32 s10, s25  }
0x10: {  	s14 =	sadd.s32 $0x9C00, s6;
	s16 =	sadd.s32 $0x13840, s6;
	s17 =	sadd.s32 $0x4E680, s1  }
0x11: {  	s18 =	sadd.s32 $0x480, s1;
	s19 =	smax.u32 s9, $0x1;
	[dreg:$0x6] =	wrdreg s7  }
0x12: {  	s21 =	sadd.s32 $0x4E600, s1;
	s22 =	sadd.s32 $0x400, s1;
	[dreg:$0x9] =	wrdreg s14  }
0x13: {  	s23 =	sadd.s32 $0x4E580, s1;
	s6 =	sadd.s32 $0x4E500, s1;
	[dreg:$0xa] =	wrdreg s16  }
0x14: {  	s11 =	sadd.s32 s13, s8;
	s0 =	sadd.s32 $0xDB60, s0;
	[dreg:$0xc] =	wrdreg s19  }
0x15: {  	s5 =	sshrl.u32 s18, $0x3;
	s24 =	sshrl.u32 s22, $0x3;
	s25 =	sshrl.u32 s23, $0x3  }
0x16: {  	s7 =	sadd.s32 $0x4E480, s1;
	s8 =	sshrl.u32 s6, $0x3;
	[dreg:$0x8] =	wrdreg s0  }
0x17: {  	s16 =	sadd.s32 $0x4E400, s1;
	s20 =	sadd.s32 s5, s13;
	[dreg:$0x4] =	wrdreg s11  }
0x18: {  	s6 =	simm.s32 $0x1E00;
	s26 =	sadd.s32 s25, s13;
	[dreg:$0xe] =	wrdreg s20  }
0x19: {  	s0 =	sshrl.u32 s15, $0x3;
	s19 =	sadd.s32 $0x9C40, s11;
	[dreg:$0x11] =	wrdreg s26  }
0x1a: {  	s5 =	sadd.s32 $0x380, s1;
	s22 =	sadd.s32 $0x20, s11;
	[dreg:$0x19] =	wrdreg s19  }
0x1b: {  	s9 =	sshrl.u32 s7, $0x3;
	s23 =	sadd.s32 $0x9C60, s11;
	[dreg:$0x1c] =	wrdreg s22  }
0x1c: {  	s15 =	sadd.s32 $0x280, s1;
	s25 =	sadd.s32 $0x9C70, s11;
	[dreg:$0x1d] =	wrdreg s23  }
0x1d: {  	s7 =	simm.s32 $0x3600;
	s0 =	sadd.s32 s10, s0;
	[dreg:$0x1f] =	wrdreg s25  }
0x1e: {  	s10 =	sadd.s32 $0x300, s1;
	s14 =	sadd.s32 s9, s13;
	[dreg:$0xb] =	wrdreg s0  }
0x1f: {  	s1 =	sadd.s32 $0x200, s1;
	s20 =	sadd.s32 $0x10, s11;
	[dreg:$0x14] =	wrdreg s10  }
0x20: {  	s26 =	sadd.s32 $0x6DB00, s2;
	s22 =	simm.s32 $0x400;
	[dreg:$0x15] =	wrdreg s14  }
0x21: {  	s19 =	simm.s32 $0x5;
	s0 =	sshrl.u32 s17, $0x3;
	[dreg:$0x1a] =	wrdreg s20  }
0x22: {  	s1 =	sshrl.u32 s1, $0x3;
	[smem:$0x7FD] =	sst s26;
	s26 =	simm.s32 $0x100  }
0x23: {  	s10 =	simm.s32 $0x480;
	s20 =	simm.s32 $0xC;
	s0 =	sadd.s32 s0, s13  }
0x24: {  	s14 =	simm.s32 $0x280;
	s18 =	sadd.s32 s1, s13;
	[dreg:$0xd] =	wrdreg s0  }
0x25: {  	s0 =	sshrl.u32 s21, $0x3;
	[dreg:$0x18] =	wrdreg s18;
	s21 =	sadd.s32 $0x9C50, s11  }
0x26: {  	s1 =	simm.s32 $0x80;
	s0 =	sadd.s32 s0, s13;
	[dreg:$0x1b] =	wrdreg s21  }
0x27: {  	s18 =	simm.s32 $0xB;
	s21 =	simm.s32 $0x6;
	[dreg:$0xf] =	wrdreg s0  }
0x28: {  	s0 =	sadd.s32 s24, s13;
	s24 =	sadd.s32 $0x30, s11;
	s11 =	simm.s32 $0x480  }
0x29: {  	[dreg:$0x10] =	wrdreg s0;
	s0 =	sshrl.u32 s5, $0x3;
	s5 =	sshrl.u32 s16, $0x3  }
0x2a: {  	[dreg:$0x1e] =	wrdreg s24;
	s16 =	simm.s32 $0x4;
	s0 =	sadd.s32 s0, s13  }
.Ltmp0:
0x2b: {  	s17 =	sadd.s32 s5, s13;
	[dreg:$0x12] =	wrdreg s0;
	(pc) =	sbr.rel .LBB2_1-.Ltmp0, $4  }
0x2c: {  	s5 =	simm.s32 $0x0;
	s0 =	sadd.s32 s8, s13;
	[dreg:$0x17] =	wrdreg s17  }
0x2d: {  	s8 =	simm.s32 $0x8;
	[dreg:$0x13] =	wrdreg s0;
	s0 =	sshrl.u32 s15, $0x3  }
0x2e: {  	s17 =	simm.s32 $0x9;
	s15 =	simm.s32 $0x500;
	s0 =	sadd.s32 s0, s13  }
0x2f: {  	s13 =	simm.s32 $0xA;
	[dreg:$0x16] =	wrdreg s0;
	s0 =	simm.s32 $0x7  }
.LBB2_8:
0x30: {  	s9 =	sld [smem:$0x7FD];
	_ =	sdelay $0x1  }
0x31: {  	s23 =	rddreg [dreg:$0x8]  }
0x32: {  	s5 =	simm.s32 $0x1FCD;
	s25 =	simm.s32 $0xD;
	s9 =	sshrl.u32 s9, $0x3  }
0x33: {  	[hbm:s23], [sflag:s5] =	dma.local [spmem:s9], $0xF00  }
0x34: {  	_ =	swait.ge [sflag:s25], $0xF00  }
0x35: {  	[sflag:s25] =	ssyncset.done $0x0  }
0x36: {  	s5 =	sld [smem:$0x7FC];
	[sflag:s25] =	ssyncadd.s32 $0xFFFFF100  }
.LBB2_9:
0x37: {  	_ =	sdelay $0x1  }
0x38: {  	s9 =	rddreg [dreg:$0xc];
	s5 =	sadd.s32 $0x1, s5  }
0x39: {  	p2 =	sne.s32 s5, s9  }
.Ltmp1:
0x3a: {  	_ = 	snop;
	(pc) =	sbr.rel @!p2 .LBB2_10-.Ltmp1, $1  }
0x3b: {  	_ =	sdelay $0x3  }
.LBB2_1:
0x3c: {  	[smem:$0x7FC] =	sst s5  }
0x3d: {  	s9 =	rddreg [dreg:$0x4]  }
0x3e: {  	[tilespmem:s3], [sflag:$0x1] =	stream.linear.gather [hbm4b:s9+s3], $0x80, $0x38;
	[tilespmem:$0xC330] =	vst v63  }
0x3f: {  	s5 =	rddreg [dreg:$0x19];
	s23 =	simm.s32 $0x300  }
0x40: {  	[tilespmem:s23], [sflag:$0x1] =	stream.linear.gather [hbm4b:s5+s3], $0x80, $0x38;
	[tilespmem:$0xC330] =	vst v63  }
0x41: {  	s24 =	rddreg [dreg:$0x1a]  }
0x42: {  	[tilespmem:s1], [sflag:$0x2] =	stream.linear.gather [hbm4b:s24+s3], $0x80, $0x38;
	[tilespmem:$0xC330] =	vst v63  }
0x43: {  	s25 =	rddreg [dreg:$0x1b];
	s23 =	simm.s32 $0x380  }
0x44: {  	[tilespmem:s23], [sflag:$0x2] =	stream.linear.gather [hbm4b:s25+s3], $0x80, $0x38;
	[tilespmem:$0xC330] =	vst v63  }
0x45: {  	s5 =	rddreg [dreg:$0x1c]  }
0x46: {  	[tilespmem:s26], [sflag:$0x3] =	stream.linear.gather [hbm4b:s5+s3], $0x80, $0x38;
	[tilespmem:$0xC330] =	vst v63  }
0x47: {  	s23 =	rddreg [dreg:$0x1d]  }
0x48: {  	[tilespmem:s22], [sflag:$0x3] =	stream.linear.gather [hbm4b:s23+s3], $0x80, $0x38;
	[tilespmem:$0xC330] =	vst v63  }
0x49: {  	s24 =	rddreg [dreg:$0x1e]  }
0x4a: {  	[tilespmem:s28], [sflag:$0x4] =	stream.linear.gather [hbm4b:s24+s3], $0x80, $0x38;
	[tilespmem:$0xC330] =	vst v63  }
0x4b: {  	s25 =	rddreg [dreg:$0x1f]  }
0x4c: {  	[tilespmem:s10], [sflag:$0x4] =	stream.linear.gather [hbm4b:s25+s3], $0x80, $0x38;
	[tilespmem:$0xC330] =	vst v63  }
0x4d: {  	_ =	swait.ge [sflag:s29], $0x80  }
0x4e: {  	[sflag:s29] =	ssyncset.done $0x0  }
0x4f: {  	[sflag:s29] =	ssyncadd.s32 $0xFFFFFF80  }
0x50: {  	_ =	swait.ge [sflag:s29], $0x80  }
0x51: {  	[sflag:s29] =	ssyncset.done $0x0  }
0x52: {  	[sflag:s29] =	ssyncadd.s32 $0xFFFFFF80  }
0x53: {  	[tilespmem:s30], [sflag:$0x7] =	stream.indirect.gather [hbm4b:s4+s1], $0x30, s3, s1, $0xb8;
	[tilespmem:$0xC330] =	vst v63  }
0x54: {  	_ =	swait.ge [sflag:s31], $0x80  }
0x55: {  	[sflag:s31] =	ssyncset.done $0x0  }
0x56: {  	[sflag:s31] =	ssyncadd.s32 $0xFFFFFF80  }
0x57: {  	_ =	swait.ge [sflag:s31], $0x80  }
0x58: {  	[sflag:s31] =	ssyncset.done $0x0;
	s9 =	sld [smem:$0x7FD]  }
0x59: {  	[sflag:s31] =	ssyncadd.s32 $0xFFFFFF80  }
0x5a: {  	[tilespmem:s6], [sflag:$0x8] =	stream.indirect.gather [hbm4b:s4+s1], $0x30, s1, s1, $0xb8;
	[tilespmem:$0xC330] =	vst v63  }
0x5b: {  	s24 =	simm.s32 @p0 $0x1FCD;
	s23 =	sshrl.u32 @p0 s9, $0x3;
	s9 =	rddreg [dreg:$0x7]  }
0x5c: {  	[spmem:s23], [sflag:s24] =	dma.local @p0 [hbm:s9], $0xF00  }
0x5d: {  	s23 =	simm.s32 @p0 $0xD  }
0x5e: {  	_ =	swait.ge @p0 [sflag:s23], $0xF00  }
0x5f: {  	s9 =	stileid.u32;
	[sflag:s23] =	ssyncset.done @p0 $0x0  }
0x60: {  	s24 =	sshll.u32 @!p0 s9, $0x6;
	s9 =	rddreg [dreg:$0x5];
	[sflag:s23] =	ssyncadd.s32 @p0 $0xFFFFF100  }
0x61: {  	s23 =	sor.u32 @!p0 $0x1C0D, s24;
	s24 =	sshrl.u32 @!p0 s9, $0x3;
	s9 =	rddreg [dreg:$0x6]  }
0x62: {  	[spmem:s24], [sflag:s23] =	dma.local @!p0 [hbm:s9], $0xEA0  }
0x63: {  	s23 =	simm.s32 @!p0 $0xD  }
0x64: {  	_ =	swait.ge @!p0 [sflag:s23], $0xEA0  }
0x65: {  	[sflag:s23] =	ssyncset.done @!p0 $0x0  }
0x66: {  	[sflag:s23] =	ssyncadd.s32 @!p0 $0xFFFFF160  }
0x67: {  	[bflag:$0x0] =	sbarrier.arrive $0xFFFF  }
0x68: {  	s24 =	simm.s32 $0x0;
	s23 =	rddreg [dreg:$0x14]  }
.LBB2_2:
0x69: {  	_ =	swait.ge [sflag:s0], $0x1800  }
0x6a: {  	p2 =	seq.s32 s24, $0x0;
	[sflag:s0] =	ssyncset.done $0x0  }
0x6b: {  	s25 =	simm.s32 @!p2 $0xC;
	[sflag:s0] =	ssyncadd.s32 $0xFFFFE800  }
0x6c: {  	_ =	swait.ge @!p2 [sflag:s25], $0x1800  }
0x6d: {  	[sflag:s25] =	ssyncset.done @!p2 $0x0  }
0x6e: {  	s5 =	simm.s32 $0x300;
	s9 =	rddreg [dreg:$0x18];
	[sflag:s25] =	ssyncadd.s32 @!p2 $0xFFFFE800  }
0x6f: {  	[spmem:s2] =	stream.indirect.scatter.add.f32 [tilespmem:s30], [sflag:$0xA], $0x30, s5, s1, $0xb8;
	[tilespmem:$0xC330] =	vst v63  }
0x70: {  	s10 =	sadd.s32 s24, s9;
	s25 =	rddreg [dreg:$0x17];
	s5 =	simm.s32 $0x200  }
0x71: {  	[tilespmem:s5], [sflag:$0x5] =	stream.linear.gather [hbm4b:s10+s3], $0x80, $0x38;
	[tilespmem:$0xC330] =	vst v63  }
0x72: {  	s10 =	sadd.s32 s24, s25  }
0x73: {  	[tilespmem:s15], [sflag:$0x5] =	stream.linear.gather [hbm4b:s10+s3], $0x80, $0x38;
	[tilespmem:$0xC330] =	vst v63  }
0x74: {  	_ =	swait.ge [sflag:s12], $0x80  }
0x75: {  	[sflag:s12] =	ssyncset.done $0x0  }
0x76: {  	[sflag:s12] =	ssyncadd.s32 $0xFFFFFF80  }
0x77: {  	_ =	swait.ge [sflag:s12], $0x80  }
0x78: {  	[sflag:s12] =	ssyncset.done $0x0  }
0x79: {  	[sflag:s12] =	ssyncadd.s32 $0xFFFFFF80  }
0x7a: {  	[tilespmem:s7], [sflag:$0x9] =	stream.indirect.gather [hbm4b:s4+s1], $0x30, s26, s1, $0xb8;
	[tilespmem:$0xC330] =	vst v63  }
0x7b: {  	_ =	swait.ge [sflag:s8], $0x1800  }
0x7c: {  	[sflag:s8] =	ssyncset.done $0x0  }
0x7d: {  	[sflag:s8] =	ssyncadd.s32 $0xFFFFE800  }
0x7e: {  	_ =	swait.ge [sflag:s13], $0x1800  }
0x7f: {  	[sflag:s13] =	ssyncset.done $0x0  }
0x80: {  	s25 =	simm.s32 $0x380;
	s26 =	rddreg [dreg:$0x16];
	[sflag:s13] =	ssyncadd.s32 $0xFFFFE800  }
0x81: {  	[spmem:s2] =	stream.indirect.scatter.add.f32 [tilespmem:s6], [sflag:$0xB], $0x30, s25, s1, $0xb8;
	[tilespmem:$0xC330] =	vst v63  }
0x82: {  	s10 =	sadd.s32 s24, s26;
	s26 =	rddreg [dreg:$0x15]  }
0x83: {  	[tilespmem:s14], [sflag:$0x6] =	stream.linear.gather [hbm4b:s10+s3], $0x80, $0x38;
	[tilespmem:$0xC330] =	vst v63  }
0x84: {  	s10 =	sadd.s32 s24, s26;
	s26 =	simm.s32 $0x580  }
0x85: {  	[tilespmem:s26], [sflag:$0x6] =	stream.linear.gather [hbm4b:s10+s3], $0x80, $0x38;
	[tilespmem:$0xC330] =	vst v63  }
0x86: {  	_ =	swait.ge [sflag:s16], $0x80  }
0x87: {  	[sflag:s16] =	ssyncset.done $0x0  }
0x88: {  	[sflag:s16] =	ssyncadd.s32 $0xFFFFFF80  }
0x89: {  	_ =	swait.ge [sflag:s16], $0x80  }
0x8a: {  	[sflag:s16] =	ssyncset.done $0x0  }
0x8b: {  	[sflag:s16] =	ssyncadd.s32 $0xFFFFFF80  }
0x8c: {  	[tilespmem:s30], [sflag:$0x7] =	stream.indirect.gather [hbm4b:s4+s1], $0x30, s28, s1, $0xb8;
	[tilespmem:$0xC330] =	vst v63  }
0x8d: {  	_ =	swait.ge [sflag:s17], $0x1800  }
0x8e: {  	[sflag:s17] =	ssyncset.done $0x0  }
0x8f: {  	[sflag:s17] =	ssyncadd.s32 $0xFFFFE800  }
0x90: {  	_ =	swait.ge [sflag:s18], $0x1800  }
0x91: {  	p2 =	seq.s32 s24, $0x480;
	[sflag:s18] =	ssyncset.done $0x0  }
0x92: {  	s25 =	sshrl.u32 @!p2 s23, $0x3;
	s9 =	rddreg [dreg:$0x3];
	[sflag:s18] =	ssyncadd.s32 $0xFFFFE800  }
0x93: {  	[spmem:s2] =	stream.indirect.scatter.add.f32 [tilespmem:s7], [sflag:$0xC], $0x30, s22, s1, $0xb8;
	[tilespmem:$0xC330] =	vst v63  }
0x94: {  	s26 =	simm.s32 @!p2 $0x0;
	s25 =	sadd.s32 @!p2 s9, s25;
	s9 =	rddreg [dreg:$0x13]  }
0x95: {  	[tilespmem:s26], [sflag:$0x1] =	stream.linear.gather @!p2 [hbm4b:s25+s26], $0x80, $0x38;
	[tilespmem:$0xC330] =	vst v63  }
0x96: {  	s25 =	sadd.s32 @!p2 s24, s9;
	s9 =	simm.s32 @!p2 $0x300  }
0x97: {  	[tilespmem:s9], [sflag:$0x1] =	stream.linear.gather @!p2 [hbm4b:s25+s26], $0x80, $0x38;
	[tilespmem:$0xC330] =	vst v63  }
0x98: {  	_ =	swait.ge [sflag:s19], $0x80  }
0x99: {  	[sflag:s19] =	ssyncset.done $0x0  }
0x9a: {  	[sflag:s19] =	ssyncadd.s32 $0xFFFFFF80  }
0x9b: {  	_ =	swait.ge [sflag:s19], $0x80  }
0x9c: {  	[sflag:s19] =	ssyncset.done $0x0  }
0x9d: {  	[sflag:s19] =	ssyncadd.s32 $0xFFFFFF80  }
0x9e: {  	[tilespmem:s6], [sflag:$0x8] =	stream.indirect.gather [hbm4b:s4+s1], $0x30, s5, s1, $0xb8;
	[tilespmem:$0xC330] =	vst v63  }
0x9f: {  	_ =	swait.ge [sflag:s0], $0x1800  }
0xa0: {  	[sflag:s0] =	ssyncset.done $0x0  }
0xa1: {  	[sflag:s0] =	ssyncadd.s32 $0xFFFFE800  }
0xa2: {  	_ =	swait.ge [sflag:s20], $0x1800  }
0xa3: {  	[sflag:s20] =	ssyncset.done $0x0  }
0xa4: {  	s9 =	rddreg [dreg:$0x12];
	[sflag:s20] =	ssyncadd.s32 $0xFFFFE800  }
0xa5: {  	[spmem:s2] =	stream.indirect.scatter.add.f32 [tilespmem:s30], [sflag:$0xA], $0x30, s11, s1, $0xb8;
	[tilespmem:$0xC330] =	vst v63  }
0xa6: {  	s25 =	simm.s32 @!p2 $0x80;
	s9 =	sadd.s32 @!p2 s24, s9  }
0xa7: {  	[tilespmem:s25], [sflag:$0x2] =	stream.linear.gather @!p2 [hbm4b:s9+s26], $0x80, $0x38;
	[tilespmem:$0xC330] =	vst v63  }
0xa8: {  	s9 =	rddreg [dreg:$0x11]  }
0xa9: {  	s25 =	simm.s32 @!p2 $0x380;
	s9 =	sadd.s32 @!p2 s24, s9  }
0xaa: {  	[tilespmem:s25], [sflag:$0x2] =	stream.linear.gather @!p2 [hbm4b:s9+s26], $0x80, $0x38;
	[tilespmem:$0xC330] =	vst v63  }
0xab: {  	_ =	swait.ge [sflag:s21], $0x80  }
0xac: {  	[sflag:s21] =	ssyncset.done $0x0  }
0xad: {  	[sflag:s21] =	ssyncadd.s32 $0xFFFFFF80  }
0xae: {  	_ =	swait.ge [sflag:s21], $0x80  }
0xaf: {  	[sflag:s21] =	ssyncset.done $0x0  }
0xb0: {  	[sflag:s21] =	ssyncadd.s32 $0xFFFFFF80  }
0xb1: {  	[tilespmem:s7], [sflag:$0x9] =	stream.indirect.gather [hbm4b:s4+s1], $0x30, s14, s1, $0xb8;
	[tilespmem:$0xC330] =	vst v63  }
0xb2: {  	_ =	swait.ge [sflag:s8], $0x1800  }
0xb3: {  	[sflag:s8] =	ssyncset.done $0x0  }
.Ltmp2:
0xb4: {  	[sflag:s8] =	ssyncadd.s32 $0xFFFFE800;
	(pc) =	sbr.rel @p2 .LBB2_4-.Ltmp2, $4  }
0xb5: {  	_ =	swait.ge [sflag:s13], $0x1800  }
0xb6: {  	s10 =	simm.s32 $0x180;
	[sflag:s13] =	ssyncset.done $0x0  }
0xb7: {  	s28 =	simm.s32 $0x400;
	s22 =	simm.s32 $0x100;
	[sflag:s13] =	ssyncadd.s32 $0xFFFFE800  }
0xb8: {  	[spmem:s2] =	stream.indirect.scatter.add.f32 [tilespmem:s6], [sflag:$0xB], $0x30, s15, s1, $0xb8;
	[tilespmem:$0xC330] =	vst v63  }
0xb9: {  	s9 =	rddreg [dreg:$0x10]  }
0xba: {  	s9 =	sadd.s32 s24, s9  }
0xbb: {  	[tilespmem:s22], [sflag:$0x3] =	stream.linear.gather [hbm4b:s9+s3], $0x80, $0x38;
	[tilespmem:$0xC330] =	vst v63  }
0xbc: {  	s22 =	rddreg [dreg:$0xf]  }
0xbd: {  	s9 =	sadd.s32 s24, s22  }
0xbe: {  	[tilespmem:s28], [sflag:$0x3] =	stream.linear.gather [hbm4b:s9+s3], $0x80, $0x38;
	[tilespmem:$0xC330] =	vst v63  }
0xbf: {  	_ =	swait.ge [sflag:s29], $0x80  }
0xc0: {  	[sflag:s29] =	ssyncset.done $0x0  }
0xc1: {  	[sflag:s29] =	ssyncadd.s32 $0xFFFFFF80  }
0xc2: {  	_ =	swait.ge [sflag:s29], $0x80  }
0xc3: {  	[sflag:s29] =	ssyncset.done $0x0  }
0xc4: {  	[sflag:s29] =	ssyncadd.s32 $0xFFFFFF80  }
0xc5: {  	[tilespmem:s30], [sflag:$0x7] =	stream.indirect.gather [hbm4b:s4+s1], $0x30, s3, s1, $0xb8;
	[tilespmem:$0xC330] =	vst v63  }
0xc6: {  	_ =	swait.ge [sflag:s17], $0x1800  }
0xc7: {  	[sflag:s17] =	ssyncset.done $0x0  }
0xc8: {  	[sflag:s17] =	ssyncadd.s32 $0xFFFFE800  }
0xc9: {  	_ =	swait.ge [sflag:s18], $0x1800  }
0xca: {  	[sflag:s18] =	ssyncset.done $0x0  }
0xcb: {  	s5 =	simm.s32 $0x580;
	s25 =	rddreg [dreg:$0xe];
	[sflag:s18] =	ssyncadd.s32 $0xFFFFE800  }
0xcc: {  	[spmem:s2] =	stream.indirect.scatter.add.f32 [tilespmem:s7], [sflag:$0xC], $0x30, s5, s1, $0xb8;
	[tilespmem:$0xC330] =	vst v63  }
0xcd: {  	s26 =	rddreg [dreg:$0xd];
	s9 =	sadd.s32 s24, s25  }
0xce: {  	[tilespmem:s10], [sflag:$0x4] =	stream.linear.gather [hbm4b:s9+s3], $0x80, $0x38;
	[tilespmem:$0xC330] =	vst v63  }
0xcf: {  	s9 =	sadd.s32 s24, s26  }
0xd0: {  	[tilespmem:s11], [sflag:$0x4] =	stream.linear.gather [hbm4b:s9+s3], $0x80, $0x38;
	[tilespmem:$0xC330] =	vst v63  }
0xd1: {  	_ =	swait.ge [sflag:s31], $0x80  }
0xd2: {  	[sflag:s31] =	ssyncset.done $0x0  }
.Ltmp3:
0xd3: {  	[sflag:s31] =	ssyncadd.s32 $0xFFFFFF80;
	(pc) =	sbr.rel .LBB2_2-.Ltmp3, $4  }
0xd4: {  	s23 =	sadd.s32 $0x300, s23;
	_ =	swait.ge [sflag:s31], $0x80  }
0xd5: {  	s22 =	simm.s32 $0x400;
	s28 =	simm.s32 $0x180;
	[sflag:s31] =	ssyncset.done $0x0  }
0xd6: {  	s24 =	sadd.s32 $0x60, s24;
	s26 =	simm.s32 $0x100;
	[sflag:s31] =	ssyncadd.s32 $0xFFFFFF80  }
0xd7: {  	[tilespmem:s6], [sflag:$0x8] =	stream.indirect.gather [hbm4b:s4+s1], $0x30, s1, s1, $0xb8;
	[tilespmem:$0xC330] =	vst v63  }
.LBB2_4:
0xd8: {  	_ =	swait.ge [sflag:s17], $0x1800  }
0xd9: {  	[sflag:s17] =	ssyncset.done $0x0  }
0xda: {  	[sflag:s17] =	ssyncadd.s32 $0xFFFFE800  }
0xdb: {  	_ =	swait.ge [sflag:s18], $0x1800  }
0xdc: {  	[sflag:s18] =	ssyncset.done $0x0  }
.Ltmp4:
0xdd: {  	s5 =	simm.s32 $0x580;
	[sflag:s18] =	ssyncadd.s32 $0xFFFFE800;
	(pc) =	sbr.rel @p1 .LBB2_6-.Ltmp4, $4  }
0xde: {  	[spmem:s2] =	stream.indirect.scatter.add.f32 [tilespmem:s7], [sflag:$0xC], $0x30, s5, s1, $0xb8;
	[tilespmem:$0xC330] =	vst v63  }
0xdf: {  	_ =	swait.ge [sflag:s20], $0x1800  }
0xe0: {  	[sflag:s20] =	ssyncset.done $0x0  }
0xe1: {  	[sflag:s20] =	ssyncadd.s32 $0xFFFFE800  }
0xe2: {  	s9 =	rddreg [dreg:$0x9]  }
0xe3: {  	[tilespmem:s3], [sflag:$0x1] =	stream.linear.gather [hbm4b:s9+s3], $0x80, $0x38;
	[tilespmem:$0xC330] =	vst v63  }
0xe4: {  	s26 =	rddreg [dreg:$0xa];
	s23 =	simm.s32 $0x300  }
0xe5: {  	[tilespmem:s23], [sflag:$0x1] =	stream.linear.gather [hbm4b:s26+s3], $0x80, $0x38;
	[tilespmem:$0xC330] =	vst v63  }
0xe6: {  	_ =	swait.ge [sflag:s29], $0x80  }
0xe7: {  	[sflag:s29] =	ssyncset.done $0x0  }
0xe8: {  	[sflag:s29] =	ssyncadd.s32 $0xFFFFFF80  }
0xe9: {  	_ =	swait.ge [sflag:s29], $0x80  }
0xea: {  	[sflag:s29] =	ssyncset.done $0x0  }
0xeb: {  	[sflag:s29] =	ssyncadd.s32 $0xFFFFFF80  }
0xec: {  	[tilespmem:s30], [sflag:$0x7] =	stream.indirect.gather [hbm4b:s4+s1], $0x30, s3, s1, $0xb8;
	[tilespmem:$0xC330] =	vst v63  }
0xed: {  	_ =	swait.ge [sflag:s0], $0x1800  }
0xee: {  	[sflag:s0] =	ssyncset.done $0x0  }
0xef: {  	[sflag:s0] =	ssyncadd.s32 $0xFFFFE800  }
0xf0: {  	[spmem:s2] =	stream.indirect.scatter.add.f32 [tilespmem:s30], [sflag:$0xA], $0x30, s23, s1, $0xb8;
	[tilespmem:$0xC330] =	vst v63  }
.Ltmp5:
0xf1: {  	_ =	swait.ge [sflag:s13], $0x1800;
	(pc) =	sbr.rel .LBB2_7-.Ltmp5, $4  }
0xf2: {  	[sflag:s13] =	ssyncset.done $0x0  }
0xf3: {  	[sflag:s13] =	ssyncadd.s32 $0xFFFFE800  }
0xf4: {  	s22 =	simm.s32 $0x400;
	[bflag:$0x0] =	sbarrier.arrive $0xFFFF  }
0xf5: {  	s28 =	simm.s32 $0x180;
	s10 =	simm.s32 $0x480;
	s26 =	simm.s32 $0x100  }
.LBB2_6:
.Ltmp6:
0xf6: {  	(pc) =	sbr.rel @p0 .LBB2_8-.Ltmp6, $3  }
0xf7: {  	_ =	sdelay $0x1  }
0xf8: {  	[bflag:$0x0] =	sbarrier.arrive $0xFFFF;
	s26 =	simm.s32 $0x100  }
0xf9: {  	s22 =	simm.s32 $0x400;
	s28 =	simm.s32 $0x180;
	s10 =	simm.s32 $0x480  }
.LBB2_7:
0xfa: {  	s9 =	stileid.u32;
	s23 =	rddreg [dreg:$0x5]  }
0xfb: {  	s24 =	rddreg [dreg:$0xb];
	s5 =	simm.s32 $0xD;
	s9 =	sshll.u32 s9, $0x6  }
.Ltmp7:
0xfc: {  	s23 =	sshrl.u32 s23, $0x3;
	s9 =	sor.u32 $0x1C0D, s9;
	(pc) =	sbr.rel .LBB2_9-.Ltmp7, $4  }
0xfd: {  	[hbm:s24], [sflag:s9] =	dma.local [spmem:s23], $0xEA0  }
0xfe: {  	_ =	swait.ge [sflag:s5], $0xEA0  }
0xff: {  	[sflag:s5] =	ssyncset.done $0x0  }
0x100: {  	[sflag:s5] =	ssyncadd.s32 $0xFFFFF160;
	s5 =	sld [smem:$0x7FC]  }
.LBB2_10:
0x101: {  	_ =	sfence.sel $0x180000  }
0x102: {  	[bflag:$0x0] =	sbarrier.arrive $0xFFFF  }
0x103: {  	_ =	strace $0x9000004D  }
0x104: {  	s0 =	stileid.u32;
	[bflag:$0x2] =	sbarrier.arrive $0xFFFF  }
0x105: {  	p0 =	sne.s32 s0, $0x0;
	s0 =	rddreg [dreg:$0x2]  }
0x106: {  	s0 =	sadd.s32 @!p0 $0x100000, s0  }
0x107: {  	[sflag:s0] =	ssyncadd.tile.s32 @!p0 $0x1;
	_ =	shalt  }
.Lfunc_end2:
_tile_overlayer_lowered:
.L_overlay_start_2:
0x108: {  	(tag) =	ssettag $0x2  }
0x109: {  	s0 =	rddreg [dreg:$0x0];
	s2 =	stileid.u32  }
0x10a: {  	s1 =	rddreg [dreg:$0x1];
	p0 =	sne.s32 s2, $0x0  }
0x10b: {  	s3 =	rddreg [dreg:$0x2];
	[bflag:$0x3] =	sbarrier.arrive $0xFFFF;
	s2 =	simm.s32 @!p0 $0x1C0D  }
0x10c: {  	[timem:s3], [sflag:s2] =	dma.local @!p0 [hbm:s0], s1  }
0x10d: {  	s0 =	simm.s32 @!p0 $0xD  }
0x10e: {  	_ =	swait.ge @!p0 [sflag:s0], s1  }
0x10f: {  	s1 =	ssub.s32 @!p0 $0x0, s1;
	[sflag:s0] =	ssyncset.done @!p0 $0x0  }
0x110: {  	[sflag:s0] =	ssyncadd.s32 @!p0 s1  }
0x111: {  	[bflag:$0x3] =	sbarrier.arrive $0xFFFF  }
0x112: {  	_ =	shalt  }

// kernel: kernel.9.cloned.1.call-start
scs
__scs_entry_jumppad:
0x0: {  	(pc) =	sbr.rel $0x88, $3  }
0x1: {  	(tag) =	ssettag $0x0;
	lr =	simm.s32 $0x1  }
0x2: {  	[smem:$0x3F99] =	sst lr;
	_ =	strace $0xD0000000  }
0x3: {  	_ = 	snop  }
0x4: {  	_ = 	snop  }
0x5: {  	_ = 	snop  }
0x6: {  	_ = 	snop  }
0x7: {  	_ = 	snop  }
__scs_overlays_trampoline_lowered:
0x8: {  	[smem:$0x3FA8] =	sst s0  }
0x9: {  	[smem:$0x3FA9] =	sst s1  }
0xa: {  	[smem:$0x3FAA] =	sst s2  }
0xb: {  	[smem:$0x3FAB] =	sst s3  }
0xc: {  	[smem:$0x3FAC] =	sst s4  }
0xd: {  	[smem:$0x3FAD] =	sst s5  }
0xe: {  	[smem:$0x3FAE] =	sst s6  }
0xf: {  	[smem:$0x3FAF] =	sst s7  }
0x10: {  	[smem:$0x3FB0] =	sst s8  }
0x11: {  	[smem:$0x3FB1] =	sst s9;
	s0 =	simm.s32 @!p0 $0x0  }
0x12: {  	s1 =	sld [smem:$0x3F97];
	s0 =	simm.s32 @p0 $0x1  }
0x13: {  	[smem:$0x3FB2] =	sst s0;
	s0 =	simm.s32 @!p1 $0x0  }
0x14: {  	s2 =	sld [smem:$0x3F96];
	s0 =	simm.s32 @p1 $0x1  }
0x15: {  	[smem:$0x3FB3] =	sst s0;
	s0 =	simm.s32 @!p2 $0x0  }
0x16: {  	s3 =	sld [smem:$0x3FDB];
	s0 =	simm.s32 @p2 $0x1  }
0x17: {  	s4 =	simm.s32 $0x1BF5;
	[smem:$0x3FB5] =	sst s0  }
0x18: {  	s0 =	sld [smem:$0x3F98];
	_ =	swait.ge [sflag:s4], $0x0  }
0x19: {  	s7 =	sld [smem:$0x3F99]  }
0x1a: {  	s8 =	sadd.s32 $0xFFFFE003, lr  }
0x1b: {  	s9 =	sadd.s32 $0xFFFFFEF7, lr;
	s5 =	simm.s32 $0xFFFFFFFF;
	p2 =	slt.u32 s8, $0xFFFFF086  }
0x1c: {  	p1 =	slt.u32 s9, $0xF7A;
	s5 =	simm.s32 @!p2 $0x0  }
0x1d: {  	s5 =	simm.s32 @p1 $0x1;
	p0 =	seq.s32 s7, s2  }
0x1e: {  	s7 =	smul.u32 @!p0 $0xF7A, s2;
	p2 =	seq.s32 @!p0 s5, $0x0  }
0x1f: {  	s9 =	smul.u32 $0xF7A, s1;
	s8 =	simm.s32 @!p0 $0x1BF5;
	p2 =	por !p2, p0  }
0x20: {  	[sflag:s8] =	ssyncset.s32 @!p0 $0xFFFFF086;
	s6 =	sadd.s32 @!p0 s3, s7;
	s7 =	simm.s32 @!p0 $0x108  }
0x21: {  	s3 =	sadd.s32 s3, s9;
	s6 =	sadd.s32 @!p0 $0x88, s6;
	s7 =	simm.s32 @p2 $0x1082  }
0x22: {  	[simem:s7], [sflag:s8] =	dma.local @!p0 [hbm:s6], $0xF7A  }
0x23: {  	s9 =	sor.u32 $0xD0000000, s2;
	s6 =	simm.s32 $0x108;
	_ =	swait.ge @!p0 [sflag:s8], $0x0  }
0x24: {  	s3 =	sadd.s32 $0x88, s3;
	s6 =	simm.s32 @!p1 $0x1082;
	[sflag:s4] =	ssyncset.s32 $0xFFFFF086  }
0x25: {  	[simem:s6], [sflag:s4] =	dma.local [hbm:s3], $0xF7A  }
0x26: {  	[smem:$0x3F99] =	sst s1;
	(tag) =	ssettag s2;
	_ =	strace s9  }
0x27: {  	s1 =	sld [smem:$0x3FA9]  }
0x28: {  	s2 =	sld [smem:$0x3FAA]  }
0x29: {  	s4 =	sld [smem:$0x3FAC]  }
0x2a: {  	p0 =	seq.s32 s5, $0x0;
	s5 =	sld [smem:$0x3FAD]  }
0x2b: {  	s6 =	sld [smem:$0x3FAE]  }
0x2c: {  	s7 =	sld [smem:$0x3FAF]  }
0x2d: {  	s3 =	simm.s32 $0x108;
	s8 =	sld [smem:$0x3FB0]  }
0x2e: {  	s3 =	simm.s32 @!p0 $0x1082;
	s9 =	sld [smem:$0x3FB1]  }
0x2f: {  	lr =	sadd.s32 s0, s3;
	s0 =	sld [smem:$0x3FA8]  }
0x30: {  	s3 =	sld [smem:$0x3FAB]  }
0x31: {  	[smem:$0x3FB4] =	sst s10  }
0x32: {  	s10 =	sld [smem:$0x3FB2];
	_ =	sdelay $0x3  }
0x33: {  	p0 =	seq.s32 s10, $0x1;
	s10 =	sld [smem:$0x3FB4];
	_ =	sdelay $0x3  }
0x34: {  	[smem:$0x3FB4] =	sst s10  }
0x35: {  	s10 =	sld [smem:$0x3FB3];
	_ =	sdelay $0x3  }
0x36: {  	p1 =	seq.s32 s10, $0x1;
	s10 =	sld [smem:$0x3FB4];
	_ =	sdelay $0x3  }
0x37: {  	[smem:$0x3FB4] =	sst s10  }
0x38: {  	s10 =	sld [smem:$0x3FB5]  }
0x39: {  	_ = 	snop;
	(pc) =	sbr.ind lr, $3  }
0x3a: {  	_ = 	snop  }
0x3b: {  	_ = 	snop  }
0x3c: {  	p2 =	seq.s32 s10, $0x1;
	s10 =	sld [smem:$0x3FB4]  }
0x3d: {  	_ =	shalt  }
0x3e: {  	_ =	shalt  }
0x3f: {  	_ =	shalt  }
0x40: {  	_ =	shalt  }
0x41: {  	_ =	shalt  }
0x42: {  	_ =	shalt  }
0x43: {  	_ =	shalt  }
0x44: {  	_ =	shalt  }
0x45: {  	_ =	shalt  }
0x46: {  	_ =	shalt  }
0x47: {  	_ =	shalt  }
0x48: {  	_ =	shalt  }
0x49: {  	_ =	shalt  }
0x4a: {  	_ =	shalt  }
0x4b: {  	_ =	shalt  }
0x4c: {  	_ =	shalt  }
0x4d: {  	_ =	shalt  }
0x4e: {  	_ =	shalt  }
0x4f: {  	_ =	shalt  }
0x50: {  	_ =	shalt  }
0x51: {  	_ =	shalt  }
0x52: {  	_ =	shalt  }
0x53: {  	_ =	shalt  }
0x54: {  	_ =	shalt  }
0x55: {  	_ =	shalt  }
0x56: {  	_ =	shalt  }
0x57: {  	_ =	shalt  }
0x58: {  	_ =	shalt  }
0x59: {  	_ =	shalt  }
0x5a: {  	_ =	shalt  }
0x5b: {  	_ =	shalt  }
0x5c: {  	_ =	shalt  }
0x5d: {  	_ =	shalt  }
0x5e: {  	_ =	shalt  }
0x5f: {  	_ =	shalt  }
0x60: {  	_ =	shalt  }
0x61: {  	_ =	shalt  }
0x62: {  	_ =	shalt  }
0x63: {  	_ =	shalt  }
0x64: {  	_ =	shalt  }
0x65: {  	_ =	shalt  }
0x66: {  	_ =	shalt  }
0x67: {  	_ =	shalt  }
0x68: {  	_ =	shalt  }
0x69: {  	_ =	shalt  }
0x6a: {  	_ =	shalt  }
0x6b: {  	_ =	shalt  }
0x6c: {  	_ =	shalt  }
0x6d: {  	_ =	shalt  }
0x6e: {  	_ =	shalt  }
0x6f: {  	_ =	shalt  }
0x70: {  	_ =	shalt  }
0x71: {  	_ =	shalt  }
0x72: {  	_ =	shalt  }
0x73: {  	_ =	shalt  }
0x74: {  	_ =	shalt  }
0x75: {  	_ =	shalt  }
0x76: {  	_ =	shalt  }
0x77: {  	_ =	shalt  }
0x78: {  	_ =	shalt  }
0x79: {  	_ =	shalt  }
0x7a: {  	_ =	shalt  }
0x7b: {  	_ =	shalt  }
0x7c: {  	_ =	shalt  }
0x7d: {  	_ =	shalt  }
0x7e: {  	_ =	shalt  }
0x7f: {  	_ =	shalt  }
0x80: {  	_ =	shalt  }
0x81: {  	_ =	shalt  }
0x82: {  	_ =	shalt  }
0x83: {  	_ =	shalt  }
0x84: {  	_ =	shalt  }
0x85: {  	_ =	shalt  }
0x86: {  	_ =	shalt  }
0x87: {  	_ =	shalt  }
.Lfunc_end0:
.L_simem_size_0:
called_computation_lowered:
.L_overlay_start_0:
0x88: {  	s2 =	sld [smem:$0x3FD9]  }
0x89: {  	s3 =	sld [smem:$0x3FFE];
	_ =	sdelay $0x1  }
0x8a: {  	s1 =	srdreg.scid  }
0x8b: {  	s0 =	sand.u32 $0x1, s1  }
0x8c: {  	s16 =	sshll.u32 s0, $0xA;
	s2 =	sadd.s32 s3, s2  }
0x8d: {  	s2 =	sadd.s32 s2, s16  }
0x8e: {  	[smem:$0x3FC0] =	sst s2  }
0x8f: {  	_ = 	snop  }
0x90: {  	(tm) =	ssettm $0x1  }
0x91: {  	s17 =	sld [smem:$0x3FFB];
	_ =	sdelay $0x3  }
0x92: {  	_ =	strace s17  }
0x93: {  	s2 =	sld [smem:$0x3FFC];
	_ =	sdelay $0x3  }
0x94: {  	_ =	strace s2  }
0x95: {  	s2 =	sld [smem:$0x3FFD];
	_ =	sdelay $0x3  }
0x96: {  	_ =	strace s2  }
0x97: {  	_ =	strace $0x8FFFFFFF  }
0x98: {  	s18 =	sld [smem:$0x3FDB];
	_ =	sdelay $0x1  }
0x99: {  	s19 =	simm.s32 $_scs_section_size  }
0x9a: {  	s4 =	simm.s32 $_size__tile_overlayer_lowered;
	s5 =	simm.s32 $_tile_overlayer_lowered  }
0x9b: {  	s22 =	simm.s32 $0x1BFF;
	s21 =	sshll.u32 s5, $0x1;
	s2 =	sadd.s32 s19, s18  }
0x9c: {  	s6 =	simm.s32 $0x0;
	s20 =	sshll.u32 s4, $0x1;
	s4 =	sadd.s32 s21, s2  }
0x9d: {  	[timem:s6], [sflag:s22] =	dma.local [hbm:s4], s20  }
0x9e: {  	_ =	swait.ge [sflag:s22], s20  }
0x9f: {  	s3 =	ssub.s32 $0x0, s20;
	[sflag:s22] =	ssyncset.done $0x0  }
0xa0: {  	[sflag:s22] =	ssyncadd.s32 s3;
	_ =	sdelay $0x1  }
0xa1: {  	s23 =	simm.s32 $0x1B8B  }
0xa2: {  	_ =	swait.ge [sflag:s23], $0x1  }
0xa3: {  	[sflag:s23] =	ssyncset.done $0x0  }
0xa4: {  	s25 =	simm.s32 $0x1B8E;
	s24 =	sld [smem:$0x3FFE];
	[sflag:s23] =	ssyncadd.s32 $0xFFFFFFFF  }
0xa5: {  	s26 =	simm.s32 $execute0_lowered;
	[smem:$0x3FD2] =	sst s25  }
0xa6: {  	s4 =	sshll.u32 s26, $0x1;
	_ =	strace $0x80000046;
	[dreg:$0x1] =	wrdreg $0xFFFFFFFF  }
0xa7: {  	s28 =	simm.s32 $_size_execute0_lowered;
	s2 =	sadd.s32 s2, s4;
	[dreg:$0x0] =	wrdreg $0x0  }
0xa8: {  	s4 =	sshll.u32 s28, $0x1;
	[dreg:$0x2] =	wrdreg s2  }
0xa9: {  	[dreg:$0x3] =	wrdreg s4  }
0xaa: {  	[dreg:$0x4] =	wrdreg $0xC0  }
0xab: {  	_ =	task [dreg:s6], $0x5FFFF  }
0xac: {  	[dreg:$0x1] =	wrdreg $0xFFFFFFFF  }
0xad: {  	[dreg:$0x0] =	wrdreg $0x60  }
0xae: {  	[dreg:$0x2] =	wrdreg s24  }
0xaf: {  	[dreg:$0x3] =	wrdreg $0xC6000  }
0xb0: {  	[dreg:$0x4] =	wrdreg $0x9  }
0xb1: {  	_ =	task.clear_ibuf [dreg:s6], $0x5FFFF;
	_ =	strace $0x90000046  }
0xb2: {  	s29 =	simm.s32 $0x9;
	_ =	strace $0x80000048  }
0xb3: {  	_ =	swait.ge [sflag:s29], $0x1  }
0xb4: {  	[sflag:s29] =	ssyncadd.s32 $0xFFFFFFFF  }
0xb5: {  	_ =	strace $0x90000048  }
0xb6: {  	_ =	sfence  }
0xb7: {  	s30 =	sld [smem:$0x0];
	_ =	sdelay $0x2  }
0xb8: {  	s31 =	sshll.u32 s1, $0xD;
	s1 =	sshrl.u32 s1, $0x2  }
0xb9: {  	s3 =	sand.u32 $0x4000, s31;
	s1 =	sadd.s32 s1, s30  }
0xba: {  	s0 =	sor.u32 s3, s0;
	s1 =	sshll.u32 s1, $0x11  }
0xbb: {  	s0 =	sor.u32 s1, s0  }
0xbc: {  	s0 =	sadd.s32 $0x8F2B, s0  }
0xbd: {  	[sflag:s0] =	ssyncadd.remote.s32 $0x1  }
0xbe: {  	_ =	sfence.sel $0xFFFF  }
0xbf: {  	[dreg:$0x0] =	wrdreg $0xFFFFFFFF;
	(pc) =	sbr.abs _section_cstart, $3  }
0xc0: {  	[dreg:$0x1] =	wrdreg $0xFFFFFFFF  }
0xc1: {  	_ =	task.clear_ibuf [dreg:s6], $0x2FFFF;
	_ =	strace $0x9FFFFFFF  }
0xc2: {  	(tm) =	ssettm $0x7FFFFFFF  }
0xc3: {  	_ =	shalt  }
tec
execute0_lowered:
.L_overlay_start_1:
0x0: {  	(tag) =	ssettag $0x1  }
0x1: {  	s0 =	rddreg [dreg:$0x0]  }
0x2: {  	s2 =	rddreg [dreg:$0x1];
	s3 =	simm.s32 $0x0;
	s12 =	stileid.u32  }
0x3: {  	s1 =	srdreg.scid;
	s28 =	simm.s32 $0x180;
	s29 =	simm.s32 $0x1  }
0x4: {  	s30 =	simm.s32 $0x600;
	s31 =	simm.s32 $0x2;
	[smem:$0x7FF] =	sst s3  }
0x5: {  	s5 =	smul.u32 $0x13800, s12;
	s1 =	sand.u32 $0x1, s1;
	s4 =	sshll.u32 s12, $0x1  }
0x6: {  	s13 =	sadd.s32 $0x2200, s0;
	s10 =	sadd.s32 $0x64000, s0;
	s26 =	smul.u32 $0x4E00, s12  }
0x7: {  	p0 =	seq.s32 s12, $0xF;
	p1 =	sgt.u32 s12, $0x1;
	s12 =	simm.s32 $0x3  }
0x8: {  	_ =	strace $0x80000047;
	s6 =	sor.u32 s1, s4;
	s24 =	smul.u32 $0x138800, s1  }
0x9: {  	s4 =	sadd.s32 $0x15C00, s0;
	s9 =	ssub.s32 $0x2, s1;
	s1 =	smul.u32 $0x2700, s1  }
0xa: {  	[dreg:$0x3] =	wrdreg s13;
	s7 =	sshrl.u32 s5, $0x3;
	s8 =	smul.u32 $0x2700, s6  }
0xb: {  	s11 =	sshrl.u32 s9, $0x1;
	s14 =	sadd.s32 s5, s2;
	s6 =	sshll.u32 s6, $0x4  }
0xc: {  	s7 =	sadd.s32 s7, s0;
	s9 =	ssub.s32 s9, s11;
	[dreg:$0x5] =	wrdreg s14  }
0xd: {  	s0 =	sadd.s32 $0x61700, s0;
	s25 =	sshrl.u32 s24, $0x3;
	s6 =	sadd.s32 s6, s13  }
0xe: {  	s15 =	sadd.s32 s5, s24;
	s1 =	sadd.s32 s1, s26;
	s8 =	sshrl.u32 s8, $0x3  }
0xf: {  	s7 =	sadd.s32 $0x3CE00, s7;
	[dreg:$0x7] =	wrdreg s0;
	s0 =	sadd.s32 s10, s25  }
0x10: {  	s14 =	sadd.s32 $0x9C00, s6;
	s16 =	sadd.s32 $0x13840, s6;
	s17 =	sadd.s32 $0x4E680, s1  }
0x11: {  	s18 =	sadd.s32 $0x480, s1;
	s19 =	smax.u32 s9, $0x1;
	[dreg:$0x6] =	wrdreg s7  }
0x12: {  	s21 =	sadd.s32 $0x4E600, s1;
	s22 =	sadd.s32 $0x400, s1;
	[dreg:$0x9] =	wrdreg s14  }
0x13: {  	s23 =	sadd.s32 $0x4E580, s1;
	s6 =	sadd.s32 $0x4E500, s1;
	[dreg:$0xa] =	wrdreg s16  }
0x14: {  	s11 =	sadd.s32 s13, s8;
	s0 =	sadd.s32 $0x24900, s0;
	[dreg:$0xc] =	wrdreg s19  }
0x15: {  	s5 =	sshrl.u32 s18, $0x3;
	s24 =	sshrl.u32 s22, $0x3;
	s25 =	sshrl.u32 s23, $0x3  }
0x16: {  	s7 =	sadd.s32 $0x4E480, s1;
	s8 =	sshrl.u32 s6, $0x3;
	[dreg:$0x8] =	wrdreg s0  }
0x17: {  	s16 =	sadd.s32 $0x4E400, s1;
	s20 =	sadd.s32 s5, s13;
	[dreg:$0x4] =	wrdreg s11  }
0x18: {  	s6 =	simm.s32 $0x4600;
	s26 =	sadd.s32 s25, s13;
	[dreg:$0xe] =	wrdreg s20  }
0x19: {  	s0 =	sshrl.u32 s15, $0x3;
	s19 =	sadd.s32 $0x9C40, s11;
	[dreg:$0x11] =	wrdreg s26  }
0x1a: {  	s5 =	sadd.s32 $0x380, s1;
	s22 =	sadd.s32 $0x20, s11;
	[dreg:$0x19] =	wrdreg s19  }
0x1b: {  	s9 =	sshrl.u32 s7, $0x3;
	s23 =	sadd.s32 $0x9C60, s11;
	[dreg:$0x1c] =	wrdreg s22  }
0x1c: {  	s15 =	sadd.s32 $0x280, s1;
	s25 =	sadd.s32 $0x9C70, s11;
	[dreg:$0x1d] =	wrdreg s23  }
0x1d: {  	s7 =	simm.s32 $0x8600;
	s0 =	sadd.s32 s10, s0;
	[dreg:$0x1f] =	wrdreg s25  }
0x1e: {  	s10 =	sadd.s32 $0x300, s1;
	s14 =	sadd.s32 s9, s13;
	[dreg:$0xb] =	wrdreg s0  }
0x1f: {  	s1 =	sadd.s32 $0x200, s1;
	s20 =	sadd.s32 $0x10, s11;
	[dreg:$0x14] =	wrdreg s10  }
0x20: {  	s26 =	sadd.s32 $0x124800, s2;
	s22 =	simm.s32 $0x400;
	[dreg:$0x15] =	wrdreg s14  }
0x21: {  	s19 =	simm.s32 $0x5;
	s0 =	sshrl.u32 s17, $0x3;
	[dreg:$0x1a] =	wrdreg s20  }
0x22: {  	s1 =	sshrl.u32 s1, $0x3;
	[smem:$0x7FD] =	sst s26;
	s26 =	simm.s32 $0x100  }
0x23: {  	s10 =	simm.s32 $0x480;
	s20 =	simm.s32 $0xC;
	s0 =	sadd.s32 s0, s13  }
0x24: {  	s14 =	simm.s32 $0x280;
	s18 =	sadd.s32 s1, s13;
	[dreg:$0xd] =	wrdreg s0  }
0x25: {  	s0 =	sshrl.u32 s21, $0x3;
	[dreg:$0x18] =	wrdreg s18;
	s21 =	sadd.s32 $0x9C50, s11  }
0x26: {  	s1 =	simm.s32 $0x80;
	s0 =	sadd.s32 s0, s13;
	[dreg:$0x1b] =	wrdreg s21  }
0x27: {  	s18 =	simm.s32 $0xB;
	s21 =	simm.s32 $0x6;
	[dreg:$0xf] =	wrdreg s0  }
0x28: {  	s0 =	sadd.s32 s24, s13;
	s24 =	sadd.s32 $0x30, s11;
	s11 =	simm.s32 $0x480  }
0x29: {  	[dreg:$0x10] =	wrdreg s0;
	s0 =	sshrl.u32 s5, $0x3;
	s5 =	sshrl.u32 s16, $0x3  }
0x2a: {  	[dreg:$0x1e] =	wrdreg s24;
	s16 =	simm.s32 $0x4;
	s0 =	sadd.s32 s0, s13  }
.Ltmp0:
0x2b: {  	s17 =	sadd.s32 s5, s13;
	[dreg:$0x12] =	wrdreg s0;
	(pc) =	sbr.rel .LBB2_1-.Ltmp0, $4  }
0x2c: {  	s5 =	simm.s32 $0x0;
	s0 =	sadd.s32 s8, s13;
	[dreg:$0x17] =	wrdreg s17  }
0x2d: {  	s8 =	simm.s32 $0x8;
	[dreg:$0x13] =	wrdreg s0;
	s0 =	sshrl.u32 s15, $0x3  }
0x2e: {  	s17 =	simm.s32 $0x9;
	s15 =	simm.s32 $0x500;
	s0 =	sadd.s32 s0, s13  }
0x2f: {  	s13 =	simm.s32 $0xA;
	[dreg:$0x16] =	wrdreg s0;
	s0 =	simm.s32 $0x7  }
.LBB2_8:
0x30: {  	s9 =	sld [smem:$0x7FD];
	_ =	sdelay $0x1  }
0x31: {  	s23 =	rddreg [dreg:$0x8]  }
0x32: {  	s5 =	simm.s32 $0x1FCD;
	s25 =	simm.s32 $0xD;
	s9 =	sshrl.u32 s9, $0x3  }
0x33: {  	[hbm:s23], [sflag:s5] =	dma.local [spmem:s9], $0x2800  }
0x34: {  	_ =	swait.ge [sflag:s25], $0x2800  }
0x35: {  	[sflag:s25] =	ssyncset.done $0x0  }
0x36: {  	s5 =	sld [smem:$0x7FC];
	[sflag:s25] =	ssyncadd.s32 $0xFFFFD800  }
.LBB2_9:
0x37: {  	_ =	sdelay $0x1  }
0x38: {  	s9 =	rddreg [dreg:$0xc];
	s5 =	sadd.s32 $0x1, s5  }
0x39: {  	p2 =	sne.s32 s5, s9  }
.Ltmp1:
0x3a: {  	_ = 	snop;
	(pc) =	sbr.rel @!p2 .LBB2_10-.Ltmp1, $1  }
0x3b: {  	_ =	sdelay $0x3  }
.LBB2_1:
0x3c: {  	[smem:$0x7FC] =	sst s5  }
0x3d: {  	s9 =	rddreg [dreg:$0x4]  }
0x3e: {  	[tilespmem:s3], [sflag:$0x1] =	stream.linear.gather [hbm4b:s9+s3], $0x80, $0x38;
	[tilespmem:$0x1FE80] =	vst v63  }
0x3f: {  	s5 =	rddreg [dreg:$0x19];
	s23 =	simm.s32 $0x300  }
0x40: {  	[tilespmem:s23], [sflag:$0x1] =	stream.linear.gather [hbm4b:s5+s3], $0x80, $0x38;
	[tilespmem:$0x1FE80] =	vst v63  }
0x41: {  	s24 =	rddreg [dreg:$0x1a]  }
0x42: {  	[tilespmem:s1], [sflag:$0x2] =	stream.linear.gather [hbm4b:s24+s3], $0x80, $0x38;
	[tilespmem:$0x1FE80] =	vst v63  }
0x43: {  	s25 =	rddreg [dreg:$0x1b];
	s23 =	simm.s32 $0x380  }
0x44: {  	[tilespmem:s23], [sflag:$0x2] =	stream.linear.gather [hbm4b:s25+s3], $0x80, $0x38;
	[tilespmem:$0x1FE80] =	vst v63  }
0x45: {  	s5 =	rddreg [dreg:$0x1c]  }
0x46: {  	[tilespmem:s26], [sflag:$0x3] =	stream.linear.gather [hbm4b:s5+s3], $0x80, $0x38;
	[tilespmem:$0x1FE80] =	vst v63  }
0x47: {  	s23 =	rddreg [dreg:$0x1d]  }
0x48: {  	[tilespmem:s22], [sflag:$0x3] =	stream.linear.gather [hbm4b:s23+s3], $0x80, $0x38;
	[tilespmem:$0x1FE80] =	vst v63  }
0x49: {  	s24 =	rddreg [dreg:$0x1e]  }
0x4a: {  	[tilespmem:s28], [sflag:$0x4] =	stream.linear.gather [hbm4b:s24+s3], $0x80, $0x38;
	[tilespmem:$0x1FE80] =	vst v63  }
0x4b: {  	s25 =	rddreg [dreg:$0x1f]  }
0x4c: {  	[tilespmem:s10], [sflag:$0x4] =	stream.linear.gather [hbm4b:s25+s3], $0x80, $0x38;
	[tilespmem:$0x1FE80] =	vst v63  }
0x4d: {  	_ =	swait.ge [sflag:s29], $0x80  }
0x4e: {  	[sflag:s29] =	ssyncset.done $0x0  }
0x4f: {  	[sflag:s29] =	ssyncadd.s32 $0xFFFFFF80  }
0x50: {  	_ =	swait.ge [sflag:s29], $0x80  }
0x51: {  	[sflag:s29] =	ssyncset.done $0x0  }
0x52: {  	[sflag:s29] =	ssyncadd.s32 $0xFFFFFF80  }
0x53: {  	[tilespmem:s30], [sflag:$0x7] =	stream.indirect.gather [hbm4b:s4+s1], $0x80, s3, s1, $0xb8;
	[tilespmem:$0x1FE80] =	vst v63  }
0x54: {  	_ =	swait.ge [sflag:s31], $0x80  }
0x55: {  	[sflag:s31] =	ssyncset.done $0x0  }
0x56: {  	[sflag:s31] =	ssyncadd.s32 $0xFFFFFF80  }
0x57: {  	_ =	swait.ge [sflag:s31], $0x80  }
0x58: {  	[sflag:s31] =	ssyncset.done $0x0;
	s9 =	sld [smem:$0x7FD]  }
0x59: {  	[sflag:s31] =	ssyncadd.s32 $0xFFFFFF80  }
0x5a: {  	[tilespmem:s6], [sflag:$0x8] =	stream.indirect.gather [hbm4b:s4+s1], $0x80, s1, s1, $0xb8;
	[tilespmem:$0x1FE80] =	vst v63  }
0x5b: {  	s24 =	simm.s32 @p0 $0x1FCD;
	s23 =	sshrl.u32 @p0 s9, $0x3;
	s9 =	rddreg [dreg:$0x7]  }
0x5c: {  	[spmem:s23], [sflag:s24] =	dma.local @p0 [hbm:s9], $0x2800  }
0x5d: {  	s23 =	simm.s32 @p0 $0xD  }
0x5e: {  	_ =	swait.ge @p0 [sflag:s23], $0x2800  }
0x5f: {  	s9 =	stileid.u32;
	[sflag:s23] =	ssyncset.done @p0 $0x0  }
0x60: {  	s24 =	sshll.u32 @!p0 s9, $0x6;
	s9 =	rddreg [dreg:$0x5];
	[sflag:s23] =	ssyncadd.s32 @p0 $0xFFFFD800  }
0x61: {  	s23 =	sor.u32 @!p0 $0x1C0D, s24;
	s24 =	sshrl.u32 @!p0 s9, $0x3;
	s9 =	rddreg [dreg:$0x6]  }
0x62: {  	[spmem:s24], [sflag:s23] =	dma.local @!p0 [hbm:s9], $0x2700  }
0x63: {  	s23 =	simm.s32 @!p0 $0xD  }
0x64: {  	_ =	swait.ge @!p0 [sflag:s23], $0x2700  }
0x65: {  	[sflag:s23] =	ssyncset.done @!p0 $0x0  }
0x66: {  	[sflag:s23] =	ssyncadd.s32 @!p0 $0xFFFFD900  }
0x67: {  	[bflag:$0x0] =	sbarrier.arrive $0xFFFF  }
0x68: {  	s24 =	simm.s32 $0x0;
	s23 =	rddreg [dreg:$0x14]  }
.LBB2_2:
0x69: {  	_ =	swait.ge [sflag:s0], $0x4000  }
0x6a: {  	p2 =	seq.s32 s24, $0x0;
	[sflag:s0] =	ssyncset.done $0x0  }
0x6b: {  	s25 =	simm.s32 @!p2 $0xC;
	[sflag:s0] =	ssyncadd.s32 $0xFFFFC000  }
0x6c: {  	_ =	swait.ge @!p2 [sflag:s25], $0x4000  }
0x6d: {  	[sflag:s25] =	ssyncset.done @!p2 $0x0  }
0x6e: {  	s5 =	simm.s32 $0x300;
	s9 =	rddreg [dreg:$0x18];
	[sflag:s25] =	ssyncadd.s32 @!p2 $0xFFFFC000  }
0x6f: {  	[spmem:s2] =	stream.indirect.scatter.add.f32 [tilespmem:s30], [sflag:$0xA], $0x80, s5, s1, $0xb8;
	[tilespmem:$0x1FE80] =	vst v63  }
0x70: {  	s10 =	sadd.s32 s24, s9;
	s25 =	rddreg [dreg:$0x17];
	s5 =	simm.s32 $0x200  }
0x71: {  	[tilespmem:s5], [sflag:$0x5] =	stream.linear.gather [hbm4b:s10+s3], $0x80, $0x38;
	[tilespmem:$0x1FE80] =	vst v63  }
0x72: {  	s10 =	sadd.s32 s24, s25  }
0x73: {  	[tilespmem:s15], [sflag:$0x5] =	stream.linear.gather [hbm4b:s10+s3], $0x80, $0x38;
	[tilespmem:$0x1FE80] =	vst v63  }
0x74: {  	_ =	swait.ge [sflag:s12], $0x80  }
0x75: {  	[sflag:s12] =	ssyncset.done $0x0  }
0x76: {  	[sflag:s12] =	ssyncadd.s32 $0xFFFFFF80  }
0x77: {  	_ =	swait.ge [sflag:s12], $0x80  }
0x78: {  	[sflag:s12] =	ssyncset.done $0x0  }
0x79: {  	[sflag:s12] =	ssyncadd.s32 $0xFFFFFF80  }
0x7a: {  	[tilespmem:s7], [sflag:$0x9] =	stream.indirect.gather [hbm4b:s4+s1], $0x80, s26, s1, $0xb8;
	[tilespmem:$0x1FE80] =	vst v63  }
0x7b: {  	_ =	swait.ge [sflag:s8], $0x4000  }
0x7c: {  	[sflag:s8] =	ssyncset.done $0x0  }
0x7d: {  	[sflag:s8] =	ssyncadd.s32 $0xFFFFC000  }
0x7e: {  	_ =	swait.ge [sflag:s13], $0x4000  }
0x7f: {  	[sflag:s13] =	ssyncset.done $0x0  }
0x80: {  	s25 =	simm.s32 $0x380;
	s26 =	rddreg [dreg:$0x16];
	[sflag:s13] =	ssyncadd.s32 $0xFFFFC000  }
0x81: {  	[spmem:s2] =	stream.indirect.scatter.add.f32 [tilespmem:s6], [sflag:$0xB], $0x80, s25, s1, $0xb8;
	[tilespmem:$0x1FE80] =	vst v63  }
0x82: {  	s10 =	sadd.s32 s24, s26;
	s26 =	rddreg [dreg:$0x15]  }
0x83: {  	[tilespmem:s14], [sflag:$0x6] =	stream.linear.gather [hbm4b:s10+s3], $0x80, $0x38;
	[tilespmem:$0x1FE80] =	vst v63  }
0x84: {  	s10 =	sadd.s32 s24, s26;
	s26 =	simm.s32 $0x580  }
0x85: {  	[tilespmem:s26], [sflag:$0x6] =	stream.linear.gather [hbm4b:s10+s3], $0x80, $0x38;
	[tilespmem:$0x1FE80] =	vst v63  }
0x86: {  	_ =	swait.ge [sflag:s16], $0x80  }
0x87: {  	[sflag:s16] =	ssyncset.done $0x0  }
0x88: {  	[sflag:s16] =	ssyncadd.s32 $0xFFFFFF80  }
0x89: {  	_ =	swait.ge [sflag:s16], $0x80  }
0x8a: {  	[sflag:s16] =	ssyncset.done $0x0  }
0x8b: {  	[sflag:s16] =	ssyncadd.s32 $0xFFFFFF80  }
0x8c: {  	[tilespmem:s30], [sflag:$0x7] =	stream.indirect.gather [hbm4b:s4+s1], $0x80, s28, s1, $0xb8;
	[tilespmem:$0x1FE80] =	vst v63  }
0x8d: {  	_ =	swait.ge [sflag:s17], $0x4000  }
0x8e: {  	[sflag:s17] =	ssyncset.done $0x0  }
0x8f: {  	[sflag:s17] =	ssyncadd.s32 $0xFFFFC000  }
0x90: {  	_ =	swait.ge [sflag:s18], $0x4000  }
0x91: {  	p2 =	seq.s32 s24, $0x480;
	[sflag:s18] =	ssyncset.done $0x0  }
0x92: {  	s25 =	sshrl.u32 @!p2 s23, $0x3;
	s9 =	rddreg [dreg:$0x3];
	[sflag:s18] =	ssyncadd.s32 $0xFFFFC000  }
0x93: {  	[spmem:s2] =	stream.indirect.scatter.add.f32 [tilespmem:s7], [sflag:$0xC], $0x80, s22, s1, $0xb8;
	[tilespmem:$0x1FE80] =	vst v63  }
0x94: {  	s26 =	simm.s32 @!p2 $0x0;
	s25 =	sadd.s32 @!p2 s9, s25;
	s9 =	rddreg [dreg:$0x13]  }
0x95: {  	[tilespmem:s26], [sflag:$0x1] =	stream.linear.gather @!p2 [hbm4b:s25+s26], $0x80, $0x38;
	[tilespmem:$0x1FE80] =	vst v63  }
0x96: {  	s25 =	sadd.s32 @!p2 s24, s9;
	s9 =	simm.s32 @!p2 $0x300  }
0x97: {  	[tilespmem:s9], [sflag:$0x1] =	stream.linear.gather @!p2 [hbm4b:s25+s26], $0x80, $0x38;
	[tilespmem:$0x1FE80] =	vst v63  }
0x98: {  	_ =	swait.ge [sflag:s19], $0x80  }
0x99: {  	[sflag:s19] =	ssyncset.done $0x0  }
0x9a: {  	[sflag:s19] =	ssyncadd.s32 $0xFFFFFF80  }
0x9b: {  	_ =	swait.ge [sflag:s19], $0x80  }
0x9c: {  	[sflag:s19] =	ssyncset.done $0x0  }
0x9d: {  	[sflag:s19] =	ssyncadd.s32 $0xFFFFFF80  }
0x9e: {  	[tilespmem:s6], [sflag:$0x8] =	stream.indirect.gather [hbm4b:s4+s1], $0x80, s5, s1, $0xb8;
	[tilespmem:$0x1FE80] =	vst v63  }
0x9f: {  	_ =	swait.ge [sflag:s0], $0x4000  }
0xa0: {  	[sflag:s0] =	ssyncset.done $0x0  }
0xa1: {  	[sflag:s0] =	ssyncadd.s32 $0xFFFFC000  }
0xa2: {  	_ =	swait.ge [sflag:s20], $0x4000  }
0xa3: {  	[sflag:s20] =	ssyncset.done $0x0  }
0xa4: {  	s9 =	rddreg [dreg:$0x12];
	[sflag:s20] =	ssyncadd.s32 $0xFFFFC000  }
0xa5: {  	[spmem:s2] =	stream.indirect.scatter.add.f32 [tilespmem:s30], [sflag:$0xA], $0x80, s11, s1, $0xb8;
	[tilespmem:$0x1FE80] =	vst v63  }
0xa6: {  	s25 =	simm.s32 @!p2 $0x80;
	s9 =	sadd.s32 @!p2 s24, s9  }
0xa7: {  	[tilespmem:s25], [sflag:$0x2] =	stream.linear.gather @!p2 [hbm4b:s9+s26], $0x80, $0x38;
	[tilespmem:$0x1FE80] =	vst v63  }
0xa8: {  	s9 =	rddreg [dreg:$0x11]  }
0xa9: {  	s25 =	simm.s32 @!p2 $0x380;
	s9 =	sadd.s32 @!p2 s24, s9  }
0xaa: {  	[tilespmem:s25], [sflag:$0x2] =	stream.linear.gather @!p2 [hbm4b:s9+s26], $0x80, $0x38;
	[tilespmem:$0x1FE80] =	vst v63  }
0xab: {  	_ =	swait.ge [sflag:s21], $0x80  }
0xac: {  	[sflag:s21] =	ssyncset.done $0x0  }
0xad: {  	[sflag:s21] =	ssyncadd.s32 $0xFFFFFF80  }
0xae: {  	_ =	swait.ge [sflag:s21], $0x80  }
0xaf: {  	[sflag:s21] =	ssyncset.done $0x0  }
0xb0: {  	[sflag:s21] =	ssyncadd.s32 $0xFFFFFF80  }
0xb1: {  	[tilespmem:s7], [sflag:$0x9] =	stream.indirect.gather [hbm4b:s4+s1], $0x80, s14, s1, $0xb8;
	[tilespmem:$0x1FE80] =	vst v63  }
0xb2: {  	_ =	swait.ge [sflag:s8], $0x4000  }
0xb3: {  	[sflag:s8] =	ssyncset.done $0x0  }
.Ltmp2:
0xb4: {  	[sflag:s8] =	ssyncadd.s32 $0xFFFFC000;
	(pc) =	sbr.rel @p2 .LBB2_4-.Ltmp2, $4  }
0xb5: {  	_ =	swait.ge [sflag:s13], $0x4000  }
0xb6: {  	s10 =	simm.s32 $0x180;
	[sflag:s13] =	ssyncset.done $0x0  }
0xb7: {  	s28 =	simm.s32 $0x400;
	s22 =	simm.s32 $0x100;
	[sflag:s13] =	ssyncadd.s32 $0xFFFFC000  }
0xb8: {  	[spmem:s2] =	stream.indirect.scatter.add.f32 [tilespmem:s6], [sflag:$0xB], $0x80, s15, s1, $0xb8;
	[tilespmem:$0x1FE80] =	vst v63  }
0xb9: {  	s9 =	rddreg [dreg:$0x10]  }
0xba: {  	s9 =	sadd.s32 s24, s9  }
0xbb: {  	[tilespmem:s22], [sflag:$0x3] =	stream.linear.gather [hbm4b:s9+s3], $0x80, $0x38;
	[tilespmem:$0x1FE80] =	vst v63  }
0xbc: {  	s22 =	rddreg [dreg:$0xf]  }
0xbd: {  	s9 =	sadd.s32 s24, s22  }
0xbe: {  	[tilespmem:s28], [sflag:$0x3] =	stream.linear.gather [hbm4b:s9+s3], $0x80, $0x38;
	[tilespmem:$0x1FE80] =	vst v63  }
0xbf: {  	_ =	swait.ge [sflag:s29], $0x80  }
0xc0: {  	[sflag:s29] =	ssyncset.done $0x0  }
0xc1: {  	[sflag:s29] =	ssyncadd.s32 $0xFFFFFF80  }
0xc2: {  	_ =	swait.ge [sflag:s29], $0x80  }
0xc3: {  	[sflag:s29] =	ssyncset.done $0x0  }
0xc4: {  	[sflag:s29] =	ssyncadd.s32 $0xFFFFFF80  }
0xc5: {  	[tilespmem:s30], [sflag:$0x7] =	stream.indirect.gather [hbm4b:s4+s1], $0x80, s3, s1, $0xb8;
	[tilespmem:$0x1FE80] =	vst v63  }
0xc6: {  	_ =	swait.ge [sflag:s17], $0x4000  }
0xc7: {  	[sflag:s17] =	ssyncset.done $0x0  }
0xc8: {  	[sflag:s17] =	ssyncadd.s32 $0xFFFFC000  }
0xc9: {  	_ =	swait.ge [sflag:s18], $0x4000  }
0xca: {  	[sflag:s18] =	ssyncset.done $0x0  }
0xcb: {  	s5 =	simm.s32 $0x580;
	s25 =	rddreg [dreg:$0xe];
	[sflag:s18] =	ssyncadd.s32 $0xFFFFC000  }
0xcc: {  	[spmem:s2] =	stream.indirect.scatter.add.f32 [tilespmem:s7], [sflag:$0xC], $0x80, s5, s1, $0xb8;
	[tilespmem:$0x1FE80] =	vst v63  }
0xcd: {  	s26 =	rddreg [dreg:$0xd];
	s9 =	sadd.s32 s24, s25  }
0xce: {  	[tilespmem:s10], [sflag:$0x4] =	stream.linear.gather [hbm4b:s9+s3], $0x80, $0x38;
	[tilespmem:$0x1FE80] =	vst v63  }
0xcf: {  	s9 =	sadd.s32 s24, s26  }
0xd0: {  	[tilespmem:s11], [sflag:$0x4] =	stream.linear.gather [hbm4b:s9+s3], $0x80, $0x38;
	[tilespmem:$0x1FE80] =	vst v63  }
0xd1: {  	_ =	swait.ge [sflag:s31], $0x80  }
0xd2: {  	[sflag:s31] =	ssyncset.done $0x0  }
.Ltmp3:
0xd3: {  	[sflag:s31] =	ssyncadd.s32 $0xFFFFFF80;
	(pc) =	sbr.rel .LBB2_2-.Ltmp3, $4  }
0xd4: {  	s23 =	sadd.s32 $0x300, s23;
	_ =	swait.ge [sflag:s31], $0x80  }
0xd5: {  	s22 =	simm.s32 $0x400;
	s28 =	simm.s32 $0x180;
	[sflag:s31] =	ssyncset.done $0x0  }
0xd6: {  	s24 =	sadd.s32 $0x60, s24;
	s26 =	simm.s32 $0x100;
	[sflag:s31] =	ssyncadd.s32 $0xFFFFFF80  }
0xd7: {  	[tilespmem:s6], [sflag:$0x8] =	stream.indirect.gather [hbm4b:s4+s1], $0x80, s1, s1, $0xb8;
	[tilespmem:$0x1FE80] =	vst v63  }
.LBB2_4:
0xd8: {  	_ =	swait.ge [sflag:s17], $0x4000  }
0xd9: {  	[sflag:s17] =	ssyncset.done $0x0  }
0xda: {  	[sflag:s17] =	ssyncadd.s32 $0xFFFFC000  }
0xdb: {  	_ =	swait.ge [sflag:s18], $0x4000  }
0xdc: {  	[sflag:s18] =	ssyncset.done $0x0  }
.Ltmp4:
0xdd: {  	s5 =	simm.s32 $0x580;
	[sflag:s18] =	ssyncadd.s32 $0xFFFFC000;
	(pc) =	sbr.rel @p1 .LBB2_6-.Ltmp4, $4  }
0xde: {  	[spmem:s2] =	stream.indirect.scatter.add.f32 [tilespmem:s7], [sflag:$0xC], $0x80, s5, s1, $0xb8;
	[tilespmem:$0x1FE80] =	vst v63  }
0xdf: {  	_ =	swait.ge [sflag:s20], $0x4000  }
0xe0: {  	[sflag:s20] =	ssyncset.done $0x0  }
0xe1: {  	[sflag:s20] =	ssyncadd.s32 $0xFFFFC000  }
0xe2: {  	s9 =	rddreg [dreg:$0x9]  }
0xe3: {  	[tilespmem:s3], [sflag:$0x1] =	stream.linear.gather [hbm4b:s9+s3], $0x80, $0x38;
	[tilespmem:$0x1FE80] =	vst v63  }
0xe4: {  	s26 =	rddreg [dreg:$0xa];
	s23 =	simm.s32 $0x300  }
0xe5: {  	[tilespmem:s23], [sflag:$0x1] =	stream.linear.gather [hbm4b:s26+s3], $0x80, $0x38;
	[tilespmem:$0x1FE80] =	vst v63  }
0xe6: {  	_ =	swait.ge [sflag:s29], $0x80  }
0xe7: {  	[sflag:s29] =	ssyncset.done $0x0  }
0xe8: {  	[sflag:s29] =	ssyncadd.s32 $0xFFFFFF80  }
0xe9: {  	_ =	swait.ge [sflag:s29], $0x80  }
0xea: {  	[sflag:s29] =	ssyncset.done $0x0  }
0xeb: {  	[sflag:s29] =	ssyncadd.s32 $0xFFFFFF80  }
0xec: {  	[tilespmem:s30], [sflag:$0x7] =	stream.indirect.gather [hbm4b:s4+s1], $0x80, s3, s1, $0xb8;
	[tilespmem:$0x1FE80] =	vst v63  }
0xed: {  	_ =	swait.ge [sflag:s0], $0x4000  }
0xee: {  	[sflag:s0] =	ssyncset.done $0x0  }
0xef: {  	[sflag:s0] =	ssyncadd.s32 $0xFFFFC000  }
0xf0: {  	[spmem:s2] =	stream.indirect.scatter.add.f32 [tilespmem:s30], [sflag:$0xA], $0x80, s23, s1, $0xb8;
	[tilespmem:$0x1FE80] =	vst v63  }
.Ltmp5:
0xf1: {  	_ =	swait.ge [sflag:s13], $0x4000;
	(pc) =	sbr.rel .LBB2_7-.Ltmp5, $4  }
0xf2: {  	[sflag:s13] =	ssyncset.done $0x0  }
0xf3: {  	[sflag:s13] =	ssyncadd.s32 $0xFFFFC000  }
0xf4: {  	s22 =	simm.s32 $0x400;
	[bflag:$0x0] =	sbarrier.arrive $0xFFFF  }
0xf5: {  	s28 =	simm.s32 $0x180;
	s10 =	simm.s32 $0x480;
	s26 =	simm.s32 $0x100  }
.LBB2_6:
.Ltmp6:
0xf6: {  	(pc) =	sbr.rel @p0 .LBB2_8-.Ltmp6, $3  }
0xf7: {  	_ =	sdelay $0x1  }
0xf8: {  	[bflag:$0x0] =	sbarrier.arrive $0xFFFF;
	s26 =	simm.s32 $0x100  }
0xf9: {  	s22 =	simm.s32 $0x400;
	s28 =	simm.s32 $0x180;
	s10 =	simm.s32 $0x480  }
.LBB2_7:
0xfa: {  	s9 =	stileid.u32;
	s23 =	rddreg [dreg:$0x5]  }
0xfb: {  	s24 =	rddreg [dreg:$0xb];
	s5 =	simm.s32 $0xD;
	s9 =	sshll.u32 s9, $0x6  }
.Ltmp7:
0xfc: {  	s23 =	sshrl.u32 s23, $0x3;
	s9 =	sor.u32 $0x1C0D, s9;
	(pc) =	sbr.rel .LBB2_9-.Ltmp7, $4  }
0xfd: {  	[hbm:s24], [sflag:s9] =	dma.local [spmem:s23], $0x2700  }
0xfe: {  	_ =	swait.ge [sflag:s5], $0x2700  }
0xff: {  	[sflag:s5] =	ssyncset.done $0x0  }
0x100: {  	[sflag:s5] =	ssyncadd.s32 $0xFFFFD900;
	s5 =	sld [smem:$0x7FC]  }
.LBB2_10:
0x101: {  	_ =	sfence.sel $0x180000  }
0x102: {  	[bflag:$0x0] =	sbarrier.arrive $0xFFFF  }
0x103: {  	_ =	strace $0x90000047  }
0x104: {  	s0 =	stileid.u32;
	[bflag:$0x2] =	sbarrier.arrive $0xFFFF  }
0x105: {  	p0 =	sne.s32 s0, $0x0;
	s0 =	rddreg [dreg:$0x2]  }
0x106: {  	s0 =	sadd.s32 @!p0 $0x100000, s0  }
0x107: {  	[sflag:s0] =	ssyncadd.tile.s32 @!p0 $0x1;
	_ =	shalt  }
.Lfunc_end2:
_tile_overlayer_lowered:
.L_overlay_start_2:
0x108: {  	(tag) =	ssettag $0x2  }
0x109: {  	s0 =	rddreg [dreg:$0x0];
	s2 =	stileid.u32  }
0x10a: {  	s1 =	rddreg [dreg:$0x1];
	p0 =	sne.s32 s2, $0x0  }
0x10b: {  	s3 =	rddreg [dreg:$0x2];
	[bflag:$0x3] =	sbarrier.arrive $0xFFFF;
	s2 =	simm.s32 @!p0 $0x1C0D  }
0x10c: {  	[timem:s3], [sflag:s2] =	dma.local @!p0 [hbm:s0], s1  }
0x10d: {  	s0 =	simm.s32 @!p0 $0xD  }
0x10e: {  	_ =	swait.ge @!p0 [sflag:s0], s1  }
0x10f: {  	s1 =	ssub.s32 @!p0 $0x0, s1;
	[sflag:s0] =	ssyncset.done @!p0 $0x0  }
0x110: {  	[sflag:s0] =	ssyncadd.s32 @!p0 s1  }
0x111: {  	[bflag:$0x3] =	sbarrier.arrive $0xFFFF  }
0x112: {  	_ =	shalt  }

</sc_bundles>
